<compile_context>
chip_gen: v7x
topology: tpu7x:2x2x1
jax: 0.10.2.dev20260603
libtpu: 0.0.44.dev20260713+nightly
codegen_flags: <defaults>
</compile_context>

<pallas_src>
import functools

import jax
import jax.numpy as jnp
from jax import lax
from jax.experimental import pallas as pl
from jax.experimental.pallas import tpu as pltpu
from jax.experimental.pallas import tpu_sc as plsc

N_NODES = 10000
EMBED_DIM = 128
WORDS = EMBED_DIM // 2
N_EDGES = 320000

NC = 2
NS = 16
NW = NC * NS
EPW = N_EDGES // NW
CHUNK = 80
NCHUNK = EPW // CHUNK
NGROUP = CHUNK // 16


PACK_BLOCK = 104
PACK_STEPS = 6


def _body(emb_hbm, d_hbm, out_hbm,
          idx0_v, idx1_v, r0a, r0b, r0c, r1a, r1b, r1c, out_v, tbuf_v,
          fbuf_v, pbuf_v, table_sh, sem0, sem1, sem2):
  sid = lax.axis_index("s")
  wid = sid * NC + lax.axis_index("c")
  base = wid * EPW

  pltpu.sync_copy(d_hbm.at[0, pl.ds(base, EPW)], idx0_v)
  pltpu.sync_copy(d_hbm.at[1, pl.ds(base, EPW)], idx1_v)

  def pack_rows(rowbase, nrows):
    pltpu.sync_copy(emb_hbm.at[pl.ds(rowbase, nrows)],
                    fbuf_v.at[pl.ds(0, nrows)])
    def row_body(r, carry):
      for j in range(WORDS // 16):
        a = fbuf_v[r, pl.ds(j * 32, 16)]
        b = fbuf_v[r, pl.ds(j * 32 + 16, 16)]
        w = plsc.bitcast(plsc.pack(a, b, format=plsc.PackFormat.INTERLEAVED),
                         jnp.int32)
        pbuf_v[r, pl.ds(j * 16, 16)] = w
      return carry
    lax.fori_loop(0, nrows, row_body, 0)
    pltpu.sync_copy(pbuf_v.at[pl.ds(0, nrows)],
                    table_sh.at[pl.ds(rowbase, nrows)])

  def pack_step(k, carry):
    pack_rows(sid * (PACK_BLOCK * PACK_STEPS) + k * PACK_BLOCK, PACK_BLOCK)
    return carry

  lax.fori_loop(0, PACK_STEPS, pack_step, 0)

  @pl.when(sid == 0)
  def _tail():
    pack_rows(NS * PACK_BLOCK * PACK_STEPS, N_NODES - NS * PACK_BLOCK * PACK_STEPS)

  plsc.subcore_barrier()

  bufs = ((r0a, r1a, sem0), (r0b, r1b, sem1), (r0c, r1c, sem2))

  def issue(c, b):
    r0, r1, sem = bufs[b]
    off = c * CHUNK
    pltpu.async_copy(table_sh.at[idx0_v.at[pl.ds(off, CHUNK)]], r0, sem)
    pltpu.async_copy(table_sh.at[idx1_v.at[pl.ds(off, CHUNK)]], r1, sem)

  def drain(c, b):
    r0, r1, sem = bufs[b]
    off = c * CHUNK
    pltpu.make_async_copy(table_sh.at[idx0_v.at[pl.ds(off, CHUNK)]], r0, sem).wait()
    pltpu.make_async_copy(table_sh.at[idx1_v.at[pl.ds(off, CHUNK)]], r1, sem).wait()

  lane = lax.iota(jnp.int32, 16)
  sh16 = jnp.full((16,), 16, jnp.uint32)

  def unpack2(w):
    wu = plsc.bitcast(w, jnp.uint32)
    lo = plsc.bitcast(lax.shift_left(wu, sh16), jnp.float32)
    hi = plsc.bitcast(wu, jnp.float32)
    return lo, hi

  def _treesum(vs):
    while len(vs) > 1:
      vs = [a + b for a, b in zip(vs[::2], vs[1::2])]
    return vs[0]

  def compute(c, b):
    r0, r1, _ = bufs[b]

    def group_body(g, carry):
      for i in range(16):
        r = g * 16 + i
        ts = []
        for j in range(WORDS // 16):
          a_lo, a_hi = unpack2(r0[r, pl.ds(j * 16, 16)])
          b_lo, b_hi = unpack2(r1[r, pl.ds(j * 16, 16)])
          ts.append(a_lo * b_lo + a_hi * b_hi)
        tbuf_v[pl.ds(i * 17, 16)] = _treesum(ts)
      acc = _treesum([plsc.load_gather(tbuf_v, [lane * 17 + l])
                      for l in range(16)])
      out_v[pl.ds(c * CHUNK + g * 16, 16)] = acc
      return carry

    lax.fori_loop(0, NGROUP, group_body, 0)

  issue(0, 0)
  issue(1, 1)
  issue(2, 2)

  def chunk_body(i, carry):
    for b in range(3):
      c = 3 * i + b

      @pl.when(c < NCHUNK)
      def _do():
        drain(c, b)
        compute(c, b)

        @pl.when(c + 3 < NCHUNK)
        def _next():
          issue(c + 3, b)

    return carry

  lax.fori_loop(0, (NCHUNK + 2) // 3, chunk_body, 0)

  pltpu.sync_copy(out_v, out_hbm.at[pl.ds(base, EPW)])


_sc_call = functools.partial(
    pl.kernel,
    out_type=jax.ShapeDtypeStruct((N_EDGES,), jnp.float32),
    mesh=plsc.VectorSubcoreMesh(core_axis_name="c", subcore_axis_name="s"),
    compiler_params=pltpu.CompilerParams(
        needs_layout_passes=False, use_tc_tiling_on_sc=False),
    scratch_types=[
        pltpu.VMEM((EPW,), jnp.int32),
        pltpu.VMEM((EPW,), jnp.int32),
        pltpu.VMEM((CHUNK, WORDS), jnp.int32),
        pltpu.VMEM((CHUNK, WORDS), jnp.int32),
        pltpu.VMEM((CHUNK, WORDS), jnp.int32),
        pltpu.VMEM((CHUNK, WORDS), jnp.int32),
        pltpu.VMEM((CHUNK, WORDS), jnp.int32),
        pltpu.VMEM((CHUNK, WORDS), jnp.int32),
        pltpu.VMEM((EPW,), jnp.float32),
        pltpu.VMEM((272,), jnp.float32),
        pltpu.VMEM((PACK_BLOCK, EMBED_DIM), jnp.float32),
        pltpu.VMEM((PACK_BLOCK, WORDS), jnp.int32),
        pltpu.VMEM_SHARED((N_NODES, WORDS), jnp.int32),
        pltpu.SemaphoreType.DMA,
        pltpu.SemaphoreType.DMA,
        pltpu.SemaphoreType.DMA,
    ],
)(_body)


@jax.jit
def kernel(data, emb):
  return _sc_call(emb, data)

# --- scband reference (transcript-rebuilt; emitter-appended) ---
"""Pipeline reference for scband-n2-vmodel-16338055594462 (READ-ONLY COPY).

The authoritative reference and input builder live on the scoring server;
editing this copy changes nothing except your own understanding.
"""

import jax, jax.numpy as jnp
import numpy as np

N_NODES = 10000
EMBED_DIM = 128
N_EDGES = 320000

def setup_inputs(seed: int = 0) -> dict:
    key = jax.random.key(seed)
    k1, k2 = jax.random.split(key)
    # forward arg: edge pairs to score
    data = jax.random.randint(k1, (2, N_EDGES), 0, N_NODES, dtype=jnp.int32)
    # learned parameter: node2vec embedding table (what self.base() returns)
    emb = jax.random.normal(k2, (N_NODES, EMBED_DIM), dtype=jnp.float32)
    return {"data": data, "emb": emb}

def reference(data, emb):
    # Classifier.forward: gather both endpoint embeddings, elementwise
    # multiply, reduce over the feature dim -> per-edge dot-product score.
    edge_feat_0 = jnp.take(emb, data[0], axis=0)
    edge_feat_1 = jnp.take(emb, data[1], axis=0)
    return (edge_feat_0 * edge_feat_1).sum(axis=-1)

if __name__ == "__main__":
    import jax
    _d = setup_inputs()
    print(jax.jit(kernel)(*tuple(_d.values())))

</pallas_src>

<mosaic_0001>
#map = affine_map<(d0, d1) -> (0, 0)>
#map1 = affine_map<(d0, d1) -> (0)>
module attributes {stable_mosaic.version = 14 : i64} {
  func.func @_body(%arg0: i32, %arg1: i32, %arg2: memref<10000x128xf32, #tpu.memory_space<hbm>>, %arg3: memref<2x320000xi32, #tpu.memory_space<hbm>>, %arg4: memref<320000xf32, #tpu.memory_space<hbm>>, %arg5: memref<10000xi32, #tpu.memory_space<vmem>>, %arg6: memref<10000xi32, #tpu.memory_space<vmem>>, %arg7: memref<80x64xi32, #tpu.memory_space<vmem>>, %arg8: memref<80x64xi32, #tpu.memory_space<vmem>>, %arg9: memref<80x64xi32, #tpu.memory_space<vmem>>, %arg10: memref<80x64xi32, #tpu.memory_space<vmem>>, %arg11: memref<80x64xi32, #tpu.memory_space<vmem>>, %arg12: memref<80x64xi32, #tpu.memory_space<vmem>>, %arg13: memref<10000xf32, #tpu.memory_space<vmem>>, %arg14: memref<272xf32, #tpu.memory_space<vmem>>, %arg15: memref<104x128xf32, #tpu.memory_space<vmem>>, %arg16: memref<104x64xi32, #tpu.memory_space<vmem>>, %arg17: memref<10000x64xi32, #tpu.memory_space<vmem_shared>>, %arg18: memref<!tpu.dma_semaphore, #tpu.memory_space<semaphore_mem>>, %arg19: memref<!tpu.dma_semaphore, #tpu.memory_space<semaphore_mem>>, %arg20: memref<!tpu.dma_semaphore, #tpu.memory_space<semaphore_mem>>) attributes {dimension_semantics = [#tpu.dimension_semantics<core_parallel>, #tpu.dimension_semantics<subcore_parallel>], iteration_bounds = array<i64: 2, 16>, scalar_prefetch = 0 : i64, scratch_operands = 16 : i64, tpu.core_type = #tpu.core_type<sc_vector_subcore>, window_params = [{transform_indices = #map}, {transform_indices = #map}, {transform_indices = #map1}]} {
    %mul3A = arith.constant 2 : i32
    %mul3A_0 = arith.muli %arg1, %mul3A : i32
    %add3A = arith.addi %mul3A_0, %arg0 : i32
    %mul3A_1 = arith.constant 10000 : i32
    %mul3A_2 = arith.muli %add3A, %mul3A_1 : i32
    %run_scoped3A = arith.constant 0 : i32
    "tpu.region"() ({
      %run_scoped3A_47 = tpu.sem_alloc : memref<!tpu.dma_semaphore, #tpu.memory_space<semaphore_mem>>
      %dma_start3A_48 = tpu.memref_slice %arg3[%run_scoped3A, %mul3A_2] : memref<2x320000xi32, #tpu.memory_space<hbm>> -> memref<1x10000xi32, #tpu.memory_space<hbm>>
      %dma_start3A_49 = tpu.memref_squeeze %dma_start3A_48 : memref<1x10000xi32, #tpu.memory_space<hbm>> -> memref<10000xi32, #tpu.memory_space<hbm>>
      %dma_start3A_50 = tpu.memref_slice %arg3[%run_scoped3A, %mul3A_2] : memref<2x320000xi32, #tpu.memory_space<hbm>> -> memref<1x10000xi32, #tpu.memory_space<hbm>>
      %dma_start3A_51 = tpu.memref_squeeze %dma_start3A_50 : memref<1x10000xi32, #tpu.memory_space<hbm>> -> memref<10000xi32, #tpu.memory_space<hbm>>
      tpu.enqueue_dma source(%dma_start3A_51 : memref<10000xi32, #tpu.memory_space<hbm>>) target(%arg5 : memref<10000xi32, #tpu.memory_space<vmem>>) target_semaphore(%run_scoped3A_47 : memref<!tpu.dma_semaphore, #tpu.memory_space<semaphore_mem>>)
      %dma_wait3A = tpu.memref_slice %arg3[%run_scoped3A, %mul3A_2] : memref<2x320000xi32, #tpu.memory_space<hbm>> -> memref<1x10000xi32, #tpu.memory_space<hbm>>
      %dma_wait3A_52 = tpu.memref_squeeze %dma_wait3A : memref<1x10000xi32, #tpu.memory_space<hbm>> -> memref<10000xi32, #tpu.memory_space<hbm>>
      %dma_wait3A_53 = tpu.memref_slice %arg3[%run_scoped3A, %mul3A_2] : memref<2x320000xi32, #tpu.memory_space<hbm>> -> memref<1x10000xi32, #tpu.memory_space<hbm>>
      %dma_wait3A_54 = tpu.memref_squeeze %dma_wait3A_53 : memref<1x10000xi32, #tpu.memory_space<hbm>> -> memref<10000xi32, #tpu.memory_space<hbm>>
      tpu.wait_dma2 semaphore(%run_scoped3A_47 : memref<!tpu.dma_semaphore, #tpu.memory_space<semaphore_mem>>) src(%dma_wait3A_54 : memref<10000xi32, #tpu.memory_space<hbm>>) dst(%arg5 : memref<10000xi32, #tpu.memory_space<vmem>>)
      tpu.yield
    }) : () -> ()
    %run_scoped3A_3 = arith.constant 1 : i32
    "tpu.region"() ({
      %run_scoped3A_47 = tpu.sem_alloc : memref<!tpu.dma_semaphore, #tpu.memory_space<semaphore_mem>>
      %dma_start3A_48 = tpu.memref_slice %arg3[%run_scoped3A_3, %mul3A_2] : memref<2x320000xi32, #tpu.memory_space<hbm>> -> memref<1x10000xi32, #tpu.memory_space<hbm>>
      %dma_start3A_49 = tpu.memref_squeeze %dma_start3A_48 : memref<1x10000xi32, #tpu.memory_space<hbm>> -> memref<10000xi32, #tpu.memory_space<hbm>>
      %dma_start3A_50 = tpu.memref_slice %arg3[%run_scoped3A_3, %mul3A_2] : memref<2x320000xi32, #tpu.memory_space<hbm>> -> memref<1x10000xi32, #tpu.memory_space<hbm>>
      %dma_start3A_51 = tpu.memref_squeeze %dma_start3A_50 : memref<1x10000xi32, #tpu.memory_space<hbm>> -> memref<10000xi32, #tpu.memory_space<hbm>>
      tpu.enqueue_dma source(%dma_start3A_51 : memref<10000xi32, #tpu.memory_space<hbm>>) target(%arg6 : memref<10000xi32, #tpu.memory_space<vmem>>) target_semaphore(%run_scoped3A_47 : memref<!tpu.dma_semaphore, #tpu.memory_space<semaphore_mem>>)
      %dma_wait3A = tpu.memref_slice %arg3[%run_scoped3A_3, %mul3A_2] : memref<2x320000xi32, #tpu.memory_space<hbm>> -> memref<1x10000xi32, #tpu.memory_space<hbm>>
      %dma_wait3A_52 = tpu.memref_squeeze %dma_wait3A : memref<1x10000xi32, #tpu.memory_space<hbm>> -> memref<10000xi32, #tpu.memory_space<hbm>>
      %dma_wait3A_53 = tpu.memref_slice %arg3[%run_scoped3A_3, %mul3A_2] : memref<2x320000xi32, #tpu.memory_space<hbm>> -> memref<1x10000xi32, #tpu.memory_space<hbm>>
      %dma_wait3A_54 = tpu.memref_squeeze %dma_wait3A_53 : memref<1x10000xi32, #tpu.memory_space<hbm>> -> memref<10000xi32, #tpu.memory_space<hbm>>
      tpu.wait_dma2 semaphore(%run_scoped3A_47 : memref<!tpu.dma_semaphore, #tpu.memory_space<semaphore_mem>>) src(%dma_wait3A_54 : memref<10000xi32, #tpu.memory_space<hbm>>) dst(%arg6 : memref<10000xi32, #tpu.memory_space<vmem>>)
      tpu.yield
    }) : () -> ()
    %scan3A = arith.constant 0 : i32
    %scan3A_4 = arith.constant 0 : i32
    %scan3A_5 = arith.constant 6 : i32
    %scan3A_6 = arith.addi %scan3A_4, %scan3A_5 : i32
    %scan3A_7 = arith.constant 1 : i32
    scf.for %scan3A_47 = %scan3A_4 to %scan3A_6 step %scan3A_7  : i32 {
      %mul3A_48 = arith.constant 624 : i32
      %mul3A_49 = arith.muli %arg1, %mul3A_48 : i32
      %mul3A_50 = arith.constant 104 : i32
      %mul3A_51 = arith.muli %scan3A_47, %mul3A_50 : i32
      %add3A_52 = arith.addi %mul3A_49, %mul3A_51 : i32
      "tpu.region"() ({
        %run_scoped3A_59 = tpu.sem_alloc : memref<!tpu.dma_semaphore, #tpu.memory_space<semaphore_mem>>
        %dma_start3A_60 = arith.constant 0 : i32
        %dma_start3A_61 = arith.constant 0 : i32
        %dma_start3A_62 = tpu.memref_slice %arg15[%dma_start3A_60, %dma_start3A_61] : memref<104x128xf32, #tpu.memory_space<vmem>> -> memref<104x128xf32, #tpu.memory_space<vmem>>
        %dma_start3A_63 = arith.constant 0 : i32
        %dma_start3A_64 = tpu.memref_slice %arg2[%add3A_52, %dma_start3A_63] : memref<10000x128xf32, #tpu.memory_space<hbm>> -> memref<104x128xf32, #tpu.memory_space<hbm>>
        %dma_start3A_65 = arith.constant 0 : i32
        %dma_start3A_66 = arith.constant 0 : i32
        %dma_start3A_67 = tpu.memref_slice %arg15[%dma_start3A_65, %dma_start3A_66] : memref<104x128xf32, #tpu.memory_space<vmem>> -> memref<104x128xf32, #tpu.memory_space<vmem>>
        %dma_start3A_68 = arith.constant 0 : i32
        %dma_start3A_69 = tpu.memref_slice %arg2[%add3A_52, %dma_start3A_68] : memref<10000x128xf32, #tpu.memory_space<hbm>> -> memref<104x128xf32, #tpu.memory_space<hbm>>
        tpu.enqueue_dma source(%dma_start3A_69 : memref<104x128xf32, #tpu.memory_space<hbm>>) target(%dma_start3A_67 : memref<104x128xf32, #tpu.memory_space<vmem>>) target_semaphore(%run_scoped3A_59 : memref<!tpu.dma_semaphore, #tpu.memory_space<semaphore_mem>>)
        %dma_wait3A = arith.constant 0 : i32
        %dma_wait3A_70 = arith.constant 0 : i32
        %dma_wait3A_71 = tpu.memref_slice %arg15[%dma_wait3A, %dma_wait3A_70] : memref<104x128xf32, #tpu.memory_space<vmem>> -> memref<104x128xf32, #tpu.memory_space<vmem>>
        %dma_wait3A_72 = arith.constant 0 : i32
        %dma_wait3A_73 = tpu.memref_slice %arg2[%add3A_52, %dma_wait3A_72] : memref<10000x128xf32, #tpu.memory_space<hbm>> -> memref<104x128xf32, #tpu.memory_space<hbm>>
        %dma_wait3A_74 = arith.constant 0 : i32
        %dma_wait3A_75 = arith.constant 0 : i32
        %dma_wait3A_76 = tpu.memref_slice %arg15[%dma_wait3A_74, %dma_wait3A_75] : memref<104x128xf32, #tpu.memory_space<vmem>> -> memref<104x128xf32, #tpu.memory_space<vmem>>
        %dma_wait3A_77 = arith.constant 0 : i32
        %dma_wait3A_78 = tpu.memref_slice %arg2[%add3A_52, %dma_wait3A_77] : memref<10000x128xf32, #tpu.memory_space<hbm>> -> memref<104x128xf32, #tpu.memory_space<hbm>>
        tpu.wait_dma2 semaphore(%run_scoped3A_59 : memref<!tpu.dma_semaphore, #tpu.memory_space<semaphore_mem>>) src(%dma_wait3A_78 : memref<104x128xf32, #tpu.memory_space<hbm>>) dst(%dma_wait3A_76 : memref<104x128xf32, #tpu.memory_space<vmem>>)
        tpu.yield
      }) : () -> ()
      %scan3A_53 = arith.constant 0 : i32
      %scan3A_54 = arith.constant 0 : i32
      %scan3A_55 = arith.constant 104 : i32
      %scan3A_56 = arith.addi %scan3A_54, %scan3A_55 : i32
      %scan3A_57 = arith.constant 1 : i32
      scf.for %scan3A_59 = %scan3A_54 to %scan3A_56 step %scan3A_57  : i32 {
        %get3A = arith.index_cast %scan3A_59 : i32 to index
        %get3A_60 = arith.constant 0 : index
        %get3A_61 = tpu.vector_load %arg15[%get3A, %get3A_60] {strides = array<i32>} : memref<104x128xf32, #tpu.memory_space<vmem>>, vector<16xf32>,
        %get3A_62 = arith.index_cast %scan3A_59 : i32 to index
        %get3A_63 = arith.constant 16 : index
        %get3A_64 = tpu.vector_load %arg15[%get3A_62, %get3A_63] {strides = array<i32>} : memref<104x128xf32, #tpu.memory_space<vmem>>, vector<16xf32>,
        %pack3A = tpu.pack_subelements %get3A_61, %get3A_64 {pack_format = #tpu.pack_format<interleaved>, positions = array<i32: 0, 1>} : vector<16xf32>, vector<16xf32> -> vector<32xbf16>
        %bitcast3A = vector.bitcast %pack3A : vector<32xbf16> to vector<16xi32>
        %swap3A = arith.index_cast %scan3A_59 : i32 to index
        %swap3A_65 = arith.constant 0 : index
        %swap3A_66 = tpu.vector_load %arg16[%swap3A, %swap3A_65] {strides = array<i32>} : memref<104x64xi32, #tpu.memory_space<vmem>>, vector<16xi32>,
        tpu.vector_store %arg16[%swap3A, %swap3A_65], %bitcast3A {strides = array<i32>} : memref<104x64xi32, #tpu.memory_space<vmem>>, vector<16xi32>,
        %get3A_67 = arith.index_cast %scan3A_59 : i32 to index
        %get3A_68 = arith.constant 32 : index
        %get3A_69 = tpu.vector_load %arg15[%get3A_67, %get3A_68] {strides = array<i32>} : memref<104x128xf32, #tpu.memory_space<vmem>>, vector<16xf32>,
        %get3A_70 = arith.index_cast %scan3A_59 : i32 to index
        %get3A_71 = arith.constant 48 : index
        %get3A_72 = tpu.vector_load %arg15[%get3A_70, %get3A_71] {strides = array<i32>} : memref<104x128xf32, #tpu.memory_space<vmem>>, vector<16xf32>,
        %pack3A_73 = tpu.pack_subelements %get3A_69, %get3A_72 {pack_format = #tpu.pack_format<interleaved>, positions = array<i32: 0, 1>} : vector<16xf32>, vector<16xf32> -> vector<32xbf16>
        %bitcast3A_74 = vector.bitcast %pack3A_73 : vector<32xbf16> to vector<16xi32>
        %swap3A_75 = arith.index_cast %scan3A_59 : i32 to index
        %swap3A_76 = arith.constant 16 : index
        %swap3A_77 = tpu.vector_load %arg16[%swap3A_75, %swap3A_76] {strides = array<i32>} : memref<104x64xi32, #tpu.memory_space<vmem>>, vector<16xi32>,
        tpu.vector_store %arg16[%swap3A_75, %swap3A_76], %bitcast3A_74 {strides = array<i32>} : memref<104x64xi32, #tpu.memory_space<vmem>>, vector<16xi32>,
        %get3A_78 = arith.index_cast %scan3A_59 : i32 to index
        %get3A_79 = arith.constant 64 : index
        %get3A_80 = tpu.vector_load %arg15[%get3A_78, %get3A_79] {strides = array<i32>} : memref<104x128xf32, #tpu.memory_space<vmem>>, vector<16xf32>,
        %get3A_81 = arith.index_cast %scan3A_59 : i32 to index
        %get3A_82 = arith.constant 80 : index
        %get3A_83 = tpu.vector_load %arg15[%get3A_81, %get3A_82] {strides = array<i32>} : memref<104x128xf32, #tpu.memory_space<vmem>>, vector<16xf32>,
        %pack3A_84 = tpu.pack_subelements %get3A_80, %get3A_83 {pack_format = #tpu.pack_format<interleaved>, positions = array<i32: 0, 1>} : vector<16xf32>, vector<16xf32> -> vector<32xbf16>
        %bitcast3A_85 = vector.bitcast %pack3A_84 : vector<32xbf16> to vector<16xi32>
        %swap3A_86 = arith.index_cast %scan3A_59 : i32 to index
        %swap3A_87 = arith.constant 32 : index
        %swap3A_88 = tpu.vector_load %arg16[%swap3A_86, %swap3A_87] {strides = array<i32>} : memref<104x64xi32, #tpu.memory_space<vmem>>, vector<16xi32>,
        tpu.vector_store %arg16[%swap3A_86, %swap3A_87], %bitcast3A_85 {strides = array<i32>} : memref<104x64xi32, #tpu.memory_space<vmem>>, vector<16xi32>,
        %get3A_89 = arith.index_cast %scan3A_59 : i32 to index
        %get3A_90 = arith.constant 96 : index
        %get3A_91 = tpu.vector_load %arg15[%get3A_89, %get3A_90] {strides = array<i32>} : memref<104x128xf32, #tpu.memory_space<vmem>>, vector<16xf32>,
        %get3A_92 = arith.index_cast %scan3A_59 : i32 to index
        %get3A_93 = arith.constant 112 : index
        %get3A_94 = tpu.vector_load %arg15[%get3A_92, %get3A_93] {strides = array<i32>} : memref<104x128xf32, #tpu.memory_space<vmem>>, vector<16xf32>,
        %pack3A_95 = tpu.pack_subelements %get3A_91, %get3A_94 {pack_format = #tpu.pack_format<interleaved>, positions = array<i32: 0, 1>} : vector<16xf32>, vector<16xf32> -> vector<32xbf16>
        %bitcast3A_96 = vector.bitcast %pack3A_95 : vector<32xbf16> to vector<16xi32>
        %swap3A_97 = arith.index_cast %scan3A_59 : i32 to index
        %swap3A_98 = arith.constant 48 : index
        %swap3A_99 = tpu.vector_load %arg16[%swap3A_97, %swap3A_98] {strides = array<i32>} : memref<104x64xi32, #tpu.memory_space<vmem>>, vector<16xi32>,
        tpu.vector_store %arg16[%swap3A_97, %swap3A_98], %bitcast3A_96 {strides = array<i32>} : memref<104x64xi32, #tpu.memory_space<vmem>>, vector<16xi32>,
      }
      %scan3A_58 = arith.constant 104 : i32
      "tpu.region"() ({
        %run_scoped3A_59 = tpu.sem_alloc : memref<!tpu.dma_semaphore, #tpu.memory_space<semaphore_mem>>
        %dma_start3A_60 = arith.constant 0 : i32
        %dma_start3A_61 = arith.constant 0 : i32
        %dma_start3A_62 = tpu.memref_slice %arg16[%dma_start3A_60, %dma_start3A_61] : memref<104x64xi32, #tpu.memory_space<vmem>> -> memref<104x64xi32, #tpu.memory_space<vmem>>
        %dma_start3A_63 = arith.constant 0 : i32
        %dma_start3A_64 = tpu.memref_slice %arg17[%add3A_52, %dma_start3A_63] : memref<10000x64xi32, #tpu.memory_space<vmem_shared>> -> memref<104x64xi32, #tpu.memory_space<vmem_shared>>
        %dma_start3A_65 = arith.constant 0 : i32
        %dma_start3A_66 = tpu.memref_slice %arg17[%add3A_52, %dma_start3A_65] : memref<10000x64xi32, #tpu.memory_space<vmem_shared>> -> memref<104x64xi32, #tpu.memory_space<vmem_shared>>
        %dma_start3A_67 = arith.constant 0 : i32
        %dma_start3A_68 = arith.constant 0 : i32
        %dma_start3A_69 = tpu.memref_slice %arg16[%dma_start3A_67, %dma_start3A_68] : memref<104x64xi32, #tpu.memory_space<vmem>> -> memref<104x64xi32, #tpu.memory_space<vmem>>
        tpu.enqueue_dma source(%dma_start3A_69 : memref<104x64xi32, #tpu.memory_space<vmem>>) target(%dma_start3A_66 : memref<104x64xi32, #tpu.memory_space<vmem_shared>>) target_semaphore(%run_scoped3A_59 : memref<!tpu.dma_semaphore, #tpu.memory_space<semaphore_mem>>)
        %dma_wait3A = arith.constant 0 : i32
        %dma_wait3A_70 = arith.constant 0 : i32
        %dma_wait3A_71 = tpu.memref_slice %arg16[%dma_wait3A, %dma_wait3A_70] : memref<104x64xi32, #tpu.memory_space<vmem>> -> memref<104x64xi32, #tpu.memory_space<vmem>>
        %dma_wait3A_72 = arith.constant 0 : i32
        %dma_wait3A_73 = tpu.memref_slice %arg17[%add3A_52, %dma_wait3A_72] : memref<10000x64xi32, #tpu.memory_space<vmem_shared>> -> memref<104x64xi32, #tpu.memory_space<vmem_shared>>
        %dma_wait3A_74 = arith.constant 0 : i32
        %dma_wait3A_75 = tpu.memref_slice %arg17[%add3A_52, %dma_wait3A_74] : memref<10000x64xi32, #tpu.memory_space<vmem_shared>> -> memref<104x64xi32, #tpu.memory_space<vmem_shared>>
        %dma_wait3A_76 = arith.constant 0 : i32
        %dma_wait3A_77 = arith.constant 0 : i32
        %dma_wait3A_78 = tpu.memref_slice %arg16[%dma_wait3A_76, %dma_wait3A_77] : memref<104x64xi32, #tpu.memory_space<vmem>> -> memref<104x64xi32, #tpu.memory_space<vmem>>
        tpu.wait_dma2 semaphore(%run_scoped3A_59 : memref<!tpu.dma_semaphore, #tpu.memory_space<semaphore_mem>>) src(%dma_wait3A_78 : memref<104x64xi32, #tpu.memory_space<vmem>>) dst(%dma_wait3A_75 : memref<104x64xi32, #tpu.memory_space<vmem_shared>>)
        tpu.yield
      }) : () -> ()
    }
    %scan3A_8 = arith.constant 6 : i32
    %eq3A = arith.constant 0 : i32
    %eq3A_9 = arith.cmpi eq, %arg1, %eq3A : i32
    %convert_element_type3A = arith.extui %eq3A_9 : i1 to i32
    %cond3A = arith.constant 0 : i32
    %cond3A_10 = arith.cmpi ne, %convert_element_type3A, %cond3A : i32
    scf.if %cond3A_10 {
      "tpu.region"() ({
        %run_scoped3A_53 = tpu.sem_alloc : memref<!tpu.dma_semaphore, #tpu.memory_space<semaphore_mem>>
        %dma_start3A_54 = arith.constant 0 : i32
        %dma_start3A_55 = arith.constant 0 : i32
        %dma_start3A_56 = tpu.memref_slice %arg15[%dma_start3A_54, %dma_start3A_55] : memref<104x128xf32, #tpu.memory_space<vmem>> -> memref<16x128xf32, #tpu.memory_space<vmem>>
        %dma_start3A_57 = arith.constant 9984 : i32
        %dma_start3A_58 = arith.constant 0 : i32
        %dma_start3A_59 = tpu.memref_slice %arg2[%dma_start3A_57, %dma_start3A_58] : memref<10000x128xf32, #tpu.memory_space<hbm>> -> memref<16x128xf32, #tpu.memory_space<hbm>>
        %dma_start3A_60 = arith.constant 0 : i32
        %dma_start3A_61 = arith.constant 0 : i32
        %dma_start3A_62 = tpu.memref_slice %arg15[%dma_start3A_60, %dma_start3A_61] : memref<104x128xf32, #tpu.memory_space<vmem>> -> memref<16x128xf32, #tpu.memory_space<vmem>>
        %dma_start3A_63 = arith.constant 9984 : i32
        %dma_start3A_64 = arith.constant 0 : i32
        %dma_start3A_65 = tpu.memref_slice %arg2[%dma_start3A_63, %dma_start3A_64] : memref<10000x128xf32, #tpu.memory_space<hbm>> -> memref<16x128xf32, #tpu.memory_space<hbm>>
        tpu.enqueue_dma source(%dma_start3A_65 : memref<16x128xf32, #tpu.memory_space<hbm>>) target(%dma_start3A_62 : memref<16x128xf32, #tpu.memory_space<vmem>>) target_semaphore(%run_scoped3A_53 : memref<!tpu.dma_semaphore, #tpu.memory_space<semaphore_mem>>)
        %dma_wait3A = arith.constant 0 : i32
        %dma_wait3A_66 = arith.constant 0 : i32
        %dma_wait3A_67 = tpu.memref_slice %arg15[%dma_wait3A, %dma_wait3A_66] : memref<104x128xf32, #tpu.memory_space<vmem>> -> memref<16x128xf32, #tpu.memory_space<vmem>>
        %dma_wait3A_68 = arith.constant 9984 : i32
        %dma_wait3A_69 = arith.constant 0 : i32
        %dma_wait3A_70 = tpu.memref_slice %arg2[%dma_wait3A_68, %dma_wait3A_69] : memref<10000x128xf32, #tpu.memory_space<hbm>> -> memref<16x128xf32, #tpu.memory_space<hbm>>
        %dma_wait3A_71 = arith.constant 0 : i32
        %dma_wait3A_72 = arith.constant 0 : i32
        %dma_wait3A_73 = tpu.memref_slice %arg15[%dma_wait3A_71, %dma_wait3A_72] : memref<104x128xf32, #tpu.memory_space<vmem>> -> memref<16x128xf32, #tpu.memory_space<vmem>>
        %dma_wait3A_74 = arith.constant 9984 : i32
        %dma_wait3A_75 = arith.constant 0 : i32
        %dma_wait3A_76 = tpu.memref_slice %arg2[%dma_wait3A_74, %dma_wait3A_75] : memref<10000x128xf32, #tpu.memory_space<hbm>> -> memref<16x128xf32, #tpu.memory_space<hbm>>
        tpu.wait_dma2 semaphore(%run_scoped3A_53 : memref<!tpu.dma_semaphore, #tpu.memory_space<semaphore_mem>>) src(%dma_wait3A_76 : memref<16x128xf32, #tpu.memory_space<hbm>>) dst(%dma_wait3A_73 : memref<16x128xf32, #tpu.memory_space<vmem>>)
        tpu.yield
      }) : () -> ()
      %scan3A_47 = arith.constant 0 : i32
      %scan3A_48 = arith.constant 0 : i32
      %scan3A_49 = arith.constant 16 : i32
      %scan3A_50 = arith.addi %scan3A_48, %scan3A_49 : i32
      %scan3A_51 = arith.constant 1 : i32
      scf.for %scan3A_53 = %scan3A_48 to %scan3A_50 step %scan3A_51  : i32 {
        %get3A = arith.index_cast %scan3A_53 : i32 to index
        %get3A_54 = arith.constant 0 : index
        %get3A_55 = tpu.vector_load %arg15[%get3A, %get3A_54] {strides = array<i32>} : memref<104x128xf32, #tpu.memory_space<vmem>>, vector<16xf32>,
        %get3A_56 = arith.index_cast %scan3A_53 : i32 to index
        %get3A_57 = arith.constant 16 : index
        %get3A_58 = tpu.vector_load %arg15[%get3A_56, %get3A_57] {strides = array<i32>} : memref<104x128xf32, #tpu.memory_space<vmem>>, vector<16xf32>,
        %pack3A = tpu.pack_subelements %get3A_55, %get3A_58 {pack_format = #tpu.pack_format<interleaved>, positions = array<i32: 0, 1>} : vector<16xf32>, vector<16xf32> -> vector<32xbf16>
        %bitcast3A = vector.bitcast %pack3A : vector<32xbf16> to vector<16xi32>
        %swap3A = arith.index_cast %scan3A_53 : i32 to index
        %swap3A_59 = arith.constant 0 : index
        %swap3A_60 = tpu.vector_load %arg16[%swap3A, %swap3A_59] {strides = array<i32>} : memref<104x64xi32, #tpu.memory_space<vmem>>, vector<16xi32>,
        tpu.vector_store %arg16[%swap3A, %swap3A_59], %bitcast3A {strides = array<i32>} : memref<104x64xi32, #tpu.memory_space<vmem>>, vector<16xi32>,
        %get3A_61 = arith.index_cast %scan3A_53 : i32 to index
        %get3A_62 = arith.constant 32 : index
        %get3A_63 = tpu.vector_load %arg15[%get3A_61, %get3A_62] {strides = array<i32>} : memref<104x128xf32, #tpu.memory_space<vmem>>, vector<16xf32>,
        %get3A_64 = arith.index_cast %scan3A_53 : i32 to index
        %get3A_65 = arith.constant 48 : index
        %get3A_66 = tpu.vector_load %arg15[%get3A_64, %get3A_65] {strides = array<i32>} : memref<104x128xf32, #tpu.memory_space<vmem>>, vector<16xf32>,
        %pack3A_67 = tpu.pack_subelements %get3A_63, %get3A_66 {pack_format = #tpu.pack_format<interleaved>, positions = array<i32: 0, 1>} : vector<16xf32>, vector<16xf32> -> vector<32xbf16>
        %bitcast3A_68 = vector.bitcast %pack3A_67 : vector<32xbf16> to vector<16xi32>
        %swap3A_69 = arith.index_cast %scan3A_53 : i32 to index
        %swap3A_70 = arith.constant 16 : index
        %swap3A_71 = tpu.vector_load %arg16[%swap3A_69, %swap3A_70] {strides = array<i32>} : memref<104x64xi32, #tpu.memory_space<vmem>>, vector<16xi32>,
        tpu.vector_store %arg16[%swap3A_69, %swap3A_70], %bitcast3A_68 {strides = array<i32>} : memref<104x64xi32, #tpu.memory_space<vmem>>, vector<16xi32>,
        %get3A_72 = arith.index_cast %scan3A_53 : i32 to index
        %get3A_73 = arith.constant 64 : index
        %get3A_74 = tpu.vector_load %arg15[%get3A_72, %get3A_73] {strides = array<i32>} : memref<104x128xf32, #tpu.memory_space<vmem>>, vector<16xf32>,
        %get3A_75 = arith.index_cast %scan3A_53 : i32 to index
        %get3A_76 = arith.constant 80 : index
        %get3A_77 = tpu.vector_load %arg15[%get3A_75, %get3A_76] {strides = array<i32>} : memref<104x128xf32, #tpu.memory_space<vmem>>, vector<16xf32>,
        %pack3A_78 = tpu.pack_subelements %get3A_74, %get3A_77 {pack_format = #tpu.pack_format<interleaved>, positions = array<i32: 0, 1>} : vector<16xf32>, vector<16xf32> -> vector<32xbf16>
        %bitcast3A_79 = vector.bitcast %pack3A_78 : vector<32xbf16> to vector<16xi32>
        %swap3A_80 = arith.index_cast %scan3A_53 : i32 to index
        %swap3A_81 = arith.constant 32 : index
        %swap3A_82 = tpu.vector_load %arg16[%swap3A_80, %swap3A_81] {strides = array<i32>} : memref<104x64xi32, #tpu.memory_space<vmem>>, vector<16xi32>,
        tpu.vector_store %arg16[%swap3A_80, %swap3A_81], %bitcast3A_79 {strides = array<i32>} : memref<104x64xi32, #tpu.memory_space<vmem>>, vector<16xi32>,
        %get3A_83 = arith.index_cast %scan3A_53 : i32 to index
        %get3A_84 = arith.constant 96 : index
        %get3A_85 = tpu.vector_load %arg15[%get3A_83, %get3A_84] {strides = array<i32>} : memref<104x128xf32, #tpu.memory_space<vmem>>, vector<16xf32>,
        %get3A_86 = arith.index_cast %scan3A_53 : i32 to index
        %get3A_87 = arith.constant 112 : index
        %get3A_88 = tpu.vector_load %arg15[%get3A_86, %get3A_87] {strides = array<i32>} : memref<104x128xf32, #tpu.memory_space<vmem>>, vector<16xf32>,
        %pack3A_89 = tpu.pack_subelements %get3A_85, %get3A_88 {pack_format = #tpu.pack_format<interleaved>, positions = array<i32: 0, 1>} : vector<16xf32>, vector<16xf32> -> vector<32xbf16>
        %bitcast3A_90 = vector.bitcast %pack3A_89 : vector<32xbf16> to vector<16xi32>
        %swap3A_91 = arith.index_cast %scan3A_53 : i32 to index
        %swap3A_92 = arith.constant 48 : index
        %swap3A_93 = tpu.vector_load %arg16[%swap3A_91, %swap3A_92] {strides = array<i32>} : memref<104x64xi32, #tpu.memory_space<vmem>>, vector<16xi32>,
        tpu.vector_store %arg16[%swap3A_91, %swap3A_92], %bitcast3A_90 {strides = array<i32>} : memref<104x64xi32, #tpu.memory_space<vmem>>, vector<16xi32>,
      }
      %scan3A_52 = arith.constant 16 : i32
      "tpu.region"() ({
        %run_scoped3A_53 = tpu.sem_alloc : memref<!tpu.dma_semaphore, #tpu.memory_space<semaphore_mem>>
        %dma_start3A_54 = arith.constant 0 : i32
        %dma_start3A_55 = arith.constant 0 : i32
        %dma_start3A_56 = tpu.memref_slice %arg16[%dma_start3A_54, %dma_start3A_55] : memref<104x64xi32, #tpu.memory_space<vmem>> -> memref<16x64xi32, #tpu.memory_space<vmem>>
        %dma_start3A_57 = arith.constant 9984 : i32
        %dma_start3A_58 = arith.constant 0 : i32
        %dma_start3A_59 = tpu.memref_slice %arg17[%dma_start3A_57, %dma_start3A_58] : memref<10000x64xi32, #tpu.memory_space<vmem_shared>> -> memref<16x64xi32, #tpu.memory_space<vmem_shared>>
        %dma_start3A_60 = arith.constant 9984 : i32
        %dma_start3A_61 = arith.constant 0 : i32
        %dma_start3A_62 = tpu.memref_slice %arg17[%dma_start3A_60, %dma_start3A_61] : memref<10000x64xi32, #tpu.memory_space<vmem_shared>> -> memref<16x64xi32, #tpu.memory_space<vmem_shared>>
        %dma_start3A_63 = arith.constant 0 : i32
        %dma_start3A_64 = arith.constant 0 : i32
        %dma_start3A_65 = tpu.memref_slice %arg16[%dma_start3A_63, %dma_start3A_64] : memref<104x64xi32, #tpu.memory_space<vmem>> -> memref<16x64xi32, #tpu.memory_space<vmem>>
        tpu.enqueue_dma source(%dma_start3A_65 : memref<16x64xi32, #tpu.memory_space<vmem>>) target(%dma_start3A_62 : memref<16x64xi32, #tpu.memory_space<vmem_shared>>) target_semaphore(%run_scoped3A_53 : memref<!tpu.dma_semaphore, #tpu.memory_space<semaphore_mem>>)
        %dma_wait3A = arith.constant 0 : i32
        %dma_wait3A_66 = arith.constant 0 : i32
        %dma_wait3A_67 = tpu.memref_slice %arg16[%dma_wait3A, %dma_wait3A_66] : memref<104x64xi32, #tpu.memory_space<vmem>> -> memref<16x64xi32, #tpu.memory_space<vmem>>
        %dma_wait3A_68 = arith.constant 9984 : i32
        %dma_wait3A_69 = arith.constant 0 : i32
        %dma_wait3A_70 = tpu.memref_slice %arg17[%dma_wait3A_68, %dma_wait3A_69] : memref<10000x64xi32, #tpu.memory_space<vmem_shared>> -> memref<16x64xi32, #tpu.memory_space<vmem_shared>>
        %dma_wait3A_71 = arith.constant 9984 : i32
        %dma_wait3A_72 = arith.constant 0 : i32
        %dma_wait3A_73 = tpu.memref_slice %arg17[%dma_wait3A_71, %dma_wait3A_72] : memref<10000x64xi32, #tpu.memory_space<vmem_shared>> -> memref<16x64xi32, #tpu.memory_space<vmem_shared>>
        %dma_wait3A_74 = arith.constant 0 : i32
        %dma_wait3A_75 = arith.constant 0 : i32
        %dma_wait3A_76 = tpu.memref_slice %arg16[%dma_wait3A_74, %dma_wait3A_75] : memref<104x64xi32, #tpu.memory_space<vmem>> -> memref<16x64xi32, #tpu.memory_space<vmem>>
        tpu.wait_dma2 semaphore(%run_scoped3A_53 : memref<!tpu.dma_semaphore, #tpu.memory_space<semaphore_mem>>) src(%dma_wait3A_76 : memref<16x64xi32, #tpu.memory_space<vmem>>) dst(%dma_wait3A_73 : memref<16x64xi32, #tpu.memory_space<vmem_shared>>)
        tpu.yield
      }) : () -> ()
    } else {
    }
    %barrier3A = arith.constant 0 : index
    tpu.barrier barrier_id(%barrier3A)
    %iota3A = tpu.iota {dimensions = array<i32: 0>} : vector<16xi32>
    %broadcast_in_dim3A = arith.constant 16 : i32
    %broadcast_in_dim3A_11 = vector.broadcast %broadcast_in_dim3A : i32 to vector<16xi32>
    %dma_start3A = arith.constant 0 : i32
    %dma_start3A_12 = tpu.memref_slice %arg5[%dma_start3A] : memref<10000xi32, #tpu.memory_space<vmem>> -> memref<80xi32, #tpu.memory_space<vmem>>
    %dma_start3A_13 = arith.constant 0 : i32
    %dma_start3A_14 = arith.constant 0 : i32
    %dma_start3A_15 = tpu.memref_slice %arg17[%dma_start3A_13, %dma_start3A_14] : memref<10000x64xi32, #tpu.memory_space<vmem_shared>> -> memref<10000x64xi32, #tpu.memory_space<vmem_shared>>
    tpu.enqueue_indirect_dma source(%dma_start3A_15 : memref<10000x64xi32, #tpu.memory_space<vmem_shared>>) target(%arg7 : memref<80x64xi32, #tpu.memory_space<vmem>>) offsets(%dma_start3A_12 : memref<80xi32, #tpu.memory_space<vmem>>) semaphore(%arg18 : memref<!tpu.dma_semaphore, #tpu.memory_space<semaphore_mem>>)
    %dma_start3A_16 = arith.constant 0 : i32
    %dma_start3A_17 = tpu.memref_slice %arg6[%dma_start3A_16] : memref<10000xi32, #tpu.memory_space<vmem>> -> memref<80xi32, #tpu.memory_space<vmem>>
    %dma_start3A_18 = arith.constant 0 : i32
    %dma_start3A_19 = arith.constant 0 : i32
    %dma_start3A_20 = tpu.memref_slice %arg17[%dma_start3A_18, %dma_start3A_19] : memref<10000x64xi32, #tpu.memory_space<vmem_shared>> -> memref<10000x64xi32, #tpu.memory_space<vmem_shared>>
    tpu.enqueue_indirect_dma source(%dma_start3A_20 : memref<10000x64xi32, #tpu.memory_space<vmem_shared>>) target(%arg10 : memref<80x64xi32, #tpu.memory_space<vmem>>) offsets(%dma_start3A_17 : memref<80xi32, #tpu.memory_space<vmem>>) semaphore(%arg18 : memref<!tpu.dma_semaphore, #tpu.memory_space<semaphore_mem>>)
    %dma_start3A_21 = arith.constant 80 : i32
    %dma_start3A_22 = tpu.memref_slice %arg5[%dma_start3A_21] : memref<10000xi32, #tpu.memory_space<vmem>> -> memref<80xi32, #tpu.memory_space<vmem>>
    %dma_start3A_23 = arith.constant 0 : i32
    %dma_start3A_24 = arith.constant 0 : i32
    %dma_start3A_25 = tpu.memref_slice %arg17[%dma_start3A_23, %dma_start3A_24] : memref<10000x64xi32, #tpu.memory_space<vmem_shared>> -> memref<10000x64xi32, #tpu.memory_space<vmem_shared>>
    tpu.enqueue_indirect_dma source(%dma_start3A_25 : memref<10000x64xi32, #tpu.memory_space<vmem_shared>>) target(%arg8 : memref<80x64xi32, #tpu.memory_space<vmem>>) offsets(%dma_start3A_22 : memref<80xi32, #tpu.memory_space<vmem>>) semaphore(%arg19 : memref<!tpu.dma_semaphore, #tpu.memory_space<semaphore_mem>>)
    %dma_start3A_26 = arith.constant 80 : i32
    %dma_start3A_27 = tpu.memref_slice %arg6[%dma_start3A_26] : memref<10000xi32, #tpu.memory_space<vmem>> -> memref<80xi32, #tpu.memory_space<vmem>>
    %dma_start3A_28 = arith.constant 0 : i32
    %dma_start3A_29 = arith.constant 0 : i32
    %dma_start3A_30 = tpu.memref_slice %arg17[%dma_start3A_28, %dma_start3A_29] : memref<10000x64xi32, #tpu.memory_space<vmem_shared>> -> memref<10000x64xi32, #tpu.memory_space<vmem_shared>>
    tpu.enqueue_indirect_dma source(%dma_start3A_30 : memref<10000x64xi32, #tpu.memory_space<vmem_shared>>) target(%arg11 : memref<80x64xi32, #tpu.memory_space<vmem>>) offsets(%dma_start3A_27 : memref<80xi32, #tpu.memory_space<vmem>>) semaphore(%arg19 : memref<!tpu.dma_semaphore, #tpu.memory_space<semaphore_mem>>)
    %dma_start3A_31 = arith.constant 160 : i32
    %dma_start3A_32 = tpu.memref_slice %arg5[%dma_start3A_31] : memref<10000xi32, #tpu.memory_space<vmem>> -> memref<80xi32, #tpu.memory_space<vmem>>
    %dma_start3A_33 = arith.constant 0 : i32
    %dma_start3A_34 = arith.constant 0 : i32
    %dma_start3A_35 = tpu.memref_slice %arg17[%dma_start3A_33, %dma_start3A_34] : memref<10000x64xi32, #tpu.memory_space<vmem_shared>> -> memref<10000x64xi32, #tpu.memory_space<vmem_shared>>
    tpu.enqueue_indirect_dma source(%dma_start3A_35 : memref<10000x64xi32, #tpu.memory_space<vmem_shared>>) target(%arg9 : memref<80x64xi32, #tpu.memory_space<vmem>>) offsets(%dma_start3A_32 : memref<80xi32, #tpu.memory_space<vmem>>) semaphore(%arg20 : memref<!tpu.dma_semaphore, #tpu.memory_space<semaphore_mem>>)
    %dma_start3A_36 = arith.constant 160 : i32
    %dma_start3A_37 = tpu.memref_slice %arg6[%dma_start3A_36] : memref<10000xi32, #tpu.memory_space<vmem>> -> memref<80xi32, #tpu.memory_space<vmem>>
    %dma_start3A_38 = arith.constant 0 : i32
    %dma_start3A_39 = arith.constant 0 : i32
    %dma_start3A_40 = tpu.memref_slice %arg17[%dma_start3A_38, %dma_start3A_39] : memref<10000x64xi32, #tpu.memory_space<vmem_shared>> -> memref<10000x64xi32, #tpu.memory_space<vmem_shared>>
    tpu.enqueue_indirect_dma source(%dma_start3A_40 : memref<10000x64xi32, #tpu.memory_space<vmem_shared>>) target(%arg12 : memref<80x64xi32, #tpu.memory_space<vmem>>) offsets(%dma_start3A_37 : memref<80xi32, #tpu.memory_space<vmem>>) semaphore(%arg20 : memref<!tpu.dma_semaphore, #tpu.memory_space<semaphore_mem>>)
    %scan3A_41 = arith.constant 0 : i32
    %scan3A_42 = arith.constant 0 : i32
    %scan3A_43 = arith.constant 42 : i32
    %scan3A_44 = arith.addi %scan3A_42, %scan3A_43 : i32
    %scan3A_45 = arith.constant 1 : i32
    scf.for %scan3A_47 = %scan3A_42 to %scan3A_44 step %scan3A_45  : i32 {
      %mul3A_48 = arith.constant 3 : i32
      %mul3A_49 = arith.muli %mul3A_48, %scan3A_47 : i32
      %add3A_50 = arith.constant 0 : i32
      %add3A_51 = arith.addi %mul3A_49, %add3A_50 : i32
      %lt3A = arith.constant 125 : i32
      %lt3A_52 = arith.cmpi slt, %add3A_51, %lt3A : i32
      %convert_element_type3A_53 = arith.extui %lt3A_52 : i1 to i32
      %cond3A_54 = arith.constant 0 : i32
      %cond3A_55 = arith.cmpi ne, %convert_element_type3A_53, %cond3A_54 : i32
      scf.if %cond3A_55 {
        %mul3A_74 = arith.constant 80 : i32
        %mul3A_75 = arith.muli %add3A_51, %mul3A_74 : i32
        %dma_wait3A = tpu.memref_slice %arg5[%mul3A_75] : memref<10000xi32, #tpu.memory_space<vmem>> -> memref<80xi32, #tpu.memory_space<vmem>>
        %dma_wait3A_76 = arith.constant 0 : i32
        %dma_wait3A_77 = arith.constant 0 : i32
        %dma_wait3A_78 = tpu.memref_slice %arg17[%dma_wait3A_76, %dma_wait3A_77] : memref<10000x64xi32, #tpu.memory_space<vmem_shared>> -> memref<10000x64xi32, #tpu.memory_space<vmem_shared>>
        tpu.wait_indirect_dma semaphore(%arg18 : memref<!tpu.dma_semaphore, #tpu.memory_space<semaphore_mem>>) src(%dma_wait3A_78 : memref<10000x64xi32, #tpu.memory_space<vmem_shared>>) dst(%arg7 : memref<80x64xi32, #tpu.memory_space<vmem>>)
        %dma_wait3A_79 = tpu.memref_slice %arg6[%mul3A_75] : memref<10000xi32, #tpu.memory_space<vmem>> -> memref<80xi32, #tpu.memory_space<vmem>>
        %dma_wait3A_80 = arith.constant 0 : i32
        %dma_wait3A_81 = arith.constant 0 : i32
        %dma_wait3A_82 = tpu.memref_slice %arg17[%dma_wait3A_80, %dma_wait3A_81] : memref<10000x64xi32, #tpu.memory_space<vmem_shared>> -> memref<10000x64xi32, #tpu.memory_space<vmem_shared>>
        tpu.wait_indirect_dma semaphore(%arg18 : memref<!tpu.dma_semaphore, #tpu.memory_space<semaphore_mem>>) src(%dma_wait3A_82 : memref<10000x64xi32, #tpu.memory_space<vmem_shared>>) dst(%arg10 : memref<80x64xi32, #tpu.memory_space<vmem>>)
        %scan3A_83 = arith.constant 0 : i32
        %scan3A_84 = arith.constant 0 : i32
        %scan3A_85 = arith.constant 5 : i32
        %scan3A_86 = arith.addi %scan3A_84, %scan3A_85 : i32
        %scan3A_87 = arith.constant 1 : i32
        scf.for %scan3A_96 = %scan3A_84 to %scan3A_86 step %scan3A_87  : i32 {
          %mul3A_97 = arith.constant 16 : i32
          %mul3A_98 = arith.muli %scan3A_96, %mul3A_97 : i32
          %add3A_99 = arith.constant 0 : i32
          %add3A_100 = arith.addi %mul3A_98, %add3A_99 : i32
          %get3A = arith.index_cast %add3A_100 : i32 to index
          %get3A_101 = arith.constant 0 : index
          %get3A_102 = tpu.vector_load %arg7[%get3A, %get3A_101] {strides = array<i32>} : memref<80x64xi32, #tpu.memory_space<vmem>>, vector<16xi32>,
          %bitcast3A = vector.bitcast %get3A_102 : vector<16xi32> to vector<16xi32>
          %shift_left3A = arith.shli %bitcast3A, %broadcast_in_dim3A_11 : vector<16xi32>
          %bitcast3A_103 = vector.bitcast %shift_left3A : vector<16xi32> to vector<16xf32>
          %bitcast3A_104 = vector.bitcast %bitcast3A : vector<16xi32> to vector<16xf32>
          %get3A_105 = arith.index_cast %add3A_100 : i32 to index
          %get3A_106 = arith.constant 0 : index
          %get3A_107 = tpu.vector_load %arg10[%get3A_105, %get3A_106] {strides = array<i32>} : memref<80x64xi32, #tpu.memory_space<vmem>>, vector<16xi32>,
          %bitcast3A_108 = vector.bitcast %get3A_107 : vector<16xi32> to vector<16xi32>
          %shift_left3A_109 = arith.shli %bitcast3A_108, %broadcast_in_dim3A_11 : vector<16xi32>
          %bitcast3A_110 = vector.bitcast %shift_left3A_109 : vector<16xi32> to vector<16xf32>
          %bitcast3A_111 = vector.bitcast %bitcast3A_108 : vector<16xi32> to vector<16xf32>
          %mul3A_112 = arith.mulf %bitcast3A_103, %bitcast3A_110 : vector<16xf32>
          %mul3A_113 = arith.mulf %bitcast3A_104, %bitcast3A_111 : vector<16xf32>
          %add3A_114 = arith.addf %mul3A_112, %mul3A_113 : vector<16xf32>
          %get3A_115 = arith.index_cast %add3A_100 : i32 to index
          %get3A_116 = arith.constant 16 : index
          %get3A_117 = tpu.vector_load %arg7[%get3A_115, %get3A_116] {strides = array<i32>} : memref<80x64xi32, #tpu.memory_space<vmem>>, vector<16xi32>,
          %bitcast3A_118 = vector.bitcast %get3A_117 : vector<16xi32> to vector<16xi32>
          %shift_left3A_119 = arith.shli %bitcast3A_118, %broadcast_in_dim3A_11 : vector<16xi32>
          %bitcast3A_120 = vector.bitcast %shift_left3A_119 : vector<16xi32> to vector<16xf32>
          %bitcast3A_121 = vector.bitcast %bitcast3A_118 : vector<16xi32> to vector<16xf32>
          %get3A_122 = arith.index_cast %add3A_100 : i32 to index
          %get3A_123 = arith.constant 16 : index
          %get3A_124 = tpu.vector_load %arg10[%get3A_122, %get3A_123] {strides = array<i32>} : memref<80x64xi32, #tpu.memory_space<vmem>>, vector<16xi32>,
          %bitcast3A_125 = vector.bitcast %get3A_124 : vector<16xi32> to vector<16xi32>
          %shift_left3A_126 = arith.shli %bitcast3A_125, %broadcast_in_dim3A_11 : vector<16xi32>
          %bitcast3A_127 = vector.bitcast %shift_left3A_126 : vector<16xi32> to vector<16xf32>
          %bitcast3A_128 = vector.bitcast %bitcast3A_125 : vector<16xi32> to vector<16xf32>
          %mul3A_129 = arith.mulf %bitcast3A_120, %bitcast3A_127 : vector<16xf32>
          %mul3A_130 = arith.mulf %bitcast3A_121, %bitcast3A_128 : vector<16xf32>
          %add3A_131 = arith.addf %mul3A_129, %mul3A_130 : vector<16xf32>
          %get3A_132 = arith.index_cast %add3A_100 : i32 to index
          %get3A_133 = arith.constant 32 : index
          %get3A_134 = tpu.vector_load %arg7[%get3A_132, %get3A_133] {strides = array<i32>} : memref<80x64xi32, #tpu.memory_space<vmem>>, vector<16xi32>,
          %bitcast3A_135 = vector.bitcast %get3A_134 : vector<16xi32> to vector<16xi32>
          %shift_left3A_136 = arith.shli %bitcast3A_135, %broadcast_in_dim3A_11 : vector<16xi32>
          %bitcast3A_137 = vector.bitcast %shift_left3A_136 : vector<16xi32> to vector<16xf32>
          %bitcast3A_138 = vector.bitcast %bitcast3A_135 : vector<16xi32> to vector<16xf32>
          %get3A_139 = arith.index_cast %add3A_100 : i32 to index
          %get3A_140 = arith.constant 32 : index
          %get3A_141 = tpu.vector_load %arg10[%get3A_139, %get3A_140] {strides = array<i32>} : memref<80x64xi32, #tpu.memory_space<vmem>>, vector<16xi32>,
          %bitcast3A_142 = vector.bitcast %get3A_141 : vector<16xi32> to vector<16xi32>
          %shift_left3A_143 = arith.shli %bitcast3A_142, %broadcast_in_dim3A_11 : vector<16xi32>
          %bitcast3A_144 = vector.bitcast %shift_left3A_143 : vector<16xi32> to vector<16xf32>
          %bitcast3A_145 = vector.bitcast %bitcast3A_142 : vector<16xi32> to vector<16xf32>
          %mul3A_146 = arith.mulf %bitcast3A_137, %bitcast3A_144 : vector<16xf32>
          %mul3A_147 = arith.mulf %bitcast3A_138, %bitcast3A_145 : vector<16xf32>
          %add3A_148 = arith.addf %mul3A_146, %mul3A_147 : vector<16xf32>
          %get3A_149 = arith.index_cast %add3A_100 : i32 to index
          %get3A_150 = arith.constant 48 : index
          %get3A_151 = tpu.vector_load %arg7[%get3A_149, %get3A_150] {strides = array<i32>} : memref<80x64xi32, #tpu.memory_space<vmem>>, vector<16xi32>,
          %bitcast3A_152 = vector.bitcast %get3A_151 : vector<16xi32> to vector<16xi32>
          %shift_left3A_153 = arith.shli %bitcast3A_152, %broadcast_in_dim3A_11 : vector<16xi32>
          %bitcast3A_154 = vector.bitcast %shift_left3A_153 : vector<16xi32> to vector<16xf32>
          %bitcast3A_155 = vector.bitcast %bitcast3A_152 : vector<16xi32> to vector<16xf32>
          %get3A_156 = arith.index_cast %add3A_100 : i32 to index
          %get3A_157 = arith.constant 48 : index
          %get3A_158 = tpu.vector_load %arg10[%get3A_156, %get3A_157] {strides = array<i32>} : memref<80x64xi32, #tpu.memory_space<vmem>>, vector<16xi32>,
          %bitcast3A_159 = vector.bitcast %get3A_158 : vector<16xi32> to vector<16xi32>
          %shift_left3A_160 = arith.shli %bitcast3A_159, %broadcast_in_dim3A_11 : vector<16xi32>
          %bitcast3A_161 = vector.bitcast %shift_left3A_160 : vector<16xi32> to vector<16xf32>
          %bitcast3A_162 = vector.bitcast %bitcast3A_159 : vector<16xi32> to vector<16xf32>
          %mul3A_163 = arith.mulf %bitcast3A_154, %bitcast3A_161 : vector<16xf32>
          %mul3A_164 = arith.mulf %bitcast3A_155, %bitcast3A_162 : vector<16xf32>
          %add3A_165 = arith.addf %mul3A_163, %mul3A_164 : vector<16xf32>
          %add3A_166 = arith.addf %add3A_114, %add3A_131 : vector<16xf32>
          %add3A_167 = arith.addf %add3A_148, %add3A_165 : vector<16xf32>
          %add3A_168 = arith.addf %add3A_166, %add3A_167 : vector<16xf32>
          %swap3A = arith.constant 0 : index
          %swap3A_169 = tpu.vector_load %arg14[%swap3A] {strides = array<i32>} : memref<272xf32, #tpu.memory_space<vmem>>, vector<16xf32>,
          tpu.vector_store %arg14[%swap3A], %add3A_168 {strides = array<i32>} : memref<272xf32, #tpu.memory_space<vmem>>, vector<16xf32>,
          %mul3A_170 = arith.constant 16 : i32
          %mul3A_171 = arith.muli %scan3A_96, %mul3A_170 : i32
          %add3A_172 = arith.constant 1 : i32
          %add3A_173 = arith.addi %mul3A_171, %add3A_172 : i32
          %get3A_174 = arith.index_cast %add3A_173 : i32 to index
          %get3A_175 = arith.constant 0 : index
          %get3A_176 = tpu.vector_load %arg7[%get3A_174, %get3A_175] {strides = array<i32>} : memref<80x64xi32, #tpu.memory_space<vmem>>, vector<16xi32>,
          %bitcast3A_177 = vector.bitcast %get3A_176 : vector<16xi32> to vector<16xi32>
          %shift_left3A_178 = arith.shli %bitcast3A_177, %broadcast_in_dim3A_11 : vector<16xi32>
          %bitcast3A_179 = vector.bitcast %shift_left3A_178 : vector<16xi32> to vector<16xf32>
          %bitcast3A_180 = vector.bitcast %bitcast3A_177 : vector<16xi32> to vector<16xf32>
          %get3A_181 = arith.index_cast %add3A_173 : i32 to index
          %get3A_182 = arith.constant 0 : index
          %get3A_183 = tpu.vector_load %arg10[%get3A_181, %get3A_182] {strides = array<i32>} : memref<80x64xi32, #tpu.memory_space<vmem>>, vector<16xi32>,
          %bitcast3A_184 = vector.bitcast %get3A_183 : vector<16xi32> to vector<16xi32>
          %shift_left3A_185 = arith.shli %bitcast3A_184, %broadcast_in_dim3A_11 : vector<16xi32>
          %bitcast3A_186 = vector.bitcast %shift_left3A_185 : vector<16xi32> to vector<16xf32>
          %bitcast3A_187 = vector.bitcast %bitcast3A_184 : vector<16xi32> to vector<16xf32>
          %mul3A_188 = arith.mulf %bitcast3A_179, %bitcast3A_186 : vector<16xf32>
          %mul3A_189 = arith.mulf %bitcast3A_180, %bitcast3A_187 : vector<16xf32>
          %add3A_190 = arith.addf %mul3A_188, %mul3A_189 : vector<16xf32>
          %get3A_191 = arith.index_cast %add3A_173 : i32 to index
          %get3A_192 = arith.constant 16 : index
          %get3A_193 = tpu.vector_load %arg7[%get3A_191, %get3A_192] {strides = array<i32>} : memref<80x64xi32, #tpu.memory_space<vmem>>, vector<16xi32>,
          %bitcast3A_194 = vector.bitcast %get3A_193 : vector<16xi32> to vector<16xi32>
          %shift_left3A_195 = arith.shli %bitcast3A_194, %broadcast_in_dim3A_11 : vector<16xi32>
          %bitcast3A_196 = vector.bitcast %shift_left3A_195 : vector<16xi32> to vector<16xf32>
          %bitcast3A_197 = vector.bitcast %bitcast3A_194 : vector<16xi32> to vector<16xf32>
          %get3A_198 = arith.index_cast %add3A_173 : i32 to index
          %get3A_199 = arith.constant 16 : index
          %get3A_200 = tpu.vector_load %arg10[%get3A_198, %get3A_199] {strides = array<i32>} : memref<80x64xi32, #tpu.memory_space<vmem>>, vector<16xi32>,
          %bitcast3A_201 = vector.bitcast %get3A_200 : vector<16xi32> to vector<16xi32>
          %shift_left3A_202 = arith.shli %bitcast3A_201, %broadcast_in_dim3A_11 : vector<16xi32>
          %bitcast3A_203 = vector.bitcast %shift_left3A_202 : vector<16xi32> to vector<16xf32>
          %bitcast3A_204 = vector.bitcast %bitcast3A_201 : vector<16xi32> to vector<16xf32>
          %mul3A_205 = arith.mulf %bitcast3A_196, %bitcast3A_203 : vector<16xf32>
          %mul3A_206 = arith.mulf %bitcast3A_197, %bitcast3A_204 : vector<16xf32>
          %add3A_207 = arith.addf %mul3A_205, %mul3A_206 : vector<16xf32>
          %get3A_208 = arith.index_cast %add3A_173 : i32 to index
          %get3A_209 = arith.constant 32 : index
          %get3A_210 = tpu.vector_load %arg7[%get3A_208, %get3A_209] {strides = array<i32>} : memref<80x64xi32, #tpu.memory_space<vmem>>, vector<16xi32>,
          %bitcast3A_211 = vector.bitcast %get3A_210 : vector<16xi32> to vector<16xi32>
          %shift_left3A_212 = arith.shli %bitcast3A_211, %broadcast_in_dim3A_11 : vector<16xi32>
          %bitcast3A_213 = vector.bitcast %shift_left3A_212 : vector<16xi32> to vector<16xf32>
          %bitcast3A_214 = vector.bitcast %bitcast3A_211 : vector<16xi32> to vector<16xf32>
          %get3A_215 = arith.index_cast %add3A_173 : i32 to index
          %get3A_216 = arith.constant 32 : index
          %get3A_217 = tpu.vector_load %arg10[%get3A_215, %get3A_216] {strides = array<i32>} : memref<80x64xi32, #tpu.memory_space<vmem>>, vector<16xi32>,
          %bitcast3A_218 = vector.bitcast %get3A_217 : vector<16xi32> to vector<16xi32>
          %shift_left3A_219 = arith.shli %bitcast3A_218, %broadcast_in_dim3A_11 : vector<16xi32>
          %bitcast3A_220 = vector.bitcast %shift_left3A_219 : vector<16xi32> to vector<16xf32>
          %bitcast3A_221 = vector.bitcast %bitcast3A_218 : vector<16xi32> to vector<16xf32>
          %mul3A_222 = arith.mulf %bitcast3A_213, %bitcast3A_220 : vector<16xf32>
          %mul3A_223 = arith.mulf %bitcast3A_214, %bitcast3A_221 : vector<16xf32>
          %add3A_224 = arith.addf %mul3A_222, %mul3A_223 : vector<16xf32>
          %get3A_225 = arith.index_cast %add3A_173 : i32 to index
          %get3A_226 = arith.constant 48 : index
          %get3A_227 = tpu.vector_load %arg7[%get3A_225, %get3A_226] {strides = array<i32>} : memref<80x64xi32, #tpu.memory_space<vmem>>, vector<16xi32>,
          %bitcast3A_228 = vector.bitcast %get3A_227 : vector<16xi32> to vector<16xi32>
          %shift_left3A_229 = arith.shli %bitcast3A_228, %broadcast_in_dim3A_11 : vector<16xi32>
          %bitcast3A_230 = vector.bitcast %shift_left3A_229 : vector<16xi32> to vector<16xf32>
          %bitcast3A_231 = vector.bitcast %bitcast3A_228 : vector<16xi32> to vector<16xf32>
          %get3A_232 = arith.index_cast %add3A_173 : i32 to index
          %get3A_233 = arith.constant 48 : index
          %get3A_234 = tpu.vector_load %arg10[%get3A_232, %get3A_233] {strides = array<i32>} : memref<80x64xi32, #tpu.memory_space<vmem>>, vector<16xi32>,
          %bitcast3A_235 = vector.bitcast %get3A_234 : vector<16xi32> to vector<16xi32>
          %shift_left3A_236 = arith.shli %bitcast3A_235, %broadcast_in_dim3A_11 : vector<16xi32>
          %bitcast3A_237 = vector.bitcast %shift_left3A_236 : vector<16xi32> to vector<16xf32>
          %bitcast3A_238 = vector.bitcast %bitcast3A_235 : vector<16xi32> to vector<16xf32>
          %mul3A_239 = arith.mulf %bitcast3A_230, %bitcast3A_237 : vector<16xf32>
          %mul3A_240 = arith.mulf %bitcast3A_231, %bitcast3A_238 : vector<16xf32>
          %add3A_241 = arith.addf %mul3A_239, %mul3A_240 : vector<16xf32>
          %add3A_242 = arith.addf %add3A_190, %add3A_207 : vector<16xf32>
          %add3A_243 = arith.addf %add3A_224, %add3A_241 : vector<16xf32>
          %add3A_244 = arith.addf %add3A_242, %add3A_243 : vector<16xf32>
          %swap3A_245 = arith.constant 17 : index
          %swap3A_246 = tpu.vector_load %arg14[%swap3A_245] {strides = array<i32>} : memref<272xf32, #tpu.memory_space<vmem>>, vector<16xf32>,
          tpu.vector_store %arg14[%swap3A_245], %add3A_244 {strides = array<i32>} : memref<272xf32, #tpu.memory_space<vmem>>, vector<16xf32>,
          %mul3A_247 = arith.constant 16 : i32
          %mul3A_248 = arith.muli %scan3A_96, %mul3A_247 : i32
          %add3A_249 = arith.constant 2 : i32
          %add3A_250 = arith.addi %mul3A_248, %add3A_249 : i32
          %get3A_251 = arith.index_cast %add3A_250 : i32 to index
          %get3A_252 = arith.constant 0 : index
          %get3A_253 = tpu.vector_load %arg7[%get3A_251, %get3A_252] {strides = array<i32>} : memref<80x64xi32, #tpu.memory_space<vmem>>, vector<16xi32>,
          %bitcast3A_254 = vector.bitcast %get3A_253 : vector<16xi32> to vector<16xi32>
          %shift_left3A_255 = arith.shli %bitcast3A_254, %broadcast_in_dim3A_11 : vector<16xi32>
          %bitcast3A_256 = vector.bitcast %shift_left3A_255 : vector<16xi32> to vector<16xf32>
          %bitcast3A_257 = vector.bitcast %bitcast3A_254 : vector<16xi32> to vector<16xf32>
          %get3A_258 = arith.index_cast %add3A_250 : i32 to index
          %get3A_259 = arith.constant 0 : index
          %get3A_260 = tpu.vector_load %arg10[%get3A_258, %get3A_259] {strides = array<i32>} : memref<80x64xi32, #tpu.memory_space<vmem>>, vector<16xi32>,
          %bitcast3A_261 = vector.bitcast %get3A_260 : vector<16xi32> to vector<16xi32>
          %shift_left3A_262 = arith.shli %bitcast3A_261, %broadcast_in_dim3A_11 : vector<16xi32>
          %bitcast3A_263 = vector.bitcast %shift_left3A_262 : vector<16xi32> to vector<16xf32>
          %bitcast3A_264 = vector.bitcast %bitcast3A_261 : vector<16xi32> to vector<16xf32>
          %mul3A_265 = arith.mulf %bitcast3A_256, %bitcast3A_263 : vector<16xf32>
          %mul3A_266 = arith.mulf %bitcast3A_257, %bitcast3A_264 : vector<16xf32>
          %add3A_267 = arith.addf %mul3A_265, %mul3A_266 : vector<16xf32>
          %get3A_268 = arith.index_cast %add3A_250 : i32 to index
          %get3A_269 = arith.constant 16 : index
          %get3A_270 = tpu.vector_load %arg7[%get3A_268, %get3A_269] {strides = array<i32>} : memref<80x64xi32, #tpu.memory_space<vmem>>, vector<16xi32>,
          %bitcast3A_271 = vector.bitcast %get3A_270 : vector<16xi32> to vector<16xi32>
          %shift_left3A_272 = arith.shli %bitcast3A_271, %broadcast_in_dim3A_11 : vector<16xi32>
          %bitcast3A_273 = vector.bitcast %shift_left3A_272 : vector<16xi32> to vector<16xf32>
          %bitcast3A_274 = vector.bitcast %bitcast3A_271 : vector<16xi32> to vector<16xf32>
          %get3A_275 = arith.index_cast %add3A_250 : i32 to index
          %get3A_276 = arith.constant 16 : index
          %get3A_277 = tpu.vector_load %arg10[%get3A_275, %get3A_276] {strides = array<i32>} : memref<80x64xi32, #tpu.memory_space<vmem>>, vector<16xi32>,
          %bitcast3A_278 = vector.bitcast %get3A_277 : vector<16xi32> to vector<16xi32>
          %shift_left3A_279 = arith.shli %bitcast3A_278, %broadcast_in_dim3A_11 : vector<16xi32>
          %bitcast3A_280 = vector.bitcast %shift_left3A_279 : vector<16xi32> to vector<16xf32>
          %bitcast3A_281 = vector.bitcast %bitcast3A_278 : vector<16xi32> to vector<16xf32>
          %mul3A_282 = arith.mulf %bitcast3A_273, %bitcast3A_280 : vector<16xf32>
          %mul3A_283 = arith.mulf %bitcast3A_274, %bitcast3A_281 : vector<16xf32>
          %add3A_284 = arith.addf %mul3A_282, %mul3A_283 : vector<16xf32>
          %get3A_285 = arith.index_cast %add3A_250 : i32 to index
          %get3A_286 = arith.constant 32 : index
          %get3A_287 = tpu.vector_load %arg7[%get3A_285, %get3A_286] {strides = array<i32>} : memref<80x64xi32, #tpu.memory_space<vmem>>, vector<16xi32>,
          %bitcast3A_288 = vector.bitcast %get3A_287 : vector<16xi32> to vector<16xi32>
          %shift_left3A_289 = arith.shli %bitcast3A_288, %broadcast_in_dim3A_11 : vector<16xi32>
          %bitcast3A_290 = vector.bitcast %shift_left3A_289 : vector<16xi32> to vector<16xf32>
          %bitcast3A_291 = vector.bitcast %bitcast3A_288 : vector<16xi32> to vector<16xf32>
          %get3A_292 = arith.index_cast %add3A_250 : i32 to index
          %get3A_293 = arith.constant 32 : index
          %get3A_294 = tpu.vector_load %arg10[%get3A_292, %get3A_293] {strides = array<i32>} : memref<80x64xi32, #tpu.memory_space<vmem>>, vector<16xi32>,
          %bitcast3A_295 = vector.bitcast %get3A_294 : vector<16xi32> to vector<16xi32>
          %shift_left3A_296 = arith.shli %bitcast3A_295, %broadcast_in_dim3A_11 : vector<16xi32>
          %bitcast3A_297 = vector.bitcast %shift_left3A_296 : vector<16xi32> to vector<16xf32>
          %bitcast3A_298 = vector.bitcast %bitcast3A_295 : vector<16xi32> to vector<16xf32>
          %mul3A_299 = arith.mulf %bitcast3A_290, %bitcast3A_297 : vector<16xf32>
          %mul3A_300 = arith.mulf %bitcast3A_291, %bitcast3A_298 : vector<16xf32>
          %add3A_301 = arith.addf %mul3A_299, %mul3A_300 : vector<16xf32>
          %get3A_302 = arith.index_cast %add3A_250 : i32 to index
          %get3A_303 = arith.constant 48 : index
          %get3A_304 = tpu.vector_load %arg7[%get3A_302, %get3A_303] {strides = array<i32>} : memref<80x64xi32, #tpu.memory_space<vmem>>, vector<16xi32>,
          %bitcast3A_305 = vector.bitcast %get3A_304 : vector<16xi32> to vector<16xi32>
          %shift_left3A_306 = arith.shli %bitcast3A_305, %broadcast_in_dim3A_11 : vector<16xi32>
          %bitcast3A_307 = vector.bitcast %shift_left3A_306 : vector<16xi32> to vector<16xf32>
          %bitcast3A_308 = vector.bitcast %bitcast3A_305 : vector<16xi32> to vector<16xf32>
          %get3A_309 = arith.index_cast %add3A_250 : i32 to index
          %get3A_310 = arith.constant 48 : index
          %get3A_311 = tpu.vector_load %arg10[%get3A_309, %get3A_310] {strides = array<i32>} : memref<80x64xi32, #tpu.memory_space<vmem>>, vector<16xi32>,
          %bitcast3A_312 = vector.bitcast %get3A_311 : vector<16xi32> to vector<16xi32>
          %shift_left3A_313 = arith.shli %bitcast3A_312, %broadcast_in_dim3A_11 : vector<16xi32>
          %bitcast3A_314 = vector.bitcast %shift_left3A_313 : vector<16xi32> to vector<16xf32>
          %bitcast3A_315 = vector.bitcast %bitcast3A_312 : vector<16xi32> to vector<16xf32>
          %mul3A_316 = arith.mulf %bitcast3A_307, %bitcast3A_314 : vector<16xf32>
          %mul3A_317 = arith.mulf %bitcast3A_308, %bitcast3A_315 : vector<16xf32>
          %add3A_318 = arith.addf %mul3A_316, %mul3A_317 : vector<16xf32>
          %add3A_319 = arith.addf %add3A_267, %add3A_284 : vector<16xf32>
          %add3A_320 = arith.addf %add3A_301, %add3A_318 : vector<16xf32>
          %add3A_321 = arith.addf %add3A_319, %add3A_320 : vector<16xf32>
          %swap3A_322 = arith.constant 34 : index
          %swap3A_323 = tpu.vector_load %arg14[%swap3A_322] {strides = array<i32>} : memref<272xf32, #tpu.memory_space<vmem>>, vector<16xf32>,
          tpu.vector_store %arg14[%swap3A_322], %add3A_321 {strides = array<i32>} : memref<272xf32, #tpu.memory_space<vmem>>, vector<16xf32>,
          %mul3A_324 = arith.constant 16 : i32
          %mul3A_325 = arith.muli %scan3A_96, %mul3A_324 : i32
          %add3A_326 = arith.constant 3 : i32
          %add3A_327 = arith.addi %mul3A_325, %add3A_326 : i32
          %get3A_328 = arith.index_cast %add3A_327 : i32 to index
          %get3A_329 = arith.constant 0 : index
          %get3A_330 = tpu.vector_load %arg7[%get3A_328, %get3A_329] {strides = array<i32>} : memref<80x64xi32, #tpu.memory_space<vmem>>, vector<16xi32>,
          %bitcast3A_331 = vector.bitcast %get3A_330 : vector<16xi32> to vector<16xi32>
          %shift_left3A_332 = arith.shli %bitcast3A_331, %broadcast_in_dim3A_11 : vector<16xi32>
          %bitcast3A_333 = vector.bitcast %shift_left3A_332 : vector<16xi32> to vector<16xf32>
          %bitcast3A_334 = vector.bitcast %bitcast3A_331 : vector<16xi32> to vector<16xf32>
          %get3A_335 = arith.index_cast %add3A_327 : i32 to index
          %get3A_336 = arith.constant 0 : index
          %get3A_337 = tpu.vector_load %arg10[%get3A_335, %get3A_336] {strides = array<i32>} : memref<80x64xi32, #tpu.memory_space<vmem>>, vector<16xi32>,
          %bitcast3A_338 = vector.bitcast %get3A_337 : vector<16xi32> to vector<16xi32>
          %shift_left3A_339 = arith.shli %bitcast3A_338, %broadcast_in_dim3A_11 : vector<16xi32>
          %bitcast3A_340 = vector.bitcast %shift_left3A_339 : vector<16xi32> to vector<16xf32>
          %bitcast3A_341 = vector.bitcast %bitcast3A_338 : vector<16xi32> to vector<16xf32>
          %mul3A_342 = arith.mulf %bitcast3A_333, %bitcast3A_340 : vector<16xf32>
          %mul3A_343 = arith.mulf %bitcast3A_334, %bitcast3A_341 : vector<16xf32>
          %add3A_344 = arith.addf %mul3A_342, %mul3A_343 : vector<16xf32>
          %get3A_345 = arith.index_cast %add3A_327 : i32 to index
          %get3A_346 = arith.constant 16 : index
          %get3A_347 = tpu.vector_load %arg7[%get3A_345, %get3A_346] {strides = array<i32>} : memref<80x64xi32, #tpu.memory_space<vmem>>, vector<16xi32>,
          %bitcast3A_348 = vector.bitcast %get3A_347 : vector<16xi32> to vector<16xi32>
          %shift_left3A_349 = arith.shli %bitcast3A_348, %broadcast_in_dim3A_11 : vector<16xi32>
          %bitcast3A_350 = vector.bitcast %shift_left3A_349 : vector<16xi32> to vector<16xf32>
          %bitcast3A_351 = vector.bitcast %bitcast3A_348 : vector<16xi32> to vector<16xf32>
          %get3A_352 = arith.index_cast %add3A_327 : i32 to index
          %get3A_353 = arith.constant 16 : index
          %get3A_354 = tpu.vector_load %arg10[%get3A_352, %get3A_353] {strides = array<i32>} : memref<80x64xi32, #tpu.memory_space<vmem>>, vector<16xi32>,
          %bitcast3A_355 = vector.bitcast %get3A_354 : vector<16xi32> to vector<16xi32>
          %shift_left3A_356 = arith.shli %bitcast3A_355, %broadcast_in_dim3A_11 : vector<16xi32>
          %bitcast3A_357 = vector.bitcast %shift_left3A_356 : vector<16xi32> to vector<16xf32>
          %bitcast3A_358 = vector.bitcast %bitcast3A_355 : vector<16xi32> to vector<16xf32>
          %mul3A_359 = arith.mulf %bitcast3A_350, %bitcast3A_357 : vector<16xf32>
          %mul3A_360 = arith.mulf %bitcast3A_351, %bitcast3A_358 : vector<16xf32>
          %add3A_361 = arith.addf %mul3A_359, %mul3A_360 : vector<16xf32>
          %get3A_362 = arith.index_cast %add3A_327 : i32 to index
          %get3A_363 = arith.constant 32 : index
          %get3A_364 = tpu.vector_load %arg7[%get3A_362, %get3A_363] {strides = array<i32>} : memref<80x64xi32, #tpu.memory_space<vmem>>, vector<16xi32>,
          %bitcast3A_365 = vector.bitcast %get3A_364 : vector<16xi32> to vector<16xi32>
          %shift_left3A_366 = arith.shli %bitcast3A_365, %broadcast_in_dim3A_11 : vector<16xi32>
          %bitcast3A_367 = vector.bitcast %shift_left3A_366 : vector<16xi32> to vector<16xf32>
          %bitcast3A_368 = vector.bitcast %bitcast3A_365 : vector<16xi32> to vector<16xf32>
          %get3A_369 = arith.index_cast %add3A_327 : i32 to index
          %get3A_370 = arith.constant 32 : index
          %get3A_371 = tpu.vector_load %arg10[%get3A_369, %get3A_370] {strides = array<i32>} : memref<80x64xi32, #tpu.memory_space<vmem>>, vector<16xi32>,
          %bitcast3A_372 = vector.bitcast %get3A_371 : vector<16xi32> to vector<16xi32>
          %shift_left3A_373 = arith.shli %bitcast3A_372, %broadcast_in_dim3A_11 : vector<16xi32>
          %bitcast3A_374 = vector.bitcast %shift_left3A_373 : vector<16xi32> to vector<16xf32>
          %bitcast3A_375 = vector.bitcast %bitcast3A_372 : vector<16xi32> to vector<16xf32>
          %mul3A_376 = arith.mulf %bitcast3A_367, %bitcast3A_374 : vector<16xf32>
          %mul3A_377 = arith.mulf %bitcast3A_368, %bitcast3A_375 : vector<16xf32>
          %add3A_378 = arith.addf %mul3A_376, %mul3A_377 : vector<16xf32>
          %get3A_379 = arith.index_cast %add3A_327 : i32 to index
          %get3A_380 = arith.constant 48 : index
          %get3A_381 = tpu.vector_load %arg7[%get3A_379, %get3A_380] {strides = array<i32>} : memref<80x64xi32, #tpu.memory_space<vmem>>, vector<16xi32>,
          %bitcast3A_382 = vector.bitcast %get3A_381 : vector<16xi32> to vector<16xi32>
          %shift_left3A_383 = arith.shli %bitcast3A_382, %broadcast_in_dim3A_11 : vector<16xi32>
          %bitcast3A_384 = vector.bitcast %shift_left3A_383 : vector<16xi32> to vector<16xf32>
          %bitcast3A_385 = vector.bitcast %bitcast3A_382 : vector<16xi32> to vector<16xf32>
          %get3A_386 = arith.index_cast %add3A_327 : i32 to index
          %get3A_387 = arith.constant 48 : index
          %get3A_388 = tpu.vector_load %arg10[%get3A_386, %get3A_387] {strides = array<i32>} : memref<80x64xi32, #tpu.memory_space<vmem>>, vector<16xi32>,
          %bitcast3A_389 = vector.bitcast %get3A_388 : vector<16xi32> to vector<16xi32>
          %shift_left3A_390 = arith.shli %bitcast3A_389, %broadcast_in_dim3A_11 : vector<16xi32>
          %bitcast3A_391 = vector.bitcast %shift_left3A_390 : vector<16xi32> to vector<16xf32>
          %bitcast3A_392 = vector.bitcast %bitcast3A_389 : vector<16xi32> to vector<16xf32>
          %mul3A_393 = arith.mulf %bitcast3A_384, %bitcast3A_391 : vector<16xf32>
          %mul3A_394 = arith.mulf %bitcast3A_385, %bitcast3A_392 : vector<16xf32>
          %add3A_395 = arith.addf %mul3A_393, %mul3A_394 : vector<16xf32>
          %add3A_396 = arith.addf %add3A_344, %add3A_361 : vector<16xf32>
          %add3A_397 = arith.addf %add3A_378, %add3A_395 : vector<16xf32>
          %add3A_398 = arith.addf %add3A_396, %add3A_397 : vector<16xf32>
          %swap3A_399 = arith.constant 51 : index
          %swap3A_400 = tpu.vector_load %arg14[%swap3A_399] {strides = array<i32>} : memref<272xf32, #tpu.memory_space<vmem>>, vector<16xf32>,
          tpu.vector_store %arg14[%swap3A_399], %add3A_398 {strides = array<i32>} : memref<272xf32, #tpu.memory_space<vmem>>, vector<16xf32>,
          %mul3A_401 = arith.constant 16 : i32
          %mul3A_402 = arith.muli %scan3A_96, %mul3A_401 : i32
          %add3A_403 = arith.constant 4 : i32
          %add3A_404 = arith.addi %mul3A_402, %add3A_403 : i32
          %get3A_405 = arith.index_cast %add3A_404 : i32 to index
          %get3A_406 = arith.constant 0 : index
          %get3A_407 = tpu.vector_load %arg7[%get3A_405, %get3A_406] {strides = array<i32>} : memref<80x64xi32, #tpu.memory_space<vmem>>, vector<16xi32>,
          %bitcast3A_408 = vector.bitcast %get3A_407 : vector<16xi32> to vector<16xi32>
          %shift_left3A_409 = arith.shli %bitcast3A_408, %broadcast_in_dim3A_11 : vector<16xi32>
          %bitcast3A_410 = vector.bitcast %shift_left3A_409 : vector<16xi32> to vector<16xf32>
          %bitcast3A_411 = vector.bitcast %bitcast3A_408 : vector<16xi32> to vector<16xf32>
          %get3A_412 = arith.index_cast %add3A_404 : i32 to index
          %get3A_413 = arith.constant 0 : index
          %get3A_414 = tpu.vector_load %arg10[%get3A_412, %get3A_413] {strides = array<i32>} : memref<80x64xi32, #tpu.memory_space<vmem>>, vector<16xi32>,
          %bitcast3A_415 = vector.bitcast %get3A_414 : vector<16xi32> to vector<16xi32>
          %shift_left3A_416 = arith.shli %bitcast3A_415, %broadcast_in_dim3A_11 : vector<16xi32>
          %bitcast3A_417 = vector.bitcast %shift_left3A_416 : vector<16xi32> to vector<16xf32>
          %bitcast3A_418 = vector.bitcast %bitcast3A_415 : vector<16xi32> to vector<16xf32>
          %mul3A_419 = arith.mulf %bitcast3A_410, %bitcast3A_417 : vector<16xf32>
          %mul3A_420 = arith.mulf %bitcast3A_411, %bitcast3A_418 : vector<16xf32>
          %add3A_421 = arith.addf %mul3A_419, %mul3A_420 : vector<16xf32>
          %get3A_422 = arith.index_cast %add3A_404 : i32 to index
          %get3A_423 = arith.constant 16 : index
          %get3A_424 = tpu.vector_load %arg7[%get3A_422, %get3A_423] {strides = array<i32>} : memref<80x64xi32, #tpu.memory_space<vmem>>, vector<16xi32>,
          %bitcast3A_425 = vector.bitcast %get3A_424 : vector<16xi32> to vector<16xi32>
          %shift_left3A_426 = arith.shli %bitcast3A_425, %broadcast_in_dim3A_11 : vector<16xi32>
          %bitcast3A_427 = vector.bitcast %shift_left3A_426 : vector<16xi32> to vector<16xf32>
          %bitcast3A_428 = vector.bitcast %bitcast3A_425 : vector<16xi32> to vector<16xf32>
          %get3A_429 = arith.index_cast %add3A_404 : i32 to index
          %get3A_430 = arith.constant 16 : index
          %get3A_431 = tpu.vector_load %arg10[%get3A_429, %get3A_430] {strides = array<i32>} : memref<80x64xi32, #tpu.memory_space<vmem>>, vector<16xi32>,
          %bitcast3A_432 = vector.bitcast %get3A_431 : vector<16xi32> to vector<16xi32>
          %shift_left3A_433 = arith.shli %bitcast3A_432, %broadcast_in_dim3A_11 : vector<16xi32>
          %bitcast3A_434 = vector.bitcast %shift_left3A_433 : vector<16xi32> to vector<16xf32>
          %bitcast3A_435 = vector.bitcast %bitcast3A_432 : vector<16xi32> to vector<16xf32>
          %mul3A_436 = arith.mulf %bitcast3A_427, %bitcast3A_434 : vector<16xf32>
          %mul3A_437 = arith.mulf %bitcast3A_428, %bitcast3A_435 : vector<16xf32>
          %add3A_438 = arith.addf %mul3A_436, %mul3A_437 : vector<16xf32>
          %get3A_439 = arith.index_cast %add3A_404 : i32 to index
          %get3A_440 = arith.constant 32 : index
          %get3A_441 = tpu.vector_load %arg7[%get3A_439, %get3A_440] {strides = array<i32>} : memref<80x64xi32, #tpu.memory_space<vmem>>, vector<16xi32>,
          %bitcast3A_442 = vector.bitcast %get3A_441 : vector<16xi32> to vector<16xi32>
          %shift_left3A_443 = arith.shli %bitcast3A_442, %broadcast_in_dim3A_11 : vector<16xi32>
          %bitcast3A_444 = vector.bitcast %shift_left3A_443 : vector<16xi32> to vector<16xf32>
          %bitcast3A_445 = vector.bitcast %bitcast3A_442 : vector<16xi32> to vector<16xf32>
          %get3A_446 = arith.index_cast %add3A_404 : i32 to index
          %get3A_447 = arith.constant 32 : index
          %get3A_448 = tpu.vector_load %arg10[%get3A_446, %get3A_447] {strides = array<i32>} : memref<80x64xi32, #tpu.memory_space<vmem>>, vector<16xi32>,
          %bitcast3A_449 = vector.bitcast %get3A_448 : vector<16xi32> to vector<16xi32>
          %shift_left3A_450 = arith.shli %bitcast3A_449, %broadcast_in_dim3A_11 : vector<16xi32>
          %bitcast3A_451 = vector.bitcast %shift_left3A_450 : vector<16xi32> to vector<16xf32>
          %bitcast3A_452 = vector.bitcast %bitcast3A_449 : vector<16xi32> to vector<16xf32>
          %mul3A_453 = arith.mulf %bitcast3A_444, %bitcast3A_451 : vector<16xf32>
          %mul3A_454 = arith.mulf %bitcast3A_445, %bitcast3A_452 : vector<16xf32>
          %add3A_455 = arith.addf %mul3A_453, %mul3A_454 : vector<16xf32>
          %get3A_456 = arith.index_cast %add3A_404 : i32 to index
          %get3A_457 = arith.constant 48 : index
          %get3A_458 = tpu.vector_load %arg7[%get3A_456, %get3A_457] {strides = array<i32>} : memref<80x64xi32, #tpu.memory_space<vmem>>, vector<16xi32>,
          %bitcast3A_459 = vector.bitcast %get3A_458 : vector<16xi32> to vector<16xi32>
          %shift_left3A_460 = arith.shli %bitcast3A_459, %broadcast_in_dim3A_11 : vector<16xi32>
          %bitcast3A_461 = vector.bitcast %shift_left3A_460 : vector<16xi32> to vector<16xf32>
          %bitcast3A_462 = vector.bitcast %bitcast3A_459 : vector<16xi32> to vector<16xf32>
          %get3A_463 = arith.index_cast %add3A_404 : i32 to index
          %get3A_464 = arith.constant 48 : index
          %get3A_465 = tpu.vector_load %arg10[%get3A_463, %get3A_464] {strides = array<i32>} : memref<80x64xi32, #tpu.memory_space<vmem>>, vector<16xi32>,
          %bitcast3A_466 = vector.bitcast %get3A_465 : vector<16xi32> to vector<16xi32>
          %shift_left3A_467 = arith.shli %bitcast3A_466, %broadcast_in_dim3A_11 : vector<16xi32>
          %bitcast3A_468 = vector.bitcast %shift_left3A_467 : vector<16xi32> to vector<16xf32>
          %bitcast3A_469 = vector.bitcast %bitcast3A_466 : vector<16xi32> to vector<16xf32>
          %mul3A_470 = arith.mulf %bitcast3A_461, %bitcast3A_468 : vector<16xf32>
          %mul3A_471 = arith.mulf %bitcast3A_462, %bitcast3A_469 : vector<16xf32>
          %add3A_472 = arith.addf %mul3A_470, %mul3A_471 : vector<16xf32>
          %add3A_473 = arith.addf %add3A_421, %add3A_438 : vector<16xf32>
          %add3A_474 = arith.addf %add3A_455, %add3A_472 : vector<16xf32>
          %add3A_475 = arith.addf %add3A_473, %add3A_474 : vector<16xf32>
          %swap3A_476 = arith.constant 68 : index
          %swap3A_477 = tpu.vector_load %arg14[%swap3A_476] {strides = array<i32>} : memref<272xf32, #tpu.memory_space<vmem>>, vector<16xf32>,
          tpu.vector_store %arg14[%swap3A_476], %add3A_475 {strides = array<i32>} : memref<272xf32, #tpu.memory_space<vmem>>, vector<16xf32>,
          %mul3A_478 = arith.constant 16 : i32
          %mul3A_479 = arith.muli %scan3A_96, %mul3A_478 : i32
          %add3A_480 = arith.constant 5 : i32
          %add3A_481 = arith.addi %mul3A_479, %add3A_480 : i32
          %get3A_482 = arith.index_cast %add3A_481 : i32 to index
          %get3A_483 = arith.constant 0 : index
          %get3A_484 = tpu.vector_load %arg7[%get3A_482, %get3A_483] {strides = array<i32>} : memref<80x64xi32, #tpu.memory_space<vmem>>, vector<16xi32>,
          %bitcast3A_485 = vector.bitcast %get3A_484 : vector<16xi32> to vector<16xi32>
          %shift_left3A_486 = arith.shli %bitcast3A_485, %broadcast_in_dim3A_11 : vector<16xi32>
          %bitcast3A_487 = vector.bitcast %shift_left3A_486 : vector<16xi32> to vector<16xf32>
          %bitcast3A_488 = vector.bitcast %bitcast3A_485 : vector<16xi32> to vector<16xf32>
          %get3A_489 = arith.index_cast %add3A_481 : i32 to index
          %get3A_490 = arith.constant 0 : index
          %get3A_491 = tpu.vector_load %arg10[%get3A_489, %get3A_490] {strides = array<i32>} : memref<80x64xi32, #tpu.memory_space<vmem>>, vector<16xi32>,
          %bitcast3A_492 = vector.bitcast %get3A_491 : vector<16xi32> to vector<16xi32>
          %shift_left3A_493 = arith.shli %bitcast3A_492, %broadcast_in_dim3A_11 : vector<16xi32>
          %bitcast3A_494 = vector.bitcast %shift_left3A_493 : vector<16xi32> to vector<16xf32>
          %bitcast3A_495 = vector.bitcast %bitcast3A_492 : vector<16xi32> to vector<16xf32>
          %mul3A_496 = arith.mulf %bitcast3A_487, %bitcast3A_494 : vector<16xf32>
          %mul3A_497 = arith.mulf %bitcast3A_488, %bitcast3A_495 : vector<16xf32>
          %add3A_498 = arith.addf %mul3A_496, %mul3A_497 : vector<16xf32>
          %get3A_499 = arith.index_cast %add3A_481 : i32 to index
          %get3A_500 = arith.constant 16 : index
          %get3A_501 = tpu.vector_load %arg7[%get3A_499, %get3A_500] {strides = array<i32>} : memref<80x64xi32, #tpu.memory_space<vmem>>, vector<16xi32>,
          %bitcast3A_502 = vector.bitcast %get3A_501 : vector<16xi32> to vector<16xi32>
          %shift_left3A_503 = arith.shli %bitcast3A_502, %broadcast_in_dim3A_11 : vector<16xi32>
          %bitcast3A_504 = vector.bitcast %shift_left3A_503 : vector<16xi32> to vector<16xf32>
          %bitcast3A_505 = vector.bitcast %bitcast3A_502 : vector<16xi32> to vector<16xf32>
          %get3A_506 = arith.index_cast %add3A_481 : i32 to index
          %get3A_507 = arith.constant 16 : index
          %get3A_508 = tpu.vector_load %arg10[%get3A_506, %get3A_507] {strides = array<i32>} : memref<80x64xi32, #tpu.memory_space<vmem>>, vector<16xi32>,
          %bitcast3A_509 = vector.bitcast %get3A_508 : vector<16xi32> to vector<16xi32>
          %shift_left3A_510 = arith.shli %bitcast3A_509, %broadcast_in_dim3A_11 : vector<16xi32>
          %bitcast3A_511 = vector.bitcast %shift_left3A_510 : vector<16xi32> to vector<16xf32>
          %bitcast3A_512 = vector.bitcast %bitcast3A_509 : vector<16xi32> to vector<16xf32>
          %mul3A_513 = arith.mulf %bitcast3A_504, %bitcast3A_511 : vector<16xf32>
          %mul3A_514 = arith.mulf %bitcast3A_505, %bitcast3A_512 : vector<16xf32>
          %add3A_515 = arith.addf %mul3A_513, %mul3A_514 : vector<16xf32>
          %get3A_516 = arith.index_cast %add3A_481 : i32 to index
          %get3A_517 = arith.constant 32 : index
          %get3A_518 = tpu.vector_load %arg7[%get3A_516, %get3A_517] {strides = array<i32>} : memref<80x64xi32, #tpu.memory_space<vmem>>, vector<16xi32>,
          %bitcast3A_519 = vector.bitcast %get3A_518 : vector<16xi32> to vector<16xi32>
          %shift_left3A_520 = arith.shli %bitcast3A_519, %broadcast_in_dim3A_11 : vector<16xi32>
          %bitcast3A_521 = vector.bitcast %shift_left3A_520 : vector<16xi32> to vector<16xf32>
          %bitcast3A_522 = vector.bitcast %bitcast3A_519 : vector<16xi32> to vector<16xf32>
          %get3A_523 = arith.index_cast %add3A_481 : i32 to index
          %get3A_524 = arith.constant 32 : index
          %get3A_525 = tpu.vector_load %arg10[%get3A_523, %get3A_524] {strides = array<i32>} : memref<80x64xi32, #tpu.memory_space<vmem>>, vector<16xi32>,
          %bitcast3A_526 = vector.bitcast %get3A_525 : vector<16xi32> to vector<16xi32>
          %shift_left3A_527 = arith.shli %bitcast3A_526, %broadcast_in_dim3A_11 : vector<16xi32>
          %bitcast3A_528 = vector.bitcast %shift_left3A_527 : vector<16xi32> to vector<16xf32>
          %bitcast3A_529 = vector.bitcast %bitcast3A_526 : vector<16xi32> to vector<16xf32>
          %mul3A_530 = arith.mulf %bitcast3A_521, %bitcast3A_528 : vector<16xf32>
          %mul3A_531 = arith.mulf %bitcast3A_522, %bitcast3A_529 : vector<16xf32>
          %add3A_532 = arith.addf %mul3A_530, %mul3A_531 : vector<16xf32>
          %get3A_533 = arith.index_cast %add3A_481 : i32 to index
          %get3A_534 = arith.constant 48 : index
          %get3A_535 = tpu.vector_load %arg7[%get3A_533, %get3A_534] {strides = array<i32>} : memref<80x64xi32, #tpu.memory_space<vmem>>, vector<16xi32>,
          %bitcast3A_536 = vector.bitcast %get3A_535 : vector<16xi32> to vector<16xi32>
          %shift_left3A_537 = arith.shli %bitcast3A_536, %broadcast_in_dim3A_11 : vector<16xi32>
          %bitcast3A_538 = vector.bitcast %shift_left3A_537 : vector<16xi32> to vector<16xf32>
          %bitcast3A_539 = vector.bitcast %bitcast3A_536 : vector<16xi32> to vector<16xf32>
          %get3A_540 = arith.index_cast %add3A_481 : i32 to index
          %get3A_541 = arith.constant 48 : index
          %get3A_542 = tpu.vector_load %arg10[%get3A_540, %get3A_541] {strides = array<i32>} : memref<80x64xi32, #tpu.memory_space<vmem>>, vector<16xi32>,
          %bitcast3A_543 = vector.bitcast %get3A_542 : vector<16xi32> to vector<16xi32>
          %shift_left3A_544 = arith.shli %bitcast3A_543, %broadcast_in_dim3A_11 : vector<16xi32>
          %bitcast3A_545 = vector.bitcast %shift_left3A_544 : vector<16xi32> to vector<16xf32>
          %bitcast3A_546 = vector.bitcast %bitcast3A_543 : vector<16xi32> to vector<16xf32>
          %mul3A_547 = arith.mulf %bitcast3A_538, %bitcast3A_545 : vector<16xf32>
          %mul3A_548 = arith.mulf %bitcast3A_539, %bitcast3A_546 : vector<16xf32>
          %add3A_549 = arith.addf %mul3A_547, %mul3A_548 : vector<16xf32>
          %add3A_550 = arith.addf %add3A_498, %add3A_515 : vector<16xf32>
          %add3A_551 = arith.addf %add3A_532, %add3A_549 : vector<16xf32>
          %add3A_552 = arith.addf %add3A_550, %add3A_551 : vector<16xf32>
          %swap3A_553 = arith.constant 85 : index
          %swap3A_554 = tpu.vector_load %arg14[%swap3A_553] {strides = array<i32>} : memref<272xf32, #tpu.memory_space<vmem>>, vector<16xf32>,
          tpu.vector_store %arg14[%swap3A_553], %add3A_552 {strides = array<i32>} : memref<272xf32, #tpu.memory_space<vmem>>, vector<16xf32>,
          %mul3A_555 = arith.constant 16 : i32
          %mul3A_556 = arith.muli %scan3A_96, %mul3A_555 : i32
          %add3A_557 = arith.constant 6 : i32
          %add3A_558 = arith.addi %mul3A_556, %add3A_557 : i32
          %get3A_559 = arith.index_cast %add3A_558 : i32 to index
          %get3A_560 = arith.constant 0 : index
          %get3A_561 = tpu.vector_load %arg7[%get3A_559, %get3A_560] {strides = array<i32>} : memref<80x64xi32, #tpu.memory_space<vmem>>, vector<16xi32>,
          %bitcast3A_562 = vector.bitcast %get3A_561 : vector<16xi32> to vector<16xi32>
          %shift_left3A_563 = arith.shli %bitcast3A_562, %broadcast_in_dim3A_11 : vector<16xi32>
          %bitcast3A_564 = vector.bitcast %shift_left3A_563 : vector<16xi32> to vector<16xf32>
          %bitcast3A_565 = vector.bitcast %bitcast3A_562 : vector<16xi32> to vector<16xf32>
          %get3A_566 = arith.index_cast %add3A_558 : i32 to index
          %get3A_567 = arith.constant 0 : index
          %get3A_568 = tpu.vector_load %arg10[%get3A_566, %get3A_567] {strides = array<i32>} : memref<80x64xi32, #tpu.memory_space<vmem>>, vector<16xi32>,
          %bitcast3A_569 = vector.bitcast %get3A_568 : vector<16xi32> to vector<16xi32>
          %shift_left3A_570 = arith.shli %bitcast3A_569, %broadcast_in_dim3A_11 : vector<16xi32>
          %bitcast3A_571 = vector.bitcast %shift_left3A_570 : vector<16xi32> to vector<16xf32>
          %bitcast3A_572 = vector.bitcast %bitcast3A_569 : vector<16xi32> to vector<16xf32>
          %mul3A_573 = arith.mulf %bitcast3A_564, %bitcast3A_571 : vector<16xf32>
          %mul3A_574 = arith.mulf %bitcast3A_565, %bitcast3A_572 : vector<16xf32>
          %add3A_575 = arith.addf %mul3A_573, %mul3A_574 : vector<16xf32>
          %get3A_576 = arith.index_cast %add3A_558 : i32 to index
          %get3A_577 = arith.constant 16 : index
          %get3A_578 = tpu.vector_load %arg7[%get3A_576, %get3A_577] {strides = array<i32>} : memref<80x64xi32, #tpu.memory_space<vmem>>, vector<16xi32>,
          %bitcast3A_579 = vector.bitcast %get3A_578 : vector<16xi32> to vector<16xi32>
          %shift_left3A_580 = arith.shli %bitcast3A_579, %broadcast_in_dim3A_11 : vector<16xi32>
          %bitcast3A_581 = vector.bitcast %shift_left3A_580 : vector<16xi32> to vector<16xf32>
          %bitcast3A_582 = vector.bitcast %bitcast3A_579 : vector<16xi32> to vector<16xf32>
          %get3A_583 = arith.index_cast %add3A_558 : i32 to index
          %get3A_584 = arith.constant 16 : index
          %get3A_585 = tpu.vector_load %arg10[%get3A_583, %get3A_584] {strides = array<i32>} : memref<80x64xi32, #tpu.memory_space<vmem>>, vector<16xi32>,
          %bitcast3A_586 = vector.bitcast %get3A_585 : vector<16xi32> to vector<16xi32>
          %shift_left3A_587 = arith.shli %bitcast3A_586, %broadcast_in_dim3A_11 : vector<16xi32>
          %bitcast3A_588 = vector.bitcast %shift_left3A_587 : vector<16xi32> to vector<16xf32>
          %bitcast3A_589 = vector.bitcast %bitcast3A_586 : vector<16xi32> to vector<16xf32>
          %mul3A_590 = arith.mulf %bitcast3A_581, %bitcast3A_588 : vector<16xf32>
          %mul3A_591 = arith.mulf %bitcast3A_582, %bitcast3A_589 : vector<16xf32>
          %add3A_592 = arith.addf %mul3A_590, %mul3A_591 : vector<16xf32>
          %get3A_593 = arith.index_cast %add3A_558 : i32 to index
          %get3A_594 = arith.constant 32 : index
          %get3A_595 = tpu.vector_load %arg7[%get3A_593, %get3A_594] {strides = array<i32>} : memref<80x64xi32, #tpu.memory_space<vmem>>, vector<16xi32>,
          %bitcast3A_596 = vector.bitcast %get3A_595 : vector<16xi32> to vector<16xi32>
          %shift_left3A_597 = arith.shli %bitcast3A_596, %broadcast_in_dim3A_11 : vector<16xi32>
          %bitcast3A_598 = vector.bitcast %shift_left3A_597 : vector<16xi32> to vector<16xf32>
          %bitcast3A_599 = vector.bitcast %bitcast3A_596 : vector<16xi32> to vector<16xf32>
          %get3A_600 = arith.index_cast %add3A_558 : i32 to index
          %get3A_601 = arith.constant 32 : index
          %get3A_602 = tpu.vector_load %arg10[%get3A_600, %get3A_601] {strides = array<i32>} : memref<80x64xi32, #tpu.memory_space<vmem>>, vector<16xi32>,
          %bitcast3A_603 = vector.bitcast %get3A_602 : vector<16xi32> to vector<16xi32>
          %shift_left3A_604 = arith.shli %bitcast3A_603, %broadcast_in_dim3A_11 : vector<16xi32>
          %bitcast3A_605 = vector.bitcast %shift_left3A_604 : vector<16xi32> to vector<16xf32>
          %bitcast3A_606 = vector.bitcast %bitcast3A_603 : vector<16xi32> to vector<16xf32>
          %mul3A_607 = arith.mulf %bitcast3A_598, %bitcast3A_605 : vector<16xf32>
          %mul3A_608 = arith.mulf %bitcast3A_599, %bitcast3A_606 : vector<16xf32>
          %add3A_609 = arith.addf %mul3A_607, %mul3A_608 : vector<16xf32>
          %get3A_610 = arith.index_cast %add3A_558 : i32 to index
          %get3A_611 = arith.constant 48 : index
          %get3A_612 = tpu.vector_load %arg7[%get3A_610, %get3A_611] {strides = array<i32>} : memref<80x64xi32, #tpu.memory_space<vmem>>, vector<16xi32>,
          %bitcast3A_613 = vector.bitcast %get3A_612 : vector<16xi32> to vector<16xi32>
          %shift_left3A_614 = arith.shli %bitcast3A_613, %broadcast_in_dim3A_11 : vector<16xi32>
          %bitcast3A_615 = vector.bitcast %shift_left3A_614 : vector<16xi32> to vector<16xf32>
          %bitcast3A_616 = vector.bitcast %bitcast3A_613 : vector<16xi32> to vector<16xf32>
          %get3A_617 = arith.index_cast %add3A_558 : i32 to index
          %get3A_618 = arith.constant 48 : index
          %get3A_619 = tpu.vector_load %arg10[%get3A_617, %get3A_618] {strides = array<i32>} : memref<80x64xi32, #tpu.memory_space<vmem>>, vector<16xi32>,
          %bitcast3A_620 = vector.bitcast %get3A_619 : vector<16xi32> to vector<16xi32>
          %shift_left3A_621 = arith.shli %bitcast3A_620, %broadcast_in_dim3A_11 : vector<16xi32>
          %bitcast3A_622 = vector.bitcast %shift_left3A_621 : vector<16xi32> to vector<16xf32>
          %bitcast3A_623 = vector.bitcast %bitcast3A_620 : vector<16xi32> to vector<16xf32>
          %mul3A_624 = arith.mulf %bitcast3A_615, %bitcast3A_622 : vector<16xf32>
          %mul3A_625 = arith.mulf %bitcast3A_616, %bitcast3A_623 : vector<16xf32>
          %add3A_626 = arith.addf %mul3A_624, %mul3A_625 : vector<16xf32>
          %add3A_627 = arith.addf %add3A_575, %add3A_592 : vector<16xf32>
          %add3A_628 = arith.addf %add3A_609, %add3A_626 : vector<16xf32>
          %add3A_629 = arith.addf %add3A_627, %add3A_628 : vector<16xf32>
          %swap3A_630 = arith.constant 102 : index
          %swap3A_631 = tpu.vector_load %arg14[%swap3A_630] {strides = array<i32>} : memref<272xf32, #tpu.memory_space<vmem>>, vector<16xf32>,
          tpu.vector_store %arg14[%swap3A_630], %add3A_629 {strides = array<i32>} : memref<272xf32, #tpu.memory_space<vmem>>, vector<16xf32>,
          %mul3A_632 = arith.constant 16 : i32
          %mul3A_633 = arith.muli %scan3A_96, %mul3A_632 : i32
          %add3A_634 = arith.constant 7 : i32
          %add3A_635 = arith.addi %mul3A_633, %add3A_634 : i32
          %get3A_636 = arith.index_cast %add3A_635 : i32 to index
          %get3A_637 = arith.constant 0 : index
          %get3A_638 = tpu.vector_load %arg7[%get3A_636, %get3A_637] {strides = array<i32>} : memref<80x64xi32, #tpu.memory_space<vmem>>, vector<16xi32>,
          %bitcast3A_639 = vector.bitcast %get3A_638 : vector<16xi32> to vector<16xi32>
          %shift_left3A_640 = arith.shli %bitcast3A_639, %broadcast_in_dim3A_11 : vector<16xi32>
          %bitcast3A_641 = vector.bitcast %shift_left3A_640 : vector<16xi32> to vector<16xf32>
          %bitcast3A_642 = vector.bitcast %bitcast3A_639 : vector<16xi32> to vector<16xf32>
          %get3A_643 = arith.index_cast %add3A_635 : i32 to index
          %get3A_644 = arith.constant 0 : index
          %get3A_645 = tpu.vector_load %arg10[%get3A_643, %get3A_644] {strides = array<i32>} : memref<80x64xi32, #tpu.memory_space<vmem>>, vector<16xi32>,
          %bitcast3A_646 = vector.bitcast %get3A_645 : vector<16xi32> to vector<16xi32>
          %shift_left3A_647 = arith.shli %bitcast3A_646, %broadcast_in_dim3A_11 : vector<16xi32>
          %bitcast3A_648 = vector.bitcast %shift_left3A_647 : vector<16xi32> to vector<16xf32>
          %bitcast3A_649 = vector.bitcast %bitcast3A_646 : vector<16xi32> to vector<16xf32>
          %mul3A_650 = arith.mulf %bitcast3A_641, %bitcast3A_648 : vector<16xf32>
          %mul3A_651 = arith.mulf %bitcast3A_642, %bitcast3A_649 : vector<16xf32>
          %add3A_652 = arith.addf %mul3A_650, %mul3A_651 : vector<16xf32>
          %get3A_653 = arith.index_cast %add3A_635 : i32 to index
          %get3A_654 = arith.constant 16 : index
          %get3A_655 = tpu.vector_load %arg7[%get3A_653, %get3A_654] {strides = array<i32>} : memref<80x64xi32, #tpu.memory_space<vmem>>, vector<16xi32>,
          %bitcast3A_656 = vector.bitcast %get3A_655 : vector<16xi32> to vector<16xi32>
          %shift_left3A_657 = arith.shli %bitcast3A_656, %broadcast_in_dim3A_11 : vector<16xi32>
          %bitcast3A_658 = vector.bitcast %shift_left3A_657 : vector<16xi32> to vector<16xf32>
          %bitcast3A_659 = vector.bitcast %bitcast3A_656 : vector<16xi32> to vector<16xf32>
          %get3A_660 = arith.index_cast %add3A_635 : i32 to index
          %get3A_661 = arith.constant 16 : index
          %get3A_662 = tpu.vector_load %arg10[%get3A_660, %get3A_661] {strides = array<i32>} : memref<80x64xi32, #tpu.memory_space<vmem>>, vector<16xi32>,
          %bitcast3A_663 = vector.bitcast %get3A_662 : vector<16xi32> to vector<16xi32>
          %shift_left3A_664 = arith.shli %bitcast3A_663, %broadcast_in_dim3A_11 : vector<16xi32>
          %bitcast3A_665 = vector.bitcast %shift_left3A_664 : vector<16xi32> to vector<16xf32>
          %bitcast3A_666 = vector.bitcast %bitcast3A_663 : vector<16xi32> to vector<16xf32>
          %mul3A_667 = arith.mulf %bitcast3A_658, %bitcast3A_665 : vector<16xf32>
          %mul3A_668 = arith.mulf %bitcast3A_659, %bitcast3A_666 : vector<16xf32>
          %add3A_669 = arith.addf %mul3A_667, %mul3A_668 : vector<16xf32>
          %get3A_670 = arith.index_cast %add3A_635 : i32 to index
          %get3A_671 = arith.constant 32 : index
          %get3A_672 = tpu.vector_load %arg7[%get3A_670, %get3A_671] {strides = array<i32>} : memref<80x64xi32, #tpu.memory_space<vmem>>, vector<16xi32>,
          %bitcast3A_673 = vector.bitcast %get3A_672 : vector<16xi32> to vector<16xi32>
          %shift_left3A_674 = arith.shli %bitcast3A_673, %broadcast_in_dim3A_11 : vector<16xi32>
          %bitcast3A_675 = vector.bitcast %shift_left3A_674 : vector<16xi32> to vector<16xf32>
          %bitcast3A_676 = vector.bitcast %bitcast3A_673 : vector<16xi32> to vector<16xf32>
          %get3A_677 = arith.index_cast %add3A_635 : i32 to index
          %get3A_678 = arith.constant 32 : index
          %get3A_679 = tpu.vector_load %arg10[%get3A_677, %get3A_678] {strides = array<i32>} : memref<80x64xi32, #tpu.memory_space<vmem>>, vector<16xi32>,
          %bitcast3A_680 = vector.bitcast %get3A_679 : vector<16xi32> to vector<16xi32>
          %shift_left3A_681 = arith.shli %bitcast3A_680, %broadcast_in_dim3A_11 : vector<16xi32>
          %bitcast3A_682 = vector.bitcast %shift_left3A_681 : vector<16xi32> to vector<16xf32>
          %bitcast3A_683 = vector.bitcast %bitcast3A_680 : vector<16xi32> to vector<16xf32>
          %mul3A_684 = arith.mulf %bitcast3A_675, %bitcast3A_682 : vector<16xf32>
          %mul3A_685 = arith.mulf %bitcast3A_676, %bitcast3A_683 : vector<16xf32>
          %add3A_686 = arith.addf %mul3A_684, %mul3A_685 : vector<16xf32>
          %get3A_687 = arith.index_cast %add3A_635 : i32 to index
          %get3A_688 = arith.constant 48 : index
          %get3A_689 = tpu.vector_load %arg7[%get3A_687, %get3A_688] {strides = array<i32>} : memref<80x64xi32, #tpu.memory_space<vmem>>, vector<16xi32>,
          %bitcast3A_690 = vector.bitcast %get3A_689 : vector<16xi32> to vector<16xi32>
          %shift_left3A_691 = arith.shli %bitcast3A_690, %broadcast_in_dim3A_11 : vector<16xi32>
          %bitcast3A_692 = vector.bitcast %shift_left3A_691 : vector<16xi32> to vector<16xf32>
          %bitcast3A_693 = vector.bitcast %bitcast3A_690 : vector<16xi32> to vector<16xf32>
          %get3A_694 = arith.index_cast %add3A_635 : i32 to index
          %get3A_695 = arith.constant 48 : index
          %get3A_696 = tpu.vector_load %arg10[%get3A_694, %get3A_695] {strides = array<i32>} : memref<80x64xi32, #tpu.memory_space<vmem>>, vector<16xi32>,
          %bitcast3A_697 = vector.bitcast %get3A_696 : vector<16xi32> to vector<16xi32>
          %shift_left3A_698 = arith.shli %bitcast3A_697, %broadcast_in_dim3A_11 : vector<16xi32>
          %bitcast3A_699 = vector.bitcast %shift_left3A_698 : vector<16xi32> to vector<16xf32>
          %bitcast3A_700 = vector.bitcast %bitcast3A_697 : vector<16xi32> to vector<16xf32>
          %mul3A_701 = arith.mulf %bitcast3A_692, %bitcast3A_699 : vector<16xf32>
          %mul3A_702 = arith.mulf %bitcast3A_693, %bitcast3A_700 : vector<16xf32>
          %add3A_703 = arith.addf %mul3A_701, %mul3A_702 : vector<16xf32>
          %add3A_704 = arith.addf %add3A_652, %add3A_669 : vector<16xf32>
          %add3A_705 = arith.addf %add3A_686, %add3A_703 : vector<16xf32>
          %add3A_706 = arith.addf %add3A_704, %add3A_705 : vector<16xf32>
          %swap3A_707 = arith.constant 119 : index
          %swap3A_708 = tpu.vector_load %arg14[%swap3A_707] {strides = array<i32>} : memref<272xf32, #tpu.memory_space<vmem>>, vector<16xf32>,
          tpu.vector_store %arg14[%swap3A_707], %add3A_706 {strides = array<i32>} : memref<272xf32, #tpu.memory_space<vmem>>, vector<16xf32>,
          %mul3A_709 = arith.constant 16 : i32
          %mul3A_710 = arith.muli %scan3A_96, %mul3A_709 : i32
          %add3A_711 = arith.constant 8 : i32
          %add3A_712 = arith.addi %mul3A_710, %add3A_711 : i32
          %get3A_713 = arith.index_cast %add3A_712 : i32 to index
          %get3A_714 = arith.constant 0 : index
          %get3A_715 = tpu.vector_load %arg7[%get3A_713, %get3A_714] {strides = array<i32>} : memref<80x64xi32, #tpu.memory_space<vmem>>, vector<16xi32>,
          %bitcast3A_716 = vector.bitcast %get3A_715 : vector<16xi32> to vector<16xi32>
          %shift_left3A_717 = arith.shli %bitcast3A_716, %broadcast_in_dim3A_11 : vector<16xi32>
          %bitcast3A_718 = vector.bitcast %shift_left3A_717 : vector<16xi32> to vector<16xf32>
          %bitcast3A_719 = vector.bitcast %bitcast3A_716 : vector<16xi32> to vector<16xf32>
          %get3A_720 = arith.index_cast %add3A_712 : i32 to index
          %get3A_721 = arith.constant 0 : index
          %get3A_722 = tpu.vector_load %arg10[%get3A_720, %get3A_721] {strides = array<i32>} : memref<80x64xi32, #tpu.memory_space<vmem>>, vector<16xi32>,
          %bitcast3A_723 = vector.bitcast %get3A_722 : vector<16xi32> to vector<16xi32>
          %shift_left3A_724 = arith.shli %bitcast3A_723, %broadcast_in_dim3A_11 : vector<16xi32>
          %bitcast3A_725 = vector.bitcast %shift_left3A_724 : vector<16xi32> to vector<16xf32>
          %bitcast3A_726 = vector.bitcast %bitcast3A_723 : vector<16xi32> to vector<16xf32>
          %mul3A_727 = arith.mulf %bitcast3A_718, %bitcast3A_725 : vector<16xf32>
          %mul3A_728 = arith.mulf %bitcast3A_719, %bitcast3A_726 : vector<16xf32>
          %add3A_729 = arith.addf %mul3A_727, %mul3A_728 : vector<16xf32>
          %get3A_730 = arith.index_cast %add3A_712 : i32 to index
          %get3A_731 = arith.constant 16 : index
          %get3A_732 = tpu.vector_load %arg7[%get3A_730, %get3A_731] {strides = array<i32>} : memref<80x64xi32, #tpu.memory_space<vmem>>, vector<16xi32>,
          %bitcast3A_733 = vector.bitcast %get3A_732 : vector<16xi32> to vector<16xi32>
          %shift_left3A_734 = arith.shli %bitcast3A_733, %broadcast_in_dim3A_11 : vector<16xi32>
          %bitcast3A_735 = vector.bitcast %shift_left3A_734 : vector<16xi32> to vector<16xf32>
          %bitcast3A_736 = vector.bitcast %bitcast3A_733 : vector<16xi32> to vector<16xf32>
          %get3A_737 = arith.index_cast %add3A_712 : i32 to index
          %get3A_738 = arith.constant 16 : index
          %get3A_739 = tpu.vector_load %arg10[%get3A_737, %get3A_738] {strides = array<i32>} : memref<80x64xi32, #tpu.memory_space<vmem>>, vector<16xi32>,
          %bitcast3A_740 = vector.bitcast %get3A_739 : vector<16xi32> to vector<16xi32>
          %shift_left3A_741 = arith.shli %bitcast3A_740, %broadcast_in_dim3A_11 : vector<16xi32>
          %bitcast3A_742 = vector.bitcast %shift_left3A_741 : vector<16xi32> to vector<16xf32>
          %bitcast3A_743 = vector.bitcast %bitcast3A_740 : vector<16xi32> to vector<16xf32>
          %mul3A_744 = arith.mulf %bitcast3A_735, %bitcast3A_742 : vector<16xf32>
          %mul3A_745 = arith.mulf %bitcast3A_736, %bitcast3A_743 : vector<16xf32>
          %add3A_746 = arith.addf %mul3A_744, %mul3A_745 : vector<16xf32>
          %get3A_747 = arith.index_cast %add3A_712 : i32 to index
          %get3A_748 = arith.constant 32 : index
          %get3A_749 = tpu.vector_load %arg7[%get3A_747, %get3A_748] {strides = array<i32>} : memref<80x64xi32, #tpu.memory_space<vmem>>, vector<16xi32>,
          %bitcast3A_750 = vector.bitcast %get3A_749 : vector<16xi32> to vector<16xi32>
          %shift_left3A_751 = arith.shli %bitcast3A_750, %broadcast_in_dim3A_11 : vector<16xi32>
          %bitcast3A_752 = vector.bitcast %shift_left3A_751 : vector<16xi32> to vector<16xf32>
          %bitcast3A_753 = vector.bitcast %bitcast3A_750 : vector<16xi32> to vector<16xf32>
          %get3A_754 = arith.index_cast %add3A_712 : i32 to index
          %get3A_755 = arith.constant 32 : index
          %get3A_756 = tpu.vector_load %arg10[%get3A_754, %get3A_755] {strides = array<i32>} : memref<80x64xi32, #tpu.memory_space<vmem>>, vector<16xi32>,
          %bitcast3A_757 = vector.bitcast %get3A_756 : vector<16xi32> to vector<16xi32>
          %shift_left3A_758 = arith.shli %bitcast3A_757, %broadcast_in_dim3A_11 : vector<16xi32>
          %bitcast3A_759 = vector.bitcast %shift_left3A_758 : vector<16xi32> to vector<16xf32>
          %bitcast3A_760 = vector.bitcast %bitcast3A_757 : vector<16xi32> to vector<16xf32>
          %mul3A_761 = arith.mulf %bitcast3A_752, %bitcast3A_759 : vector<16xf32>
          %mul3A_762 = arith.mulf %bitcast3A_753, %bitcast3A_760 : vector<16xf32>
          %add3A_763 = arith.addf %mul3A_761, %mul3A_762 : vector<16xf32>
          %get3A_764 = arith.index_cast %add3A_712 : i32 to index
          %get3A_765 = arith.constant 48 : index
          %get3A_766 = tpu.vector_load %arg7[%get3A_764, %get3A_765] {strides = array<i32>} : memref<80x64xi32, #tpu.memory_space<vmem>>, vector<16xi32>,
          %bitcast3A_767 = vector.bitcast %get3A_766 : vector<16xi32> to vector<16xi32>
          %shift_left3A_768 = arith.shli %bitcast3A_767, %broadcast_in_dim3A_11 : vector<16xi32>
          %bitcast3A_769 = vector.bitcast %shift_left3A_768 : vector<16xi32> to vector<16xf32>
          %bitcast3A_770 = vector.bitcast %bitcast3A_767 : vector<16xi32> to vector<16xf32>
          %get3A_771 = arith.index_cast %add3A_712 : i32 to index
          %get3A_772 = arith.constant 48 : index
          %get3A_773 = tpu.vector_load %arg10[%get3A_771, %get3A_772] {strides = array<i32>} : memref<80x64xi32, #tpu.memory_space<vmem>>, vector<16xi32>,
          %bitcast3A_774 = vector.bitcast %get3A_773 : vector<16xi32> to vector<16xi32>
          %shift_left3A_775 = arith.shli %bitcast3A_774, %broadcast_in_dim3A_11 : vector<16xi32>
          %bitcast3A_776 = vector.bitcast %shift_left3A_775 : vector<16xi32> to vector<16xf32>
          %bitcast3A_777 = vector.bitcast %bitcast3A_774 : vector<16xi32> to vector<16xf32>
          %mul3A_778 = arith.mulf %bitcast3A_769, %bitcast3A_776 : vector<16xf32>
          %mul3A_779 = arith.mulf %bitcast3A_770, %bitcast3A_777 : vector<16xf32>
          %add3A_780 = arith.addf %mul3A_778, %mul3A_779 : vector<16xf32>
          %add3A_781 = arith.addf %add3A_729, %add3A_746 : vector<16xf32>
          %add3A_782 = arith.addf %add3A_763, %add3A_780 : vector<16xf32>
          %add3A_783 = arith.addf %add3A_781, %add3A_782 : vector<16xf32>
          %swap3A_784 = arith.constant 136 : index
          %swap3A_785 = tpu.vector_load %arg14[%swap3A_784] {strides = array<i32>} : memref<272xf32, #tpu.memory_space<vmem>>, vector<16xf32>,
          tpu.vector_store %arg14[%swap3A_784], %add3A_783 {strides = array<i32>} : memref<272xf32, #tpu.memory_space<vmem>>, vector<16xf32>,
          %mul3A_786 = arith.constant 16 : i32
          %mul3A_787 = arith.muli %scan3A_96, %mul3A_786 : i32
          %add3A_788 = arith.constant 9 : i32
          %add3A_789 = arith.addi %mul3A_787, %add3A_788 : i32
          %get3A_790 = arith.index_cast %add3A_789 : i32 to index
          %get3A_791 = arith.constant 0 : index
          %get3A_792 = tpu.vector_load %arg7[%get3A_790, %get3A_791] {strides = array<i32>} : memref<80x64xi32, #tpu.memory_space<vmem>>, vector<16xi32>,
          %bitcast3A_793 = vector.bitcast %get3A_792 : vector<16xi32> to vector<16xi32>
          %shift_left3A_794 = arith.shli %bitcast3A_793, %broadcast_in_dim3A_11 : vector<16xi32>
          %bitcast3A_795 = vector.bitcast %shift_left3A_794 : vector<16xi32> to vector<16xf32>
          %bitcast3A_796 = vector.bitcast %bitcast3A_793 : vector<16xi32> to vector<16xf32>
          %get3A_797 = arith.index_cast %add3A_789 : i32 to index
          %get3A_798 = arith.constant 0 : index
          %get3A_799 = tpu.vector_load %arg10[%get3A_797, %get3A_798] {strides = array<i32>} : memref<80x64xi32, #tpu.memory_space<vmem>>, vector<16xi32>,
          %bitcast3A_800 = vector.bitcast %get3A_799 : vector<16xi32> to vector<16xi32>
          %shift_left3A_801 = arith.shli %bitcast3A_800, %broadcast_in_dim3A_11 : vector<16xi32>
          %bitcast3A_802 = vector.bitcast %shift_left3A_801 : vector<16xi32> to vector<16xf32>
          %bitcast3A_803 = vector.bitcast %bitcast3A_800 : vector<16xi32> to vector<16xf32>
          %mul3A_804 = arith.mulf %bitcast3A_795, %bitcast3A_802 : vector<16xf32>
          %mul3A_805 = arith.mulf %bitcast3A_796, %bitcast3A_803 : vector<16xf32>
          %add3A_806 = arith.addf %mul3A_804, %mul3A_805 : vector<16xf32>
          %get3A_807 = arith.index_cast %add3A_789 : i32 to index
          %get3A_808 = arith.constant 16 : index
          %get3A_809 = tpu.vector_load %arg7[%get3A_807, %get3A_808] {strides = array<i32>} : memref<80x64xi32, #tpu.memory_space<vmem>>, vector<16xi32>,
          %bitcast3A_810 = vector.bitcast %get3A_809 : vector<16xi32> to vector<16xi32>
          %shift_left3A_811 = arith.shli %bitcast3A_810, %broadcast_in_dim3A_11 : vector<16xi32>
          %bitcast3A_812 = vector.bitcast %shift_left3A_811 : vector<16xi32> to vector<16xf32>
          %bitcast3A_813 = vector.bitcast %bitcast3A_810 : vector<16xi32> to vector<16xf32>
          %get3A_814 = arith.index_cast %add3A_789 : i32 to index
          %get3A_815 = arith.constant 16 : index
          %get3A_816 = tpu.vector_load %arg10[%get3A_814, %get3A_815] {strides = array<i32>} : memref<80x64xi32, #tpu.memory_space<vmem>>, vector<16xi32>,
          %bitcast3A_817 = vector.bitcast %get3A_816 : vector<16xi32> to vector<16xi32>
          %shift_left3A_818 = arith.shli %bitcast3A_817, %broadcast_in_dim3A_11 : vector<16xi32>
          %bitcast3A_819 = vector.bitcast %shift_left3A_818 : vector<16xi32> to vector<16xf32>
          %bitcast3A_820 = vector.bitcast %bitcast3A_817 : vector<16xi32> to vector<16xf32>
          %mul3A_821 = arith.mulf %bitcast3A_812, %bitcast3A_819 : vector<16xf32>
          %mul3A_822 = arith.mulf %bitcast3A_813, %bitcast3A_820 : vector<16xf32>
          %add3A_823 = arith.addf %mul3A_821, %mul3A_822 : vector<16xf32>
          %get3A_824 = arith.index_cast %add3A_789 : i32 to index
          %get3A_825 = arith.constant 32 : index
          %get3A_826 = tpu.vector_load %arg7[%get3A_824, %get3A_825] {strides = array<i32>} : memref<80x64xi32, #tpu.memory_space<vmem>>, vector<16xi32>,
          %bitcast3A_827 = vector.bitcast %get3A_826 : vector<16xi32> to vector<16xi32>
          %shift_left3A_828 = arith.shli %bitcast3A_827, %broadcast_in_dim3A_11 : vector<16xi32>
          %bitcast3A_829 = vector.bitcast %shift_left3A_828 : vector<16xi32> to vector<16xf32>
          %bitcast3A_830 = vector.bitcast %bitcast3A_827 : vector<16xi32> to vector<16xf32>
          %get3A_831 = arith.index_cast %add3A_789 : i32 to index
          %get3A_832 = arith.constant 32 : index
          %get3A_833 = tpu.vector_load %arg10[%get3A_831, %get3A_832] {strides = array<i32>} : memref<80x64xi32, #tpu.memory_space<vmem>>, vector<16xi32>,
          %bitcast3A_834 = vector.bitcast %get3A_833 : vector<16xi32> to vector<16xi32>
          %shift_left3A_835 = arith.shli %bitcast3A_834, %broadcast_in_dim3A_11 : vector<16xi32>
          %bitcast3A_836 = vector.bitcast %shift_left3A_835 : vector<16xi32> to vector<16xf32>
          %bitcast3A_837 = vector.bitcast %bitcast3A_834 : vector<16xi32> to vector<16xf32>
          %mul3A_838 = arith.mulf %bitcast3A_829, %bitcast3A_836 : vector<16xf32>
          %mul3A_839 = arith.mulf %bitcast3A_830, %bitcast3A_837 : vector<16xf32>
          %add3A_840 = arith.addf %mul3A_838, %mul3A_839 : vector<16xf32>
          %get3A_841 = arith.index_cast %add3A_789 : i32 to index
          %get3A_842 = arith.constant 48 : index
          %get3A_843 = tpu.vector_load %arg7[%get3A_841, %get3A_842] {strides = array<i32>} : memref<80x64xi32, #tpu.memory_space<vmem>>, vector<16xi32>,
          %bitcast3A_844 = vector.bitcast %get3A_843 : vector<16xi32> to vector<16xi32>
          %shift_left3A_845 = arith.shli %bitcast3A_844, %broadcast_in_dim3A_11 : vector<16xi32>
          %bitcast3A_846 = vector.bitcast %shift_left3A_845 : vector<16xi32> to vector<16xf32>
          %bitcast3A_847 = vector.bitcast %bitcast3A_844 : vector<16xi32> to vector<16xf32>
          %get3A_848 = arith.index_cast %add3A_789 : i32 to index
          %get3A_849 = arith.constant 48 : index
          %get3A_850 = tpu.vector_load %arg10[%get3A_848, %get3A_849] {strides = array<i32>} : memref<80x64xi32, #tpu.memory_space<vmem>>, vector<16xi32>,
          %bitcast3A_851 = vector.bitcast %get3A_850 : vector<16xi32> to vector<16xi32>
          %shift_left3A_852 = arith.shli %bitcast3A_851, %broadcast_in_dim3A_11 : vector<16xi32>
          %bitcast3A_853 = vector.bitcast %shift_left3A_852 : vector<16xi32> to vector<16xf32>
          %bitcast3A_854 = vector.bitcast %bitcast3A_851 : vector<16xi32> to vector<16xf32>
          %mul3A_855 = arith.mulf %bitcast3A_846, %bitcast3A_853 : vector<16xf32>
          %mul3A_856 = arith.mulf %bitcast3A_847, %bitcast3A_854 : vector<16xf32>
          %add3A_857 = arith.addf %mul3A_855, %mul3A_856 : vector<16xf32>
          %add3A_858 = arith.addf %add3A_806, %add3A_823 : vector<16xf32>
          %add3A_859 = arith.addf %add3A_840, %add3A_857 : vector<16xf32>
          %add3A_860 = arith.addf %add3A_858, %add3A_859 : vector<16xf32>
          %swap3A_861 = arith.constant 153 : index
          %swap3A_862 = tpu.vector_load %arg14[%swap3A_861] {strides = array<i32>} : memref<272xf32, #tpu.memory_space<vmem>>, vector<16xf32>,
          tpu.vector_store %arg14[%swap3A_861], %add3A_860 {strides = array<i32>} : memref<272xf32, #tpu.memory_space<vmem>>, vector<16xf32>,
          %mul3A_863 = arith.constant 16 : i32
          %mul3A_864 = arith.muli %scan3A_96, %mul3A_863 : i32
          %add3A_865 = arith.constant 10 : i32
          %add3A_866 = arith.addi %mul3A_864, %add3A_865 : i32
          %get3A_867 = arith.index_cast %add3A_866 : i32 to index
          %get3A_868 = arith.constant 0 : index
          %get3A_869 = tpu.vector_load %arg7[%get3A_867, %get3A_868] {strides = array<i32>} : memref<80x64xi32, #tpu.memory_space<vmem>>, vector<16xi32>,
          %bitcast3A_870 = vector.bitcast %get3A_869 : vector<16xi32> to vector<16xi32>
          %shift_left3A_871 = arith.shli %bitcast3A_870, %broadcast_in_dim3A_11 : vector<16xi32>
          %bitcast3A_872 = vector.bitcast %shift_left3A_871 : vector<16xi32> to vector<16xf32>
          %bitcast3A_873 = vector.bitcast %bitcast3A_870 : vector<16xi32> to vector<16xf32>
          %get3A_874 = arith.index_cast %add3A_866 : i32 to index
          %get3A_875 = arith.constant 0 : index
          %get3A_876 = tpu.vector_load %arg10[%get3A_874, %get3A_875] {strides = array<i32>} : memref<80x64xi32, #tpu.memory_space<vmem>>, vector<16xi32>,
          %bitcast3A_877 = vector.bitcast %get3A_876 : vector<16xi32> to vector<16xi32>
          %shift_left3A_878 = arith.shli %bitcast3A_877, %broadcast_in_dim3A_11 : vector<16xi32>
          %bitcast3A_879 = vector.bitcast %shift_left3A_878 : vector<16xi32> to vector<16xf32>
          %bitcast3A_880 = vector.bitcast %bitcast3A_877 : vector<16xi32> to vector<16xf32>
          %mul3A_881 = arith.mulf %bitcast3A_872, %bitcast3A_879 : vector<16xf32>
          %mul3A_882 = arith.mulf %bitcast3A_873, %bitcast3A_880 : vector<16xf32>
          %add3A_883 = arith.addf %mul3A_881, %mul3A_882 : vector<16xf32>
          %get3A_884 = arith.index_cast %add3A_866 : i32 to index
          %get3A_885 = arith.constant 16 : index
          %get3A_886 = tpu.vector_load %arg7[%get3A_884, %get3A_885] {strides = array<i32>} : memref<80x64xi32, #tpu.memory_space<vmem>>, vector<16xi32>,
          %bitcast3A_887 = vector.bitcast %get3A_886 : vector<16xi32> to vector<16xi32>
          %shift_left3A_888 = arith.shli %bitcast3A_887, %broadcast_in_dim3A_11 : vector<16xi32>
          %bitcast3A_889 = vector.bitcast %shift_left3A_888 : vector<16xi32> to vector<16xf32>
          %bitcast3A_890 = vector.bitcast %bitcast3A_887 : vector<16xi32> to vector<16xf32>
          %get3A_891 = arith.index_cast %add3A_866 : i32 to index
          %get3A_892 = arith.constant 16 : index
          %get3A_893 = tpu.vector_load %arg10[%get3A_891, %get3A_892] {strides = array<i32>} : memref<80x64xi32, #tpu.memory_space<vmem>>, vector<16xi32>,
          %bitcast3A_894 = vector.bitcast %get3A_893 : vector<16xi32> to vector<16xi32>
          %shift_left3A_895 = arith.shli %bitcast3A_894, %broadcast_in_dim3A_11 : vector<16xi32>
          %bitcast3A_896 = vector.bitcast %shift_left3A_895 : vector<16xi32> to vector<16xf32>
          %bitcast3A_897 = vector.bitcast %bitcast3A_894 : vector<16xi32> to vector<16xf32>
          %mul3A_898 = arith.mulf %bitcast3A_889, %bitcast3A_896 : vector<16xf32>
          %mul3A_899 = arith.mulf %bitcast3A_890, %bitcast3A_897 : vector<16xf32>
          %add3A_900 = arith.addf %mul3A_898, %mul3A_899 : vector<16xf32>
          %get3A_901 = arith.index_cast %add3A_866 : i32 to index
          %get3A_902 = arith.constant 32 : index
          %get3A_903 = tpu.vector_load %arg7[%get3A_901, %get3A_902] {strides = array<i32>} : memref<80x64xi32, #tpu.memory_space<vmem>>, vector<16xi32>,
          %bitcast3A_904 = vector.bitcast %get3A_903 : vector<16xi32> to vector<16xi32>
          %shift_left3A_905 = arith.shli %bitcast3A_904, %broadcast_in_dim3A_11 : vector<16xi32>
          %bitcast3A_906 = vector.bitcast %shift_left3A_905 : vector<16xi32> to vector<16xf32>
          %bitcast3A_907 = vector.bitcast %bitcast3A_904 : vector<16xi32> to vector<16xf32>
          %get3A_908 = arith.index_cast %add3A_866 : i32 to index
          %get3A_909 = arith.constant 32 : index
          %get3A_910 = tpu.vector_load %arg10[%get3A_908, %get3A_909] {strides = array<i32>} : memref<80x64xi32, #tpu.memory_space<vmem>>, vector<16xi32>,
          %bitcast3A_911 = vector.bitcast %get3A_910 : vector<16xi32> to vector<16xi32>
          %shift_left3A_912 = arith.shli %bitcast3A_911, %broadcast_in_dim3A_11 : vector<16xi32>
          %bitcast3A_913 = vector.bitcast %shift_left3A_912 : vector<16xi32> to vector<16xf32>
          %bitcast3A_914 = vector.bitcast %bitcast3A_911 : vector<16xi32> to vector<16xf32>
          %mul3A_915 = arith.mulf %bitcast3A_906, %bitcast3A_913 : vector<16xf32>
          %mul3A_916 = arith.mulf %bitcast3A_907, %bitcast3A_914 : vector<16xf32>
          %add3A_917 = arith.addf %mul3A_915, %mul3A_916 : vector<16xf32>
          %get3A_918 = arith.index_cast %add3A_866 : i32 to index
          %get3A_919 = arith.constant 48 : index
          %get3A_920 = tpu.vector_load %arg7[%get3A_918, %get3A_919] {strides = array<i32>} : memref<80x64xi32, #tpu.memory_space<vmem>>, vector<16xi32>,
          %bitcast3A_921 = vector.bitcast %get3A_920 : vector<16xi32> to vector<16xi32>
          %shift_left3A_922 = arith.shli %bitcast3A_921, %broadcast_in_dim3A_11 : vector<16xi32>
          %bitcast3A_923 = vector.bitcast %shift_left3A_922 : vector<16xi32> to vector<16xf32>
          %bitcast3A_924 = vector.bitcast %bitcast3A_921 : vector<16xi32> to vector<16xf32>
          %get3A_925 = arith.index_cast %add3A_866 : i32 to index
          %get3A_926 = arith.constant 48 : index
          %get3A_927 = tpu.vector_load %arg10[%get3A_925, %get3A_926] {strides = array<i32>} : memref<80x64xi32, #tpu.memory_space<vmem>>, vector<16xi32>,
          %bitcast3A_928 = vector.bitcast %get3A_927 : vector<16xi32> to vector<16xi32>
          %shift_left3A_929 = arith.shli %bitcast3A_928, %broadcast_in_dim3A_11 : vector<16xi32>
          %bitcast3A_930 = vector.bitcast %shift_left3A_929 : vector<16xi32> to vector<16xf32>
          %bitcast3A_931 = vector.bitcast %bitcast3A_928 : vector<16xi32> to vector<16xf32>
          %mul3A_932 = arith.mulf %bitcast3A_923, %bitcast3A_930 : vector<16xf32>
          %mul3A_933 = arith.mulf %bitcast3A_924, %bitcast3A_931 : vector<16xf32>
          %add3A_934 = arith.addf %mul3A_932, %mul3A_933 : vector<16xf32>
          %add3A_935 = arith.addf %add3A_883, %add3A_900 : vector<16xf32>
          %add3A_936 = arith.addf %add3A_917, %add3A_934 : vector<16xf32>
          %add3A_937 = arith.addf %add3A_935, %add3A_936 : vector<16xf32>
          %swap3A_938 = arith.constant 170 : index
          %swap3A_939 = tpu.vector_load %arg14[%swap3A_938] {strides = array<i32>} : memref<272xf32, #tpu.memory_space<vmem>>, vector<16xf32>,
          tpu.vector_store %arg14[%swap3A_938], %add3A_937 {strides = array<i32>} : memref<272xf32, #tpu.memory_space<vmem>>, vector<16xf32>,
          %mul3A_940 = arith.constant 16 : i32
          %mul3A_941 = arith.muli %scan3A_96, %mul3A_940 : i32
          %add3A_942 = arith.constant 11 : i32
          %add3A_943 = arith.addi %mul3A_941, %add3A_942 : i32
          %get3A_944 = arith.index_cast %add3A_943 : i32 to index
          %get3A_945 = arith.constant 0 : index
          %get3A_946 = tpu.vector_load %arg7[%get3A_944, %get3A_945] {strides = array<i32>} : memref<80x64xi32, #tpu.memory_space<vmem>>, vector<16xi32>,
          %bitcast3A_947 = vector.bitcast %get3A_946 : vector<16xi32> to vector<16xi32>
          %shift_left3A_948 = arith.shli %bitcast3A_947, %broadcast_in_dim3A_11 : vector<16xi32>
          %bitcast3A_949 = vector.bitcast %shift_left3A_948 : vector<16xi32> to vector<16xf32>
          %bitcast3A_950 = vector.bitcast %bitcast3A_947 : vector<16xi32> to vector<16xf32>
          %get3A_951 = arith.index_cast %add3A_943 : i32 to index
          %get3A_952 = arith.constant 0 : index
          %get3A_953 = tpu.vector_load %arg10[%get3A_951, %get3A_952] {strides = array<i32>} : memref<80x64xi32, #tpu.memory_space<vmem>>, vector<16xi32>,
          %bitcast3A_954 = vector.bitcast %get3A_953 : vector<16xi32> to vector<16xi32>
          %shift_left3A_955 = arith.shli %bitcast3A_954, %broadcast_in_dim3A_11 : vector<16xi32>
          %bitcast3A_956 = vector.bitcast %shift_left3A_955 : vector<16xi32> to vector<16xf32>
          %bitcast3A_957 = vector.bitcast %bitcast3A_954 : vector<16xi32> to vector<16xf32>
          %mul3A_958 = arith.mulf %bitcast3A_949, %bitcast3A_956 : vector<16xf32>
          %mul3A_959 = arith.mulf %bitcast3A_950, %bitcast3A_957 : vector<16xf32>
          %add3A_960 = arith.addf %mul3A_958, %mul3A_959 : vector<16xf32>
          %get3A_961 = arith.index_cast %add3A_943 : i32 to index
          %get3A_962 = arith.constant 16 : index
          %get3A_963 = tpu.vector_load %arg7[%get3A_961, %get3A_962] {strides = array<i32>} : memref<80x64xi32, #tpu.memory_space<vmem>>, vector<16xi32>,
          %bitcast3A_964 = vector.bitcast %get3A_963 : vector<16xi32> to vector<16xi32>
          %shift_left3A_965 = arith.shli %bitcast3A_964, %broadcast_in_dim3A_11 : vector<16xi32>
          %bitcast3A_966 = vector.bitcast %shift_left3A_965 : vector<16xi32> to vector<16xf32>
          %bitcast3A_967 = vector.bitcast %bitcast3A_964 : vector<16xi32> to vector<16xf32>
          %get3A_968 = arith.index_cast %add3A_943 : i32 to index
          %get3A_969 = arith.constant 16 : index
          %get3A_970 = tpu.vector_load %arg10[%get3A_968, %get3A_969] {strides = array<i32>} : memref<80x64xi32, #tpu.memory_space<vmem>>, vector<16xi32>,
          %bitcast3A_971 = vector.bitcast %get3A_970 : vector<16xi32> to vector<16xi32>
          %shift_left3A_972 = arith.shli %bitcast3A_971, %broadcast_in_dim3A_11 : vector<16xi32>
          %bitcast3A_973 = vector.bitcast %shift_left3A_972 : vector<16xi32> to vector<16xf32>
          %bitcast3A_974 = vector.bitcast %bitcast3A_971 : vector<16xi32> to vector<16xf32>
          %mul3A_975 = arith.mulf %bitcast3A_966, %bitcast3A_973 : vector<16xf32>
          %mul3A_976 = arith.mulf %bitcast3A_967, %bitcast3A_974 : vector<16xf32>
          %add3A_977 = arith.addf %mul3A_975, %mul3A_976 : vector<16xf32>
          %get3A_978 = arith.index_cast %add3A_943 : i32 to index
          %get3A_979 = arith.constant 32 : index
          %get3A_980 = tpu.vector_load %arg7[%get3A_978, %get3A_979] {strides = array<i32>} : memref<80x64xi32, #tpu.memory_space<vmem>>, vector<16xi32>,
          %bitcast3A_981 = vector.bitcast %get3A_980 : vector<16xi32> to vector<16xi32>
          %shift_left3A_982 = arith.shli %bitcast3A_981, %broadcast_in_dim3A_11 : vector<16xi32>
          %bitcast3A_983 = vector.bitcast %shift_left3A_982 : vector<16xi32> to vector<16xf32>
          %bitcast3A_984 = vector.bitcast %bitcast3A_981 : vector<16xi32> to vector<16xf32>
          %get3A_985 = arith.index_cast %add3A_943 : i32 to index
          %get3A_986 = arith.constant 32 : index
          %get3A_987 = tpu.vector_load %arg10[%get3A_985, %get3A_986] {strides = array<i32>} : memref<80x64xi32, #tpu.memory_space<vmem>>, vector<16xi32>,
          %bitcast3A_988 = vector.bitcast %get3A_987 : vector<16xi32> to vector<16xi32>
          %shift_left3A_989 = arith.shli %bitcast3A_988, %broadcast_in_dim3A_11 : vector<16xi32>
          %bitcast3A_990 = vector.bitcast %shift_left3A_989 : vector<16xi32> to vector<16xf32>
          %bitcast3A_991 = vector.bitcast %bitcast3A_988 : vector<16xi32> to vector<16xf32>
          %mul3A_992 = arith.mulf %bitcast3A_983, %bitcast3A_990 : vector<16xf32>
          %mul3A_993 = arith.mulf %bitcast3A_984, %bitcast3A_991 : vector<16xf32>
          %add3A_994 = arith.addf %mul3A_992, %mul3A_993 : vector<16xf32>
          %get3A_995 = arith.index_cast %add3A_943 : i32 to index
          %get3A_996 = arith.constant 48 : index
          %get3A_997 = tpu.vector_load %arg7[%get3A_995, %get3A_996] {strides = array<i32>} : memref<80x64xi32, #tpu.memory_space<vmem>>, vector<16xi32>,
          %bitcast3A_998 = vector.bitcast %get3A_997 : vector<16xi32> to vector<16xi32>
          %shift_left3A_999 = arith.shli %bitcast3A_998, %broadcast_in_dim3A_11 : vector<16xi32>
          %bitcast3A_1000 = vector.bitcast %shift_left3A_999 : vector<16xi32> to vector<16xf32>
          %bitcast3A_1001 = vector.bitcast %bitcast3A_998 : vector<16xi32> to vector<16xf32>
          %get3A_1002 = arith.index_cast %add3A_943 : i32 to index
          %get3A_1003 = arith.constant 48 : index
          %get3A_1004 = tpu.vector_load %arg10[%get3A_1002, %get3A_1003] {strides = array<i32>} : memref<80x64xi32, #tpu.memory_space<vmem>>, vector<16xi32>,
          %bitcast3A_1005 = vector.bitcast %get3A_1004 : vector<16xi32> to vector<16xi32>
          %shift_left3A_1006 = arith.shli %bitcast3A_1005, %broadcast_in_dim3A_11 : vector<16xi32>
          %bitcast3A_1007 = vector.bitcast %shift_left3A_1006 : vector<16xi32> to vector<16xf32>
          %bitcast3A_1008 = vector.bitcast %bitcast3A_1005 : vector<16xi32> to vector<16xf32>
          %mul3A_1009 = arith.mulf %bitcast3A_1000, %bitcast3A_1007 : vector<16xf32>
          %mul3A_1010 = arith.mulf %bitcast3A_1001, %bitcast3A_1008 : vector<16xf32>
          %add3A_1011 = arith.addf %mul3A_1009, %mul3A_1010 : vector<16xf32>
          %add3A_1012 = arith.addf %add3A_960, %add3A_977 : vector<16xf32>
          %add3A_1013 = arith.addf %add3A_994, %add3A_1011 : vector<16xf32>
          %add3A_1014 = arith.addf %add3A_1012, %add3A_1013 : vector<16xf32>
          %swap3A_1015 = arith.constant 187 : index
          %swap3A_1016 = tpu.vector_load %arg14[%swap3A_1015] {strides = array<i32>} : memref<272xf32, #tpu.memory_space<vmem>>, vector<16xf32>,
          tpu.vector_store %arg14[%swap3A_1015], %add3A_1014 {strides = array<i32>} : memref<272xf32, #tpu.memory_space<vmem>>, vector<16xf32>,
          %mul3A_1017 = arith.constant 16 : i32
          %mul3A_1018 = arith.muli %scan3A_96, %mul3A_1017 : i32
          %add3A_1019 = arith.constant 12 : i32
          %add3A_1020 = arith.addi %mul3A_1018, %add3A_1019 : i32
          %get3A_1021 = arith.index_cast %add3A_1020 : i32 to index
          %get3A_1022 = arith.constant 0 : index
          %get3A_1023 = tpu.vector_load %arg7[%get3A_1021, %get3A_1022] {strides = array<i32>} : memref<80x64xi32, #tpu.memory_space<vmem>>, vector<16xi32>,
          %bitcast3A_1024 = vector.bitcast %get3A_1023 : vector<16xi32> to vector<16xi32>
          %shift_left3A_1025 = arith.shli %bitcast3A_1024, %broadcast_in_dim3A_11 : vector<16xi32>
          %bitcast3A_1026 = vector.bitcast %shift_left3A_1025 : vector<16xi32> to vector<16xf32>
          %bitcast3A_1027 = vector.bitcast %bitcast3A_1024 : vector<16xi32> to vector<16xf32>
          %get3A_1028 = arith.index_cast %add3A_1020 : i32 to index
          %get3A_1029 = arith.constant 0 : index
          %get3A_1030 = tpu.vector_load %arg10[%get3A_1028, %get3A_1029] {strides = array<i32>} : memref<80x64xi32, #tpu.memory_space<vmem>>, vector<16xi32>,
          %bitcast3A_1031 = vector.bitcast %get3A_1030 : vector<16xi32> to vector<16xi32>
          %shift_left3A_1032 = arith.shli %bitcast3A_1031, %broadcast_in_dim3A_11 : vector<16xi32>
          %bitcast3A_1033 = vector.bitcast %shift_left3A_1032 : vector<16xi32> to vector<16xf32>
          %bitcast3A_1034 = vector.bitcast %bitcast3A_1031 : vector<16xi32> to vector<16xf32>
          %mul3A_1035 = arith.mulf %bitcast3A_1026, %bitcast3A_1033 : vector<16xf32>
          %mul3A_1036 = arith.mulf %bitcast3A_1027, %bitcast3A_1034 : vector<16xf32>
          %add3A_1037 = arith.addf %mul3A_1035, %mul3A_1036 : vector<16xf32>
          %get3A_1038 = arith.index_cast %add3A_1020 : i32 to index
          %get3A_1039 = arith.constant 16 : index
          %get3A_1040 = tpu.vector_load %arg7[%get3A_1038, %get3A_1039] {strides = array<i32>} : memref<80x64xi32, #tpu.memory_space<vmem>>, vector<16xi32>,
          %bitcast3A_1041 = vector.bitcast %get3A_1040 : vector<16xi32> to vector<16xi32>
          %shift_left3A_1042 = arith.shli %bitcast3A_1041, %broadcast_in_dim3A_11 : vector<16xi32>
          %bitcast3A_1043 = vector.bitcast %shift_left3A_1042 : vector<16xi32> to vector<16xf32>
          %bitcast3A_1044 = vector.bitcast %bitcast3A_1041 : vector<16xi32> to vector<16xf32>
          %get3A_1045 = arith.index_cast %add3A_1020 : i32 to index
          %get3A_1046 = arith.constant 16 : index
          %get3A_1047 = tpu.vector_load %arg10[%get3A_1045, %get3A_1046] {strides = array<i32>} : memref<80x64xi32, #tpu.memory_space<vmem>>, vector<16xi32>,
          %bitcast3A_1048 = vector.bitcast %get3A_1047 : vector<16xi32> to vector<16xi32>
          %shift_left3A_1049 = arith.shli %bitcast3A_1048, %broadcast_in_dim3A_11 : vector<16xi32>
          %bitcast3A_1050 = vector.bitcast %shift_left3A_1049 : vector<16xi32> to vector<16xf32>
          %bitcast3A_1051 = vector.bitcast %bitcast3A_1048 : vector<16xi32> to vector<16xf32>
          %mul3A_1052 = arith.mulf %bitcast3A_1043, %bitcast3A_1050 : vector<16xf32>
          %mul3A_1053 = arith.mulf %bitcast3A_1044, %bitcast3A_1051 : vector<16xf32>
          %add3A_1054 = arith.addf %mul3A_1052, %mul3A_1053 : vector<16xf32>
          %get3A_1055 = arith.index_cast %add3A_1020 : i32 to index
          %get3A_1056 = arith.constant 32 : index
          %get3A_1057 = tpu.vector_load %arg7[%get3A_1055, %get3A_1056] {strides = array<i32>} : memref<80x64xi32, #tpu.memory_space<vmem>>, vector<16xi32>,
          %bitcast3A_1058 = vector.bitcast %get3A_1057 : vector<16xi32> to vector<16xi32>
          %shift_left3A_1059 = arith.shli %bitcast3A_1058, %broadcast_in_dim3A_11 : vector<16xi32>
          %bitcast3A_1060 = vector.bitcast %shift_left3A_1059 : vector<16xi32> to vector<16xf32>
          %bitcast3A_1061 = vector.bitcast %bitcast3A_1058 : vector<16xi32> to vector<16xf32>
          %get3A_1062 = arith.index_cast %add3A_1020 : i32 to index
          %get3A_1063 = arith.constant 32 : index
          %get3A_1064 = tpu.vector_load %arg10[%get3A_1062, %get3A_1063] {strides = array<i32>} : memref<80x64xi32, #tpu.memory_space<vmem>>, vector<16xi32>,
          %bitcast3A_1065 = vector.bitcast %get3A_1064 : vector<16xi32> to vector<16xi32>
          %shift_left3A_1066 = arith.shli %bitcast3A_1065, %broadcast_in_dim3A_11 : vector<16xi32>
          %bitcast3A_1067 = vector.bitcast %shift_left3A_1066 : vector<16xi32> to vector<16xf32>
          %bitcast3A_1068 = vector.bitcast %bitcast3A_1065 : vector<16xi32> to vector<16xf32>
          %mul3A_1069 = arith.mulf %bitcast3A_1060, %bitcast3A_1067 : vector<16xf32>
          %mul3A_1070 = arith.mulf %bitcast3A_1061, %bitcast3A_1068 : vector<16xf32>
          %add3A_1071 = arith.addf %mul3A_1069, %mul3A_1070 : vector<16xf32>
          %get3A_1072 = arith.index_cast %add3A_1020 : i32 to index
          %get3A_1073 = arith.constant 48 : index
          %get3A_1074 = tpu.vector_load %arg7[%get3A_1072, %get3A_1073] {strides = array<i32>} : memref<80x64xi32, #tpu.memory_space<vmem>>, vector<16xi32>,
          %bitcast3A_1075 = vector.bitcast %get3A_1074 : vector<16xi32> to vector<16xi32>
          %shift_left3A_1076 = arith.shli %bitcast3A_1075, %broadcast_in_dim3A_11 : vector<16xi32>
          %bitcast3A_1077 = vector.bitcast %shift_left3A_1076 : vector<16xi32> to vector<16xf32>
          %bitcast3A_1078 = vector.bitcast %bitcast3A_1075 : vector<16xi32> to vector<16xf32>
          %get3A_1079 = arith.index_cast %add3A_1020 : i32 to index
          %get3A_1080 = arith.constant 48 : index
          %get3A_1081 = tpu.vector_load %arg10[%get3A_1079, %get3A_1080] {strides = array<i32>} : memref<80x64xi32, #tpu.memory_space<vmem>>, vector<16xi32>,
          %bitcast3A_1082 = vector.bitcast %get3A_1081 : vector<16xi32> to vector<16xi32>
          %shift_left3A_1083 = arith.shli %bitcast3A_1082, %broadcast_in_dim3A_11 : vector<16xi32>
          %bitcast3A_1084 = vector.bitcast %shift_left3A_1083 : vector<16xi32> to vector<16xf32>
          %bitcast3A_1085 = vector.bitcast %bitcast3A_1082 : vector<16xi32> to vector<16xf32>
          %mul3A_1086 = arith.mulf %bitcast3A_1077, %bitcast3A_1084 : vector<16xf32>
          %mul3A_1087 = arith.mulf %bitcast3A_1078, %bitcast3A_1085 : vector<16xf32>
          %add3A_1088 = arith.addf %mul3A_1086, %mul3A_1087 : vector<16xf32>
          %add3A_1089 = arith.addf %add3A_1037, %add3A_1054 : vector<16xf32>
          %add3A_1090 = arith.addf %add3A_1071, %add3A_1088 : vector<16xf32>
          %add3A_1091 = arith.addf %add3A_1089, %add3A_1090 : vector<16xf32>
          %swap3A_1092 = arith.constant 204 : index
          %swap3A_1093 = tpu.vector_load %arg14[%swap3A_1092] {strides = array<i32>} : memref<272xf32, #tpu.memory_space<vmem>>, vector<16xf32>,
          tpu.vector_store %arg14[%swap3A_1092], %add3A_1091 {strides = array<i32>} : memref<272xf32, #tpu.memory_space<vmem>>, vector<16xf32>,
          %mul3A_1094 = arith.constant 16 : i32
          %mul3A_1095 = arith.muli %scan3A_96, %mul3A_1094 : i32
          %add3A_1096 = arith.constant 13 : i32
          %add3A_1097 = arith.addi %mul3A_1095, %add3A_1096 : i32
          %get3A_1098 = arith.index_cast %add3A_1097 : i32 to index
          %get3A_1099 = arith.constant 0 : index
          %get3A_1100 = tpu.vector_load %arg7[%get3A_1098, %get3A_1099] {strides = array<i32>} : memref<80x64xi32, #tpu.memory_space<vmem>>, vector<16xi32>,
          %bitcast3A_1101 = vector.bitcast %get3A_1100 : vector<16xi32> to vector<16xi32>
          %shift_left3A_1102 = arith.shli %bitcast3A_1101, %broadcast_in_dim3A_11 : vector<16xi32>
          %bitcast3A_1103 = vector.bitcast %shift_left3A_1102 : vector<16xi32> to vector<16xf32>
          %bitcast3A_1104 = vector.bitcast %bitcast3A_1101 : vector<16xi32> to vector<16xf32>
          %get3A_1105 = arith.index_cast %add3A_1097 : i32 to index
          %get3A_1106 = arith.constant 0 : index
          %get3A_1107 = tpu.vector_load %arg10[%get3A_1105, %get3A_1106] {strides = array<i32>} : memref<80x64xi32, #tpu.memory_space<vmem>>, vector<16xi32>,
          %bitcast3A_1108 = vector.bitcast %get3A_1107 : vector<16xi32> to vector<16xi32>
          %shift_left3A_1109 = arith.shli %bitcast3A_1108, %broadcast_in_dim3A_11 : vector<16xi32>
          %bitcast3A_1110 = vector.bitcast %shift_left3A_1109 : vector<16xi32> to vector<16xf32>
          %bitcast3A_1111 = vector.bitcast %bitcast3A_1108 : vector<16xi32> to vector<16xf32>
          %mul3A_1112 = arith.mulf %bitcast3A_1103, %bitcast3A_1110 : vector<16xf32>
          %mul3A_1113 = arith.mulf %bitcast3A_1104, %bitcast3A_1111 : vector<16xf32>
          %add3A_1114 = arith.addf %mul3A_1112, %mul3A_1113 : vector<16xf32>
          %get3A_1115 = arith.index_cast %add3A_1097 : i32 to index
          %get3A_1116 = arith.constant 16 : index
          %get3A_1117 = tpu.vector_load %arg7[%get3A_1115, %get3A_1116] {strides = array<i32>} : memref<80x64xi32, #tpu.memory_space<vmem>>, vector<16xi32>,
          %bitcast3A_1118 = vector.bitcast %get3A_1117 : vector<16xi32> to vector<16xi32>
          %shift_left3A_1119 = arith.shli %bitcast3A_1118, %broadcast_in_dim3A_11 : vector<16xi32>
          %bitcast3A_1120 = vector.bitcast %shift_left3A_1119 : vector<16xi32> to vector<16xf32>
          %bitcast3A_1121 = vector.bitcast %bitcast3A_1118 : vector<16xi32> to vector<16xf32>
          %get3A_1122 = arith.index_cast %add3A_1097 : i32 to index
          %get3A_1123 = arith.constant 16 : index
          %get3A_1124 = tpu.vector_load %arg10[%get3A_1122, %get3A_1123] {strides = array<i32>} : memref<80x64xi32, #tpu.memory_space<vmem>>, vector<16xi32>,
          %bitcast3A_1125 = vector.bitcast %get3A_1124 : vector<16xi32> to vector<16xi32>
          %shift_left3A_1126 = arith.shli %bitcast3A_1125, %broadcast_in_dim3A_11 : vector<16xi32>
          %bitcast3A_1127 = vector.bitcast %shift_left3A_1126 : vector<16xi32> to vector<16xf32>
          %bitcast3A_1128 = vector.bitcast %bitcast3A_1125 : vector<16xi32> to vector<16xf32>
          %mul3A_1129 = arith.mulf %bitcast3A_1120, %bitcast3A_1127 : vector<16xf32>
          %mul3A_1130 = arith.mulf %bitcast3A_1121, %bitcast3A_1128 : vector<16xf32>
          %add3A_1131 = arith.addf %mul3A_1129, %mul3A_1130 : vector<16xf32>
          %get3A_1132 = arith.index_cast %add3A_1097 : i32 to index
          %get3A_1133 = arith.constant 32 : index
          %get3A_1134 = tpu.vector_load %arg7[%get3A_1132, %get3A_1133] {strides = array<i32>} : memref<80x64xi32, #tpu.memory_space<vmem>>, vector<16xi32>,
          %bitcast3A_1135 = vector.bitcast %get3A_1134 : vector<16xi32> to vector<16xi32>
          %shift_left3A_1136 = arith.shli %bitcast3A_1135, %broadcast_in_dim3A_11 : vector<16xi32>
          %bitcast3A_1137 = vector.bitcast %shift_left3A_1136 : vector<16xi32> to vector<16xf32>
          %bitcast3A_1138 = vector.bitcast %bitcast3A_1135 : vector<16xi32> to vector<16xf32>
          %get3A_1139 = arith.index_cast %add3A_1097 : i32 to index
          %get3A_1140 = arith.constant 32 : index
          %get3A_1141 = tpu.vector_load %arg10[%get3A_1139, %get3A_1140] {strides = array<i32>} : memref<80x64xi32, #tpu.memory_space<vmem>>, vector<16xi32>,
          %bitcast3A_1142 = vector.bitcast %get3A_1141 : vector<16xi32> to vector<16xi32>
          %shift_left3A_1143 = arith.shli %bitcast3A_1142, %broadcast_in_dim3A_11 : vector<16xi32>
          %bitcast3A_1144 = vector.bitcast %shift_left3A_1143 : vector<16xi32> to vector<16xf32>
          %bitcast3A_1145 = vector.bitcast %bitcast3A_1142 : vector<16xi32> to vector<16xf32>
          %mul3A_1146 = arith.mulf %bitcast3A_1137, %bitcast3A_1144 : vector<16xf32>
          %mul3A_1147 = arith.mulf %bitcast3A_1138, %bitcast3A_1145 : vector<16xf32>
          %add3A_1148 = arith.addf %mul3A_1146, %mul3A_1147 : vector<16xf32>
          %get3A_1149 = arith.index_cast %add3A_1097 : i32 to index
          %get3A_1150 = arith.constant 48 : index
          %get3A_1151 = tpu.vector_load %arg7[%get3A_1149, %get3A_1150] {strides = array<i32>} : memref<80x64xi32, #tpu.memory_space<vmem>>, vector<16xi32>,
          %bitcast3A_1152 = vector.bitcast %get3A_1151 : vector<16xi32> to vector<16xi32>
          %shift_left3A_1153 = arith.shli %bitcast3A_1152, %broadcast_in_dim3A_11 : vector<16xi32>
          %bitcast3A_1154 = vector.bitcast %shift_left3A_1153 : vector<16xi32> to vector<16xf32>
          %bitcast3A_1155 = vector.bitcast %bitcast3A_1152 : vector<16xi32> to vector<16xf32>
          %get3A_1156 = arith.index_cast %add3A_1097 : i32 to index
          %get3A_1157 = arith.constant 48 : index
          %get3A_1158 = tpu.vector_load %arg10[%get3A_1156, %get3A_1157] {strides = array<i32>} : memref<80x64xi32, #tpu.memory_space<vmem>>, vector<16xi32>,
          %bitcast3A_1159 = vector.bitcast %get3A_1158 : vector<16xi32> to vector<16xi32>
          %shift_left3A_1160 = arith.shli %bitcast3A_1159, %broadcast_in_dim3A_11 : vector<16xi32>
          %bitcast3A_1161 = vector.bitcast %shift_left3A_1160 : vector<16xi32> to vector<16xf32>
          %bitcast3A_1162 = vector.bitcast %bitcast3A_1159 : vector<16xi32> to vector<16xf32>
          %mul3A_1163 = arith.mulf %bitcast3A_1154, %bitcast3A_1161 : vector<16xf32>
          %mul3A_1164 = arith.mulf %bitcast3A_1155, %bitcast3A_1162 : vector<16xf32>
          %add3A_1165 = arith.addf %mul3A_1163, %mul3A_1164 : vector<16xf32>
          %add3A_1166 = arith.addf %add3A_1114, %add3A_1131 : vector<16xf32>
          %add3A_1167 = arith.addf %add3A_1148, %add3A_1165 : vector<16xf32>
          %add3A_1168 = arith.addf %add3A_1166, %add3A_1167 : vector<16xf32>
          %swap3A_1169 = arith.constant 221 : index
          %swap3A_1170 = tpu.vector_load %arg14[%swap3A_1169] {strides = array<i32>} : memref<272xf32, #tpu.memory_space<vmem>>, vector<16xf32>,
          tpu.vector_store %arg14[%swap3A_1169], %add3A_1168 {strides = array<i32>} : memref<272xf32, #tpu.memory_space<vmem>>, vector<16xf32>,
          %mul3A_1171 = arith.constant 16 : i32
          %mul3A_1172 = arith.muli %scan3A_96, %mul3A_1171 : i32
          %add3A_1173 = arith.constant 14 : i32
          %add3A_1174 = arith.addi %mul3A_1172, %add3A_1173 : i32
          %get3A_1175 = arith.index_cast %add3A_1174 : i32 to index
          %get3A_1176 = arith.constant 0 : index
          %get3A_1177 = tpu.vector_load %arg7[%get3A_1175, %get3A_1176] {strides = array<i32>} : memref<80x64xi32, #tpu.memory_space<vmem>>, vector<16xi32>,
          %bitcast3A_1178 = vector.bitcast %get3A_1177 : vector<16xi32> to vector<16xi32>
          %shift_left3A_1179 = arith.shli %bitcast3A_1178, %broadcast_in_dim3A_11 : vector<16xi32>
          %bitcast3A_1180 = vector.bitcast %shift_left3A_1179 : vector<16xi32> to vector<16xf32>
          %bitcast3A_1181 = vector.bitcast %bitcast3A_1178 : vector<16xi32> to vector<16xf32>
          %get3A_1182 = arith.index_cast %add3A_1174 : i32 to index
          %get3A_1183 = arith.constant 0 : index
          %get3A_1184 = tpu.vector_load %arg10[%get3A_1182, %get3A_1183] {strides = array<i32>} : memref<80x64xi32, #tpu.memory_space<vmem>>, vector<16xi32>,
          %bitcast3A_1185 = vector.bitcast %get3A_1184 : vector<16xi32> to vector<16xi32>
          %shift_left3A_1186 = arith.shli %bitcast3A_1185, %broadcast_in_dim3A_11 : vector<16xi32>
          %bitcast3A_1187 = vector.bitcast %shift_left3A_1186 : vector<16xi32> to vector<16xf32>
          %bitcast3A_1188 = vector.bitcast %bitcast3A_1185 : vector<16xi32> to vector<16xf32>
          %mul3A_1189 = arith.mulf %bitcast3A_1180, %bitcast3A_1187 : vector<16xf32>
          %mul3A_1190 = arith.mulf %bitcast3A_1181, %bitcast3A_1188 : vector<16xf32>
          %add3A_1191 = arith.addf %mul3A_1189, %mul3A_1190 : vector<16xf32>
          %get3A_1192 = arith.index_cast %add3A_1174 : i32 to index
          %get3A_1193 = arith.constant 16 : index
          %get3A_1194 = tpu.vector_load %arg7[%get3A_1192, %get3A_1193] {strides = array<i32>} : memref<80x64xi32, #tpu.memory_space<vmem>>, vector<16xi32>,
          %bitcast3A_1195 = vector.bitcast %get3A_1194 : vector<16xi32> to vector<16xi32>
          %shift_left3A_1196 = arith.shli %bitcast3A_1195, %broadcast_in_dim3A_11 : vector<16xi32>
          %bitcast3A_1197 = vector.bitcast %shift_left3A_1196 : vector<16xi32> to vector<16xf32>
          %bitcast3A_1198 = vector.bitcast %bitcast3A_1195 : vector<16xi32> to vector<16xf32>
          %get3A_1199 = arith.index_cast %add3A_1174 : i32 to index
          %get3A_1200 = arith.constant 16 : index
          %get3A_1201 = tpu.vector_load %arg10[%get3A_1199, %get3A_1200] {strides = array<i32>} : memref<80x64xi32, #tpu.memory_space<vmem>>, vector<16xi32>,
          %bitcast3A_1202 = vector.bitcast %get3A_1201 : vector<16xi32> to vector<16xi32>
          %shift_left3A_1203 = arith.shli %bitcast3A_1202, %broadcast_in_dim3A_11 : vector<16xi32>
          %bitcast3A_1204 = vector.bitcast %shift_left3A_1203 : vector<16xi32> to vector<16xf32>
          %bitcast3A_1205 = vector.bitcast %bitcast3A_1202 : vector<16xi32> to vector<16xf32>
          %mul3A_1206 = arith.mulf %bitcast3A_1197, %bitcast3A_1204 : vector<16xf32>
          %mul3A_1207 = arith.mulf %bitcast3A_1198, %bitcast3A_1205 : vector<16xf32>
          %add3A_1208 = arith.addf %mul3A_1206, %mul3A_1207 : vector<16xf32>
          %get3A_1209 = arith.index_cast %add3A_1174 : i32 to index
          %get3A_1210 = arith.constant 32 : index
          %get3A_1211 = tpu.vector_load %arg7[%get3A_1209, %get3A_1210] {strides = array<i32>} : memref<80x64xi32, #tpu.memory_space<vmem>>, vector<16xi32>,
          %bitcast3A_1212 = vector.bitcast %get3A_1211 : vector<16xi32> to vector<16xi32>
          %shift_left3A_1213 = arith.shli %bitcast3A_1212, %broadcast_in_dim3A_11 : vector<16xi32>
          %bitcast3A_1214 = vector.bitcast %shift_left3A_1213 : vector<16xi32> to vector<16xf32>
          %bitcast3A_1215 = vector.bitcast %bitcast3A_1212 : vector<16xi32> to vector<16xf32>
          %get3A_1216 = arith.index_cast %add3A_1174 : i32 to index
          %get3A_1217 = arith.constant 32 : index
          %get3A_1218 = tpu.vector_load %arg10[%get3A_1216, %get3A_1217] {strides = array<i32>} : memref<80x64xi32, #tpu.memory_space<vmem>>, vector<16xi32>,
          %bitcast3A_1219 = vector.bitcast %get3A_1218 : vector<16xi32> to vector<16xi32>
          %shift_left3A_1220 = arith.shli %bitcast3A_1219, %broadcast_in_dim3A_11 : vector<16xi32>
          %bitcast3A_1221 = vector.bitcast %shift_left3A_1220 : vector<16xi32> to vector<16xf32>
          %bitcast3A_1222 = vector.bitcast %bitcast3A_1219 : vector<16xi32> to vector<16xf32>
          %mul3A_1223 = arith.mulf %bitcast3A_1214, %bitcast3A_1221 : vector<16xf32>
          %mul3A_1224 = arith.mulf %bitcast3A_1215, %bitcast3A_1222 : vector<16xf32>
          %add3A_1225 = arith.addf %mul3A_1223, %mul3A_1224 : vector<16xf32>
          %get3A_1226 = arith.index_cast %add3A_1174 : i32 to index
          %get3A_1227 = arith.constant 48 : index
          %get3A_1228 = tpu.vector_load %arg7[%get3A_1226, %get3A_1227] {strides = array<i32>} : memref<80x64xi32, #tpu.memory_space<vmem>>, vector<16xi32>,
          %bitcast3A_1229 = vector.bitcast %get3A_1228 : vector<16xi32> to vector<16xi32>
          %shift_left3A_1230 = arith.shli %bitcast3A_1229, %broadcast_in_dim3A_11 : vector<16xi32>
          %bitcast3A_1231 = vector.bitcast %shift_left3A_1230 : vector<16xi32> to vector<16xf32>
          %bitcast3A_1232 = vector.bitcast %bitcast3A_1229 : vector<16xi32> to vector<16xf32>
          %get3A_1233 = arith.index_cast %add3A_1174 : i32 to index
          %get3A_1234 = arith.constant 48 : index
          %get3A_1235 = tpu.vector_load %arg10[%get3A_1233, %get3A_1234] {strides = array<i32>} : memref<80x64xi32, #tpu.memory_space<vmem>>, vector<16xi32>,
          %bitcast3A_1236 = vector.bitcast %get3A_1235 : vector<16xi32> to vector<16xi32>
          %shift_left3A_1237 = arith.shli %bitcast3A_1236, %broadcast_in_dim3A_11 : vector<16xi32>
          %bitcast3A_1238 = vector.bitcast %shift_left3A_1237 : vector<16xi32> to vector<16xf32>
          %bitcast3A_1239 = vector.bitcast %bitcast3A_1236 : vector<16xi32> to vector<16xf32>
          %mul3A_1240 = arith.mulf %bitcast3A_1231, %bitcast3A_1238 : vector<16xf32>
          %mul3A_1241 = arith.mulf %bitcast3A_1232, %bitcast3A_1239 : vector<16xf32>
          %add3A_1242 = arith.addf %mul3A_1240, %mul3A_1241 : vector<16xf32>
          %add3A_1243 = arith.addf %add3A_1191, %add3A_1208 : vector<16xf32>
          %add3A_1244 = arith.addf %add3A_1225, %add3A_1242 : vector<16xf32>
          %add3A_1245 = arith.addf %add3A_1243, %add3A_1244 : vector<16xf32>
          %swap3A_1246 = arith.constant 238 : index
          %swap3A_1247 = tpu.vector_load %arg14[%swap3A_1246] {strides = array<i32>} : memref<272xf32, #tpu.memory_space<vmem>>, vector<16xf32>,
          tpu.vector_store %arg14[%swap3A_1246], %add3A_1245 {strides = array<i32>} : memref<272xf32, #tpu.memory_space<vmem>>, vector<16xf32>,
          %mul3A_1248 = arith.constant 16 : i32
          %mul3A_1249 = arith.muli %scan3A_96, %mul3A_1248 : i32
          %add3A_1250 = arith.constant 15 : i32
          %add3A_1251 = arith.addi %mul3A_1249, %add3A_1250 : i32
          %get3A_1252 = arith.index_cast %add3A_1251 : i32 to index
          %get3A_1253 = arith.constant 0 : index
          %get3A_1254 = tpu.vector_load %arg7[%get3A_1252, %get3A_1253] {strides = array<i32>} : memref<80x64xi32, #tpu.memory_space<vmem>>, vector<16xi32>,
          %bitcast3A_1255 = vector.bitcast %get3A_1254 : vector<16xi32> to vector<16xi32>
          %shift_left3A_1256 = arith.shli %bitcast3A_1255, %broadcast_in_dim3A_11 : vector<16xi32>
          %bitcast3A_1257 = vector.bitcast %shift_left3A_1256 : vector<16xi32> to vector<16xf32>
          %bitcast3A_1258 = vector.bitcast %bitcast3A_1255 : vector<16xi32> to vector<16xf32>
          %get3A_1259 = arith.index_cast %add3A_1251 : i32 to index
          %get3A_1260 = arith.constant 0 : index
          %get3A_1261 = tpu.vector_load %arg10[%get3A_1259, %get3A_1260] {strides = array<i32>} : memref<80x64xi32, #tpu.memory_space<vmem>>, vector<16xi32>,
          %bitcast3A_1262 = vector.bitcast %get3A_1261 : vector<16xi32> to vector<16xi32>
          %shift_left3A_1263 = arith.shli %bitcast3A_1262, %broadcast_in_dim3A_11 : vector<16xi32>
          %bitcast3A_1264 = vector.bitcast %shift_left3A_1263 : vector<16xi32> to vector<16xf32>
          %bitcast3A_1265 = vector.bitcast %bitcast3A_1262 : vector<16xi32> to vector<16xf32>
          %mul3A_1266 = arith.mulf %bitcast3A_1257, %bitcast3A_1264 : vector<16xf32>
          %mul3A_1267 = arith.mulf %bitcast3A_1258, %bitcast3A_1265 : vector<16xf32>
          %add3A_1268 = arith.addf %mul3A_1266, %mul3A_1267 : vector<16xf32>
          %get3A_1269 = arith.index_cast %add3A_1251 : i32 to index
          %get3A_1270 = arith.constant 16 : index
          %get3A_1271 = tpu.vector_load %arg7[%get3A_1269, %get3A_1270] {strides = array<i32>} : memref<80x64xi32, #tpu.memory_space<vmem>>, vector<16xi32>,
          %bitcast3A_1272 = vector.bitcast %get3A_1271 : vector<16xi32> to vector<16xi32>
          %shift_left3A_1273 = arith.shli %bitcast3A_1272, %broadcast_in_dim3A_11 : vector<16xi32>
          %bitcast3A_1274 = vector.bitcast %shift_left3A_1273 : vector<16xi32> to vector<16xf32>
          %bitcast3A_1275 = vector.bitcast %bitcast3A_1272 : vector<16xi32> to vector<16xf32>
          %get3A_1276 = arith.index_cast %add3A_1251 : i32 to index
          %get3A_1277 = arith.constant 16 : index
          %get3A_1278 = tpu.vector_load %arg10[%get3A_1276, %get3A_1277] {strides = array<i32>} : memref<80x64xi32, #tpu.memory_space<vmem>>, vector<16xi32>,
          %bitcast3A_1279 = vector.bitcast %get3A_1278 : vector<16xi32> to vector<16xi32>
          %shift_left3A_1280 = arith.shli %bitcast3A_1279, %broadcast_in_dim3A_11 : vector<16xi32>
          %bitcast3A_1281 = vector.bitcast %shift_left3A_1280 : vector<16xi32> to vector<16xf32>
          %bitcast3A_1282 = vector.bitcast %bitcast3A_1279 : vector<16xi32> to vector<16xf32>
          %mul3A_1283 = arith.mulf %bitcast3A_1274, %bitcast3A_1281 : vector<16xf32>
          %mul3A_1284 = arith.mulf %bitcast3A_1275, %bitcast3A_1282 : vector<16xf32>
          %add3A_1285 = arith.addf %mul3A_1283, %mul3A_1284 : vector<16xf32>
          %get3A_1286 = arith.index_cast %add3A_1251 : i32 to index
          %get3A_1287 = arith.constant 32 : index
          %get3A_1288 = tpu.vector_load %arg7[%get3A_1286, %get3A_1287] {strides = array<i32>} : memref<80x64xi32, #tpu.memory_space<vmem>>, vector<16xi32>,
          %bitcast3A_1289 = vector.bitcast %get3A_1288 : vector<16xi32> to vector<16xi32>
          %shift_left3A_1290 = arith.shli %bitcast3A_1289, %broadcast_in_dim3A_11 : vector<16xi32>
          %bitcast3A_1291 = vector.bitcast %shift_left3A_1290 : vector<16xi32> to vector<16xf32>
          %bitcast3A_1292 = vector.bitcast %bitcast3A_1289 : vector<16xi32> to vector<16xf32>
          %get3A_1293 = arith.index_cast %add3A_1251 : i32 to index
          %get3A_1294 = arith.constant 32 : index
          %get3A_1295 = tpu.vector_load %arg10[%get3A_1293, %get3A_1294] {strides = array<i32>} : memref<80x64xi32, #tpu.memory_space<vmem>>, vector<16xi32>,
          %bitcast3A_1296 = vector.bitcast %get3A_1295 : vector<16xi32> to vector<16xi32>
          %shift_left3A_1297 = arith.shli %bitcast3A_1296, %broadcast_in_dim3A_11 : vector<16xi32>
          %bitcast3A_1298 = vector.bitcast %shift_left3A_1297 : vector<16xi32> to vector<16xf32>
          %bitcast3A_1299 = vector.bitcast %bitcast3A_1296 : vector<16xi32> to vector<16xf32>
          %mul3A_1300 = arith.mulf %bitcast3A_1291, %bitcast3A_1298 : vector<16xf32>
          %mul3A_1301 = arith.mulf %bitcast3A_1292, %bitcast3A_1299 : vector<16xf32>
          %add3A_1302 = arith.addf %mul3A_1300, %mul3A_1301 : vector<16xf32>
          %get3A_1303 = arith.index_cast %add3A_1251 : i32 to index
          %get3A_1304 = arith.constant 48 : index
          %get3A_1305 = tpu.vector_load %arg7[%get3A_1303, %get3A_1304] {strides = array<i32>} : memref<80x64xi32, #tpu.memory_space<vmem>>, vector<16xi32>,
          %bitcast3A_1306 = vector.bitcast %get3A_1305 : vector<16xi32> to vector<16xi32>
          %shift_left3A_1307 = arith.shli %bitcast3A_1306, %broadcast_in_dim3A_11 : vector<16xi32>
          %bitcast3A_1308 = vector.bitcast %shift_left3A_1307 : vector<16xi32> to vector<16xf32>
          %bitcast3A_1309 = vector.bitcast %bitcast3A_1306 : vector<16xi32> to vector<16xf32>
          %get3A_1310 = arith.index_cast %add3A_1251 : i32 to index
          %get3A_1311 = arith.constant 48 : index
          %get3A_1312 = tpu.vector_load %arg10[%get3A_1310, %get3A_1311] {strides = array<i32>} : memref<80x64xi32, #tpu.memory_space<vmem>>, vector<16xi32>,
          %bitcast3A_1313 = vector.bitcast %get3A_1312 : vector<16xi32> to vector<16xi32>
          %shift_left3A_1314 = arith.shli %bitcast3A_1313, %broadcast_in_dim3A_11 : vector<16xi32>
          %bitcast3A_1315 = vector.bitcast %shift_left3A_1314 : vector<16xi32> to vector<16xf32>
          %bitcast3A_1316 = vector.bitcast %bitcast3A_1313 : vector<16xi32> to vector<16xf32>
          %mul3A_1317 = arith.mulf %bitcast3A_1308, %bitcast3A_1315 : vector<16xf32>
          %mul3A_1318 = arith.mulf %bitcast3A_1309, %bitcast3A_1316 : vector<16xf32>
          %add3A_1319 = arith.addf %mul3A_1317, %mul3A_1318 : vector<16xf32>
          %add3A_1320 = arith.addf %add3A_1268, %add3A_1285 : vector<16xf32>
          %add3A_1321 = arith.addf %add3A_1302, %add3A_1319 : vector<16xf32>
          %add3A_1322 = arith.addf %add3A_1320, %add3A_1321 : vector<16xf32>
          %swap3A_1323 = arith.constant 255 : index
          %swap3A_1324 = tpu.vector_load %arg14[%swap3A_1323] {strides = array<i32>} : memref<272xf32, #tpu.memory_space<vmem>>, vector<16xf32>,
          tpu.vector_store %arg14[%swap3A_1323], %add3A_1322 {strides = array<i32>} : memref<272xf32, #tpu.memory_space<vmem>>, vector<16xf32>,
          %mul3A_1325 = arith.constant 17 : i32
          %mul3A_1326 = vector.broadcast %mul3A_1325 : i32 to vector<16xi32>
          %mul3A_1327 = arith.muli %iota3A, %mul3A_1326 : vector<16xi32>
          %add3A_1328 = arith.constant 0 : i32
          %add3A_1329 = vector.broadcast %add3A_1328 : i32 to vector<16xi32>
          %add3A_1330 = arith.addi %mul3A_1327, %add3A_1329 : vector<16xi32>
          %gather3A = tpu.vector_load_idx %arg14[%add3A_1330] : memref<272xf32, #tpu.memory_space<vmem>>[vector<16xi32>], vector<16xf32>,
          %mul3A_1331 = arith.constant 17 : i32
          %mul3A_1332 = vector.broadcast %mul3A_1331 : i32 to vector<16xi32>
          %mul3A_1333 = arith.muli %iota3A, %mul3A_1332 : vector<16xi32>
          %add3A_1334 = arith.constant 1 : i32
          %add3A_1335 = vector.broadcast %add3A_1334 : i32 to vector<16xi32>
          %add3A_1336 = arith.addi %mul3A_1333, %add3A_1335 : vector<16xi32>
          %gather3A_1337 = tpu.vector_load_idx %arg14[%add3A_1336] : memref<272xf32, #tpu.memory_space<vmem>>[vector<16xi32>], vector<16xf32>,
          %mul3A_1338 = arith.constant 17 : i32
          %mul3A_1339 = vector.broadcast %mul3A_1338 : i32 to vector<16xi32>
          %mul3A_1340 = arith.muli %iota3A, %mul3A_1339 : vector<16xi32>
          %add3A_1341 = arith.constant 2 : i32
          %add3A_1342 = vector.broadcast %add3A_1341 : i32 to vector<16xi32>
          %add3A_1343 = arith.addi %mul3A_1340, %add3A_1342 : vector<16xi32>
          %gather3A_1344 = tpu.vector_load_idx %arg14[%add3A_1343] : memref<272xf32, #tpu.memory_space<vmem>>[vector<16xi32>], vector<16xf32>,
          %mul3A_1345 = arith.constant 17 : i32
          %mul3A_1346 = vector.broadcast %mul3A_1345 : i32 to vector<16xi32>
          %mul3A_1347 = arith.muli %iota3A, %mul3A_1346 : vector<16xi32>
          %add3A_1348 = arith.constant 3 : i32
          %add3A_1349 = vector.broadcast %add3A_1348 : i32 to vector<16xi32>
          %add3A_1350 = arith.addi %mul3A_1347, %add3A_1349 : vector<16xi32>
          %gather3A_1351 = tpu.vector_load_idx %arg14[%add3A_1350] : memref<272xf32, #tpu.memory_space<vmem>>[vector<16xi32>], vector<16xf32>,
          %mul3A_1352 = arith.constant 17 : i32
          %mul3A_1353 = vector.broadcast %mul3A_1352 : i32 to vector<16xi32>
          %mul3A_1354 = arith.muli %iota3A, %mul3A_1353 : vector<16xi32>
          %add3A_1355 = arith.constant 4 : i32
          %add3A_1356 = vector.broadcast %add3A_1355 : i32 to vector<16xi32>
          %add3A_1357 = arith.addi %mul3A_1354, %add3A_1356 : vector<16xi32>
          %gather3A_1358 = tpu.vector_load_idx %arg14[%add3A_1357] : memref<272xf32, #tpu.memory_space<vmem>>[vector<16xi32>], vector<16xf32>,
          %mul3A_1359 = arith.constant 17 : i32
          %mul3A_1360 = vector.broadcast %mul3A_1359 : i32 to vector<16xi32>
          %mul3A_1361 = arith.muli %iota3A, %mul3A_1360 : vector<16xi32>
          %add3A_1362 = arith.constant 5 : i32
          %add3A_1363 = vector.broadcast %add3A_1362 : i32 to vector<16xi32>
          %add3A_1364 = arith.addi %mul3A_1361, %add3A_1363 : vector<16xi32>
          %gather3A_1365 = tpu.vector_load_idx %arg14[%add3A_1364] : memref<272xf32, #tpu.memory_space<vmem>>[vector<16xi32>], vector<16xf32>,
          %mul3A_1366 = arith.constant 17 : i32
          %mul3A_1367 = vector.broadcast %mul3A_1366 : i32 to vector<16xi32>
          %mul3A_1368 = arith.muli %iota3A, %mul3A_1367 : vector<16xi32>
          %add3A_1369 = arith.constant 6 : i32
          %add3A_1370 = vector.broadcast %add3A_1369 : i32 to vector<16xi32>
          %add3A_1371 = arith.addi %mul3A_1368, %add3A_1370 : vector<16xi32>
          %gather3A_1372 = tpu.vector_load_idx %arg14[%add3A_1371] : memref<272xf32, #tpu.memory_space<vmem>>[vector<16xi32>], vector<16xf32>,
          %mul3A_1373 = arith.constant 17 : i32
          %mul3A_1374 = vector.broadcast %mul3A_1373 : i32 to vector<16xi32>
          %mul3A_1375 = arith.muli %iota3A, %mul3A_1374 : vector<16xi32>
          %add3A_1376 = arith.constant 7 : i32
          %add3A_1377 = vector.broadcast %add3A_1376 : i32 to vector<16xi32>
          %add3A_1378 = arith.addi %mul3A_1375, %add3A_1377 : vector<16xi32>
          %gather3A_1379 = tpu.vector_load_idx %arg14[%add3A_1378] : memref<272xf32, #tpu.memory_space<vmem>>[vector<16xi32>], vector<16xf32>,
          %mul3A_1380 = arith.constant 17 : i32
          %mul3A_1381 = vector.broadcast %mul3A_1380 : i32 to vector<16xi32>
          %mul3A_1382 = arith.muli %iota3A, %mul3A_1381 : vector<16xi32>
          %add3A_1383 = arith.constant 8 : i32
          %add3A_1384 = vector.broadcast %add3A_1383 : i32 to vector<16xi32>
          %add3A_1385 = arith.addi %mul3A_1382, %add3A_1384 : vector<16xi32>
          %gather3A_1386 = tpu.vector_load_idx %arg14[%add3A_1385] : memref<272xf32, #tpu.memory_space<vmem>>[vector<16xi32>], vector<16xf32>,
          %mul3A_1387 = arith.constant 17 : i32
          %mul3A_1388 = vector.broadcast %mul3A_1387 : i32 to vector<16xi32>
          %mul3A_1389 = arith.muli %iota3A, %mul3A_1388 : vector<16xi32>
          %add3A_1390 = arith.constant 9 : i32
          %add3A_1391 = vector.broadcast %add3A_1390 : i32 to vector<16xi32>
          %add3A_1392 = arith.addi %mul3A_1389, %add3A_1391 : vector<16xi32>
          %gather3A_1393 = tpu.vector_load_idx %arg14[%add3A_1392] : memref<272xf32, #tpu.memory_space<vmem>>[vector<16xi32>], vector<16xf32>,
          %mul3A_1394 = arith.constant 17 : i32
          %mul3A_1395 = vector.broadcast %mul3A_1394 : i32 to vector<16xi32>
          %mul3A_1396 = arith.muli %iota3A, %mul3A_1395 : vector<16xi32>
          %add3A_1397 = arith.constant 10 : i32
          %add3A_1398 = vector.broadcast %add3A_1397 : i32 to vector<16xi32>
          %add3A_1399 = arith.addi %mul3A_1396, %add3A_1398 : vector<16xi32>
          %gather3A_1400 = tpu.vector_load_idx %arg14[%add3A_1399] : memref<272xf32, #tpu.memory_space<vmem>>[vector<16xi32>], vector<16xf32>,
          %mul3A_1401 = arith.constant 17 : i32
          %mul3A_1402 = vector.broadcast %mul3A_1401 : i32 to vector<16xi32>
          %mul3A_1403 = arith.muli %iota3A, %mul3A_1402 : vector<16xi32>
          %add3A_1404 = arith.constant 11 : i32
          %add3A_1405 = vector.broadcast %add3A_1404 : i32 to vector<16xi32>
          %add3A_1406 = arith.addi %mul3A_1403, %add3A_1405 : vector<16xi32>
          %gather3A_1407 = tpu.vector_load_idx %arg14[%add3A_1406] : memref<272xf32, #tpu.memory_space<vmem>>[vector<16xi32>], vector<16xf32>,
          %mul3A_1408 = arith.constant 17 : i32
          %mul3A_1409 = vector.broadcast %mul3A_1408 : i32 to vector<16xi32>
          %mul3A_1410 = arith.muli %iota3A, %mul3A_1409 : vector<16xi32>
          %add3A_1411 = arith.constant 12 : i32
          %add3A_1412 = vector.broadcast %add3A_1411 : i32 to vector<16xi32>
          %add3A_1413 = arith.addi %mul3A_1410, %add3A_1412 : vector<16xi32>
          %gather3A_1414 = tpu.vector_load_idx %arg14[%add3A_1413] : memref<272xf32, #tpu.memory_space<vmem>>[vector<16xi32>], vector<16xf32>,
          %mul3A_1415 = arith.constant 17 : i32
          %mul3A_1416 = vector.broadcast %mul3A_1415 : i32 to vector<16xi32>
          %mul3A_1417 = arith.muli %iota3A, %mul3A_1416 : vector<16xi32>
          %add3A_1418 = arith.constant 13 : i32
          %add3A_1419 = vector.broadcast %add3A_1418 : i32 to vector<16xi32>
          %add3A_1420 = arith.addi %mul3A_1417, %add3A_1419 : vector<16xi32>
          %gather3A_1421 = tpu.vector_load_idx %arg14[%add3A_1420] : memref<272xf32, #tpu.memory_space<vmem>>[vector<16xi32>], vector<16xf32>,
          %mul3A_1422 = arith.constant 17 : i32
          %mul3A_1423 = vector.broadcast %mul3A_1422 : i32 to vector<16xi32>
          %mul3A_1424 = arith.muli %iota3A, %mul3A_1423 : vector<16xi32>
          %add3A_1425 = arith.constant 14 : i32
          %add3A_1426 = vector.broadcast %add3A_1425 : i32 to vector<16xi32>
          %add3A_1427 = arith.addi %mul3A_1424, %add3A_1426 : vector<16xi32>
          %gather3A_1428 = tpu.vector_load_idx %arg14[%add3A_1427] : memref<272xf32, #tpu.memory_space<vmem>>[vector<16xi32>], vector<16xf32>,
          %mul3A_1429 = arith.constant 17 : i32
          %mul3A_1430 = vector.broadcast %mul3A_1429 : i32 to vector<16xi32>
          %mul3A_1431 = arith.muli %iota3A, %mul3A_1430 : vector<16xi32>
          %add3A_1432 = arith.constant 15 : i32
          %add3A_1433 = vector.broadcast %add3A_1432 : i32 to vector<16xi32>
          %add3A_1434 = arith.addi %mul3A_1431, %add3A_1433 : vector<16xi32>
          %gather3A_1435 = tpu.vector_load_idx %arg14[%add3A_1434] : memref<272xf32, #tpu.memory_space<vmem>>[vector<16xi32>], vector<16xf32>,
          %add3A_1436 = arith.addf %gather3A, %gather3A_1337 : vector<16xf32>
          %add3A_1437 = arith.addf %gather3A_1344, %gather3A_1351 : vector<16xf32>
          %add3A_1438 = arith.addf %gather3A_1358, %gather3A_1365 : vector<16xf32>
          %add3A_1439 = arith.addf %gather3A_1372, %gather3A_1379 : vector<16xf32>
          %add3A_1440 = arith.addf %gather3A_1386, %gather3A_1393 : vector<16xf32>
          %add3A_1441 = arith.addf %gather3A_1400, %gather3A_1407 : vector<16xf32>
          %add3A_1442 = arith.addf %gather3A_1414, %gather3A_1421 : vector<16xf32>
          %add3A_1443 = arith.addf %gather3A_1428, %gather3A_1435 : vector<16xf32>
          %add3A_1444 = arith.addf %add3A_1436, %add3A_1437 : vector<16xf32>
          %add3A_1445 = arith.addf %add3A_1438, %add3A_1439 : vector<16xf32>
          %add3A_1446 = arith.addf %add3A_1440, %add3A_1441 : vector<16xf32>
          %add3A_1447 = arith.addf %add3A_1442, %add3A_1443 : vector<16xf32>
          %add3A_1448 = arith.addf %add3A_1444, %add3A_1445 : vector<16xf32>
          %add3A_1449 = arith.addf %add3A_1446, %add3A_1447 : vector<16xf32>
          %add3A_1450 = arith.addf %add3A_1448, %add3A_1449 : vector<16xf32>
          %mul3A_1451 = arith.constant 80 : i32
          %mul3A_1452 = arith.muli %add3A_51, %mul3A_1451 : i32
          %mul3A_1453 = arith.constant 16 : i32
          %mul3A_1454 = arith.muli %scan3A_96, %mul3A_1453 : i32
          %add3A_1455 = arith.addi %mul3A_1452, %mul3A_1454 : i32
          %swap3A_1456 = arith.index_cast %add3A_1455 : i32 to index
          %swap3A_1457 = tpu.vector_load %arg13[%swap3A_1456] {strides = array<i32>} : memref<10000xf32, #tpu.memory_space<vmem>>, vector<16xf32>,
          tpu.vector_store %arg13[%swap3A_1456], %add3A_1450 {strides = array<i32>} : memref<10000xf32, #tpu.memory_space<vmem>>, vector<16xf32>,
        }
        %scan3A_88 = arith.constant 5 : i32
        %add3A_89 = arith.constant 3 : i32
        %add3A_90 = arith.addi %add3A_51, %add3A_89 : i32
        %lt3A_91 = arith.constant 125 : i32
        %lt3A_92 = arith.cmpi slt, %add3A_90, %lt3A_91 : i32
        %convert_element_type3A_93 = arith.extui %lt3A_92 : i1 to i32
        %cond3A_94 = arith.constant 0 : i32
        %cond3A_95 = arith.cmpi ne, %convert_element_type3A_93, %cond3A_94 : i32
        scf.if %cond3A_95 {
          %add3A_96 = arith.constant 3 : i32
          %add3A_97 = arith.addi %add3A_51, %add3A_96 : i32
          %mul3A_98 = arith.constant 80 : i32
          %mul3A_99 = arith.muli %add3A_97, %mul3A_98 : i32
          %dma_start3A_100 = tpu.memref_slice %arg5[%mul3A_99] : memref<10000xi32, #tpu.memory_space<vmem>> -> memref<80xi32, #tpu.memory_space<vmem>>
          %dma_start3A_101 = arith.constant 0 : i32
          %dma_start3A_102 = arith.constant 0 : i32
          %dma_start3A_103 = tpu.memref_slice %arg17[%dma_start3A_101, %dma_start3A_102] : memref<10000x64xi32, #tpu.memory_space<vmem_shared>> -> memref<10000x64xi32, #tpu.memory_space<vmem_shared>>
          tpu.enqueue_indirect_dma source(%dma_start3A_103 : memref<10000x64xi32, #tpu.memory_space<vmem_shared>>) target(%arg7 : memref<80x64xi32, #tpu.memory_space<vmem>>) offsets(%dma_start3A_100 : memref<80xi32, #tpu.memory_space<vmem>>) semaphore(%arg18 : memref<!tpu.dma_semaphore, #tpu.memory_space<semaphore_mem>>)
          %dma_start3A_104 = tpu.memref_slice %arg6[%mul3A_99] : memref<10000xi32, #tpu.memory_space<vmem>> -> memref<80xi32, #tpu.memory_space<vmem>>
          %dma_start3A_105 = arith.constant 0 : i32
          %dma_start3A_106 = arith.constant 0 : i32
          %dma_start3A_107 = tpu.memref_slice %arg17[%dma_start3A_105, %dma_start3A_106] : memref<10000x64xi32, #tpu.memory_space<vmem_shared>> -> memref<10000x64xi32, #tpu.memory_space<vmem_shared>>
          tpu.enqueue_indirect_dma source(%dma_start3A_107 : memref<10000x64xi32, #tpu.memory_space<vmem_shared>>) target(%arg10 : memref<80x64xi32, #tpu.memory_space<vmem>>) offsets(%dma_start3A_104 : memref<80xi32, #tpu.memory_space<vmem>>) semaphore(%arg18 : memref<!tpu.dma_semaphore, #tpu.memory_space<semaphore_mem>>)
        } else {
        }
      } else {
      }
      %mul3A_56 = arith.constant 3 : i32
      %mul3A_57 = arith.muli %mul3A_56, %scan3A_47 : i32
      %add3A_58 = arith.constant 1 : i32
      %add3A_59 = arith.addi %mul3A_57, %add3A_58 : i32
      %lt3A_60 = arith.constant 125 : i32
      %lt3A_61 = arith.cmpi slt, %add3A_59, %lt3A_60 : i32
      %convert_element_type3A_62 = arith.extui %lt3A_61 : i1 to i32
      %cond3A_63 = arith.constant 0 : i32
      %cond3A_64 = arith.cmpi ne, %convert_element_type3A_62, %cond3A_63 : i32
      scf.if %cond3A_64 {
        %mul3A_74 = arith.constant 80 : i32
        %mul3A_75 = arith.muli %add3A_59, %mul3A_74 : i32
        %dma_wait3A = tpu.memref_slice %arg5[%mul3A_75] : memref<10000xi32, #tpu.memory_space<vmem>> -> memref<80xi32, #tpu.memory_space<vmem>>
        %dma_wait3A_76 = arith.constant 0 : i32
        %dma_wait3A_77 = arith.constant 0 : i32
        %dma_wait3A_78 = tpu.memref_slice %arg17[%dma_wait3A_76, %dma_wait3A_77] : memref<10000x64xi32, #tpu.memory_space<vmem_shared>> -> memref<10000x64xi32, #tpu.memory_space<vmem_shared>>
        tpu.wait_indirect_dma semaphore(%arg19 : memref<!tpu.dma_semaphore, #tpu.memory_space<semaphore_mem>>) src(%dma_wait3A_78 : memref<10000x64xi32, #tpu.memory_space<vmem_shared>>) dst(%arg8 : memref<80x64xi32, #tpu.memory_space<vmem>>)
        %dma_wait3A_79 = tpu.memref_slice %arg6[%mul3A_75] : memref<10000xi32, #tpu.memory_space<vmem>> -> memref<80xi32, #tpu.memory_space<vmem>>
        %dma_wait3A_80 = arith.constant 0 : i32
        %dma_wait3A_81 = arith.constant 0 : i32
        %dma_wait3A_82 = tpu.memref_slice %arg17[%dma_wait3A_80, %dma_wait3A_81] : memref<10000x64xi32, #tpu.memory_space<vmem_shared>> -> memref<10000x64xi32, #tpu.memory_space<vmem_shared>>
        tpu.wait_indirect_dma semaphore(%arg19 : memref<!tpu.dma_semaphore, #tpu.memory_space<semaphore_mem>>) src(%dma_wait3A_82 : memref<10000x64xi32, #tpu.memory_space<vmem_shared>>) dst(%arg11 : memref<80x64xi32, #tpu.memory_space<vmem>>)
        %scan3A_83 = arith.constant 0 : i32
        %scan3A_84 = arith.constant 0 : i32
        %scan3A_85 = arith.constant 5 : i32
        %scan3A_86 = arith.addi %scan3A_84, %scan3A_85 : i32
        %scan3A_87 = arith.constant 1 : i32
        scf.for %scan3A_96 = %scan3A_84 to %scan3A_86 step %scan3A_87  : i32 {
          %mul3A_97 = arith.constant 16 : i32
          %mul3A_98 = arith.muli %scan3A_96, %mul3A_97 : i32
          %add3A_99 = arith.constant 0 : i32
          %add3A_100 = arith.addi %mul3A_98, %add3A_99 : i32
          %get3A = arith.index_cast %add3A_100 : i32 to index
          %get3A_101 = arith.constant 0 : index
          %get3A_102 = tpu.vector_load %arg8[%get3A, %get3A_101] {strides = array<i32>} : memref<80x64xi32, #tpu.memory_space<vmem>>, vector<16xi32>,
          %bitcast3A = vector.bitcast %get3A_102 : vector<16xi32> to vector<16xi32>
          %shift_left3A = arith.shli %bitcast3A, %broadcast_in_dim3A_11 : vector<16xi32>
          %bitcast3A_103 = vector.bitcast %shift_left3A : vector<16xi32> to vector<16xf32>
          %bitcast3A_104 = vector.bitcast %bitcast3A : vector<16xi32> to vector<16xf32>
          %get3A_105 = arith.index_cast %add3A_100 : i32 to index
          %get3A_106 = arith.constant 0 : index
          %get3A_107 = tpu.vector_load %arg11[%get3A_105, %get3A_106] {strides = array<i32>} : memref<80x64xi32, #tpu.memory_space<vmem>>, vector<16xi32>,
          %bitcast3A_108 = vector.bitcast %get3A_107 : vector<16xi32> to vector<16xi32>
          %shift_left3A_109 = arith.shli %bitcast3A_108, %broadcast_in_dim3A_11 : vector<16xi32>
          %bitcast3A_110 = vector.bitcast %shift_left3A_109 : vector<16xi32> to vector<16xf32>
          %bitcast3A_111 = vector.bitcast %bitcast3A_108 : vector<16xi32> to vector<16xf32>
          %mul3A_112 = arith.mulf %bitcast3A_103, %bitcast3A_110 : vector<16xf32>
          %mul3A_113 = arith.mulf %bitcast3A_104, %bitcast3A_111 : vector<16xf32>
          %add3A_114 = arith.addf %mul3A_112, %mul3A_113 : vector<16xf32>
          %get3A_115 = arith.index_cast %add3A_100 : i32 to index
          %get3A_116 = arith.constant 16 : index
          %get3A_117 = tpu.vector_load %arg8[%get3A_115, %get3A_116] {strides = array<i32>} : memref<80x64xi32, #tpu.memory_space<vmem>>, vector<16xi32>,
          %bitcast3A_118 = vector.bitcast %get3A_117 : vector<16xi32> to vector<16xi32>
          %shift_left3A_119 = arith.shli %bitcast3A_118, %broadcast_in_dim3A_11 : vector<16xi32>
          %bitcast3A_120 = vector.bitcast %shift_left3A_119 : vector<16xi32> to vector<16xf32>
          %bitcast3A_121 = vector.bitcast %bitcast3A_118 : vector<16xi32> to vector<16xf32>
          %get3A_122 = arith.index_cast %add3A_100 : i32 to index
          %get3A_123 = arith.constant 16 : index
          %get3A_124 = tpu.vector_load %arg11[%get3A_122, %get3A_123] {strides = array<i32>} : memref<80x64xi32, #tpu.memory_space<vmem>>, vector<16xi32>,
          %bitcast3A_125 = vector.bitcast %get3A_124 : vector<16xi32> to vector<16xi32>
          %shift_left3A_126 = arith.shli %bitcast3A_125, %broadcast_in_dim3A_11 : vector<16xi32>
          %bitcast3A_127 = vector.bitcast %shift_left3A_126 : vector<16xi32> to vector<16xf32>
          %bitcast3A_128 = vector.bitcast %bitcast3A_125 : vector<16xi32> to vector<16xf32>
          %mul3A_129 = arith.mulf %bitcast3A_120, %bitcast3A_127 : vector<16xf32>
          %mul3A_130 = arith.mulf %bitcast3A_121, %bitcast3A_128 : vector<16xf32>
          %add3A_131 = arith.addf %mul3A_129, %mul3A_130 : vector<16xf32>
          %get3A_132 = arith.index_cast %add3A_100 : i32 to index
          %get3A_133 = arith.constant 32 : index
          %get3A_134 = tpu.vector_load %arg8[%get3A_132, %get3A_133] {strides = array<i32>} : memref<80x64xi32, #tpu.memory_space<vmem>>, vector<16xi32>,
          %bitcast3A_135 = vector.bitcast %get3A_134 : vector<16xi32> to vector<16xi32>
          %shift_left3A_136 = arith.shli %bitcast3A_135, %broadcast_in_dim3A_11 : vector<16xi32>
          %bitcast3A_137 = vector.bitcast %shift_left3A_136 : vector<16xi32> to vector<16xf32>
          %bitcast3A_138 = vector.bitcast %bitcast3A_135 : vector<16xi32> to vector<16xf32>
          %get3A_139 = arith.index_cast %add3A_100 : i32 to index
          %get3A_140 = arith.constant 32 : index
          %get3A_141 = tpu.vector_load %arg11[%get3A_139, %get3A_140] {strides = array<i32>} : memref<80x64xi32, #tpu.memory_space<vmem>>, vector<16xi32>,
          %bitcast3A_142 = vector.bitcast %get3A_141 : vector<16xi32> to vector<16xi32>
          %shift_left3A_143 = arith.shli %bitcast3A_142, %broadcast_in_dim3A_11 : vector<16xi32>
          %bitcast3A_144 = vector.bitcast %shift_left3A_143 : vector<16xi32> to vector<16xf32>
          %bitcast3A_145 = vector.bitcast %bitcast3A_142 : vector<16xi32> to vector<16xf32>
          %mul3A_146 = arith.mulf %bitcast3A_137, %bitcast3A_144 : vector<16xf32>
          %mul3A_147 = arith.mulf %bitcast3A_138, %bitcast3A_145 : vector<16xf32>
          %add3A_148 = arith.addf %mul3A_146, %mul3A_147 : vector<16xf32>
          %get3A_149 = arith.index_cast %add3A_100 : i32 to index
          %get3A_150 = arith.constant 48 : index
          %get3A_151 = tpu.vector_load %arg8[%get3A_149, %get3A_150] {strides = array<i32>} : memref<80x64xi32, #tpu.memory_space<vmem>>, vector<16xi32>,
          %bitcast3A_152 = vector.bitcast %get3A_151 : vector<16xi32> to vector<16xi32>
          %shift_left3A_153 = arith.shli %bitcast3A_152, %broadcast_in_dim3A_11 : vector<16xi32>
          %bitcast3A_154 = vector.bitcast %shift_left3A_153 : vector<16xi32> to vector<16xf32>
          %bitcast3A_155 = vector.bitcast %bitcast3A_152 : vector<16xi32> to vector<16xf32>
          %get3A_156 = arith.index_cast %add3A_100 : i32 to index
          %get3A_157 = arith.constant 48 : index
          %get3A_158 = tpu.vector_load %arg11[%get3A_156, %get3A_157] {strides = array<i32>} : memref<80x64xi32, #tpu.memory_space<vmem>>, vector<16xi32>,
          %bitcast3A_159 = vector.bitcast %get3A_158 : vector<16xi32> to vector<16xi32>
          %shift_left3A_160 = arith.shli %bitcast3A_159, %broadcast_in_dim3A_11 : vector<16xi32>
          %bitcast3A_161 = vector.bitcast %shift_left3A_160 : vector<16xi32> to vector<16xf32>
          %bitcast3A_162 = vector.bitcast %bitcast3A_159 : vector<16xi32> to vector<16xf32>
          %mul3A_163 = arith.mulf %bitcast3A_154, %bitcast3A_161 : vector<16xf32>
          %mul3A_164 = arith.mulf %bitcast3A_155, %bitcast3A_162 : vector<16xf32>
          %add3A_165 = arith.addf %mul3A_163, %mul3A_164 : vector<16xf32>
          %add3A_166 = arith.addf %add3A_114, %add3A_131 : vector<16xf32>
          %add3A_167 = arith.addf %add3A_148, %add3A_165 : vector<16xf32>
          %add3A_168 = arith.addf %add3A_166, %add3A_167 : vector<16xf32>
          %swap3A = arith.constant 0 : index
          %swap3A_169 = tpu.vector_load %arg14[%swap3A] {strides = array<i32>} : memref<272xf32, #tpu.memory_space<vmem>>, vector<16xf32>,
          tpu.vector_store %arg14[%swap3A], %add3A_168 {strides = array<i32>} : memref<272xf32, #tpu.memory_space<vmem>>, vector<16xf32>,
          %mul3A_170 = arith.constant 16 : i32
          %mul3A_171 = arith.muli %scan3A_96, %mul3A_170 : i32
          %add3A_172 = arith.constant 1 : i32
          %add3A_173 = arith.addi %mul3A_171, %add3A_172 : i32
          %get3A_174 = arith.index_cast %add3A_173 : i32 to index
          %get3A_175 = arith.constant 0 : index
          %get3A_176 = tpu.vector_load %arg8[%get3A_174, %get3A_175] {strides = array<i32>} : memref<80x64xi32, #tpu.memory_space<vmem>>, vector<16xi32>,
          %bitcast3A_177 = vector.bitcast %get3A_176 : vector<16xi32> to vector<16xi32>
          %shift_left3A_178 = arith.shli %bitcast3A_177, %broadcast_in_dim3A_11 : vector<16xi32>
          %bitcast3A_179 = vector.bitcast %shift_left3A_178 : vector<16xi32> to vector<16xf32>
          %bitcast3A_180 = vector.bitcast %bitcast3A_177 : vector<16xi32> to vector<16xf32>
          %get3A_181 = arith.index_cast %add3A_173 : i32 to index
          %get3A_182 = arith.constant 0 : index
          %get3A_183 = tpu.vector_load %arg11[%get3A_181, %get3A_182] {strides = array<i32>} : memref<80x64xi32, #tpu.memory_space<vmem>>, vector<16xi32>,
          %bitcast3A_184 = vector.bitcast %get3A_183 : vector<16xi32> to vector<16xi32>
          %shift_left3A_185 = arith.shli %bitcast3A_184, %broadcast_in_dim3A_11 : vector<16xi32>
          %bitcast3A_186 = vector.bitcast %shift_left3A_185 : vector<16xi32> to vector<16xf32>
          %bitcast3A_187 = vector.bitcast %bitcast3A_184 : vector<16xi32> to vector<16xf32>
          %mul3A_188 = arith.mulf %bitcast3A_179, %bitcast3A_186 : vector<16xf32>
          %mul3A_189 = arith.mulf %bitcast3A_180, %bitcast3A_187 : vector<16xf32>
          %add3A_190 = arith.addf %mul3A_188, %mul3A_189 : vector<16xf32>
          %get3A_191 = arith.index_cast %add3A_173 : i32 to index
          %get3A_192 = arith.constant 16 : index
          %get3A_193 = tpu.vector_load %arg8[%get3A_191, %get3A_192] {strides = array<i32>} : memref<80x64xi32, #tpu.memory_space<vmem>>, vector<16xi32>,
          %bitcast3A_194 = vector.bitcast %get3A_193 : vector<16xi32> to vector<16xi32>
          %shift_left3A_195 = arith.shli %bitcast3A_194, %broadcast_in_dim3A_11 : vector<16xi32>
          %bitcast3A_196 = vector.bitcast %shift_left3A_195 : vector<16xi32> to vector<16xf32>
          %bitcast3A_197 = vector.bitcast %bitcast3A_194 : vector<16xi32> to vector<16xf32>
          %get3A_198 = arith.index_cast %add3A_173 : i32 to index
          %get3A_199 = arith.constant 16 : index
          %get3A_200 = tpu.vector_load %arg11[%get3A_198, %get3A_199] {strides = array<i32>} : memref<80x64xi32, #tpu.memory_space<vmem>>, vector<16xi32>,
          %bitcast3A_201 = vector.bitcast %get3A_200 : vector<16xi32> to vector<16xi32>
          %shift_left3A_202 = arith.shli %bitcast3A_201, %broadcast_in_dim3A_11 : vector<16xi32>
          %bitcast3A_203 = vector.bitcast %shift_left3A_202 : vector<16xi32> to vector<16xf32>
          %bitcast3A_204 = vector.bitcast %bitcast3A_201 : vector<16xi32> to vector<16xf32>
          %mul3A_205 = arith.mulf %bitcast3A_196, %bitcast3A_203 : vector<16xf32>
          %mul3A_206 = arith.mulf %bitcast3A_197, %bitcast3A_204 : vector<16xf32>
          %add3A_207 = arith.addf %mul3A_205, %mul3A_206 : vector<16xf32>
          %get3A_208 = arith.index_cast %add3A_173 : i32 to index
          %get3A_209 = arith.constant 32 : index
          %get3A_210 = tpu.vector_load %arg8[%get3A_208, %get3A_209] {strides = array<i32>} : memref<80x64xi32, #tpu.memory_space<vmem>>, vector<16xi32>,
          %bitcast3A_211 = vector.bitcast %get3A_210 : vector<16xi32> to vector<16xi32>
          %shift_left3A_212 = arith.shli %bitcast3A_211, %broadcast_in_dim3A_11 : vector<16xi32>
          %bitcast3A_213 = vector.bitcast %shift_left3A_212 : vector<16xi32> to vector<16xf32>
          %bitcast3A_214 = vector.bitcast %bitcast3A_211 : vector<16xi32> to vector<16xf32>
          %get3A_215 = arith.index_cast %add3A_173 : i32 to index
          %get3A_216 = arith.constant 32 : index
          %get3A_217 = tpu.vector_load %arg11[%get3A_215, %get3A_216] {strides = array<i32>} : memref<80x64xi32, #tpu.memory_space<vmem>>, vector<16xi32>,
          %bitcast3A_218 = vector.bitcast %get3A_217 : vector<16xi32> to vector<16xi32>
          %shift_left3A_219 = arith.shli %bitcast3A_218, %broadcast_in_dim3A_11 : vector<16xi32>
          %bitcast3A_220 = vector.bitcast %shift_left3A_219 : vector<16xi32> to vector<16xf32>
          %bitcast3A_221 = vector.bitcast %bitcast3A_218 : vector<16xi32> to vector<16xf32>
          %mul3A_222 = arith.mulf %bitcast3A_213, %bitcast3A_220 : vector<16xf32>
          %mul3A_223 = arith.mulf %bitcast3A_214, %bitcast3A_221 : vector<16xf32>
          %add3A_224 = arith.addf %mul3A_222, %mul3A_223 : vector<16xf32>
          %get3A_225 = arith.index_cast %add3A_173 : i32 to index
          %get3A_226 = arith.constant 48 : index
          %get3A_227 = tpu.vector_load %arg8[%get3A_225, %get3A_226] {strides = array<i32>} : memref<80x64xi32, #tpu.memory_space<vmem>>, vector<16xi32>,
          %bitcast3A_228 = vector.bitcast %get3A_227 : vector<16xi32> to vector<16xi32>
          %shift_left3A_229 = arith.shli %bitcast3A_228, %broadcast_in_dim3A_11 : vector<16xi32>
          %bitcast3A_230 = vector.bitcast %shift_left3A_229 : vector<16xi32> to vector<16xf32>
          %bitcast3A_231 = vector.bitcast %bitcast3A_228 : vector<16xi32> to vector<16xf32>
          %get3A_232 = arith.index_cast %add3A_173 : i32 to index
          %get3A_233 = arith.constant 48 : index
          %get3A_234 = tpu.vector_load %arg11[%get3A_232, %get3A_233] {strides = array<i32>} : memref<80x64xi32, #tpu.memory_space<vmem>>, vector<16xi32>,
          %bitcast3A_235 = vector.bitcast %get3A_234 : vector<16xi32> to vector<16xi32>
          %shift_left3A_236 = arith.shli %bitcast3A_235, %broadcast_in_dim3A_11 : vector<16xi32>
          %bitcast3A_237 = vector.bitcast %shift_left3A_236 : vector<16xi32> to vector<16xf32>
          %bitcast3A_238 = vector.bitcast %bitcast3A_235 : vector<16xi32> to vector<16xf32>
          %mul3A_239 = arith.mulf %bitcast3A_230, %bitcast3A_237 : vector<16xf32>
          %mul3A_240 = arith.mulf %bitcast3A_231, %bitcast3A_238 : vector<16xf32>
          %add3A_241 = arith.addf %mul3A_239, %mul3A_240 : vector<16xf32>
          %add3A_242 = arith.addf %add3A_190, %add3A_207 : vector<16xf32>
          %add3A_243 = arith.addf %add3A_224, %add3A_241 : vector<16xf32>
          %add3A_244 = arith.addf %add3A_242, %add3A_243 : vector<16xf32>
          %swap3A_245 = arith.constant 17 : index
          %swap3A_246 = tpu.vector_load %arg14[%swap3A_245] {strides = array<i32>} : memref<272xf32, #tpu.memory_space<vmem>>, vector<16xf32>,
          tpu.vector_store %arg14[%swap3A_245], %add3A_244 {strides = array<i32>} : memref<272xf32, #tpu.memory_space<vmem>>, vector<16xf32>,
          %mul3A_247 = arith.constant 16 : i32
          %mul3A_248 = arith.muli %scan3A_96, %mul3A_247 : i32
          %add3A_249 = arith.constant 2 : i32
          %add3A_250 = arith.addi %mul3A_248, %add3A_249 : i32
          %get3A_251 = arith.index_cast %add3A_250 : i32 to index
          %get3A_252 = arith.constant 0 : index
          %get3A_253 = tpu.vector_load %arg8[%get3A_251, %get3A_252] {strides = array<i32>} : memref<80x64xi32, #tpu.memory_space<vmem>>, vector<16xi32>,
          %bitcast3A_254 = vector.bitcast %get3A_253 : vector<16xi32> to vector<16xi32>
          %shift_left3A_255 = arith.shli %bitcast3A_254, %broadcast_in_dim3A_11 : vector<16xi32>
          %bitcast3A_256 = vector.bitcast %shift_left3A_255 : vector<16xi32> to vector<16xf32>
          %bitcast3A_257 = vector.bitcast %bitcast3A_254 : vector<16xi32> to vector<16xf32>
          %get3A_258 = arith.index_cast %add3A_250 : i32 to index
          %get3A_259 = arith.constant 0 : index
          %get3A_260 = tpu.vector_load %arg11[%get3A_258, %get3A_259] {strides = array<i32>} : memref<80x64xi32, #tpu.memory_space<vmem>>, vector<16xi32>,
          %bitcast3A_261 = vector.bitcast %get3A_260 : vector<16xi32> to vector<16xi32>
          %shift_left3A_262 = arith.shli %bitcast3A_261, %broadcast_in_dim3A_11 : vector<16xi32>
          %bitcast3A_263 = vector.bitcast %shift_left3A_262 : vector<16xi32> to vector<16xf32>
          %bitcast3A_264 = vector.bitcast %bitcast3A_261 : vector<16xi32> to vector<16xf32>
          %mul3A_265 = arith.mulf %bitcast3A_256, %bitcast3A_263 : vector<16xf32>
          %mul3A_266 = arith.mulf %bitcast3A_257, %bitcast3A_264 : vector<16xf32>
          %add3A_267 = arith.addf %mul3A_265, %mul3A_266 : vector<16xf32>
          %get3A_268 = arith.index_cast %add3A_250 : i32 to index
          %get3A_269 = arith.constant 16 : index
          %get3A_270 = tpu.vector_load %arg8[%get3A_268, %get3A_269] {strides = array<i32>} : memref<80x64xi32, #tpu.memory_space<vmem>>, vector<16xi32>,
          %bitcast3A_271 = vector.bitcast %get3A_270 : vector<16xi32> to vector<16xi32>
          %shift_left3A_272 = arith.shli %bitcast3A_271, %broadcast_in_dim3A_11 : vector<16xi32>
          %bitcast3A_273 = vector.bitcast %shift_left3A_272 : vector<16xi32> to vector<16xf32>
          %bitcast3A_274 = vector.bitcast %bitcast3A_271 : vector<16xi32> to vector<16xf32>
          %get3A_275 = arith.index_cast %add3A_250 : i32 to index
          %get3A_276 = arith.constant 16 : index
          %get3A_277 = tpu.vector_load %arg11[%get3A_275, %get3A_276] {strides = array<i32>} : memref<80x64xi32, #tpu.memory_space<vmem>>, vector<16xi32>,
          %bitcast3A_278 = vector.bitcast %get3A_277 : vector<16xi32> to vector<16xi32>
          %shift_left3A_279 = arith.shli %bitcast3A_278, %broadcast_in_dim3A_11 : vector<16xi32>
          %bitcast3A_280 = vector.bitcast %shift_left3A_279 : vector<16xi32> to vector<16xf32>
          %bitcast3A_281 = vector.bitcast %bitcast3A_278 : vector<16xi32> to vector<16xf32>
          %mul3A_282 = arith.mulf %bitcast3A_273, %bitcast3A_280 : vector<16xf32>
          %mul3A_283 = arith.mulf %bitcast3A_274, %bitcast3A_281 : vector<16xf32>
          %add3A_284 = arith.addf %mul3A_282, %mul3A_283 : vector<16xf32>
          %get3A_285 = arith.index_cast %add3A_250 : i32 to index
          %get3A_286 = arith.constant 32 : index
          %get3A_287 = tpu.vector_load %arg8[%get3A_285, %get3A_286] {strides = array<i32>} : memref<80x64xi32, #tpu.memory_space<vmem>>, vector<16xi32>,
          %bitcast3A_288 = vector.bitcast %get3A_287 : vector<16xi32> to vector<16xi32>
          %shift_left3A_289 = arith.shli %bitcast3A_288, %broadcast_in_dim3A_11 : vector<16xi32>
          %bitcast3A_290 = vector.bitcast %shift_left3A_289 : vector<16xi32> to vector<16xf32>
          %bitcast3A_291 = vector.bitcast %bitcast3A_288 : vector<16xi32> to vector<16xf32>
          %get3A_292 = arith.index_cast %add3A_250 : i32 to index
          %get3A_293 = arith.constant 32 : index
          %get3A_294 = tpu.vector_load %arg11[%get3A_292, %get3A_293] {strides = array<i32>} : memref<80x64xi32, #tpu.memory_space<vmem>>, vector<16xi32>,
          %bitcast3A_295 = vector.bitcast %get3A_294 : vector<16xi32> to vector<16xi32>
          %shift_left3A_296 = arith.shli %bitcast3A_295, %broadcast_in_dim3A_11 : vector<16xi32>
          %bitcast3A_297 = vector.bitcast %shift_left3A_296 : vector<16xi32> to vector<16xf32>
          %bitcast3A_298 = vector.bitcast %bitcast3A_295 : vector<16xi32> to vector<16xf32>
          %mul3A_299 = arith.mulf %bitcast3A_290, %bitcast3A_297 : vector<16xf32>
          %mul3A_300 = arith.mulf %bitcast3A_291, %bitcast3A_298 : vector<16xf32>
          %add3A_301 = arith.addf %mul3A_299, %mul3A_300 : vector<16xf32>
          %get3A_302 = arith.index_cast %add3A_250 : i32 to index
          %get3A_303 = arith.constant 48 : index
          %get3A_304 = tpu.vector_load %arg8[%get3A_302, %get3A_303] {strides = array<i32>} : memref<80x64xi32, #tpu.memory_space<vmem>>, vector<16xi32>,
          %bitcast3A_305 = vector.bitcast %get3A_304 : vector<16xi32> to vector<16xi32>
          %shift_left3A_306 = arith.shli %bitcast3A_305, %broadcast_in_dim3A_11 : vector<16xi32>
          %bitcast3A_307 = vector.bitcast %shift_left3A_306 : vector<16xi32> to vector<16xf32>
          %bitcast3A_308 = vector.bitcast %bitcast3A_305 : vector<16xi32> to vector<16xf32>
          %get3A_309 = arith.index_cast %add3A_250 : i32 to index
          %get3A_310 = arith.constant 48 : index
          %get3A_311 = tpu.vector_load %arg11[%get3A_309, %get3A_310] {strides = array<i32>} : memref<80x64xi32, #tpu.memory_space<vmem>>, vector<16xi32>,
          %bitcast3A_312 = vector.bitcast %get3A_311 : vector<16xi32> to vector<16xi32>
          %shift_left3A_313 = arith.shli %bitcast3A_312, %broadcast_in_dim3A_11 : vector<16xi32>
          %bitcast3A_314 = vector.bitcast %shift_left3A_313 : vector<16xi32> to vector<16xf32>
          %bitcast3A_315 = vector.bitcast %bitcast3A_312 : vector<16xi32> to vector<16xf32>
          %mul3A_316 = arith.mulf %bitcast3A_307, %bitcast3A_314 : vector<16xf32>
          %mul3A_317 = arith.mulf %bitcast3A_308, %bitcast3A_315 : vector<16xf32>
          %add3A_318 = arith.addf %mul3A_316, %mul3A_317 : vector<16xf32>
          %add3A_319 = arith.addf %add3A_267, %add3A_284 : vector<16xf32>
          %add3A_320 = arith.addf %add3A_301, %add3A_318 : vector<16xf32>
          %add3A_321 = arith.addf %add3A_319, %add3A_320 : vector<16xf32>
          %swap3A_322 = arith.constant 34 : index
          %swap3A_323 = tpu.vector_load %arg14[%swap3A_322] {strides = array<i32>} : memref<272xf32, #tpu.memory_space<vmem>>, vector<16xf32>,
          tpu.vector_store %arg14[%swap3A_322], %add3A_321 {strides = array<i32>} : memref<272xf32, #tpu.memory_space<vmem>>, vector<16xf32>,
          %mul3A_324 = arith.constant 16 : i32
          %mul3A_325 = arith.muli %scan3A_96, %mul3A_324 : i32
          %add3A_326 = arith.constant 3 : i32
          %add3A_327 = arith.addi %mul3A_325, %add3A_326 : i32
          %get3A_328 = arith.index_cast %add3A_327 : i32 to index
          %get3A_329 = arith.constant 0 : index
          %get3A_330 = tpu.vector_load %arg8[%get3A_328, %get3A_329] {strides = array<i32>} : memref<80x64xi32, #tpu.memory_space<vmem>>, vector<16xi32>,
          %bitcast3A_331 = vector.bitcast %get3A_330 : vector<16xi32> to vector<16xi32>
          %shift_left3A_332 = arith.shli %bitcast3A_331, %broadcast_in_dim3A_11 : vector<16xi32>
          %bitcast3A_333 = vector.bitcast %shift_left3A_332 : vector<16xi32> to vector<16xf32>
          %bitcast3A_334 = vector.bitcast %bitcast3A_331 : vector<16xi32> to vector<16xf32>
          %get3A_335 = arith.index_cast %add3A_327 : i32 to index
          %get3A_336 = arith.constant 0 : index
          %get3A_337 = tpu.vector_load %arg11[%get3A_335, %get3A_336] {strides = array<i32>} : memref<80x64xi32, #tpu.memory_space<vmem>>, vector<16xi32>,
          %bitcast3A_338 = vector.bitcast %get3A_337 : vector<16xi32> to vector<16xi32>
          %shift_left3A_339 = arith.shli %bitcast3A_338, %broadcast_in_dim3A_11 : vector<16xi32>
          %bitcast3A_340 = vector.bitcast %shift_left3A_339 : vector<16xi32> to vector<16xf32>
          %bitcast3A_341 = vector.bitcast %bitcast3A_338 : vector<16xi32> to vector<16xf32>
          %mul3A_342 = arith.mulf %bitcast3A_333, %bitcast3A_340 : vector<16xf32>
          %mul3A_343 = arith.mulf %bitcast3A_334, %bitcast3A_341 : vector<16xf32>
          %add3A_344 = arith.addf %mul3A_342, %mul3A_343 : vector<16xf32>
          %get3A_345 = arith.index_cast %add3A_327 : i32 to index
          %get3A_346 = arith.constant 16 : index
          %get3A_347 = tpu.vector_load %arg8[%get3A_345, %get3A_346] {strides = array<i32>} : memref<80x64xi32, #tpu.memory_space<vmem>>, vector<16xi32>,
          %bitcast3A_348 = vector.bitcast %get3A_347 : vector<16xi32> to vector<16xi32>
          %shift_left3A_349 = arith.shli %bitcast3A_348, %broadcast_in_dim3A_11 : vector<16xi32>
          %bitcast3A_350 = vector.bitcast %shift_left3A_349 : vector<16xi32> to vector<16xf32>
          %bitcast3A_351 = vector.bitcast %bitcast3A_348 : vector<16xi32> to vector<16xf32>
          %get3A_352 = arith.index_cast %add3A_327 : i32 to index
          %get3A_353 = arith.constant 16 : index
          %get3A_354 = tpu.vector_load %arg11[%get3A_352, %get3A_353] {strides = array<i32>} : memref<80x64xi32, #tpu.memory_space<vmem>>, vector<16xi32>,
          %bitcast3A_355 = vector.bitcast %get3A_354 : vector<16xi32> to vector<16xi32>
          %shift_left3A_356 = arith.shli %bitcast3A_355, %broadcast_in_dim3A_11 : vector<16xi32>
          %bitcast3A_357 = vector.bitcast %shift_left3A_356 : vector<16xi32> to vector<16xf32>
          %bitcast3A_358 = vector.bitcast %bitcast3A_355 : vector<16xi32> to vector<16xf32>
          %mul3A_359 = arith.mulf %bitcast3A_350, %bitcast3A_357 : vector<16xf32>
          %mul3A_360 = arith.mulf %bitcast3A_351, %bitcast3A_358 : vector<16xf32>
          %add3A_361 = arith.addf %mul3A_359, %mul3A_360 : vector<16xf32>
          %get3A_362 = arith.index_cast %add3A_327 : i32 to index
          %get3A_363 = arith.constant 32 : index
          %get3A_364 = tpu.vector_load %arg8[%get3A_362, %get3A_363] {strides = array<i32>} : memref<80x64xi32, #tpu.memory_space<vmem>>, vector<16xi32>,
          %bitcast3A_365 = vector.bitcast %get3A_364 : vector<16xi32> to vector<16xi32>
          %shift_left3A_366 = arith.shli %bitcast3A_365, %broadcast_in_dim3A_11 : vector<16xi32>
          %bitcast3A_367 = vector.bitcast %shift_left3A_366 : vector<16xi32> to vector<16xf32>
          %bitcast3A_368 = vector.bitcast %bitcast3A_365 : vector<16xi32> to vector<16xf32>
          %get3A_369 = arith.index_cast %add3A_327 : i32 to index
          %get3A_370 = arith.constant 32 : index
          %get3A_371 = tpu.vector_load %arg11[%get3A_369, %get3A_370] {strides = array<i32>} : memref<80x64xi32, #tpu.memory_space<vmem>>, vector<16xi32>,
          %bitcast3A_372 = vector.bitcast %get3A_371 : vector<16xi32> to vector<16xi32>
          %shift_left3A_373 = arith.shli %bitcast3A_372, %broadcast_in_dim3A_11 : vector<16xi32>
          %bitcast3A_374 = vector.bitcast %shift_left3A_373 : vector<16xi32> to vector<16xf32>
          %bitcast3A_375 = vector.bitcast %bitcast3A_372 : vector<16xi32> to vector<16xf32>
          %mul3A_376 = arith.mulf %bitcast3A_367, %bitcast3A_374 : vector<16xf32>
          %mul3A_377 = arith.mulf %bitcast3A_368, %bitcast3A_375 : vector<16xf32>
          %add3A_378 = arith.addf %mul3A_376, %mul3A_377 : vector<16xf32>
          %get3A_379 = arith.index_cast %add3A_327 : i32 to index
          %get3A_380 = arith.constant 48 : index
          %get3A_381 = tpu.vector_load %arg8[%get3A_379, %get3A_380] {strides = array<i32>} : memref<80x64xi32, #tpu.memory_space<vmem>>, vector<16xi32>,
          %bitcast3A_382 = vector.bitcast %get3A_381 : vector<16xi32> to vector<16xi32>
          %shift_left3A_383 = arith.shli %bitcast3A_382, %broadcast_in_dim3A_11 : vector<16xi32>
          %bitcast3A_384 = vector.bitcast %shift_left3A_383 : vector<16xi32> to vector<16xf32>
          %bitcast3A_385 = vector.bitcast %bitcast3A_382 : vector<16xi32> to vector<16xf32>
          %get3A_386 = arith.index_cast %add3A_327 : i32 to index
          %get3A_387 = arith.constant 48 : index
          %get3A_388 = tpu.vector_load %arg11[%get3A_386, %get3A_387] {strides = array<i32>} : memref<80x64xi32, #tpu.memory_space<vmem>>, vector<16xi32>,
          %bitcast3A_389 = vector.bitcast %get3A_388 : vector<16xi32> to vector<16xi32>
          %shift_left3A_390 = arith.shli %bitcast3A_389, %broadcast_in_dim3A_11 : vector<16xi32>
          %bitcast3A_391 = vector.bitcast %shift_left3A_390 : vector<16xi32> to vector<16xf32>
          %bitcast3A_392 = vector.bitcast %bitcast3A_389 : vector<16xi32> to vector<16xf32>
          %mul3A_393 = arith.mulf %bitcast3A_384, %bitcast3A_391 : vector<16xf32>
          %mul3A_394 = arith.mulf %bitcast3A_385, %bitcast3A_392 : vector<16xf32>
          %add3A_395 = arith.addf %mul3A_393, %mul3A_394 : vector<16xf32>
          %add3A_396 = arith.addf %add3A_344, %add3A_361 : vector<16xf32>
          %add3A_397 = arith.addf %add3A_378, %add3A_395 : vector<16xf32>
          %add3A_398 = arith.addf %add3A_396, %add3A_397 : vector<16xf32>
          %swap3A_399 = arith.constant 51 : index
          %swap3A_400 = tpu.vector_load %arg14[%swap3A_399] {strides = array<i32>} : memref<272xf32, #tpu.memory_space<vmem>>, vector<16xf32>,
          tpu.vector_store %arg14[%swap3A_399], %add3A_398 {strides = array<i32>} : memref<272xf32, #tpu.memory_space<vmem>>, vector<16xf32>,
          %mul3A_401 = arith.constant 16 : i32
          %mul3A_402 = arith.muli %scan3A_96, %mul3A_401 : i32
          %add3A_403 = arith.constant 4 : i32
          %add3A_404 = arith.addi %mul3A_402, %add3A_403 : i32
          %get3A_405 = arith.index_cast %add3A_404 : i32 to index
          %get3A_406 = arith.constant 0 : index
          %get3A_407 = tpu.vector_load %arg8[%get3A_405, %get3A_406] {strides = array<i32>} : memref<80x64xi32, #tpu.memory_space<vmem>>, vector<16xi32>,
          %bitcast3A_408 = vector.bitcast %get3A_407 : vector<16xi32> to vector<16xi32>
          %shift_left3A_409 = arith.shli %bitcast3A_408, %broadcast_in_dim3A_11 : vector<16xi32>
          %bitcast3A_410 = vector.bitcast %shift_left3A_409 : vector<16xi32> to vector<16xf32>
          %bitcast3A_411 = vector.bitcast %bitcast3A_408 : vector<16xi32> to vector<16xf32>
          %get3A_412 = arith.index_cast %add3A_404 : i32 to index
          %get3A_413 = arith.constant 0 : index
          %get3A_414 = tpu.vector_load %arg11[%get3A_412, %get3A_413] {strides = array<i32>} : memref<80x64xi32, #tpu.memory_space<vmem>>, vector<16xi32>,
          %bitcast3A_415 = vector.bitcast %get3A_414 : vector<16xi32> to vector<16xi32>
          %shift_left3A_416 = arith.shli %bitcast3A_415, %broadcast_in_dim3A_11 : vector<16xi32>
          %bitcast3A_417 = vector.bitcast %shift_left3A_416 : vector<16xi32> to vector<16xf32>
          %bitcast3A_418 = vector.bitcast %bitcast3A_415 : vector<16xi32> to vector<16xf32>
          %mul3A_419 = arith.mulf %bitcast3A_410, %bitcast3A_417 : vector<16xf32>
          %mul3A_420 = arith.mulf %bitcast3A_411, %bitcast3A_418 : vector<16xf32>
          %add3A_421 = arith.addf %mul3A_419, %mul3A_420 : vector<16xf32>
          %get3A_422 = arith.index_cast %add3A_404 : i32 to index
          %get3A_423 = arith.constant 16 : index
          %get3A_424 = tpu.vector_load %arg8[%get3A_422, %get3A_423] {strides = array<i32>} : memref<80x64xi32, #tpu.memory_space<vmem>>, vector<16xi32>,
          %bitcast3A_425 = vector.bitcast %get3A_424 : vector<16xi32> to vector<16xi32>
          %shift_left3A_426 = arith.shli %bitcast3A_425, %broadcast_in_dim3A_11 : vector<16xi32>
          %bitcast3A_427 = vector.bitcast %shift_left3A_426 : vector<16xi32> to vector<16xf32>
          %bitcast3A_428 = vector.bitcast %bitcast3A_425 : vector<16xi32> to vector<16xf32>
          %get3A_429 = arith.index_cast %add3A_404 : i32 to index
          %get3A_430 = arith.constant 16 : index
          %get3A_431 = tpu.vector_load %arg11[%get3A_429, %get3A_430] {strides = array<i32>} : memref<80x64xi32, #tpu.memory_space<vmem>>, vector<16xi32>,
          %bitcast3A_432 = vector.bitcast %get3A_431 : vector<16xi32> to vector<16xi32>
          %shift_left3A_433 = arith.shli %bitcast3A_432, %broadcast_in_dim3A_11 : vector<16xi32>
          %bitcast3A_434 = vector.bitcast %shift_left3A_433 : vector<16xi32> to vector<16xf32>
          %bitcast3A_435 = vector.bitcast %bitcast3A_432 : vector<16xi32> to vector<16xf32>
          %mul3A_436 = arith.mulf %bitcast3A_427, %bitcast3A_434 : vector<16xf32>
          %mul3A_437 = arith.mulf %bitcast3A_428, %bitcast3A_435 : vector<16xf32>
          %add3A_438 = arith.addf %mul3A_436, %mul3A_437 : vector<16xf32>
          %get3A_439 = arith.index_cast %add3A_404 : i32 to index
          %get3A_440 = arith.constant 32 : index
          %get3A_441 = tpu.vector_load %arg8[%get3A_439, %get3A_440] {strides = array<i32>} : memref<80x64xi32, #tpu.memory_space<vmem>>, vector<16xi32>,
          %bitcast3A_442 = vector.bitcast %get3A_441 : vector<16xi32> to vector<16xi32>
          %shift_left3A_443 = arith.shli %bitcast3A_442, %broadcast_in_dim3A_11 : vector<16xi32>
          %bitcast3A_444 = vector.bitcast %shift_left3A_443 : vector<16xi32> to vector<16xf32>
          %bitcast3A_445 = vector.bitcast %bitcast3A_442 : vector<16xi32> to vector<16xf32>
          %get3A_446 = arith.index_cast %add3A_404 : i32 to index
          %get3A_447 = arith.constant 32 : index
          %get3A_448 = tpu.vector_load %arg11[%get3A_446, %get3A_447] {strides = array<i32>} : memref<80x64xi32, #tpu.memory_space<vmem>>, vector<16xi32>,
          %bitcast3A_449 = vector.bitcast %get3A_448 : vector<16xi32> to vector<16xi32>
          %shift_left3A_450 = arith.shli %bitcast3A_449, %broadcast_in_dim3A_11 : vector<16xi32>
          %bitcast3A_451 = vector.bitcast %shift_left3A_450 : vector<16xi32> to vector<16xf32>
          %bitcast3A_452 = vector.bitcast %bitcast3A_449 : vector<16xi32> to vector<16xf32>
          %mul3A_453 = arith.mulf %bitcast3A_444, %bitcast3A_451 : vector<16xf32>
          %mul3A_454 = arith.mulf %bitcast3A_445, %bitcast3A_452 : vector<16xf32>
          %add3A_455 = arith.addf %mul3A_453, %mul3A_454 : vector<16xf32>
          %get3A_456 = arith.index_cast %add3A_404 : i32 to index
          %get3A_457 = arith.constant 48 : index
          %get3A_458 = tpu.vector_load %arg8[%get3A_456, %get3A_457] {strides = array<i32>} : memref<80x64xi32, #tpu.memory_space<vmem>>, vector<16xi32>,
          %bitcast3A_459 = vector.bitcast %get3A_458 : vector<16xi32> to vector<16xi32>
          %shift_left3A_460 = arith.shli %bitcast3A_459, %broadcast_in_dim3A_11 : vector<16xi32>
          %bitcast3A_461 = vector.bitcast %shift_left3A_460 : vector<16xi32> to vector<16xf32>
          %bitcast3A_462 = vector.bitcast %bitcast3A_459 : vector<16xi32> to vector<16xf32>
          %get3A_463 = arith.index_cast %add3A_404 : i32 to index
          %get3A_464 = arith.constant 48 : index
          %get3A_465 = tpu.vector_load %arg11[%get3A_463, %get3A_464] {strides = array<i32>} : memref<80x64xi32, #tpu.memory_space<vmem>>, vector<16xi32>,
          %bitcast3A_466 = vector.bitcast %get3A_465 : vector<16xi32> to vector<16xi32>
          %shift_left3A_467 = arith.shli %bitcast3A_466, %broadcast_in_dim3A_11 : vector<16xi32>
          %bitcast3A_468 = vector.bitcast %shift_left3A_467 : vector<16xi32> to vector<16xf32>
          %bitcast3A_469 = vector.bitcast %bitcast3A_466 : vector<16xi32> to vector<16xf32>
          %mul3A_470 = arith.mulf %bitcast3A_461, %bitcast3A_468 : vector<16xf32>
          %mul3A_471 = arith.mulf %bitcast3A_462, %bitcast3A_469 : vector<16xf32>
          %add3A_472 = arith.addf %mul3A_470, %mul3A_471 : vector<16xf32>
          %add3A_473 = arith.addf %add3A_421, %add3A_438 : vector<16xf32>
          %add3A_474 = arith.addf %add3A_455, %add3A_472 : vector<16xf32>
          %add3A_475 = arith.addf %add3A_473, %add3A_474 : vector<16xf32>
          %swap3A_476 = arith.constant 68 : index
          %swap3A_477 = tpu.vector_load %arg14[%swap3A_476] {strides = array<i32>} : memref<272xf32, #tpu.memory_space<vmem>>, vector<16xf32>,
          tpu.vector_store %arg14[%swap3A_476], %add3A_475 {strides = array<i32>} : memref<272xf32, #tpu.memory_space<vmem>>, vector<16xf32>,
          %mul3A_478 = arith.constant 16 : i32
          %mul3A_479 = arith.muli %scan3A_96, %mul3A_478 : i32
          %add3A_480 = arith.constant 5 : i32
          %add3A_481 = arith.addi %mul3A_479, %add3A_480 : i32
          %get3A_482 = arith.index_cast %add3A_481 : i32 to index
          %get3A_483 = arith.constant 0 : index
          %get3A_484 = tpu.vector_load %arg8[%get3A_482, %get3A_483] {strides = array<i32>} : memref<80x64xi32, #tpu.memory_space<vmem>>, vector<16xi32>,
          %bitcast3A_485 = vector.bitcast %get3A_484 : vector<16xi32> to vector<16xi32>
          %shift_left3A_486 = arith.shli %bitcast3A_485, %broadcast_in_dim3A_11 : vector<16xi32>
          %bitcast3A_487 = vector.bitcast %shift_left3A_486 : vector<16xi32> to vector<16xf32>
          %bitcast3A_488 = vector.bitcast %bitcast3A_485 : vector<16xi32> to vector<16xf32>
          %get3A_489 = arith.index_cast %add3A_481 : i32 to index
          %get3A_490 = arith.constant 0 : index
          %get3A_491 = tpu.vector_load %arg11[%get3A_489, %get3A_490] {strides = array<i32>} : memref<80x64xi32, #tpu.memory_space<vmem>>, vector<16xi32>,
          %bitcast3A_492 = vector.bitcast %get3A_491 : vector<16xi32> to vector<16xi32>
          %shift_left3A_493 = arith.shli %bitcast3A_492, %broadcast_in_dim3A_11 : vector<16xi32>
          %bitcast3A_494 = vector.bitcast %shift_left3A_493 : vector<16xi32> to vector<16xf32>
          %bitcast3A_495 = vector.bitcast %bitcast3A_492 : vector<16xi32> to vector<16xf32>
          %mul3A_496 = arith.mulf %bitcast3A_487, %bitcast3A_494 : vector<16xf32>
          %mul3A_497 = arith.mulf %bitcast3A_488, %bitcast3A_495 : vector<16xf32>
          %add3A_498 = arith.addf %mul3A_496, %mul3A_497 : vector<16xf32>
          %get3A_499 = arith.index_cast %add3A_481 : i32 to index
          %get3A_500 = arith.constant 16 : index
          %get3A_501 = tpu.vector_load %arg8[%get3A_499, %get3A_500] {strides = array<i32>} : memref<80x64xi32, #tpu.memory_space<vmem>>, vector<16xi32>,
          %bitcast3A_502 = vector.bitcast %get3A_501 : vector<16xi32> to vector<16xi32>
          %shift_left3A_503 = arith.shli %bitcast3A_502, %broadcast_in_dim3A_11 : vector<16xi32>
          %bitcast3A_504 = vector.bitcast %shift_left3A_503 : vector<16xi32> to vector<16xf32>
          %bitcast3A_505 = vector.bitcast %bitcast3A_502 : vector<16xi32> to vector<16xf32>
          %get3A_506 = arith.index_cast %add3A_481 : i32 to index
          %get3A_507 = arith.constant 16 : index
          %get3A_508 = tpu.vector_load %arg11[%get3A_506, %get3A_507] {strides = array<i32>} : memref<80x64xi32, #tpu.memory_space<vmem>>, vector<16xi32>,
          %bitcast3A_509 = vector.bitcast %get3A_508 : vector<16xi32> to vector<16xi32>
          %shift_left3A_510 = arith.shli %bitcast3A_509, %broadcast_in_dim3A_11 : vector<16xi32>
          %bitcast3A_511 = vector.bitcast %shift_left3A_510 : vector<16xi32> to vector<16xf32>
          %bitcast3A_512 = vector.bitcast %bitcast3A_509 : vector<16xi32> to vector<16xf32>
          %mul3A_513 = arith.mulf %bitcast3A_504, %bitcast3A_511 : vector<16xf32>
          %mul3A_514 = arith.mulf %bitcast3A_505, %bitcast3A_512 : vector<16xf32>
          %add3A_515 = arith.addf %mul3A_513, %mul3A_514 : vector<16xf32>
          %get3A_516 = arith.index_cast %add3A_481 : i32 to index
          %get3A_517 = arith.constant 32 : index
          %get3A_518 = tpu.vector_load %arg8[%get3A_516, %get3A_517] {strides = array<i32>} : memref<80x64xi32, #tpu.memory_space<vmem>>, vector<16xi32>,
          %bitcast3A_519 = vector.bitcast %get3A_518 : vector<16xi32> to vector<16xi32>
          %shift_left3A_520 = arith.shli %bitcast3A_519, %broadcast_in_dim3A_11 : vector<16xi32>
          %bitcast3A_521 = vector.bitcast %shift_left3A_520 : vector<16xi32> to vector<16xf32>
          %bitcast3A_522 = vector.bitcast %bitcast3A_519 : vector<16xi32> to vector<16xf32>
          %get3A_523 = arith.index_cast %add3A_481 : i32 to index
          %get3A_524 = arith.constant 32 : index
          %get3A_525 = tpu.vector_load %arg11[%get3A_523, %get3A_524] {strides = array<i32>} : memref<80x64xi32, #tpu.memory_space<vmem>>, vector<16xi32>,
          %bitcast3A_526 = vector.bitcast %get3A_525 : vector<16xi32> to vector<16xi32>
          %shift_left3A_527 = arith.shli %bitcast3A_526, %broadcast_in_dim3A_11 : vector<16xi32>
          %bitcast3A_528 = vector.bitcast %shift_left3A_527 : vector<16xi32> to vector<16xf32>
          %bitcast3A_529 = vector.bitcast %bitcast3A_526 : vector<16xi32> to vector<16xf32>
          %mul3A_530 = arith.mulf %bitcast3A_521, %bitcast3A_528 : vector<16xf32>
          %mul3A_531 = arith.mulf %bitcast3A_522, %bitcast3A_529 : vector<16xf32>
          %add3A_532 = arith.addf %mul3A_530, %mul3A_531 : vector<16xf32>
          %get3A_533 = arith.index_cast %add3A_481 : i32 to index
          %get3A_534 = arith.constant 48 : index
          %get3A_535 = tpu.vector_load %arg8[%get3A_533, %get3A_534] {strides = array<i32>} : memref<80x64xi32, #tpu.memory_space<vmem>>, vector<16xi32>,
          %bitcast3A_536 = vector.bitcast %get3A_535 : vector<16xi32> to vector<16xi32>
          %shift_left3A_537 = arith.shli %bitcast3A_536, %broadcast_in_dim3A_11 : vector<16xi32>
          %bitcast3A_538 = vector.bitcast %shift_left3A_537 : vector<16xi32> to vector<16xf32>
          %bitcast3A_539 = vector.bitcast %bitcast3A_536 : vector<16xi32> to vector<16xf32>
          %get3A_540 = arith.index_cast %add3A_481 : i32 to index
          %get3A_541 = arith.constant 48 : index
          %get3A_542 = tpu.vector_load %arg11[%get3A_540, %get3A_541] {strides = array<i32>} : memref<80x64xi32, #tpu.memory_space<vmem>>, vector<16xi32>,
          %bitcast3A_543 = vector.bitcast %get3A_542 : vector<16xi32> to vector<16xi32>
          %shift_left3A_544 = arith.shli %bitcast3A_543, %broadcast_in_dim3A_11 : vector<16xi32>
          %bitcast3A_545 = vector.bitcast %shift_left3A_544 : vector<16xi32> to vector<16xf32>
          %bitcast3A_546 = vector.bitcast %bitcast3A_543 : vector<16xi32> to vector<16xf32>
          %mul3A_547 = arith.mulf %bitcast3A_538, %bitcast3A_545 : vector<16xf32>
          %mul3A_548 = arith.mulf %bitcast3A_539, %bitcast3A_546 : vector<16xf32>
          %add3A_549 = arith.addf %mul3A_547, %mul3A_548 : vector<16xf32>
          %add3A_550 = arith.addf %add3A_498, %add3A_515 : vector<16xf32>
          %add3A_551 = arith.addf %add3A_532, %add3A_549 : vector<16xf32>
          %add3A_552 = arith.addf %add3A_550, %add3A_551 : vector<16xf32>
          %swap3A_553 = arith.constant 85 : index
          %swap3A_554 = tpu.vector_load %arg14[%swap3A_553] {strides = array<i32>} : memref<272xf32, #tpu.memory_space<vmem>>, vector<16xf32>,
          tpu.vector_store %arg14[%swap3A_553], %add3A_552 {strides = array<i32>} : memref<272xf32, #tpu.memory_space<vmem>>, vector<16xf32>,
          %mul3A_555 = arith.constant 16 : i32
          %mul3A_556 = arith.muli %scan3A_96, %mul3A_555 : i32
          %add3A_557 = arith.constant 6 : i32
          %add3A_558 = arith.addi %mul3A_556, %add3A_557 : i32
          %get3A_559 = arith.index_cast %add3A_558 : i32 to index
          %get3A_560 = arith.constant 0 : index
          %get3A_561 = tpu.vector_load %arg8[%get3A_559, %get3A_560] {strides = array<i32>} : memref<80x64xi32, #tpu.memory_space<vmem>>, vector<16xi32>,
          %bitcast3A_562 = vector.bitcast %get3A_561 : vector<16xi32> to vector<16xi32>
          %shift_left3A_563 = arith.shli %bitcast3A_562, %broadcast_in_dim3A_11 : vector<16xi32>
          %bitcast3A_564 = vector.bitcast %shift_left3A_563 : vector<16xi32> to vector<16xf32>
          %bitcast3A_565 = vector.bitcast %bitcast3A_562 : vector<16xi32> to vector<16xf32>
          %get3A_566 = arith.index_cast %add3A_558 : i32 to index
          %get3A_567 = arith.constant 0 : index
          %get3A_568 = tpu.vector_load %arg11[%get3A_566, %get3A_567] {strides = array<i32>} : memref<80x64xi32, #tpu.memory_space<vmem>>, vector<16xi32>,
          %bitcast3A_569 = vector.bitcast %get3A_568 : vector<16xi32> to vector<16xi32>
          %shift_left3A_570 = arith.shli %bitcast3A_569, %broadcast_in_dim3A_11 : vector<16xi32>
          %bitcast3A_571 = vector.bitcast %shift_left3A_570 : vector<16xi32> to vector<16xf32>
          %bitcast3A_572 = vector.bitcast %bitcast3A_569 : vector<16xi32> to vector<16xf32>
          %mul3A_573 = arith.mulf %bitcast3A_564, %bitcast3A_571 : vector<16xf32>
          %mul3A_574 = arith.mulf %bitcast3A_565, %bitcast3A_572 : vector<16xf32>
          %add3A_575 = arith.addf %mul3A_573, %mul3A_574 : vector<16xf32>
          %get3A_576 = arith.index_cast %add3A_558 : i32 to index
          %get3A_577 = arith.constant 16 : index
          %get3A_578 = tpu.vector_load %arg8[%get3A_576, %get3A_577] {strides = array<i32>} : memref<80x64xi32, #tpu.memory_space<vmem>>, vector<16xi32>,
          %bitcast3A_579 = vector.bitcast %get3A_578 : vector<16xi32> to vector<16xi32>
          %shift_left3A_580 = arith.shli %bitcast3A_579, %broadcast_in_dim3A_11 : vector<16xi32>
          %bitcast3A_581 = vector.bitcast %shift_left3A_580 : vector<16xi32> to vector<16xf32>
          %bitcast3A_582 = vector.bitcast %bitcast3A_579 : vector<16xi32> to vector<16xf32>
          %get3A_583 = arith.index_cast %add3A_558 : i32 to index
          %get3A_584 = arith.constant 16 : index
          %get3A_585 = tpu.vector_load %arg11[%get3A_583, %get3A_584] {strides = array<i32>} : memref<80x64xi32, #tpu.memory_space<vmem>>, vector<16xi32>,
          %bitcast3A_586 = vector.bitcast %get3A_585 : vector<16xi32> to vector<16xi32>
          %shift_left3A_587 = arith.shli %bitcast3A_586, %broadcast_in_dim3A_11 : vector<16xi32>
          %bitcast3A_588 = vector.bitcast %shift_left3A_587 : vector<16xi32> to vector<16xf32>
          %bitcast3A_589 = vector.bitcast %bitcast3A_586 : vector<16xi32> to vector<16xf32>
          %mul3A_590 = arith.mulf %bitcast3A_581, %bitcast3A_588 : vector<16xf32>
          %mul3A_591 = arith.mulf %bitcast3A_582, %bitcast3A_589 : vector<16xf32>
          %add3A_592 = arith.addf %mul3A_590, %mul3A_591 : vector<16xf32>
          %get3A_593 = arith.index_cast %add3A_558 : i32 to index
          %get3A_594 = arith.constant 32 : index
          %get3A_595 = tpu.vector_load %arg8[%get3A_593, %get3A_594] {strides = array<i32>} : memref<80x64xi32, #tpu.memory_space<vmem>>, vector<16xi32>,
          %bitcast3A_596 = vector.bitcast %get3A_595 : vector<16xi32> to vector<16xi32>
          %shift_left3A_597 = arith.shli %bitcast3A_596, %broadcast_in_dim3A_11 : vector<16xi32>
          %bitcast3A_598 = vector.bitcast %shift_left3A_597 : vector<16xi32> to vector<16xf32>
          %bitcast3A_599 = vector.bitcast %bitcast3A_596 : vector<16xi32> to vector<16xf32>
          %get3A_600 = arith.index_cast %add3A_558 : i32 to index
          %get3A_601 = arith.constant 32 : index
          %get3A_602 = tpu.vector_load %arg11[%get3A_600, %get3A_601] {strides = array<i32>} : memref<80x64xi32, #tpu.memory_space<vmem>>, vector<16xi32>,
          %bitcast3A_603 = vector.bitcast %get3A_602 : vector<16xi32> to vector<16xi32>
          %shift_left3A_604 = arith.shli %bitcast3A_603, %broadcast_in_dim3A_11 : vector<16xi32>
          %bitcast3A_605 = vector.bitcast %shift_left3A_604 : vector<16xi32> to vector<16xf32>
          %bitcast3A_606 = vector.bitcast %bitcast3A_603 : vector<16xi32> to vector<16xf32>
          %mul3A_607 = arith.mulf %bitcast3A_598, %bitcast3A_605 : vector<16xf32>
          %mul3A_608 = arith.mulf %bitcast3A_599, %bitcast3A_606 : vector<16xf32>
          %add3A_609 = arith.addf %mul3A_607, %mul3A_608 : vector<16xf32>
          %get3A_610 = arith.index_cast %add3A_558 : i32 to index
          %get3A_611 = arith.constant 48 : index
          %get3A_612 = tpu.vector_load %arg8[%get3A_610, %get3A_611] {strides = array<i32>} : memref<80x64xi32, #tpu.memory_space<vmem>>, vector<16xi32>,
          %bitcast3A_613 = vector.bitcast %get3A_612 : vector<16xi32> to vector<16xi32>
          %shift_left3A_614 = arith.shli %bitcast3A_613, %broadcast_in_dim3A_11 : vector<16xi32>
          %bitcast3A_615 = vector.bitcast %shift_left3A_614 : vector<16xi32> to vector<16xf32>
          %bitcast3A_616 = vector.bitcast %bitcast3A_613 : vector<16xi32> to vector<16xf32>
          %get3A_617 = arith.index_cast %add3A_558 : i32 to index
          %get3A_618 = arith.constant 48 : index
          %get3A_619 = tpu.vector_load %arg11[%get3A_617, %get3A_618] {strides = array<i32>} : memref<80x64xi32, #tpu.memory_space<vmem>>, vector<16xi32>,
          %bitcast3A_620 = vector.bitcast %get3A_619 : vector<16xi32> to vector<16xi32>
          %shift_left3A_621 = arith.shli %bitcast3A_620, %broadcast_in_dim3A_11 : vector<16xi32>
          %bitcast3A_622 = vector.bitcast %shift_left3A_621 : vector<16xi32> to vector<16xf32>
          %bitcast3A_623 = vector.bitcast %bitcast3A_620 : vector<16xi32> to vector<16xf32>
          %mul3A_624 = arith.mulf %bitcast3A_615, %bitcast3A_622 : vector<16xf32>
          %mul3A_625 = arith.mulf %bitcast3A_616, %bitcast3A_623 : vector<16xf32>
          %add3A_626 = arith.addf %mul3A_624, %mul3A_625 : vector<16xf32>
          %add3A_627 = arith.addf %add3A_575, %add3A_592 : vector<16xf32>
          %add3A_628 = arith.addf %add3A_609, %add3A_626 : vector<16xf32>
          %add3A_629 = arith.addf %add3A_627, %add3A_628 : vector<16xf32>
          %swap3A_630 = arith.constant 102 : index
          %swap3A_631 = tpu.vector_load %arg14[%swap3A_630] {strides = array<i32>} : memref<272xf32, #tpu.memory_space<vmem>>, vector<16xf32>,
          tpu.vector_store %arg14[%swap3A_630], %add3A_629 {strides = array<i32>} : memref<272xf32, #tpu.memory_space<vmem>>, vector<16xf32>,
          %mul3A_632 = arith.constant 16 : i32
          %mul3A_633 = arith.muli %scan3A_96, %mul3A_632 : i32
          %add3A_634 = arith.constant 7 : i32
          %add3A_635 = arith.addi %mul3A_633, %add3A_634 : i32
          %get3A_636 = arith.index_cast %add3A_635 : i32 to index
          %get3A_637 = arith.constant 0 : index
          %get3A_638 = tpu.vector_load %arg8[%get3A_636, %get3A_637] {strides = array<i32>} : memref<80x64xi32, #tpu.memory_space<vmem>>, vector<16xi32>,
          %bitcast3A_639 = vector.bitcast %get3A_638 : vector<16xi32> to vector<16xi32>
          %shift_left3A_640 = arith.shli %bitcast3A_639, %broadcast_in_dim3A_11 : vector<16xi32>
          %bitcast3A_641 = vector.bitcast %shift_left3A_640 : vector<16xi32> to vector<16xf32>
          %bitcast3A_642 = vector.bitcast %bitcast3A_639 : vector<16xi32> to vector<16xf32>
          %get3A_643 = arith.index_cast %add3A_635 : i32 to index
          %get3A_644 = arith.constant 0 : index
          %get3A_645 = tpu.vector_load %arg11[%get3A_643, %get3A_644] {strides = array<i32>} : memref<80x64xi32, #tpu.memory_space<vmem>>, vector<16xi32>,
          %bitcast3A_646 = vector.bitcast %get3A_645 : vector<16xi32> to vector<16xi32>
          %shift_left3A_647 = arith.shli %bitcast3A_646, %broadcast_in_dim3A_11 : vector<16xi32>
          %bitcast3A_648 = vector.bitcast %shift_left3A_647 : vector<16xi32> to vector<16xf32>
          %bitcast3A_649 = vector.bitcast %bitcast3A_646 : vector<16xi32> to vector<16xf32>
          %mul3A_650 = arith.mulf %bitcast3A_641, %bitcast3A_648 : vector<16xf32>
          %mul3A_651 = arith.mulf %bitcast3A_642, %bitcast3A_649 : vector<16xf32>
          %add3A_652 = arith.addf %mul3A_650, %mul3A_651 : vector<16xf32>
          %get3A_653 = arith.index_cast %add3A_635 : i32 to index
          %get3A_654 = arith.constant 16 : index
          %get3A_655 = tpu.vector_load %arg8[%get3A_653, %get3A_654] {strides = array<i32>} : memref<80x64xi32, #tpu.memory_space<vmem>>, vector<16xi32>,
          %bitcast3A_656 = vector.bitcast %get3A_655 : vector<16xi32> to vector<16xi32>
          %shift_left3A_657 = arith.shli %bitcast3A_656, %broadcast_in_dim3A_11 : vector<16xi32>
          %bitcast3A_658 = vector.bitcast %shift_left3A_657 : vector<16xi32> to vector<16xf32>
          %bitcast3A_659 = vector.bitcast %bitcast3A_656 : vector<16xi32> to vector<16xf32>
          %get3A_660 = arith.index_cast %add3A_635 : i32 to index
          %get3A_661 = arith.constant 16 : index
          %get3A_662 = tpu.vector_load %arg11[%get3A_660, %get3A_661] {strides = array<i32>} : memref<80x64xi32, #tpu.memory_space<vmem>>, vector<16xi32>,
          %bitcast3A_663 = vector.bitcast %get3A_662 : vector<16xi32> to vector<16xi32>
          %shift_left3A_664 = arith.shli %bitcast3A_663, %broadcast_in_dim3A_11 : vector<16xi32>
          %bitcast3A_665 = vector.bitcast %shift_left3A_664 : vector<16xi32> to vector<16xf32>
          %bitcast3A_666 = vector.bitcast %bitcast3A_663 : vector<16xi32> to vector<16xf32>
          %mul3A_667 = arith.mulf %bitcast3A_658, %bitcast3A_665 : vector<16xf32>
          %mul3A_668 = arith.mulf %bitcast3A_659, %bitcast3A_666 : vector<16xf32>
          %add3A_669 = arith.addf %mul3A_667, %mul3A_668 : vector<16xf32>
          %get3A_670 = arith.index_cast %add3A_635 : i32 to index
          %get3A_671 = arith.constant 32 : index
          %get3A_672 = tpu.vector_load %arg8[%get3A_670, %get3A_671] {strides = array<i32>} : memref<80x64xi32, #tpu.memory_space<vmem>>, vector<16xi32>,
          %bitcast3A_673 = vector.bitcast %get3A_672 : vector<16xi32> to vector<16xi32>
          %shift_left3A_674 = arith.shli %bitcast3A_673, %broadcast_in_dim3A_11 : vector<16xi32>
          %bitcast3A_675 = vector.bitcast %shift_left3A_674 : vector<16xi32> to vector<16xf32>
          %bitcast3A_676 = vector.bitcast %bitcast3A_673 : vector<16xi32> to vector<16xf32>
          %get3A_677 = arith.index_cast %add3A_635 : i32 to index
          %get3A_678 = arith.constant 32 : index
          %get3A_679 = tpu.vector_load %arg11[%get3A_677, %get3A_678] {strides = array<i32>} : memref<80x64xi32, #tpu.memory_space<vmem>>, vector<16xi32>,
          %bitcast3A_680 = vector.bitcast %get3A_679 : vector<16xi32> to vector<16xi32>
          %shift_left3A_681 = arith.shli %bitcast3A_680, %broadcast_in_dim3A_11 : vector<16xi32>
          %bitcast3A_682 = vector.bitcast %shift_left3A_681 : vector<16xi32> to vector<16xf32>
          %bitcast3A_683 = vector.bitcast %bitcast3A_680 : vector<16xi32> to vector<16xf32>
          %mul3A_684 = arith.mulf %bitcast3A_675, %bitcast3A_682 : vector<16xf32>
          %mul3A_685 = arith.mulf %bitcast3A_676, %bitcast3A_683 : vector<16xf32>
          %add3A_686 = arith.addf %mul3A_684, %mul3A_685 : vector<16xf32>
          %get3A_687 = arith.index_cast %add3A_635 : i32 to index
          %get3A_688 = arith.constant 48 : index
          %get3A_689 = tpu.vector_load %arg8[%get3A_687, %get3A_688] {strides = array<i32>} : memref<80x64xi32, #tpu.memory_space<vmem>>, vector<16xi32>,
          %bitcast3A_690 = vector.bitcast %get3A_689 : vector<16xi32> to vector<16xi32>
          %shift_left3A_691 = arith.shli %bitcast3A_690, %broadcast_in_dim3A_11 : vector<16xi32>
          %bitcast3A_692 = vector.bitcast %shift_left3A_691 : vector<16xi32> to vector<16xf32>
          %bitcast3A_693 = vector.bitcast %bitcast3A_690 : vector<16xi32> to vector<16xf32>
          %get3A_694 = arith.index_cast %add3A_635 : i32 to index
          %get3A_695 = arith.constant 48 : index
          %get3A_696 = tpu.vector_load %arg11[%get3A_694, %get3A_695] {strides = array<i32>} : memref<80x64xi32, #tpu.memory_space<vmem>>, vector<16xi32>,
          %bitcast3A_697 = vector.bitcast %get3A_696 : vector<16xi32> to vector<16xi32>
          %shift_left3A_698 = arith.shli %bitcast3A_697, %broadcast_in_dim3A_11 : vector<16xi32>
          %bitcast3A_699 = vector.bitcast %shift_left3A_698 : vector<16xi32> to vector<16xf32>
          %bitcast3A_700 = vector.bitcast %bitcast3A_697 : vector<16xi32> to vector<16xf32>
          %mul3A_701 = arith.mulf %bitcast3A_692, %bitcast3A_699 : vector<16xf32>
          %mul3A_702 = arith.mulf %bitcast3A_693, %bitcast3A_700 : vector<16xf32>
          %add3A_703 = arith.addf %mul3A_701, %mul3A_702 : vector<16xf32>
          %add3A_704 = arith.addf %add3A_652, %add3A_669 : vector<16xf32>
          %add3A_705 = arith.addf %add3A_686, %add3A_703 : vector<16xf32>
          %add3A_706 = arith.addf %add3A_704, %add3A_705 : vector<16xf32>
          %swap3A_707 = arith.constant 119 : index
          %swap3A_708 = tpu.vector_load %arg14[%swap3A_707] {strides = array<i32>} : memref<272xf32, #tpu.memory_space<vmem>>, vector<16xf32>,
          tpu.vector_store %arg14[%swap3A_707], %add3A_706 {strides = array<i32>} : memref<272xf32, #tpu.memory_space<vmem>>, vector<16xf32>,
          %mul3A_709 = arith.constant 16 : i32
          %mul3A_710 = arith.muli %scan3A_96, %mul3A_709 : i32
          %add3A_711 = arith.constant 8 : i32
          %add3A_712 = arith.addi %mul3A_710, %add3A_711 : i32
          %get3A_713 = arith.index_cast %add3A_712 : i32 to index
          %get3A_714 = arith.constant 0 : index
          %get3A_715 = tpu.vector_load %arg8[%get3A_713, %get3A_714] {strides = array<i32>} : memref<80x64xi32, #tpu.memory_space<vmem>>, vector<16xi32>,
          %bitcast3A_716 = vector.bitcast %get3A_715 : vector<16xi32> to vector<16xi32>
          %shift_left3A_717 = arith.shli %bitcast3A_716, %broadcast_in_dim3A_11 : vector<16xi32>
          %bitcast3A_718 = vector.bitcast %shift_left3A_717 : vector<16xi32> to vector<16xf32>
          %bitcast3A_719 = vector.bitcast %bitcast3A_716 : vector<16xi32> to vector<16xf32>
          %get3A_720 = arith.index_cast %add3A_712 : i32 to index
          %get3A_721 = arith.constant 0 : index
          %get3A_722 = tpu.vector_load %arg11[%get3A_720, %get3A_721] {strides = array<i32>} : memref<80x64xi32, #tpu.memory_space<vmem>>, vector<16xi32>,
          %bitcast3A_723 = vector.bitcast %get3A_722 : vector<16xi32> to vector<16xi32>
          %shift_left3A_724 = arith.shli %bitcast3A_723, %broadcast_in_dim3A_11 : vector<16xi32>
          %bitcast3A_725 = vector.bitcast %shift_left3A_724 : vector<16xi32> to vector<16xf32>
          %bitcast3A_726 = vector.bitcast %bitcast3A_723 : vector<16xi32> to vector<16xf32>
          %mul3A_727 = arith.mulf %bitcast3A_718, %bitcast3A_725 : vector<16xf32>
          %mul3A_728 = arith.mulf %bitcast3A_719, %bitcast3A_726 : vector<16xf32>
          %add3A_729 = arith.addf %mul3A_727, %mul3A_728 : vector<16xf32>
          %get3A_730 = arith.index_cast %add3A_712 : i32 to index
          %get3A_731 = arith.constant 16 : index
          %get3A_732 = tpu.vector_load %arg8[%get3A_730, %get3A_731] {strides = array<i32>} : memref<80x64xi32, #tpu.memory_space<vmem>>, vector<16xi32>,
          %bitcast3A_733 = vector.bitcast %get3A_732 : vector<16xi32> to vector<16xi32>
          %shift_left3A_734 = arith.shli %bitcast3A_733, %broadcast_in_dim3A_11 : vector<16xi32>
          %bitcast3A_735 = vector.bitcast %shift_left3A_734 : vector<16xi32> to vector<16xf32>
          %bitcast3A_736 = vector.bitcast %bitcast3A_733 : vector<16xi32> to vector<16xf32>
          %get3A_737 = arith.index_cast %add3A_712 : i32 to index
          %get3A_738 = arith.constant 16 : index
          %get3A_739 = tpu.vector_load %arg11[%get3A_737, %get3A_738] {strides = array<i32>} : memref<80x64xi32, #tpu.memory_space<vmem>>, vector<16xi32>,
          %bitcast3A_740 = vector.bitcast %get3A_739 : vector<16xi32> to vector<16xi32>
          %shift_left3A_741 = arith.shli %bitcast3A_740, %broadcast_in_dim3A_11 : vector<16xi32>
          %bitcast3A_742 = vector.bitcast %shift_left3A_741 : vector<16xi32> to vector<16xf32>
          %bitcast3A_743 = vector.bitcast %bitcast3A_740 : vector<16xi32> to vector<16xf32>
          %mul3A_744 = arith.mulf %bitcast3A_735, %bitcast3A_742 : vector<16xf32>
          %mul3A_745 = arith.mulf %bitcast3A_736, %bitcast3A_743 : vector<16xf32>
          %add3A_746 = arith.addf %mul3A_744, %mul3A_745 : vector<16xf32>
          %get3A_747 = arith.index_cast %add3A_712 : i32 to index
          %get3A_748 = arith.constant 32 : index
          %get3A_749 = tpu.vector_load %arg8[%get3A_747, %get3A_748] {strides = array<i32>} : memref<80x64xi32, #tpu.memory_space<vmem>>, vector<16xi32>,
          %bitcast3A_750 = vector.bitcast %get3A_749 : vector<16xi32> to vector<16xi32>
          %shift_left3A_751 = arith.shli %bitcast3A_750, %broadcast_in_dim3A_11 : vector<16xi32>
          %bitcast3A_752 = vector.bitcast %shift_left3A_751 : vector<16xi32> to vector<16xf32>
          %bitcast3A_753 = vector.bitcast %bitcast3A_750 : vector<16xi32> to vector<16xf32>
          %get3A_754 = arith.index_cast %add3A_712 : i32 to index
          %get3A_755 = arith.constant 32 : index
          %get3A_756 = tpu.vector_load %arg11[%get3A_754, %get3A_755] {strides = array<i32>} : memref<80x64xi32, #tpu.memory_space<vmem>>, vector<16xi32>,
          %bitcast3A_757 = vector.bitcast %get3A_756 : vector<16xi32> to vector<16xi32>
          %shift_left3A_758 = arith.shli %bitcast3A_757, %broadcast_in_dim3A_11 : vector<16xi32>
          %bitcast3A_759 = vector.bitcast %shift_left3A_758 : vector<16xi32> to vector<16xf32>
          %bitcast3A_760 = vector.bitcast %bitcast3A_757 : vector<16xi32> to vector<16xf32>
          %mul3A_761 = arith.mulf %bitcast3A_752, %bitcast3A_759 : vector<16xf32>
          %mul3A_762 = arith.mulf %bitcast3A_753, %bitcast3A_760 : vector<16xf32>
          %add3A_763 = arith.addf %mul3A_761, %mul3A_762 : vector<16xf32>
          %get3A_764 = arith.index_cast %add3A_712 : i32 to index
          %get3A_765 = arith.constant 48 : index
          %get3A_766 = tpu.vector_load %arg8[%get3A_764, %get3A_765] {strides = array<i32>} : memref<80x64xi32, #tpu.memory_space<vmem>>, vector<16xi32>,
          %bitcast3A_767 = vector.bitcast %get3A_766 : vector<16xi32> to vector<16xi32>
          %shift_left3A_768 = arith.shli %bitcast3A_767, %broadcast_in_dim3A_11 : vector<16xi32>
          %bitcast3A_769 = vector.bitcast %shift_left3A_768 : vector<16xi32> to vector<16xf32>
          %bitcast3A_770 = vector.bitcast %bitcast3A_767 : vector<16xi32> to vector<16xf32>
          %get3A_771 = arith.index_cast %add3A_712 : i32 to index
          %get3A_772 = arith.constant 48 : index
          %get3A_773 = tpu.vector_load %arg11[%get3A_771, %get3A_772] {strides = array<i32>} : memref<80x64xi32, #tpu.memory_space<vmem>>, vector<16xi32>,
          %bitcast3A_774 = vector.bitcast %get3A_773 : vector<16xi32> to vector<16xi32>
          %shift_left3A_775 = arith.shli %bitcast3A_774, %broadcast_in_dim3A_11 : vector<16xi32>
          %bitcast3A_776 = vector.bitcast %shift_left3A_775 : vector<16xi32> to vector<16xf32>
          %bitcast3A_777 = vector.bitcast %bitcast3A_774 : vector<16xi32> to vector<16xf32>
          %mul3A_778 = arith.mulf %bitcast3A_769, %bitcast3A_776 : vector<16xf32>
          %mul3A_779 = arith.mulf %bitcast3A_770, %bitcast3A_777 : vector<16xf32>
          %add3A_780 = arith.addf %mul3A_778, %mul3A_779 : vector<16xf32>
          %add3A_781 = arith.addf %add3A_729, %add3A_746 : vector<16xf32>
          %add3A_782 = arith.addf %add3A_763, %add3A_780 : vector<16xf32>
          %add3A_783 = arith.addf %add3A_781, %add3A_782 : vector<16xf32>
          %swap3A_784 = arith.constant 136 : index
          %swap3A_785 = tpu.vector_load %arg14[%swap3A_784] {strides = array<i32>} : memref<272xf32, #tpu.memory_space<vmem>>, vector<16xf32>,
          tpu.vector_store %arg14[%swap3A_784], %add3A_783 {strides = array<i32>} : memref<272xf32, #tpu.memory_space<vmem>>, vector<16xf32>,
          %mul3A_786 = arith.constant 16 : i32
          %mul3A_787 = arith.muli %scan3A_96, %mul3A_786 : i32
          %add3A_788 = arith.constant 9 : i32
          %add3A_789 = arith.addi %mul3A_787, %add3A_788 : i32
          %get3A_790 = arith.index_cast %add3A_789 : i32 to index
          %get3A_791 = arith.constant 0 : index
          %get3A_792 = tpu.vector_load %arg8[%get3A_790, %get3A_791] {strides = array<i32>} : memref<80x64xi32, #tpu.memory_space<vmem>>, vector<16xi32>,
          %bitcast3A_793 = vector.bitcast %get3A_792 : vector<16xi32> to vector<16xi32>
          %shift_left3A_794 = arith.shli %bitcast3A_793, %broadcast_in_dim3A_11 : vector<16xi32>
          %bitcast3A_795 = vector.bitcast %shift_left3A_794 : vector<16xi32> to vector<16xf32>
          %bitcast3A_796 = vector.bitcast %bitcast3A_793 : vector<16xi32> to vector<16xf32>
          %get3A_797 = arith.index_cast %add3A_789 : i32 to index
          %get3A_798 = arith.constant 0 : index
          %get3A_799 = tpu.vector_load %arg11[%get3A_797, %get3A_798] {strides = array<i32>} : memref<80x64xi32, #tpu.memory_space<vmem>>, vector<16xi32>,
          %bitcast3A_800 = vector.bitcast %get3A_799 : vector<16xi32> to vector<16xi32>
          %shift_left3A_801 = arith.shli %bitcast3A_800, %broadcast_in_dim3A_11 : vector<16xi32>
          %bitcast3A_802 = vector.bitcast %shift_left3A_801 : vector<16xi32> to vector<16xf32>
          %bitcast3A_803 = vector.bitcast %bitcast3A_800 : vector<16xi32> to vector<16xf32>
          %mul3A_804 = arith.mulf %bitcast3A_795, %bitcast3A_802 : vector<16xf32>
          %mul3A_805 = arith.mulf %bitcast3A_796, %bitcast3A_803 : vector<16xf32>
          %add3A_806 = arith.addf %mul3A_804, %mul3A_805 : vector<16xf32>
          %get3A_807 = arith.index_cast %add3A_789 : i32 to index
          %get3A_808 = arith.constant 16 : index
          %get3A_809 = tpu.vector_load %arg8[%get3A_807, %get3A_808] {strides = array<i32>} : memref<80x64xi32, #tpu.memory_space<vmem>>, vector<16xi32>,
          %bitcast3A_810 = vector.bitcast %get3A_809 : vector<16xi32> to vector<16xi32>
          %shift_left3A_811 = arith.shli %bitcast3A_810, %broadcast_in_dim3A_11 : vector<16xi32>
          %bitcast3A_812 = vector.bitcast %shift_left3A_811 : vector<16xi32> to vector<16xf32>
          %bitcast3A_813 = vector.bitcast %bitcast3A_810 : vector<16xi32> to vector<16xf32>
          %get3A_814 = arith.index_cast %add3A_789 : i32 to index
          %get3A_815 = arith.constant 16 : index
          %get3A_816 = tpu.vector_load %arg11[%get3A_814, %get3A_815] {strides = array<i32>} : memref<80x64xi32, #tpu.memory_space<vmem>>, vector<16xi32>,
          %bitcast3A_817 = vector.bitcast %get3A_816 : vector<16xi32> to vector<16xi32>
          %shift_left3A_818 = arith.shli %bitcast3A_817, %broadcast_in_dim3A_11 : vector<16xi32>
          %bitcast3A_819 = vector.bitcast %shift_left3A_818 : vector<16xi32> to vector<16xf32>
          %bitcast3A_820 = vector.bitcast %bitcast3A_817 : vector<16xi32> to vector<16xf32>
          %mul3A_821 = arith.mulf %bitcast3A_812, %bitcast3A_819 : vector<16xf32>
          %mul3A_822 = arith.mulf %bitcast3A_813, %bitcast3A_820 : vector<16xf32>
          %add3A_823 = arith.addf %mul3A_821, %mul3A_822 : vector<16xf32>
          %get3A_824 = arith.index_cast %add3A_789 : i32 to index
          %get3A_825 = arith.constant 32 : index
          %get3A_826 = tpu.vector_load %arg8[%get3A_824, %get3A_825] {strides = array<i32>} : memref<80x64xi32, #tpu.memory_space<vmem>>, vector<16xi32>,
          %bitcast3A_827 = vector.bitcast %get3A_826 : vector<16xi32> to vector<16xi32>
          %shift_left3A_828 = arith.shli %bitcast3A_827, %broadcast_in_dim3A_11 : vector<16xi32>
          %bitcast3A_829 = vector.bitcast %shift_left3A_828 : vector<16xi32> to vector<16xf32>
          %bitcast3A_830 = vector.bitcast %bitcast3A_827 : vector<16xi32> to vector<16xf32>
          %get3A_831 = arith.index_cast %add3A_789 : i32 to index
          %get3A_832 = arith.constant 32 : index
          %get3A_833 = tpu.vector_load %arg11[%get3A_831, %get3A_832] {strides = array<i32>} : memref<80x64xi32, #tpu.memory_space<vmem>>, vector<16xi32>,
          %bitcast3A_834 = vector.bitcast %get3A_833 : vector<16xi32> to vector<16xi32>
          %shift_left3A_835 = arith.shli %bitcast3A_834, %broadcast_in_dim3A_11 : vector<16xi32>
          %bitcast3A_836 = vector.bitcast %shift_left3A_835 : vector<16xi32> to vector<16xf32>
          %bitcast3A_837 = vector.bitcast %bitcast3A_834 : vector<16xi32> to vector<16xf32>
          %mul3A_838 = arith.mulf %bitcast3A_829, %bitcast3A_836 : vector<16xf32>
          %mul3A_839 = arith.mulf %bitcast3A_830, %bitcast3A_837 : vector<16xf32>
          %add3A_840 = arith.addf %mul3A_838, %mul3A_839 : vector<16xf32>
          %get3A_841 = arith.index_cast %add3A_789 : i32 to index
          %get3A_842 = arith.constant 48 : index
          %get3A_843 = tpu.vector_load %arg8[%get3A_841, %get3A_842] {strides = array<i32>} : memref<80x64xi32, #tpu.memory_space<vmem>>, vector<16xi32>,
          %bitcast3A_844 = vector.bitcast %get3A_843 : vector<16xi32> to vector<16xi32>
          %shift_left3A_845 = arith.shli %bitcast3A_844, %broadcast_in_dim3A_11 : vector<16xi32>
          %bitcast3A_846 = vector.bitcast %shift_left3A_845 : vector<16xi32> to vector<16xf32>
          %bitcast3A_847 = vector.bitcast %bitcast3A_844 : vector<16xi32> to vector<16xf32>
          %get3A_848 = arith.index_cast %add3A_789 : i32 to index
          %get3A_849 = arith.constant 48 : index
          %get3A_850 = tpu.vector_load %arg11[%get3A_848, %get3A_849] {strides = array<i32>} : memref<80x64xi32, #tpu.memory_space<vmem>>, vector<16xi32>,
          %bitcast3A_851 = vector.bitcast %get3A_850 : vector<16xi32> to vector<16xi32>
          %shift_left3A_852 = arith.shli %bitcast3A_851, %broadcast_in_dim3A_11 : vector<16xi32>
          %bitcast3A_853 = vector.bitcast %shift_left3A_852 : vector<16xi32> to vector<16xf32>
          %bitcast3A_854 = vector.bitcast %bitcast3A_851 : vector<16xi32> to vector<16xf32>
          %mul3A_855 = arith.mulf %bitcast3A_846, %bitcast3A_853 : vector<16xf32>
          %mul3A_856 = arith.mulf %bitcast3A_847, %bitcast3A_854 : vector<16xf32>
          %add3A_857 = arith.addf %mul3A_855, %mul3A_856 : vector<16xf32>
          %add3A_858 = arith.addf %add3A_806, %add3A_823 : vector<16xf32>
          %add3A_859 = arith.addf %add3A_840, %add3A_857 : vector<16xf32>
          %add3A_860 = arith.addf %add3A_858, %add3A_859 : vector<16xf32>
          %swap3A_861 = arith.constant 153 : index
          %swap3A_862 = tpu.vector_load %arg14[%swap3A_861] {strides = array<i32>} : memref<272xf32, #tpu.memory_space<vmem>>, vector<16xf32>,
          tpu.vector_store %arg14[%swap3A_861], %add3A_860 {strides = array<i32>} : memref<272xf32, #tpu.memory_space<vmem>>, vector<16xf32>,
          %mul3A_863 = arith.constant 16 : i32
          %mul3A_864 = arith.muli %scan3A_96, %mul3A_863 : i32
          %add3A_865 = arith.constant 10 : i32
          %add3A_866 = arith.addi %mul3A_864, %add3A_865 : i32
          %get3A_867 = arith.index_cast %add3A_866 : i32 to index
          %get3A_868 = arith.constant 0 : index
          %get3A_869 = tpu.vector_load %arg8[%get3A_867, %get3A_868] {strides = array<i32>} : memref<80x64xi32, #tpu.memory_space<vmem>>, vector<16xi32>,
          %bitcast3A_870 = vector.bitcast %get3A_869 : vector<16xi32> to vector<16xi32>
          %shift_left3A_871 = arith.shli %bitcast3A_870, %broadcast_in_dim3A_11 : vector<16xi32>
          %bitcast3A_872 = vector.bitcast %shift_left3A_871 : vector<16xi32> to vector<16xf32>
          %bitcast3A_873 = vector.bitcast %bitcast3A_870 : vector<16xi32> to vector<16xf32>
          %get3A_874 = arith.index_cast %add3A_866 : i32 to index
          %get3A_875 = arith.constant 0 : index
          %get3A_876 = tpu.vector_load %arg11[%get3A_874, %get3A_875] {strides = array<i32>} : memref<80x64xi32, #tpu.memory_space<vmem>>, vector<16xi32>,
          %bitcast3A_877 = vector.bitcast %get3A_876 : vector<16xi32> to vector<16xi32>
          %shift_left3A_878 = arith.shli %bitcast3A_877, %broadcast_in_dim3A_11 : vector<16xi32>
          %bitcast3A_879 = vector.bitcast %shift_left3A_878 : vector<16xi32> to vector<16xf32>
          %bitcast3A_880 = vector.bitcast %bitcast3A_877 : vector<16xi32> to vector<16xf32>
          %mul3A_881 = arith.mulf %bitcast3A_872, %bitcast3A_879 : vector<16xf32>
          %mul3A_882 = arith.mulf %bitcast3A_873, %bitcast3A_880 : vector<16xf32>
          %add3A_883 = arith.addf %mul3A_881, %mul3A_882 : vector<16xf32>
          %get3A_884 = arith.index_cast %add3A_866 : i32 to index
          %get3A_885 = arith.constant 16 : index
          %get3A_886 = tpu.vector_load %arg8[%get3A_884, %get3A_885] {strides = array<i32>} : memref<80x64xi32, #tpu.memory_space<vmem>>, vector<16xi32>,
          %bitcast3A_887 = vector.bitcast %get3A_886 : vector<16xi32> to vector<16xi32>
          %shift_left3A_888 = arith.shli %bitcast3A_887, %broadcast_in_dim3A_11 : vector<16xi32>
          %bitcast3A_889 = vector.bitcast %shift_left3A_888 : vector<16xi32> to vector<16xf32>
          %bitcast3A_890 = vector.bitcast %bitcast3A_887 : vector<16xi32> to vector<16xf32>
          %get3A_891 = arith.index_cast %add3A_866 : i32 to index
          %get3A_892 = arith.constant 16 : index
          %get3A_893 = tpu.vector_load %arg11[%get3A_891, %get3A_892] {strides = array<i32>} : memref<80x64xi32, #tpu.memory_space<vmem>>, vector<16xi32>,
          %bitcast3A_894 = vector.bitcast %get3A_893 : vector<16xi32> to vector<16xi32>
          %shift_left3A_895 = arith.shli %bitcast3A_894, %broadcast_in_dim3A_11 : vector<16xi32>
          %bitcast3A_896 = vector.bitcast %shift_left3A_895 : vector<16xi32> to vector<16xf32>
          %bitcast3A_897 = vector.bitcast %bitcast3A_894 : vector<16xi32> to vector<16xf32>
          %mul3A_898 = arith.mulf %bitcast3A_889, %bitcast3A_896 : vector<16xf32>
          %mul3A_899 = arith.mulf %bitcast3A_890, %bitcast3A_897 : vector<16xf32>
          %add3A_900 = arith.addf %mul3A_898, %mul3A_899 : vector<16xf32>
          %get3A_901 = arith.index_cast %add3A_866 : i32 to index
          %get3A_902 = arith.constant 32 : index
          %get3A_903 = tpu.vector_load %arg8[%get3A_901, %get3A_902] {strides = array<i32>} : memref<80x64xi32, #tpu.memory_space<vmem>>, vector<16xi32>,
          %bitcast3A_904 = vector.bitcast %get3A_903 : vector<16xi32> to vector<16xi32>
          %shift_left3A_905 = arith.shli %bitcast3A_904, %broadcast_in_dim3A_11 : vector<16xi32>
          %bitcast3A_906 = vector.bitcast %shift_left3A_905 : vector<16xi32> to vector<16xf32>
          %bitcast3A_907 = vector.bitcast %bitcast3A_904 : vector<16xi32> to vector<16xf32>
          %get3A_908 = arith.index_cast %add3A_866 : i32 to index
          %get3A_909 = arith.constant 32 : index
          %get3A_910 = tpu.vector_load %arg11[%get3A_908, %get3A_909] {strides = array<i32>} : memref<80x64xi32, #tpu.memory_space<vmem>>, vector<16xi32>,
          %bitcast3A_911 = vector.bitcast %get3A_910 : vector<16xi32> to vector<16xi32>
          %shift_left3A_912 = arith.shli %bitcast3A_911, %broadcast_in_dim3A_11 : vector<16xi32>
          %bitcast3A_913 = vector.bitcast %shift_left3A_912 : vector<16xi32> to vector<16xf32>
          %bitcast3A_914 = vector.bitcast %bitcast3A_911 : vector<16xi32> to vector<16xf32>
          %mul3A_915 = arith.mulf %bitcast3A_906, %bitcast3A_913 : vector<16xf32>
          %mul3A_916 = arith.mulf %bitcast3A_907, %bitcast3A_914 : vector<16xf32>
          %add3A_917 = arith.addf %mul3A_915, %mul3A_916 : vector<16xf32>
          %get3A_918 = arith.index_cast %add3A_866 : i32 to index
          %get3A_919 = arith.constant 48 : index
          %get3A_920 = tpu.vector_load %arg8[%get3A_918, %get3A_919] {strides = array<i32>} : memref<80x64xi32, #tpu.memory_space<vmem>>, vector<16xi32>,
          %bitcast3A_921 = vector.bitcast %get3A_920 : vector<16xi32> to vector<16xi32>
          %shift_left3A_922 = arith.shli %bitcast3A_921, %broadcast_in_dim3A_11 : vector<16xi32>
          %bitcast3A_923 = vector.bitcast %shift_left3A_922 : vector<16xi32> to vector<16xf32>
          %bitcast3A_924 = vector.bitcast %bitcast3A_921 : vector<16xi32> to vector<16xf32>
          %get3A_925 = arith.index_cast %add3A_866 : i32 to index
          %get3A_926 = arith.constant 48 : index
          %get3A_927 = tpu.vector_load %arg11[%get3A_925, %get3A_926] {strides = array<i32>} : memref<80x64xi32, #tpu.memory_space<vmem>>, vector<16xi32>,
          %bitcast3A_928 = vector.bitcast %get3A_927 : vector<16xi32> to vector<16xi32>
          %shift_left3A_929 = arith.shli %bitcast3A_928, %broadcast_in_dim3A_11 : vector<16xi32>
          %bitcast3A_930 = vector.bitcast %shift_left3A_929 : vector<16xi32> to vector<16xf32>
          %bitcast3A_931 = vector.bitcast %bitcast3A_928 : vector<16xi32> to vector<16xf32>
          %mul3A_932 = arith.mulf %bitcast3A_923, %bitcast3A_930 : vector<16xf32>
          %mul3A_933 = arith.mulf %bitcast3A_924, %bitcast3A_931 : vector<16xf32>
          %add3A_934 = arith.addf %mul3A_932, %mul3A_933 : vector<16xf32>
          %add3A_935 = arith.addf %add3A_883, %add3A_900 : vector<16xf32>
          %add3A_936 = arith.addf %add3A_917, %add3A_934 : vector<16xf32>
          %add3A_937 = arith.addf %add3A_935, %add3A_936 : vector<16xf32>
          %swap3A_938 = arith.constant 170 : index
          %swap3A_939 = tpu.vector_load %arg14[%swap3A_938] {strides = array<i32>} : memref<272xf32, #tpu.memory_space<vmem>>, vector<16xf32>,
          tpu.vector_store %arg14[%swap3A_938], %add3A_937 {strides = array<i32>} : memref<272xf32, #tpu.memory_space<vmem>>, vector<16xf32>,
          %mul3A_940 = arith.constant 16 : i32
          %mul3A_941 = arith.muli %scan3A_96, %mul3A_940 : i32
          %add3A_942 = arith.constant 11 : i32
          %add3A_943 = arith.addi %mul3A_941, %add3A_942 : i32
          %get3A_944 = arith.index_cast %add3A_943 : i32 to index
          %get3A_945 = arith.constant 0 : index
          %get3A_946 = tpu.vector_load %arg8[%get3A_944, %get3A_945] {strides = array<i32>} : memref<80x64xi32, #tpu.memory_space<vmem>>, vector<16xi32>,
          %bitcast3A_947 = vector.bitcast %get3A_946 : vector<16xi32> to vector<16xi32>
          %shift_left3A_948 = arith.shli %bitcast3A_947, %broadcast_in_dim3A_11 : vector<16xi32>
          %bitcast3A_949 = vector.bitcast %shift_left3A_948 : vector<16xi32> to vector<16xf32>
          %bitcast3A_950 = vector.bitcast %bitcast3A_947 : vector<16xi32> to vector<16xf32>
          %get3A_951 = arith.index_cast %add3A_943 : i32 to index
          %get3A_952 = arith.constant 0 : index
          %get3A_953 = tpu.vector_load %arg11[%get3A_951, %get3A_952] {strides = array<i32>} : memref<80x64xi32, #tpu.memory_space<vmem>>, vector<16xi32>,
          %bitcast3A_954 = vector.bitcast %get3A_953 : vector<16xi32> to vector<16xi32>
          %shift_left3A_955 = arith.shli %bitcast3A_954, %broadcast_in_dim3A_11 : vector<16xi32>
          %bitcast3A_956 = vector.bitcast %shift_left3A_955 : vector<16xi32> to vector<16xf32>
          %bitcast3A_957 = vector.bitcast %bitcast3A_954 : vector<16xi32> to vector<16xf32>
          %mul3A_958 = arith.mulf %bitcast3A_949, %bitcast3A_956 : vector<16xf32>
          %mul3A_959 = arith.mulf %bitcast3A_950, %bitcast3A_957 : vector<16xf32>
          %add3A_960 = arith.addf %mul3A_958, %mul3A_959 : vector<16xf32>
          %get3A_961 = arith.index_cast %add3A_943 : i32 to index
          %get3A_962 = arith.constant 16 : index
          %get3A_963 = tpu.vector_load %arg8[%get3A_961, %get3A_962] {strides = array<i32>} : memref<80x64xi32, #tpu.memory_space<vmem>>, vector<16xi32>,
          %bitcast3A_964 = vector.bitcast %get3A_963 : vector<16xi32> to vector<16xi32>
          %shift_left3A_965 = arith.shli %bitcast3A_964, %broadcast_in_dim3A_11 : vector<16xi32>
          %bitcast3A_966 = vector.bitcast %shift_left3A_965 : vector<16xi32> to vector<16xf32>
          %bitcast3A_967 = vector.bitcast %bitcast3A_964 : vector<16xi32> to vector<16xf32>
          %get3A_968 = arith.index_cast %add3A_943 : i32 to index
          %get3A_969 = arith.constant 16 : index
          %get3A_970 = tpu.vector_load %arg11[%get3A_968, %get3A_969] {strides = array<i32>} : memref<80x64xi32, #tpu.memory_space<vmem>>, vector<16xi32>,
          %bitcast3A_971 = vector.bitcast %get3A_970 : vector<16xi32> to vector<16xi32>
          %shift_left3A_972 = arith.shli %bitcast3A_971, %broadcast_in_dim3A_11 : vector<16xi32>
          %bitcast3A_973 = vector.bitcast %shift_left3A_972 : vector<16xi32> to vector<16xf32>
          %bitcast3A_974 = vector.bitcast %bitcast3A_971 : vector<16xi32> to vector<16xf32>
          %mul3A_975 = arith.mulf %bitcast3A_966, %bitcast3A_973 : vector<16xf32>
          %mul3A_976 = arith.mulf %bitcast3A_967, %bitcast3A_974 : vector<16xf32>
          %add3A_977 = arith.addf %mul3A_975, %mul3A_976 : vector<16xf32>
          %get3A_978 = arith.index_cast %add3A_943 : i32 to index
          %get3A_979 = arith.constant 32 : index
          %get3A_980 = tpu.vector_load %arg8[%get3A_978, %get3A_979] {strides = array<i32>} : memref<80x64xi32, #tpu.memory_space<vmem>>, vector<16xi32>,
          %bitcast3A_981 = vector.bitcast %get3A_980 : vector<16xi32> to vector<16xi32>
          %shift_left3A_982 = arith.shli %bitcast3A_981, %broadcast_in_dim3A_11 : vector<16xi32>
          %bitcast3A_983 = vector.bitcast %shift_left3A_982 : vector<16xi32> to vector<16xf32>
          %bitcast3A_984 = vector.bitcast %bitcast3A_981 : vector<16xi32> to vector<16xf32>
          %get3A_985 = arith.index_cast %add3A_943 : i32 to index
          %get3A_986 = arith.constant 32 : index
          %get3A_987 = tpu.vector_load %arg11[%get3A_985, %get3A_986] {strides = array<i32>} : memref<80x64xi32, #tpu.memory_space<vmem>>, vector<16xi32>,
          %bitcast3A_988 = vector.bitcast %get3A_987 : vector<16xi32> to vector<16xi32>
          %shift_left3A_989 = arith.shli %bitcast3A_988, %broadcast_in_dim3A_11 : vector<16xi32>
          %bitcast3A_990 = vector.bitcast %shift_left3A_989 : vector<16xi32> to vector<16xf32>
          %bitcast3A_991 = vector.bitcast %bitcast3A_988 : vector<16xi32> to vector<16xf32>
          %mul3A_992 = arith.mulf %bitcast3A_983, %bitcast3A_990 : vector<16xf32>
          %mul3A_993 = arith.mulf %bitcast3A_984, %bitcast3A_991 : vector<16xf32>
          %add3A_994 = arith.addf %mul3A_992, %mul3A_993 : vector<16xf32>
          %get3A_995 = arith.index_cast %add3A_943 : i32 to index
          %get3A_996 = arith.constant 48 : index
          %get3A_997 = tpu.vector_load %arg8[%get3A_995, %get3A_996] {strides = array<i32>} : memref<80x64xi32, #tpu.memory_space<vmem>>, vector<16xi32>,
          %bitcast3A_998 = vector.bitcast %get3A_997 : vector<16xi32> to vector<16xi32>
          %shift_left3A_999 = arith.shli %bitcast3A_998, %broadcast_in_dim3A_11 : vector<16xi32>
          %bitcast3A_1000 = vector.bitcast %shift_left3A_999 : vector<16xi32> to vector<16xf32>
          %bitcast3A_1001 = vector.bitcast %bitcast3A_998 : vector<16xi32> to vector<16xf32>
          %get3A_1002 = arith.index_cast %add3A_943 : i32 to index
          %get3A_1003 = arith.constant 48 : index
          %get3A_1004 = tpu.vector_load %arg11[%get3A_1002, %get3A_1003] {strides = array<i32>} : memref<80x64xi32, #tpu.memory_space<vmem>>, vector<16xi32>,
          %bitcast3A_1005 = vector.bitcast %get3A_1004 : vector<16xi32> to vector<16xi32>
          %shift_left3A_1006 = arith.shli %bitcast3A_1005, %broadcast_in_dim3A_11 : vector<16xi32>
          %bitcast3A_1007 = vector.bitcast %shift_left3A_1006 : vector<16xi32> to vector<16xf32>
          %bitcast3A_1008 = vector.bitcast %bitcast3A_1005 : vector<16xi32> to vector<16xf32>
          %mul3A_1009 = arith.mulf %bitcast3A_1000, %bitcast3A_1007 : vector<16xf32>
          %mul3A_1010 = arith.mulf %bitcast3A_1001, %bitcast3A_1008 : vector<16xf32>
          %add3A_1011 = arith.addf %mul3A_1009, %mul3A_1010 : vector<16xf32>
          %add3A_1012 = arith.addf %add3A_960, %add3A_977 : vector<16xf32>
          %add3A_1013 = arith.addf %add3A_994, %add3A_1011 : vector<16xf32>
          %add3A_1014 = arith.addf %add3A_1012, %add3A_1013 : vector<16xf32>
          %swap3A_1015 = arith.constant 187 : index
          %swap3A_1016 = tpu.vector_load %arg14[%swap3A_1015] {strides = array<i32>} : memref<272xf32, #tpu.memory_space<vmem>>, vector<16xf32>,
          tpu.vector_store %arg14[%swap3A_1015], %add3A_1014 {strides = array<i32>} : memref<272xf32, #tpu.memory_space<vmem>>, vector<16xf32>,
          %mul3A_1017 = arith.constant 16 : i32
          %mul3A_1018 = arith.muli %scan3A_96, %mul3A_1017 : i32
          %add3A_1019 = arith.constant 12 : i32
          %add3A_1020 = arith.addi %mul3A_1018, %add3A_1019 : i32
          %get3A_1021 = arith.index_cast %add3A_1020 : i32 to index
          %get3A_1022 = arith.constant 0 : index
          %get3A_1023 = tpu.vector_load %arg8[%get3A_1021, %get3A_1022] {strides = array<i32>} : memref<80x64xi32, #tpu.memory_space<vmem>>, vector<16xi32>,
          %bitcast3A_1024 = vector.bitcast %get3A_1023 : vector<16xi32> to vector<16xi32>
          %shift_left3A_1025 = arith.shli %bitcast3A_1024, %broadcast_in_dim3A_11 : vector<16xi32>
          %bitcast3A_1026 = vector.bitcast %shift_left3A_1025 : vector<16xi32> to vector<16xf32>
          %bitcast3A_1027 = vector.bitcast %bitcast3A_1024 : vector<16xi32> to vector<16xf32>
          %get3A_1028 = arith.index_cast %add3A_1020 : i32 to index
          %get3A_1029 = arith.constant 0 : index
          %get3A_1030 = tpu.vector_load %arg11[%get3A_1028, %get3A_1029] {strides = array<i32>} : memref<80x64xi32, #tpu.memory_space<vmem>>, vector<16xi32>,
          %bitcast3A_1031 = vector.bitcast %get3A_1030 : vector<16xi32> to vector<16xi32>
          %shift_left3A_1032 = arith.shli %bitcast3A_1031, %broadcast_in_dim3A_11 : vector<16xi32>
          %bitcast3A_1033 = vector.bitcast %shift_left3A_1032 : vector<16xi32> to vector<16xf32>
          %bitcast3A_1034 = vector.bitcast %bitcast3A_1031 : vector<16xi32> to vector<16xf32>
          %mul3A_1035 = arith.mulf %bitcast3A_1026, %bitcast3A_1033 : vector<16xf32>
          %mul3A_1036 = arith.mulf %bitcast3A_1027, %bitcast3A_1034 : vector<16xf32>
          %add3A_1037 = arith.addf %mul3A_1035, %mul3A_1036 : vector<16xf32>
          %get3A_1038 = arith.index_cast %add3A_1020 : i32 to index
          %get3A_1039 = arith.constant 16 : index
          %get3A_1040 = tpu.vector_load %arg8[%get3A_1038, %get3A_1039] {strides = array<i32>} : memref<80x64xi32, #tpu.memory_space<vmem>>, vector<16xi32>,
          %bitcast3A_1041 = vector.bitcast %get3A_1040 : vector<16xi32> to vector<16xi32>
          %shift_left3A_1042 = arith.shli %bitcast3A_1041, %broadcast_in_dim3A_11 : vector<16xi32>
          %bitcast3A_1043 = vector.bitcast %shift_left3A_1042 : vector<16xi32> to vector<16xf32>
          %bitcast3A_1044 = vector.bitcast %bitcast3A_1041 : vector<16xi32> to vector<16xf32>
          %get3A_1045 = arith.index_cast %add3A_1020 : i32 to index
          %get3A_1046 = arith.constant 16 : index
          %get3A_1047 = tpu.vector_load %arg11[%get3A_1045, %get3A_1046] {strides = array<i32>} : memref<80x64xi32, #tpu.memory_space<vmem>>, vector<16xi32>,
          %bitcast3A_1048 = vector.bitcast %get3A_1047 : vector<16xi32> to vector<16xi32>
          %shift_left3A_1049 = arith.shli %bitcast3A_1048, %broadcast_in_dim3A_11 : vector<16xi32>
          %bitcast3A_1050 = vector.bitcast %shift_left3A_1049 : vector<16xi32> to vector<16xf32>
          %bitcast3A_1051 = vector.bitcast %bitcast3A_1048 : vector<16xi32> to vector<16xf32>
          %mul3A_1052 = arith.mulf %bitcast3A_1043, %bitcast3A_1050 : vector<16xf32>
          %mul3A_1053 = arith.mulf %bitcast3A_1044, %bitcast3A_1051 : vector<16xf32>
          %add3A_1054 = arith.addf %mul3A_1052, %mul3A_1053 : vector<16xf32>
          %get3A_1055 = arith.index_cast %add3A_1020 : i32 to index
          %get3A_1056 = arith.constant 32 : index
          %get3A_1057 = tpu.vector_load %arg8[%get3A_1055, %get3A_1056] {strides = array<i32>} : memref<80x64xi32, #tpu.memory_space<vmem>>, vector<16xi32>,
          %bitcast3A_1058 = vector.bitcast %get3A_1057 : vector<16xi32> to vector<16xi32>
          %shift_left3A_1059 = arith.shli %bitcast3A_1058, %broadcast_in_dim3A_11 : vector<16xi32>
          %bitcast3A_1060 = vector.bitcast %shift_left3A_1059 : vector<16xi32> to vector<16xf32>
          %bitcast3A_1061 = vector.bitcast %bitcast3A_1058 : vector<16xi32> to vector<16xf32>
          %get3A_1062 = arith.index_cast %add3A_1020 : i32 to index
          %get3A_1063 = arith.constant 32 : index
          %get3A_1064 = tpu.vector_load %arg11[%get3A_1062, %get3A_1063] {strides = array<i32>} : memref<80x64xi32, #tpu.memory_space<vmem>>, vector<16xi32>,
          %bitcast3A_1065 = vector.bitcast %get3A_1064 : vector<16xi32> to vector<16xi32>
          %shift_left3A_1066 = arith.shli %bitcast3A_1065, %broadcast_in_dim3A_11 : vector<16xi32>
          %bitcast3A_1067 = vector.bitcast %shift_left3A_1066 : vector<16xi32> to vector<16xf32>
          %bitcast3A_1068 = vector.bitcast %bitcast3A_1065 : vector<16xi32> to vector<16xf32>
          %mul3A_1069 = arith.mulf %bitcast3A_1060, %bitcast3A_1067 : vector<16xf32>
          %mul3A_1070 = arith.mulf %bitcast3A_1061, %bitcast3A_1068 : vector<16xf32>
          %add3A_1071 = arith.addf %mul3A_1069, %mul3A_1070 : vector<16xf32>
          %get3A_1072 = arith.index_cast %add3A_1020 : i32 to index
          %get3A_1073 = arith.constant 48 : index
          %get3A_1074 = tpu.vector_load %arg8[%get3A_1072, %get3A_1073] {strides = array<i32>} : memref<80x64xi32, #tpu.memory_space<vmem>>, vector<16xi32>,
          %bitcast3A_1075 = vector.bitcast %get3A_1074 : vector<16xi32> to vector<16xi32>
          %shift_left3A_1076 = arith.shli %bitcast3A_1075, %broadcast_in_dim3A_11 : vector<16xi32>
          %bitcast3A_1077 = vector.bitcast %shift_left3A_1076 : vector<16xi32> to vector<16xf32>
          %bitcast3A_1078 = vector.bitcast %bitcast3A_1075 : vector<16xi32> to vector<16xf32>
          %get3A_1079 = arith.index_cast %add3A_1020 : i32 to index
          %get3A_1080 = arith.constant 48 : index
          %get3A_1081 = tpu.vector_load %arg11[%get3A_1079, %get3A_1080] {strides = array<i32>} : memref<80x64xi32, #tpu.memory_space<vmem>>, vector<16xi32>,
          %bitcast3A_1082 = vector.bitcast %get3A_1081 : vector<16xi32> to vector<16xi32>
          %shift_left3A_1083 = arith.shli %bitcast3A_1082, %broadcast_in_dim3A_11 : vector<16xi32>
          %bitcast3A_1084 = vector.bitcast %shift_left3A_1083 : vector<16xi32> to vector<16xf32>
          %bitcast3A_1085 = vector.bitcast %bitcast3A_1082 : vector<16xi32> to vector<16xf32>
          %mul3A_1086 = arith.mulf %bitcast3A_1077, %bitcast3A_1084 : vector<16xf32>
          %mul3A_1087 = arith.mulf %bitcast3A_1078, %bitcast3A_1085 : vector<16xf32>
          %add3A_1088 = arith.addf %mul3A_1086, %mul3A_1087 : vector<16xf32>
          %add3A_1089 = arith.addf %add3A_1037, %add3A_1054 : vector<16xf32>
          %add3A_1090 = arith.addf %add3A_1071, %add3A_1088 : vector<16xf32>
          %add3A_1091 = arith.addf %add3A_1089, %add3A_1090 : vector<16xf32>
          %swap3A_1092 = arith.constant 204 : index
          %swap3A_1093 = tpu.vector_load %arg14[%swap3A_1092] {strides = array<i32>} : memref<272xf32, #tpu.memory_space<vmem>>, vector<16xf32>,
          tpu.vector_store %arg14[%swap3A_1092], %add3A_1091 {strides = array<i32>} : memref<272xf32, #tpu.memory_space<vmem>>, vector<16xf32>,
          %mul3A_1094 = arith.constant 16 : i32
          %mul3A_1095 = arith.muli %scan3A_96, %mul3A_1094 : i32
          %add3A_1096 = arith.constant 13 : i32
          %add3A_1097 = arith.addi %mul3A_1095, %add3A_1096 : i32
          %get3A_1098 = arith.index_cast %add3A_1097 : i32 to index
          %get3A_1099 = arith.constant 0 : index
          %get3A_1100 = tpu.vector_load %arg8[%get3A_1098, %get3A_1099] {strides = array<i32>} : memref<80x64xi32, #tpu.memory_space<vmem>>, vector<16xi32>,
          %bitcast3A_1101 = vector.bitcast %get3A_1100 : vector<16xi32> to vector<16xi32>
          %shift_left3A_1102 = arith.shli %bitcast3A_1101, %broadcast_in_dim3A_11 : vector<16xi32>
          %bitcast3A_1103 = vector.bitcast %shift_left3A_1102 : vector<16xi32> to vector<16xf32>
          %bitcast3A_1104 = vector.bitcast %bitcast3A_1101 : vector<16xi32> to vector<16xf32>
          %get3A_1105 = arith.index_cast %add3A_1097 : i32 to index
          %get3A_1106 = arith.constant 0 : index
          %get3A_1107 = tpu.vector_load %arg11[%get3A_1105, %get3A_1106] {strides = array<i32>} : memref<80x64xi32, #tpu.memory_space<vmem>>, vector<16xi32>,
          %bitcast3A_1108 = vector.bitcast %get3A_1107 : vector<16xi32> to vector<16xi32>
          %shift_left3A_1109 = arith.shli %bitcast3A_1108, %broadcast_in_dim3A_11 : vector<16xi32>
          %bitcast3A_1110 = vector.bitcast %shift_left3A_1109 : vector<16xi32> to vector<16xf32>
          %bitcast3A_1111 = vector.bitcast %bitcast3A_1108 : vector<16xi32> to vector<16xf32>
          %mul3A_1112 = arith.mulf %bitcast3A_1103, %bitcast3A_1110 : vector<16xf32>
          %mul3A_1113 = arith.mulf %bitcast3A_1104, %bitcast3A_1111 : vector<16xf32>
          %add3A_1114 = arith.addf %mul3A_1112, %mul3A_1113 : vector<16xf32>
          %get3A_1115 = arith.index_cast %add3A_1097 : i32 to index
          %get3A_1116 = arith.constant 16 : index
          %get3A_1117 = tpu.vector_load %arg8[%get3A_1115, %get3A_1116] {strides = array<i32>} : memref<80x64xi32, #tpu.memory_space<vmem>>, vector<16xi32>,
          %bitcast3A_1118 = vector.bitcast %get3A_1117 : vector<16xi32> to vector<16xi32>
          %shift_left3A_1119 = arith.shli %bitcast3A_1118, %broadcast_in_dim3A_11 : vector<16xi32>
          %bitcast3A_1120 = vector.bitcast %shift_left3A_1119 : vector<16xi32> to vector<16xf32>
          %bitcast3A_1121 = vector.bitcast %bitcast3A_1118 : vector<16xi32> to vector<16xf32>
          %get3A_1122 = arith.index_cast %add3A_1097 : i32 to index
          %get3A_1123 = arith.constant 16 : index
          %get3A_1124 = tpu.vector_load %arg11[%get3A_1122, %get3A_1123] {strides = array<i32>} : memref<80x64xi32, #tpu.memory_space<vmem>>, vector<16xi32>,
          %bitcast3A_1125 = vector.bitcast %get3A_1124 : vector<16xi32> to vector<16xi32>
          %shift_left3A_1126 = arith.shli %bitcast3A_1125, %broadcast_in_dim3A_11 : vector<16xi32>
          %bitcast3A_1127 = vector.bitcast %shift_left3A_1126 : vector<16xi32> to vector<16xf32>
          %bitcast3A_1128 = vector.bitcast %bitcast3A_1125 : vector<16xi32> to vector<16xf32>
          %mul3A_1129 = arith.mulf %bitcast3A_1120, %bitcast3A_1127 : vector<16xf32>
          %mul3A_1130 = arith.mulf %bitcast3A_1121, %bitcast3A_1128 : vector<16xf32>
          %add3A_1131 = arith.addf %mul3A_1129, %mul3A_1130 : vector<16xf32>
          %get3A_1132 = arith.index_cast %add3A_1097 : i32 to index
          %get3A_1133 = arith.constant 32 : index
          %get3A_1134 = tpu.vector_load %arg8[%get3A_1132, %get3A_1133] {strides = array<i32>} : memref<80x64xi32, #tpu.memory_space<vmem>>, vector<16xi32>,
          %bitcast3A_1135 = vector.bitcast %get3A_1134 : vector<16xi32> to vector<16xi32>
          %shift_left3A_1136 = arith.shli %bitcast3A_1135, %broadcast_in_dim3A_11 : vector<16xi32>
          %bitcast3A_1137 = vector.bitcast %shift_left3A_1136 : vector<16xi32> to vector<16xf32>
          %bitcast3A_1138 = vector.bitcast %bitcast3A_1135 : vector<16xi32> to vector<16xf32>
          %get3A_1139 = arith.index_cast %add3A_1097 : i32 to index
          %get3A_1140 = arith.constant 32 : index
          %get3A_1141 = tpu.vector_load %arg11[%get3A_1139, %get3A_1140] {strides = array<i32>} : memref<80x64xi32, #tpu.memory_space<vmem>>, vector<16xi32>,
          %bitcast3A_1142 = vector.bitcast %get3A_1141 : vector<16xi32> to vector<16xi32>
          %shift_left3A_1143 = arith.shli %bitcast3A_1142, %broadcast_in_dim3A_11 : vector<16xi32>
          %bitcast3A_1144 = vector.bitcast %shift_left3A_1143 : vector<16xi32> to vector<16xf32>
          %bitcast3A_1145 = vector.bitcast %bitcast3A_1142 : vector<16xi32> to vector<16xf32>
          %mul3A_1146 = arith.mulf %bitcast3A_1137, %bitcast3A_1144 : vector<16xf32>
          %mul3A_1147 = arith.mulf %bitcast3A_1138, %bitcast3A_1145 : vector<16xf32>
          %add3A_1148 = arith.addf %mul3A_1146, %mul3A_1147 : vector<16xf32>
          %get3A_1149 = arith.index_cast %add3A_1097 : i32 to index
          %get3A_1150 = arith.constant 48 : index
          %get3A_1151 = tpu.vector_load %arg8[%get3A_1149, %get3A_1150] {strides = array<i32>} : memref<80x64xi32, #tpu.memory_space<vmem>>, vector<16xi32>,
          %bitcast3A_1152 = vector.bitcast %get3A_1151 : vector<16xi32> to vector<16xi32>
          %shift_left3A_1153 = arith.shli %bitcast3A_1152, %broadcast_in_dim3A_11 : vector<16xi32>
          %bitcast3A_1154 = vector.bitcast %shift_left3A_1153 : vector<16xi32> to vector<16xf32>
          %bitcast3A_1155 = vector.bitcast %bitcast3A_1152 : vector<16xi32> to vector<16xf32>
          %get3A_1156 = arith.index_cast %add3A_1097 : i32 to index
          %get3A_1157 = arith.constant 48 : index
          %get3A_1158 = tpu.vector_load %arg11[%get3A_1156, %get3A_1157] {strides = array<i32>} : memref<80x64xi32, #tpu.memory_space<vmem>>, vector<16xi32>,
          %bitcast3A_1159 = vector.bitcast %get3A_1158 : vector<16xi32> to vector<16xi32>
          %shift_left3A_1160 = arith.shli %bitcast3A_1159, %broadcast_in_dim3A_11 : vector<16xi32>
          %bitcast3A_1161 = vector.bitcast %shift_left3A_1160 : vector<16xi32> to vector<16xf32>
          %bitcast3A_1162 = vector.bitcast %bitcast3A_1159 : vector<16xi32> to vector<16xf32>
          %mul3A_1163 = arith.mulf %bitcast3A_1154, %bitcast3A_1161 : vector<16xf32>
          %mul3A_1164 = arith.mulf %bitcast3A_1155, %bitcast3A_1162 : vector<16xf32>
          %add3A_1165 = arith.addf %mul3A_1163, %mul3A_1164 : vector<16xf32>
          %add3A_1166 = arith.addf %add3A_1114, %add3A_1131 : vector<16xf32>
          %add3A_1167 = arith.addf %add3A_1148, %add3A_1165 : vector<16xf32>
          %add3A_1168 = arith.addf %add3A_1166, %add3A_1167 : vector<16xf32>
          %swap3A_1169 = arith.constant 221 : index
          %swap3A_1170 = tpu.vector_load %arg14[%swap3A_1169] {strides = array<i32>} : memref<272xf32, #tpu.memory_space<vmem>>, vector<16xf32>,
          tpu.vector_store %arg14[%swap3A_1169], %add3A_1168 {strides = array<i32>} : memref<272xf32, #tpu.memory_space<vmem>>, vector<16xf32>,
          %mul3A_1171 = arith.constant 16 : i32
          %mul3A_1172 = arith.muli %scan3A_96, %mul3A_1171 : i32
          %add3A_1173 = arith.constant 14 : i32
          %add3A_1174 = arith.addi %mul3A_1172, %add3A_1173 : i32
          %get3A_1175 = arith.index_cast %add3A_1174 : i32 to index
          %get3A_1176 = arith.constant 0 : index
          %get3A_1177 = tpu.vector_load %arg8[%get3A_1175, %get3A_1176] {strides = array<i32>} : memref<80x64xi32, #tpu.memory_space<vmem>>, vector<16xi32>,
          %bitcast3A_1178 = vector.bitcast %get3A_1177 : vector<16xi32> to vector<16xi32>
          %shift_left3A_1179 = arith.shli %bitcast3A_1178, %broadcast_in_dim3A_11 : vector<16xi32>
          %bitcast3A_1180 = vector.bitcast %shift_left3A_1179 : vector<16xi32> to vector<16xf32>
          %bitcast3A_1181 = vector.bitcast %bitcast3A_1178 : vector<16xi32> to vector<16xf32>
          %get3A_1182 = arith.index_cast %add3A_1174 : i32 to index
          %get3A_1183 = arith.constant 0 : index
          %get3A_1184 = tpu.vector_load %arg11[%get3A_1182, %get3A_1183] {strides = array<i32>} : memref<80x64xi32, #tpu.memory_space<vmem>>, vector<16xi32>,
          %bitcast3A_1185 = vector.bitcast %get3A_1184 : vector<16xi32> to vector<16xi32>
          %shift_left3A_1186 = arith.shli %bitcast3A_1185, %broadcast_in_dim3A_11 : vector<16xi32>
          %bitcast3A_1187 = vector.bitcast %shift_left3A_1186 : vector<16xi32> to vector<16xf32>
          %bitcast3A_1188 = vector.bitcast %bitcast3A_1185 : vector<16xi32> to vector<16xf32>
          %mul3A_1189 = arith.mulf %bitcast3A_1180, %bitcast3A_1187 : vector<16xf32>
          %mul3A_1190 = arith.mulf %bitcast3A_1181, %bitcast3A_1188 : vector<16xf32>
          %add3A_1191 = arith.addf %mul3A_1189, %mul3A_1190 : vector<16xf32>
          %get3A_1192 = arith.index_cast %add3A_1174 : i32 to index
          %get3A_1193 = arith.constant 16 : index
          %get3A_1194 = tpu.vector_load %arg8[%get3A_1192, %get3A_1193] {strides = array<i32>} : memref<80x64xi32, #tpu.memory_space<vmem>>, vector<16xi32>,
          %bitcast3A_1195 = vector.bitcast %get3A_1194 : vector<16xi32> to vector<16xi32>
          %shift_left3A_1196 = arith.shli %bitcast3A_1195, %broadcast_in_dim3A_11 : vector<16xi32>
          %bitcast3A_1197 = vector.bitcast %shift_left3A_1196 : vector<16xi32> to vector<16xf32>
          %bitcast3A_1198 = vector.bitcast %bitcast3A_1195 : vector<16xi32> to vector<16xf32>
          %get3A_1199 = arith.index_cast %add3A_1174 : i32 to index
          %get3A_1200 = arith.constant 16 : index
          %get3A_1201 = tpu.vector_load %arg11[%get3A_1199, %get3A_1200] {strides = array<i32>} : memref<80x64xi32, #tpu.memory_space<vmem>>, vector<16xi32>,
          %bitcast3A_1202 = vector.bitcast %get3A_1201 : vector<16xi32> to vector<16xi32>
          %shift_left3A_1203 = arith.shli %bitcast3A_1202, %broadcast_in_dim3A_11 : vector<16xi32>
          %bitcast3A_1204 = vector.bitcast %shift_left3A_1203 : vector<16xi32> to vector<16xf32>
          %bitcast3A_1205 = vector.bitcast %bitcast3A_1202 : vector<16xi32> to vector<16xf32>
          %mul3A_1206 = arith.mulf %bitcast3A_1197, %bitcast3A_1204 : vector<16xf32>
          %mul3A_1207 = arith.mulf %bitcast3A_1198, %bitcast3A_1205 : vector<16xf32>
          %add3A_1208 = arith.addf %mul3A_1206, %mul3A_1207 : vector<16xf32>
          %get3A_1209 = arith.index_cast %add3A_1174 : i32 to index
          %get3A_1210 = arith.constant 32 : index
          %get3A_1211 = tpu.vector_load %arg8[%get3A_1209, %get3A_1210] {strides = array<i32>} : memref<80x64xi32, #tpu.memory_space<vmem>>, vector<16xi32>,
          %bitcast3A_1212 = vector.bitcast %get3A_1211 : vector<16xi32> to vector<16xi32>
          %shift_left3A_1213 = arith.shli %bitcast3A_1212, %broadcast_in_dim3A_11 : vector<16xi32>
          %bitcast3A_1214 = vector.bitcast %shift_left3A_1213 : vector<16xi32> to vector<16xf32>
          %bitcast3A_1215 = vector.bitcast %bitcast3A_1212 : vector<16xi32> to vector<16xf32>
          %get3A_1216 = arith.index_cast %add3A_1174 : i32 to index
          %get3A_1217 = arith.constant 32 : index
          %get3A_1218 = tpu.vector_load %arg11[%get3A_1216, %get3A_1217] {strides = array<i32>} : memref<80x64xi32, #tpu.memory_space<vmem>>, vector<16xi32>,
          %bitcast3A_1219 = vector.bitcast %get3A_1218 : vector<16xi32> to vector<16xi32>
          %shift_left3A_1220 = arith.shli %bitcast3A_1219, %broadcast_in_dim3A_11 : vector<16xi32>
          %bitcast3A_1221 = vector.bitcast %shift_left3A_1220 : vector<16xi32> to vector<16xf32>
          %bitcast3A_1222 = vector.bitcast %bitcast3A_1219 : vector<16xi32> to vector<16xf32>
          %mul3A_1223 = arith.mulf %bitcast3A_1214, %bitcast3A_1221 : vector<16xf32>
          %mul3A_1224 = arith.mulf %bitcast3A_1215, %bitcast3A_1222 : vector<16xf32>
          %add3A_1225 = arith.addf %mul3A_1223, %mul3A_1224 : vector<16xf32>
          %get3A_1226 = arith.index_cast %add3A_1174 : i32 to index
          %get3A_1227 = arith.constant 48 : index
          %get3A_1228 = tpu.vector_load %arg8[%get3A_1226, %get3A_1227] {strides = array<i32>} : memref<80x64xi32, #tpu.memory_space<vmem>>, vector<16xi32>,
          %bitcast3A_1229 = vector.bitcast %get3A_1228 : vector<16xi32> to vector<16xi32>
          %shift_left3A_1230 = arith.shli %bitcast3A_1229, %broadcast_in_dim3A_11 : vector<16xi32>
          %bitcast3A_1231 = vector.bitcast %shift_left3A_1230 : vector<16xi32> to vector<16xf32>
          %bitcast3A_1232 = vector.bitcast %bitcast3A_1229 : vector<16xi32> to vector<16xf32>
          %get3A_1233 = arith.index_cast %add3A_1174 : i32 to index
          %get3A_1234 = arith.constant 48 : index
          %get3A_1235 = tpu.vector_load %arg11[%get3A_1233, %get3A_1234] {strides = array<i32>} : memref<80x64xi32, #tpu.memory_space<vmem>>, vector<16xi32>,
          %bitcast3A_1236 = vector.bitcast %get3A_1235 : vector<16xi32> to vector<16xi32>
          %shift_left3A_1237 = arith.shli %bitcast3A_1236, %broadcast_in_dim3A_11 : vector<16xi32>
          %bitcast3A_1238 = vector.bitcast %shift_left3A_1237 : vector<16xi32> to vector<16xf32>
          %bitcast3A_1239 = vector.bitcast %bitcast3A_1236 : vector<16xi32> to vector<16xf32>
          %mul3A_1240 = arith.mulf %bitcast3A_1231, %bitcast3A_1238 : vector<16xf32>
          %mul3A_1241 = arith.mulf %bitcast3A_1232, %bitcast3A_1239 : vector<16xf32>
          %add3A_1242 = arith.addf %mul3A_1240, %mul3A_1241 : vector<16xf32>
          %add3A_1243 = arith.addf %add3A_1191, %add3A_1208 : vector<16xf32>
          %add3A_1244 = arith.addf %add3A_1225, %add3A_1242 : vector<16xf32>
          %add3A_1245 = arith.addf %add3A_1243, %add3A_1244 : vector<16xf32>
          %swap3A_1246 = arith.constant 238 : index
          %swap3A_1247 = tpu.vector_load %arg14[%swap3A_1246] {strides = array<i32>} : memref<272xf32, #tpu.memory_space<vmem>>, vector<16xf32>,
          tpu.vector_store %arg14[%swap3A_1246], %add3A_1245 {strides = array<i32>} : memref<272xf32, #tpu.memory_space<vmem>>, vector<16xf32>,
          %mul3A_1248 = arith.constant 16 : i32
          %mul3A_1249 = arith.muli %scan3A_96, %mul3A_1248 : i32
          %add3A_1250 = arith.constant 15 : i32
          %add3A_1251 = arith.addi %mul3A_1249, %add3A_1250 : i32
          %get3A_1252 = arith.index_cast %add3A_1251 : i32 to index
          %get3A_1253 = arith.constant 0 : index
          %get3A_1254 = tpu.vector_load %arg8[%get3A_1252, %get3A_1253] {strides = array<i32>} : memref<80x64xi32, #tpu.memory_space<vmem>>, vector<16xi32>,
          %bitcast3A_1255 = vector.bitcast %get3A_1254 : vector<16xi32> to vector<16xi32>
          %shift_left3A_1256 = arith.shli %bitcast3A_1255, %broadcast_in_dim3A_11 : vector<16xi32>
          %bitcast3A_1257 = vector.bitcast %shift_left3A_1256 : vector<16xi32> to vector<16xf32>
          %bitcast3A_1258 = vector.bitcast %bitcast3A_1255 : vector<16xi32> to vector<16xf32>
          %get3A_1259 = arith.index_cast %add3A_1251 : i32 to index
          %get3A_1260 = arith.constant 0 : index
          %get3A_1261 = tpu.vector_load %arg11[%get3A_1259, %get3A_1260] {strides = array<i32>} : memref<80x64xi32, #tpu.memory_space<vmem>>, vector<16xi32>,
          %bitcast3A_1262 = vector.bitcast %get3A_1261 : vector<16xi32> to vector<16xi32>
          %shift_left3A_1263 = arith.shli %bitcast3A_1262, %broadcast_in_dim3A_11 : vector<16xi32>
          %bitcast3A_1264 = vector.bitcast %shift_left3A_1263 : vector<16xi32> to vector<16xf32>
          %bitcast3A_1265 = vector.bitcast %bitcast3A_1262 : vector<16xi32> to vector<16xf32>
          %mul3A_1266 = arith.mulf %bitcast3A_1257, %bitcast3A_1264 : vector<16xf32>
          %mul3A_1267 = arith.mulf %bitcast3A_1258, %bitcast3A_1265 : vector<16xf32>
          %add3A_1268 = arith.addf %mul3A_1266, %mul3A_1267 : vector<16xf32>
          %get3A_1269 = arith.index_cast %add3A_1251 : i32 to index
          %get3A_1270 = arith.constant 16 : index
          %get3A_1271 = tpu.vector_load %arg8[%get3A_1269, %get3A_1270] {strides = array<i32>} : memref<80x64xi32, #tpu.memory_space<vmem>>, vector<16xi32>,
          %bitcast3A_1272 = vector.bitcast %get3A_1271 : vector<16xi32> to vector<16xi32>
          %shift_left3A_1273 = arith.shli %bitcast3A_1272, %broadcast_in_dim3A_11 : vector<16xi32>
          %bitcast3A_1274 = vector.bitcast %shift_left3A_1273 : vector<16xi32> to vector<16xf32>
          %bitcast3A_1275 = vector.bitcast %bitcast3A_1272 : vector<16xi32> to vector<16xf32>
          %get3A_1276 = arith.index_cast %add3A_1251 : i32 to index
          %get3A_1277 = arith.constant 16 : index
          %get3A_1278 = tpu.vector_load %arg11[%get3A_1276, %get3A_1277] {strides = array<i32>} : memref<80x64xi32, #tpu.memory_space<vmem>>, vector<16xi32>,
          %bitcast3A_1279 = vector.bitcast %get3A_1278 : vector<16xi32> to vector<16xi32>
          %shift_left3A_1280 = arith.shli %bitcast3A_1279, %broadcast_in_dim3A_11 : vector<16xi32>
          %bitcast3A_1281 = vector.bitcast %shift_left3A_1280 : vector<16xi32> to vector<16xf32>
          %bitcast3A_1282 = vector.bitcast %bitcast3A_1279 : vector<16xi32> to vector<16xf32>
          %mul3A_1283 = arith.mulf %bitcast3A_1274, %bitcast3A_1281 : vector<16xf32>
          %mul3A_1284 = arith.mulf %bitcast3A_1275, %bitcast3A_1282 : vector<16xf32>
          %add3A_1285 = arith.addf %mul3A_1283, %mul3A_1284 : vector<16xf32>
          %get3A_1286 = arith.index_cast %add3A_1251 : i32 to index
          %get3A_1287 = arith.constant 32 : index
          %get3A_1288 = tpu.vector_load %arg8[%get3A_1286, %get3A_1287] {strides = array<i32>} : memref<80x64xi32, #tpu.memory_space<vmem>>, vector<16xi32>,
          %bitcast3A_1289 = vector.bitcast %get3A_1288 : vector<16xi32> to vector<16xi32>
          %shift_left3A_1290 = arith.shli %bitcast3A_1289, %broadcast_in_dim3A_11 : vector<16xi32>
          %bitcast3A_1291 = vector.bitcast %shift_left3A_1290 : vector<16xi32> to vector<16xf32>
          %bitcast3A_1292 = vector.bitcast %bitcast3A_1289 : vector<16xi32> to vector<16xf32>
          %get3A_1293 = arith.index_cast %add3A_1251 : i32 to index
          %get3A_1294 = arith.constant 32 : index
          %get3A_1295 = tpu.vector_load %arg11[%get3A_1293, %get3A_1294] {strides = array<i32>} : memref<80x64xi32, #tpu.memory_space<vmem>>, vector<16xi32>,
          %bitcast3A_1296 = vector.bitcast %get3A_1295 : vector<16xi32> to vector<16xi32>
          %shift_left3A_1297 = arith.shli %bitcast3A_1296, %broadcast_in_dim3A_11 : vector<16xi32>
          %bitcast3A_1298 = vector.bitcast %shift_left3A_1297 : vector<16xi32> to vector<16xf32>
          %bitcast3A_1299 = vector.bitcast %bitcast3A_1296 : vector<16xi32> to vector<16xf32>
          %mul3A_1300 = arith.mulf %bitcast3A_1291, %bitcast3A_1298 : vector<16xf32>
          %mul3A_1301 = arith.mulf %bitcast3A_1292, %bitcast3A_1299 : vector<16xf32>
          %add3A_1302 = arith.addf %mul3A_1300, %mul3A_1301 : vector<16xf32>
          %get3A_1303 = arith.index_cast %add3A_1251 : i32 to index
          %get3A_1304 = arith.constant 48 : index
          %get3A_1305 = tpu.vector_load %arg8[%get3A_1303, %get3A_1304] {strides = array<i32>} : memref<80x64xi32, #tpu.memory_space<vmem>>, vector<16xi32>,
          %bitcast3A_1306 = vector.bitcast %get3A_1305 : vector<16xi32> to vector<16xi32>
          %shift_left3A_1307 = arith.shli %bitcast3A_1306, %broadcast_in_dim3A_11 : vector<16xi32>
          %bitcast3A_1308 = vector.bitcast %shift_left3A_1307 : vector<16xi32> to vector<16xf32>
          %bitcast3A_1309 = vector.bitcast %bitcast3A_1306 : vector<16xi32> to vector<16xf32>
          %get3A_1310 = arith.index_cast %add3A_1251 : i32 to index
          %get3A_1311 = arith.constant 48 : index
          %get3A_1312 = tpu.vector_load %arg11[%get3A_1310, %get3A_1311] {strides = array<i32>} : memref<80x64xi32, #tpu.memory_space<vmem>>, vector<16xi32>,
          %bitcast3A_1313 = vector.bitcast %get3A_1312 : vector<16xi32> to vector<16xi32>
          %shift_left3A_1314 = arith.shli %bitcast3A_1313, %broadcast_in_dim3A_11 : vector<16xi32>
          %bitcast3A_1315 = vector.bitcast %shift_left3A_1314 : vector<16xi32> to vector<16xf32>
          %bitcast3A_1316 = vector.bitcast %bitcast3A_1313 : vector<16xi32> to vector<16xf32>
          %mul3A_1317 = arith.mulf %bitcast3A_1308, %bitcast3A_1315 : vector<16xf32>
          %mul3A_1318 = arith.mulf %bitcast3A_1309, %bitcast3A_1316 : vector<16xf32>
          %add3A_1319 = arith.addf %mul3A_1317, %mul3A_1318 : vector<16xf32>
          %add3A_1320 = arith.addf %add3A_1268, %add3A_1285 : vector<16xf32>
          %add3A_1321 = arith.addf %add3A_1302, %add3A_1319 : vector<16xf32>
          %add3A_1322 = arith.addf %add3A_1320, %add3A_1321 : vector<16xf32>
          %swap3A_1323 = arith.constant 255 : index
          %swap3A_1324 = tpu.vector_load %arg14[%swap3A_1323] {strides = array<i32>} : memref<272xf32, #tpu.memory_space<vmem>>, vector<16xf32>,
          tpu.vector_store %arg14[%swap3A_1323], %add3A_1322 {strides = array<i32>} : memref<272xf32, #tpu.memory_space<vmem>>, vector<16xf32>,
          %mul3A_1325 = arith.constant 17 : i32
          %mul3A_1326 = vector.broadcast %mul3A_1325 : i32 to vector<16xi32>
          %mul3A_1327 = arith.muli %iota3A, %mul3A_1326 : vector<16xi32>
          %add3A_1328 = arith.constant 0 : i32
          %add3A_1329 = vector.broadcast %add3A_1328 : i32 to vector<16xi32>
          %add3A_1330 = arith.addi %mul3A_1327, %add3A_1329 : vector<16xi32>
          %gather3A = tpu.vector_load_idx %arg14[%add3A_1330] : memref<272xf32, #tpu.memory_space<vmem>>[vector<16xi32>], vector<16xf32>,
          %mul3A_1331 = arith.constant 17 : i32
          %mul3A_1332 = vector.broadcast %mul3A_1331 : i32 to vector<16xi32>
          %mul3A_1333 = arith.muli %iota3A, %mul3A_1332 : vector<16xi32>
          %add3A_1334 = arith.constant 1 : i32
          %add3A_1335 = vector.broadcast %add3A_1334 : i32 to vector<16xi32>
          %add3A_1336 = arith.addi %mul3A_1333, %add3A_1335 : vector<16xi32>
          %gather3A_1337 = tpu.vector_load_idx %arg14[%add3A_1336] : memref<272xf32, #tpu.memory_space<vmem>>[vector<16xi32>], vector<16xf32>,
          %mul3A_1338 = arith.constant 17 : i32
          %mul3A_1339 = vector.broadcast %mul3A_1338 : i32 to vector<16xi32>
          %mul3A_1340 = arith.muli %iota3A, %mul3A_1339 : vector<16xi32>
          %add3A_1341 = arith.constant 2 : i32
          %add3A_1342 = vector.broadcast %add3A_1341 : i32 to vector<16xi32>
          %add3A_1343 = arith.addi %mul3A_1340, %add3A_1342 : vector<16xi32>
          %gather3A_1344 = tpu.vector_load_idx %arg14[%add3A_1343] : memref<272xf32, #tpu.memory_space<vmem>>[vector<16xi32>], vector<16xf32>,
          %mul3A_1345 = arith.constant 17 : i32
          %mul3A_1346 = vector.broadcast %mul3A_1345 : i32 to vector<16xi32>
          %mul3A_1347 = arith.muli %iota3A, %mul3A_1346 : vector<16xi32>
          %add3A_1348 = arith.constant 3 : i32
          %add3A_1349 = vector.broadcast %add3A_1348 : i32 to vector<16xi32>
          %add3A_1350 = arith.addi %mul3A_1347, %add3A_1349 : vector<16xi32>
          %gather3A_1351 = tpu.vector_load_idx %arg14[%add3A_1350] : memref<272xf32, #tpu.memory_space<vmem>>[vector<16xi32>], vector<16xf32>,
          %mul3A_1352 = arith.constant 17 : i32
          %mul3A_1353 = vector.broadcast %mul3A_1352 : i32 to vector<16xi32>
          %mul3A_1354 = arith.muli %iota3A, %mul3A_1353 : vector<16xi32>
          %add3A_1355 = arith.constant 4 : i32
          %add3A_1356 = vector.broadcast %add3A_1355 : i32 to vector<16xi32>
          %add3A_1357 = arith.addi %mul3A_1354, %add3A_1356 : vector<16xi32>
          %gather3A_1358 = tpu.vector_load_idx %arg14[%add3A_1357] : memref<272xf32, #tpu.memory_space<vmem>>[vector<16xi32>], vector<16xf32>,
          %mul3A_1359 = arith.constant 17 : i32
          %mul3A_1360 = vector.broadcast %mul3A_1359 : i32 to vector<16xi32>
          %mul3A_1361 = arith.muli %iota3A, %mul3A_1360 : vector<16xi32>
          %add3A_1362 = arith.constant 5 : i32
          %add3A_1363 = vector.broadcast %add3A_1362 : i32 to vector<16xi32>
          %add3A_1364 = arith.addi %mul3A_1361, %add3A_1363 : vector<16xi32>
          %gather3A_1365 = tpu.vector_load_idx %arg14[%add3A_1364] : memref<272xf32, #tpu.memory_space<vmem>>[vector<16xi32>], vector<16xf32>,
          %mul3A_1366 = arith.constant 17 : i32
          %mul3A_1367 = vector.broadcast %mul3A_1366 : i32 to vector<16xi32>
          %mul3A_1368 = arith.muli %iota3A, %mul3A_1367 : vector<16xi32>
          %add3A_1369 = arith.constant 6 : i32
          %add3A_1370 = vector.broadcast %add3A_1369 : i32 to vector<16xi32>
          %add3A_1371 = arith.addi %mul3A_1368, %add3A_1370 : vector<16xi32>
          %gather3A_1372 = tpu.vector_load_idx %arg14[%add3A_1371] : memref<272xf32, #tpu.memory_space<vmem>>[vector<16xi32>], vector<16xf32>,
          %mul3A_1373 = arith.constant 17 : i32
          %mul3A_1374 = vector.broadcast %mul3A_1373 : i32 to vector<16xi32>
          %mul3A_1375 = arith.muli %iota3A, %mul3A_1374 : vector<16xi32>
          %add3A_1376 = arith.constant 7 : i32
          %add3A_1377 = vector.broadcast %add3A_1376 : i32 to vector<16xi32>
          %add3A_1378 = arith.addi %mul3A_1375, %add3A_1377 : vector<16xi32>
          %gather3A_1379 = tpu.vector_load_idx %arg14[%add3A_1378] : memref<272xf32, #tpu.memory_space<vmem>>[vector<16xi32>], vector<16xf32>,
          %mul3A_1380 = arith.constant 17 : i32
          %mul3A_1381 = vector.broadcast %mul3A_1380 : i32 to vector<16xi32>
          %mul3A_1382 = arith.muli %iota3A, %mul3A_1381 : vector<16xi32>
          %add3A_1383 = arith.constant 8 : i32
          %add3A_1384 = vector.broadcast %add3A_1383 : i32 to vector<16xi32>
          %add3A_1385 = arith.addi %mul3A_1382, %add3A_1384 : vector<16xi32>
          %gather3A_1386 = tpu.vector_load_idx %arg14[%add3A_1385] : memref<272xf32, #tpu.memory_space<vmem>>[vector<16xi32>], vector<16xf32>,
          %mul3A_1387 = arith.constant 17 : i32
          %mul3A_1388 = vector.broadcast %mul3A_1387 : i32 to vector<16xi32>
          %mul3A_1389 = arith.muli %iota3A, %mul3A_1388 : vector<16xi32>
          %add3A_1390 = arith.constant 9 : i32
          %add3A_1391 = vector.broadcast %add3A_1390 : i32 to vector<16xi32>
          %add3A_1392 = arith.addi %mul3A_1389, %add3A_1391 : vector<16xi32>
          %gather3A_1393 = tpu.vector_load_idx %arg14[%add3A_1392] : memref<272xf32, #tpu.memory_space<vmem>>[vector<16xi32>], vector<16xf32>,
          %mul3A_1394 = arith.constant 17 : i32
          %mul3A_1395 = vector.broadcast %mul3A_1394 : i32 to vector<16xi32>
          %mul3A_1396 = arith.muli %iota3A, %mul3A_1395 : vector<16xi32>
          %add3A_1397 = arith.constant 10 : i32
          %add3A_1398 = vector.broadcast %add3A_1397 : i32 to vector<16xi32>
          %add3A_1399 = arith.addi %mul3A_1396, %add3A_1398 : vector<16xi32>
          %gather3A_1400 = tpu.vector_load_idx %arg14[%add3A_1399] : memref<272xf32, #tpu.memory_space<vmem>>[vector<16xi32>], vector<16xf32>,
          %mul3A_1401 = arith.constant 17 : i32
          %mul3A_1402 = vector.broadcast %mul3A_1401 : i32 to vector<16xi32>
          %mul3A_1403 = arith.muli %iota3A, %mul3A_1402 : vector<16xi32>
          %add3A_1404 = arith.constant 11 : i32
          %add3A_1405 = vector.broadcast %add3A_1404 : i32 to vector<16xi32>
          %add3A_1406 = arith.addi %mul3A_1403, %add3A_1405 : vector<16xi32>
          %gather3A_1407 = tpu.vector_load_idx %arg14[%add3A_1406] : memref<272xf32, #tpu.memory_space<vmem>>[vector<16xi32>], vector<16xf32>,
          %mul3A_1408 = arith.constant 17 : i32
          %mul3A_1409 = vector.broadcast %mul3A_1408 : i32 to vector<16xi32>
          %mul3A_1410 = arith.muli %iota3A, %mul3A_1409 : vector<16xi32>
          %add3A_1411 = arith.constant 12 : i32
          %add3A_1412 = vector.broadcast %add3A_1411 : i32 to vector<16xi32>
          %add3A_1413 = arith.addi %mul3A_1410, %add3A_1412 : vector<16xi32>
          %gather3A_1414 = tpu.vector_load_idx %arg14[%add3A_1413] : memref<272xf32, #tpu.memory_space<vmem>>[vector<16xi32>], vector<16xf32>,
          %mul3A_1415 = arith.constant 17 : i32
          %mul3A_1416 = vector.broadcast %mul3A_1415 : i32 to vector<16xi32>
          %mul3A_1417 = arith.muli %iota3A, %mul3A_1416 : vector<16xi32>
          %add3A_1418 = arith.constant 13 : i32
          %add3A_1419 = vector.broadcast %add3A_1418 : i32 to vector<16xi32>
          %add3A_1420 = arith.addi %mul3A_1417, %add3A_1419 : vector<16xi32>
          %gather3A_1421 = tpu.vector_load_idx %arg14[%add3A_1420] : memref<272xf32, #tpu.memory_space<vmem>>[vector<16xi32>], vector<16xf32>,
          %mul3A_1422 = arith.constant 17 : i32
          %mul3A_1423 = vector.broadcast %mul3A_1422 : i32 to vector<16xi32>
          %mul3A_1424 = arith.muli %iota3A, %mul3A_1423 : vector<16xi32>
          %add3A_1425 = arith.constant 14 : i32
          %add3A_1426 = vector.broadcast %add3A_1425 : i32 to vector<16xi32>
          %add3A_1427 = arith.addi %mul3A_1424, %add3A_1426 : vector<16xi32>
          %gather3A_1428 = tpu.vector_load_idx %arg14[%add3A_1427] : memref<272xf32, #tpu.memory_space<vmem>>[vector<16xi32>], vector<16xf32>,
          %mul3A_1429 = arith.constant 17 : i32
          %mul3A_1430 = vector.broadcast %mul3A_1429 : i32 to vector<16xi32>
          %mul3A_1431 = arith.muli %iota3A, %mul3A_1430 : vector<16xi32>
          %add3A_1432 = arith.constant 15 : i32
          %add3A_1433 = vector.broadcast %add3A_1432 : i32 to vector<16xi32>
          %add3A_1434 = arith.addi %mul3A_1431, %add3A_1433 : vector<16xi32>
          %gather3A_1435 = tpu.vector_load_idx %arg14[%add3A_1434] : memref<272xf32, #tpu.memory_space<vmem>>[vector<16xi32>], vector<16xf32>,
          %add3A_1436 = arith.addf %gather3A, %gather3A_1337 : vector<16xf32>
          %add3A_1437 = arith.addf %gather3A_1344, %gather3A_1351 : vector<16xf32>
          %add3A_1438 = arith.addf %gather3A_1358, %gather3A_1365 : vector<16xf32>
          %add3A_1439 = arith.addf %gather3A_1372, %gather3A_1379 : vector<16xf32>
          %add3A_1440 = arith.addf %gather3A_1386, %gather3A_1393 : vector<16xf32>
          %add3A_1441 = arith.addf %gather3A_1400, %gather3A_1407 : vector<16xf32>
          %add3A_1442 = arith.addf %gather3A_1414, %gather3A_1421 : vector<16xf32>
          %add3A_1443 = arith.addf %gather3A_1428, %gather3A_1435 : vector<16xf32>
          %add3A_1444 = arith.addf %add3A_1436, %add3A_1437 : vector<16xf32>
          %add3A_1445 = arith.addf %add3A_1438, %add3A_1439 : vector<16xf32>
          %add3A_1446 = arith.addf %add3A_1440, %add3A_1441 : vector<16xf32>
          %add3A_1447 = arith.addf %add3A_1442, %add3A_1443 : vector<16xf32>
          %add3A_1448 = arith.addf %add3A_1444, %add3A_1445 : vector<16xf32>
          %add3A_1449 = arith.addf %add3A_1446, %add3A_1447 : vector<16xf32>
          %add3A_1450 = arith.addf %add3A_1448, %add3A_1449 : vector<16xf32>
          %mul3A_1451 = arith.constant 80 : i32
          %mul3A_1452 = arith.muli %add3A_59, %mul3A_1451 : i32
          %mul3A_1453 = arith.constant 16 : i32
          %mul3A_1454 = arith.muli %scan3A_96, %mul3A_1453 : i32
          %add3A_1455 = arith.addi %mul3A_1452, %mul3A_1454 : i32
          %swap3A_1456 = arith.index_cast %add3A_1455 : i32 to index
          %swap3A_1457 = tpu.vector_load %arg13[%swap3A_1456] {strides = array<i32>} : memref<10000xf32, #tpu.memory_space<vmem>>, vector<16xf32>,
          tpu.vector_store %arg13[%swap3A_1456], %add3A_1450 {strides = array<i32>} : memref<10000xf32, #tpu.memory_space<vmem>>, vector<16xf32>,
        }
        %scan3A_88 = arith.constant 5 : i32
        %add3A_89 = arith.constant 3 : i32
        %add3A_90 = arith.addi %add3A_59, %add3A_89 : i32
        %lt3A_91 = arith.constant 125 : i32
        %lt3A_92 = arith.cmpi slt, %add3A_90, %lt3A_91 : i32
        %convert_element_type3A_93 = arith.extui %lt3A_92 : i1 to i32
        %cond3A_94 = arith.constant 0 : i32
        %cond3A_95 = arith.cmpi ne, %convert_element_type3A_93, %cond3A_94 : i32
        scf.if %cond3A_95 {
          %add3A_96 = arith.constant 3 : i32
          %add3A_97 = arith.addi %add3A_59, %add3A_96 : i32
          %mul3A_98 = arith.constant 80 : i32
          %mul3A_99 = arith.muli %add3A_97, %mul3A_98 : i32
          %dma_start3A_100 = tpu.memref_slice %arg5[%mul3A_99] : memref<10000xi32, #tpu.memory_space<vmem>> -> memref<80xi32, #tpu.memory_space<vmem>>
          %dma_start3A_101 = arith.constant 0 : i32
          %dma_start3A_102 = arith.constant 0 : i32
          %dma_start3A_103 = tpu.memref_slice %arg17[%dma_start3A_101, %dma_start3A_102] : memref<10000x64xi32, #tpu.memory_space<vmem_shared>> -> memref<10000x64xi32, #tpu.memory_space<vmem_shared>>
          tpu.enqueue_indirect_dma source(%dma_start3A_103 : memref<10000x64xi32, #tpu.memory_space<vmem_shared>>) target(%arg8 : memref<80x64xi32, #tpu.memory_space<vmem>>) offsets(%dma_start3A_100 : memref<80xi32, #tpu.memory_space<vmem>>) semaphore(%arg19 : memref<!tpu.dma_semaphore, #tpu.memory_space<semaphore_mem>>)
          %dma_start3A_104 = tpu.memref_slice %arg6[%mul3A_99] : memref<10000xi32, #tpu.memory_space<vmem>> -> memref<80xi32, #tpu.memory_space<vmem>>
          %dma_start3A_105 = arith.constant 0 : i32
          %dma_start3A_106 = arith.constant 0 : i32
          %dma_start3A_107 = tpu.memref_slice %arg17[%dma_start3A_105, %dma_start3A_106] : memref<10000x64xi32, #tpu.memory_space<vmem_shared>> -> memref<10000x64xi32, #tpu.memory_space<vmem_shared>>
          tpu.enqueue_indirect_dma source(%dma_start3A_107 : memref<10000x64xi32, #tpu.memory_space<vmem_shared>>) target(%arg11 : memref<80x64xi32, #tpu.memory_space<vmem>>) offsets(%dma_start3A_104 : memref<80xi32, #tpu.memory_space<vmem>>) semaphore(%arg19 : memref<!tpu.dma_semaphore, #tpu.memory_space<semaphore_mem>>)
        } else {
        }
      } else {
      }
      %mul3A_65 = arith.constant 3 : i32
      %mul3A_66 = arith.muli %mul3A_65, %scan3A_47 : i32
      %add3A_67 = arith.constant 2 : i32
      %add3A_68 = arith.addi %mul3A_66, %add3A_67 : i32
      %lt3A_69 = arith.constant 125 : i32
      %lt3A_70 = arith.cmpi slt, %add3A_68, %lt3A_69 : i32
      %convert_element_type3A_71 = arith.extui %lt3A_70 : i1 to i32
      %cond3A_72 = arith.constant 0 : i32
      %cond3A_73 = arith.cmpi ne, %convert_element_type3A_71, %cond3A_72 : i32
      scf.if %cond3A_73 {
        %mul3A_74 = arith.constant 80 : i32
        %mul3A_75 = arith.muli %add3A_68, %mul3A_74 : i32
        %dma_wait3A = tpu.memref_slice %arg5[%mul3A_75] : memref<10000xi32, #tpu.memory_space<vmem>> -> memref<80xi32, #tpu.memory_space<vmem>>
        %dma_wait3A_76 = arith.constant 0 : i32
        %dma_wait3A_77 = arith.constant 0 : i32
        %dma_wait3A_78 = tpu.memref_slice %arg17[%dma_wait3A_76, %dma_wait3A_77] : memref<10000x64xi32, #tpu.memory_space<vmem_shared>> -> memref<10000x64xi32, #tpu.memory_space<vmem_shared>>
        tpu.wait_indirect_dma semaphore(%arg20 : memref<!tpu.dma_semaphore, #tpu.memory_space<semaphore_mem>>) src(%dma_wait3A_78 : memref<10000x64xi32, #tpu.memory_space<vmem_shared>>) dst(%arg9 : memref<80x64xi32, #tpu.memory_space<vmem>>)
        %dma_wait3A_79 = tpu.memref_slice %arg6[%mul3A_75] : memref<10000xi32, #tpu.memory_space<vmem>> -> memref<80xi32, #tpu.memory_space<vmem>>
        %dma_wait3A_80 = arith.constant 0 : i32
        %dma_wait3A_81 = arith.constant 0 : i32
        %dma_wait3A_82 = tpu.memref_slice %arg17[%dma_wait3A_80, %dma_wait3A_81] : memref<10000x64xi32, #tpu.memory_space<vmem_shared>> -> memref<10000x64xi32, #tpu.memory_space<vmem_shared>>
        tpu.wait_indirect_dma semaphore(%arg20 : memref<!tpu.dma_semaphore, #tpu.memory_space<semaphore_mem>>) src(%dma_wait3A_82 : memref<10000x64xi32, #tpu.memory_space<vmem_shared>>) dst(%arg12 : memref<80x64xi32, #tpu.memory_space<vmem>>)
        %scan3A_83 = arith.constant 0 : i32
        %scan3A_84 = arith.constant 0 : i32
        %scan3A_85 = arith.constant 5 : i32
        %scan3A_86 = arith.addi %scan3A_84, %scan3A_85 : i32
        %scan3A_87 = arith.constant 1 : i32
        scf.for %scan3A_96 = %scan3A_84 to %scan3A_86 step %scan3A_87  : i32 {
          %mul3A_97 = arith.constant 16 : i32
          %mul3A_98 = arith.muli %scan3A_96, %mul3A_97 : i32
          %add3A_99 = arith.constant 0 : i32
          %add3A_100 = arith.addi %mul3A_98, %add3A_99 : i32
          %get3A = arith.index_cast %add3A_100 : i32 to index
          %get3A_101 = arith.constant 0 : index
          %get3A_102 = tpu.vector_load %arg9[%get3A, %get3A_101] {strides = array<i32>} : memref<80x64xi32, #tpu.memory_space<vmem>>, vector<16xi32>,
          %bitcast3A = vector.bitcast %get3A_102 : vector<16xi32> to vector<16xi32>
          %shift_left3A = arith.shli %bitcast3A, %broadcast_in_dim3A_11 : vector<16xi32>
          %bitcast3A_103 = vector.bitcast %shift_left3A : vector<16xi32> to vector<16xf32>
          %bitcast3A_104 = vector.bitcast %bitcast3A : vector<16xi32> to vector<16xf32>
          %get3A_105 = arith.index_cast %add3A_100 : i32 to index
          %get3A_106 = arith.constant 0 : index
          %get3A_107 = tpu.vector_load %arg12[%get3A_105, %get3A_106] {strides = array<i32>} : memref<80x64xi32, #tpu.memory_space<vmem>>, vector<16xi32>,
          %bitcast3A_108 = vector.bitcast %get3A_107 : vector<16xi32> to vector<16xi32>
          %shift_left3A_109 = arith.shli %bitcast3A_108, %broadcast_in_dim3A_11 : vector<16xi32>
          %bitcast3A_110 = vector.bitcast %shift_left3A_109 : vector<16xi32> to vector<16xf32>
          %bitcast3A_111 = vector.bitcast %bitcast3A_108 : vector<16xi32> to vector<16xf32>
          %mul3A_112 = arith.mulf %bitcast3A_103, %bitcast3A_110 : vector<16xf32>
          %mul3A_113 = arith.mulf %bitcast3A_104, %bitcast3A_111 : vector<16xf32>
          %add3A_114 = arith.addf %mul3A_112, %mul3A_113 : vector<16xf32>
          %get3A_115 = arith.index_cast %add3A_100 : i32 to index
          %get3A_116 = arith.constant 16 : index
          %get3A_117 = tpu.vector_load %arg9[%get3A_115, %get3A_116] {strides = array<i32>} : memref<80x64xi32, #tpu.memory_space<vmem>>, vector<16xi32>,
          %bitcast3A_118 = vector.bitcast %get3A_117 : vector<16xi32> to vector<16xi32>
          %shift_left3A_119 = arith.shli %bitcast3A_118, %broadcast_in_dim3A_11 : vector<16xi32>
          %bitcast3A_120 = vector.bitcast %shift_left3A_119 : vector<16xi32> to vector<16xf32>
          %bitcast3A_121 = vector.bitcast %bitcast3A_118 : vector<16xi32> to vector<16xf32>
          %get3A_122 = arith.index_cast %add3A_100 : i32 to index
          %get3A_123 = arith.constant 16 : index
          %get3A_124 = tpu.vector_load %arg12[%get3A_122, %get3A_123] {strides = array<i32>} : memref<80x64xi32, #tpu.memory_space<vmem>>, vector<16xi32>,
          %bitcast3A_125 = vector.bitcast %get3A_124 : vector<16xi32> to vector<16xi32>
          %shift_left3A_126 = arith.shli %bitcast3A_125, %broadcast_in_dim3A_11 : vector<16xi32>
          %bitcast3A_127 = vector.bitcast %shift_left3A_126 : vector<16xi32> to vector<16xf32>
          %bitcast3A_128 = vector.bitcast %bitcast3A_125 : vector<16xi32> to vector<16xf32>
          %mul3A_129 = arith.mulf %bitcast3A_120, %bitcast3A_127 : vector<16xf32>
          %mul3A_130 = arith.mulf %bitcast3A_121, %bitcast3A_128 : vector<16xf32>
          %add3A_131 = arith.addf %mul3A_129, %mul3A_130 : vector<16xf32>
          %get3A_132 = arith.index_cast %add3A_100 : i32 to index
          %get3A_133 = arith.constant 32 : index
          %get3A_134 = tpu.vector_load %arg9[%get3A_132, %get3A_133] {strides = array<i32>} : memref<80x64xi32, #tpu.memory_space<vmem>>, vector<16xi32>,
          %bitcast3A_135 = vector.bitcast %get3A_134 : vector<16xi32> to vector<16xi32>
          %shift_left3A_136 = arith.shli %bitcast3A_135, %broadcast_in_dim3A_11 : vector<16xi32>
          %bitcast3A_137 = vector.bitcast %shift_left3A_136 : vector<16xi32> to vector<16xf32>
          %bitcast3A_138 = vector.bitcast %bitcast3A_135 : vector<16xi32> to vector<16xf32>
          %get3A_139 = arith.index_cast %add3A_100 : i32 to index
          %get3A_140 = arith.constant 32 : index
          %get3A_141 = tpu.vector_load %arg12[%get3A_139, %get3A_140] {strides = array<i32>} : memref<80x64xi32, #tpu.memory_space<vmem>>, vector<16xi32>,
          %bitcast3A_142 = vector.bitcast %get3A_141 : vector<16xi32> to vector<16xi32>
          %shift_left3A_143 = arith.shli %bitcast3A_142, %broadcast_in_dim3A_11 : vector<16xi32>
          %bitcast3A_144 = vector.bitcast %shift_left3A_143 : vector<16xi32> to vector<16xf32>
          %bitcast3A_145 = vector.bitcast %bitcast3A_142 : vector<16xi32> to vector<16xf32>
          %mul3A_146 = arith.mulf %bitcast3A_137, %bitcast3A_144 : vector<16xf32>
          %mul3A_147 = arith.mulf %bitcast3A_138, %bitcast3A_145 : vector<16xf32>
          %add3A_148 = arith.addf %mul3A_146, %mul3A_147 : vector<16xf32>
          %get3A_149 = arith.index_cast %add3A_100 : i32 to index
          %get3A_150 = arith.constant 48 : index
          %get3A_151 = tpu.vector_load %arg9[%get3A_149, %get3A_150] {strides = array<i32>} : memref<80x64xi32, #tpu.memory_space<vmem>>, vector<16xi32>,
          %bitcast3A_152 = vector.bitcast %get3A_151 : vector<16xi32> to vector<16xi32>
          %shift_left3A_153 = arith.shli %bitcast3A_152, %broadcast_in_dim3A_11 : vector<16xi32>
          %bitcast3A_154 = vector.bitcast %shift_left3A_153 : vector<16xi32> to vector<16xf32>
          %bitcast3A_155 = vector.bitcast %bitcast3A_152 : vector<16xi32> to vector<16xf32>
          %get3A_156 = arith.index_cast %add3A_100 : i32 to index
          %get3A_157 = arith.constant 48 : index
          %get3A_158 = tpu.vector_load %arg12[%get3A_156, %get3A_157] {strides = array<i32>} : memref<80x64xi32, #tpu.memory_space<vmem>>, vector<16xi32>,
          %bitcast3A_159 = vector.bitcast %get3A_158 : vector<16xi32> to vector<16xi32>
          %shift_left3A_160 = arith.shli %bitcast3A_159, %broadcast_in_dim3A_11 : vector<16xi32>
          %bitcast3A_161 = vector.bitcast %shift_left3A_160 : vector<16xi32> to vector<16xf32>
          %bitcast3A_162 = vector.bitcast %bitcast3A_159 : vector<16xi32> to vector<16xf32>
          %mul3A_163 = arith.mulf %bitcast3A_154, %bitcast3A_161 : vector<16xf32>
          %mul3A_164 = arith.mulf %bitcast3A_155, %bitcast3A_162 : vector<16xf32>
          %add3A_165 = arith.addf %mul3A_163, %mul3A_164 : vector<16xf32>
          %add3A_166 = arith.addf %add3A_114, %add3A_131 : vector<16xf32>
          %add3A_167 = arith.addf %add3A_148, %add3A_165 : vector<16xf32>
          %add3A_168 = arith.addf %add3A_166, %add3A_167 : vector<16xf32>
          %swap3A = arith.constant 0 : index
          %swap3A_169 = tpu.vector_load %arg14[%swap3A] {strides = array<i32>} : memref<272xf32, #tpu.memory_space<vmem>>, vector<16xf32>,
          tpu.vector_store %arg14[%swap3A], %add3A_168 {strides = array<i32>} : memref<272xf32, #tpu.memory_space<vmem>>, vector<16xf32>,
          %mul3A_170 = arith.constant 16 : i32
          %mul3A_171 = arith.muli %scan3A_96, %mul3A_170 : i32
          %add3A_172 = arith.constant 1 : i32
          %add3A_173 = arith.addi %mul3A_171, %add3A_172 : i32
          %get3A_174 = arith.index_cast %add3A_173 : i32 to index
          %get3A_175 = arith.constant 0 : index
          %get3A_176 = tpu.vector_load %arg9[%get3A_174, %get3A_175] {strides = array<i32>} : memref<80x64xi32, #tpu.memory_space<vmem>>, vector<16xi32>,
          %bitcast3A_177 = vector.bitcast %get3A_176 : vector<16xi32> to vector<16xi32>
          %shift_left3A_178 = arith.shli %bitcast3A_177, %broadcast_in_dim3A_11 : vector<16xi32>
          %bitcast3A_179 = vector.bitcast %shift_left3A_178 : vector<16xi32> to vector<16xf32>
          %bitcast3A_180 = vector.bitcast %bitcast3A_177 : vector<16xi32> to vector<16xf32>
          %get3A_181 = arith.index_cast %add3A_173 : i32 to index
          %get3A_182 = arith.constant 0 : index
          %get3A_183 = tpu.vector_load %arg12[%get3A_181, %get3A_182] {strides = array<i32>} : memref<80x64xi32, #tpu.memory_space<vmem>>, vector<16xi32>,
          %bitcast3A_184 = vector.bitcast %get3A_183 : vector<16xi32> to vector<16xi32>
          %shift_left3A_185 = arith.shli %bitcast3A_184, %broadcast_in_dim3A_11 : vector<16xi32>
          %bitcast3A_186 = vector.bitcast %shift_left3A_185 : vector<16xi32> to vector<16xf32>
          %bitcast3A_187 = vector.bitcast %bitcast3A_184 : vector<16xi32> to vector<16xf32>
          %mul3A_188 = arith.mulf %bitcast3A_179, %bitcast3A_186 : vector<16xf32>
          %mul3A_189 = arith.mulf %bitcast3A_180, %bitcast3A_187 : vector<16xf32>
          %add3A_190 = arith.addf %mul3A_188, %mul3A_189 : vector<16xf32>
          %get3A_191 = arith.index_cast %add3A_173 : i32 to index
          %get3A_192 = arith.constant 16 : index
          %get3A_193 = tpu.vector_load %arg9[%get3A_191, %get3A_192] {strides = array<i32>} : memref<80x64xi32, #tpu.memory_space<vmem>>, vector<16xi32>,
          %bitcast3A_194 = vector.bitcast %get3A_193 : vector<16xi32> to vector<16xi32>
          %shift_left3A_195 = arith.shli %bitcast3A_194, %broadcast_in_dim3A_11 : vector<16xi32>
          %bitcast3A_196 = vector.bitcast %shift_left3A_195 : vector<16xi32> to vector<16xf32>
          %bitcast3A_197 = vector.bitcast %bitcast3A_194 : vector<16xi32> to vector<16xf32>
          %get3A_198 = arith.index_cast %add3A_173 : i32 to index
          %get3A_199 = arith.constant 16 : index
          %get3A_200 = tpu.vector_load %arg12[%get3A_198, %get3A_199] {strides = array<i32>} : memref<80x64xi32, #tpu.memory_space<vmem>>, vector<16xi32>,
          %bitcast3A_201 = vector.bitcast %get3A_200 : vector<16xi32> to vector<16xi32>
          %shift_left3A_202 = arith.shli %bitcast3A_201, %broadcast_in_dim3A_11 : vector<16xi32>
          %bitcast3A_203 = vector.bitcast %shift_left3A_202 : vector<16xi32> to vector<16xf32>
          %bitcast3A_204 = vector.bitcast %bitcast3A_201 : vector<16xi32> to vector<16xf32>
          %mul3A_205 = arith.mulf %bitcast3A_196, %bitcast3A_203 : vector<16xf32>
          %mul3A_206 = arith.mulf %bitcast3A_197, %bitcast3A_204 : vector<16xf32>
          %add3A_207 = arith.addf %mul3A_205, %mul3A_206 : vector<16xf32>
          %get3A_208 = arith.index_cast %add3A_173 : i32 to index
          %get3A_209 = arith.constant 32 : index
          %get3A_210 = tpu.vector_load %arg9[%get3A_208, %get3A_209] {strides = array<i32>} : memref<80x64xi32, #tpu.memory_space<vmem>>, vector<16xi32>,
          %bitcast3A_211 = vector.bitcast %get3A_210 : vector<16xi32> to vector<16xi32>
          %shift_left3A_212 = arith.shli %bitcast3A_211, %broadcast_in_dim3A_11 : vector<16xi32>
          %bitcast3A_213 = vector.bitcast %shift_left3A_212 : vector<16xi32> to vector<16xf32>
          %bitcast3A_214 = vector.bitcast %bitcast3A_211 : vector<16xi32> to vector<16xf32>
          %get3A_215 = arith.index_cast %add3A_173 : i32 to index
          %get3A_216 = arith.constant 32 : index
          %get3A_217 = tpu.vector_load %arg12[%get3A_215, %get3A_216] {strides = array<i32>} : memref<80x64xi32, #tpu.memory_space<vmem>>, vector<16xi32>,
          %bitcast3A_218 = vector.bitcast %get3A_217 : vector<16xi32> to vector<16xi32>
          %shift_left3A_219 = arith.shli %bitcast3A_218, %broadcast_in_dim3A_11 : vector<16xi32>
          %bitcast3A_220 = vector.bitcast %shift_left3A_219 : vector<16xi32> to vector<16xf32>
          %bitcast3A_221 = vector.bitcast %bitcast3A_218 : vector<16xi32> to vector<16xf32>
          %mul3A_222 = arith.mulf %bitcast3A_213, %bitcast3A_220 : vector<16xf32>
          %mul3A_223 = arith.mulf %bitcast3A_214, %bitcast3A_221 : vector<16xf32>
          %add3A_224 = arith.addf %mul3A_222, %mul3A_223 : vector<16xf32>
          %get3A_225 = arith.index_cast %add3A_173 : i32 to index
          %get3A_226 = arith.constant 48 : index
          %get3A_227 = tpu.vector_load %arg9[%get3A_225, %get3A_226] {strides = array<i32>} : memref<80x64xi32, #tpu.memory_space<vmem>>, vector<16xi32>,
          %bitcast3A_228 = vector.bitcast %get3A_227 : vector<16xi32> to vector<16xi32>
          %shift_left3A_229 = arith.shli %bitcast3A_228, %broadcast_in_dim3A_11 : vector<16xi32>
          %bitcast3A_230 = vector.bitcast %shift_left3A_229 : vector<16xi32> to vector<16xf32>
          %bitcast3A_231 = vector.bitcast %bitcast3A_228 : vector<16xi32> to vector<16xf32>
          %get3A_232 = arith.index_cast %add3A_173 : i32 to index
          %get3A_233 = arith.constant 48 : index
          %get3A_234 = tpu.vector_load %arg12[%get3A_232, %get3A_233] {strides = array<i32>} : memref<80x64xi32, #tpu.memory_space<vmem>>, vector<16xi32>,
          %bitcast3A_235 = vector.bitcast %get3A_234 : vector<16xi32> to vector<16xi32>
          %shift_left3A_236 = arith.shli %bitcast3A_235, %broadcast_in_dim3A_11 : vector<16xi32>
          %bitcast3A_237 = vector.bitcast %shift_left3A_236 : vector<16xi32> to vector<16xf32>
          %bitcast3A_238 = vector.bitcast %bitcast3A_235 : vector<16xi32> to vector<16xf32>
          %mul3A_239 = arith.mulf %bitcast3A_230, %bitcast3A_237 : vector<16xf32>
          %mul3A_240 = arith.mulf %bitcast3A_231, %bitcast3A_238 : vector<16xf32>
          %add3A_241 = arith.addf %mul3A_239, %mul3A_240 : vector<16xf32>
          %add3A_242 = arith.addf %add3A_190, %add3A_207 : vector<16xf32>
          %add3A_243 = arith.addf %add3A_224, %add3A_241 : vector<16xf32>
          %add3A_244 = arith.addf %add3A_242, %add3A_243 : vector<16xf32>
          %swap3A_245 = arith.constant 17 : index
          %swap3A_246 = tpu.vector_load %arg14[%swap3A_245] {strides = array<i32>} : memref<272xf32, #tpu.memory_space<vmem>>, vector<16xf32>,
          tpu.vector_store %arg14[%swap3A_245], %add3A_244 {strides = array<i32>} : memref<272xf32, #tpu.memory_space<vmem>>, vector<16xf32>,
          %mul3A_247 = arith.constant 16 : i32
          %mul3A_248 = arith.muli %scan3A_96, %mul3A_247 : i32
          %add3A_249 = arith.constant 2 : i32
          %add3A_250 = arith.addi %mul3A_248, %add3A_249 : i32
          %get3A_251 = arith.index_cast %add3A_250 : i32 to index
          %get3A_252 = arith.constant 0 : index
          %get3A_253 = tpu.vector_load %arg9[%get3A_251, %get3A_252] {strides = array<i32>} : memref<80x64xi32, #tpu.memory_space<vmem>>, vector<16xi32>,
          %bitcast3A_254 = vector.bitcast %get3A_253 : vector<16xi32> to vector<16xi32>
          %shift_left3A_255 = arith.shli %bitcast3A_254, %broadcast_in_dim3A_11 : vector<16xi32>
          %bitcast3A_256 = vector.bitcast %shift_left3A_255 : vector<16xi32> to vector<16xf32>
          %bitcast3A_257 = vector.bitcast %bitcast3A_254 : vector<16xi32> to vector<16xf32>
          %get3A_258 = arith.index_cast %add3A_250 : i32 to index
          %get3A_259 = arith.constant 0 : index
          %get3A_260 = tpu.vector_load %arg12[%get3A_258, %get3A_259] {strides = array<i32>} : memref<80x64xi32, #tpu.memory_space<vmem>>, vector<16xi32>,
          %bitcast3A_261 = vector.bitcast %get3A_260 : vector<16xi32> to vector<16xi32>
          %shift_left3A_262 = arith.shli %bitcast3A_261, %broadcast_in_dim3A_11 : vector<16xi32>
          %bitcast3A_263 = vector.bitcast %shift_left3A_262 : vector<16xi32> to vector<16xf32>
          %bitcast3A_264 = vector.bitcast %bitcast3A_261 : vector<16xi32> to vector<16xf32>
          %mul3A_265 = arith.mulf %bitcast3A_256, %bitcast3A_263 : vector<16xf32>
          %mul3A_266 = arith.mulf %bitcast3A_257, %bitcast3A_264 : vector<16xf32>
          %add3A_267 = arith.addf %mul3A_265, %mul3A_266 : vector<16xf32>
          %get3A_268 = arith.index_cast %add3A_250 : i32 to index
          %get3A_269 = arith.constant 16 : index
          %get3A_270 = tpu.vector_load %arg9[%get3A_268, %get3A_269] {strides = array<i32>} : memref<80x64xi32, #tpu.memory_space<vmem>>, vector<16xi32>,
          %bitcast3A_271 = vector.bitcast %get3A_270 : vector<16xi32> to vector<16xi32>
          %shift_left3A_272 = arith.shli %bitcast3A_271, %broadcast_in_dim3A_11 : vector<16xi32>
          %bitcast3A_273 = vector.bitcast %shift_left3A_272 : vector<16xi32> to vector<16xf32>
          %bitcast3A_274 = vector.bitcast %bitcast3A_271 : vector<16xi32> to vector<16xf32>
          %get3A_275 = arith.index_cast %add3A_250 : i32 to index
          %get3A_276 = arith.constant 16 : index
          %get3A_277 = tpu.vector_load %arg12[%get3A_275, %get3A_276] {strides = array<i32>} : memref<80x64xi32, #tpu.memory_space<vmem>>, vector<16xi32>,
          %bitcast3A_278 = vector.bitcast %get3A_277 : vector<16xi32> to vector<16xi32>
          %shift_left3A_279 = arith.shli %bitcast3A_278, %broadcast_in_dim3A_11 : vector<16xi32>
          %bitcast3A_280 = vector.bitcast %shift_left3A_279 : vector<16xi32> to vector<16xf32>
          %bitcast3A_281 = vector.bitcast %bitcast3A_278 : vector<16xi32> to vector<16xf32>
          %mul3A_282 = arith.mulf %bitcast3A_273, %bitcast3A_280 : vector<16xf32>
          %mul3A_283 = arith.mulf %bitcast3A_274, %bitcast3A_281 : vector<16xf32>
          %add3A_284 = arith.addf %mul3A_282, %mul3A_283 : vector<16xf32>
          %get3A_285 = arith.index_cast %add3A_250 : i32 to index
          %get3A_286 = arith.constant 32 : index
          %get3A_287 = tpu.vector_load %arg9[%get3A_285, %get3A_286] {strides = array<i32>} : memref<80x64xi32, #tpu.memory_space<vmem>>, vector<16xi32>,
          %bitcast3A_288 = vector.bitcast %get3A_287 : vector<16xi32> to vector<16xi32>
          %shift_left3A_289 = arith.shli %bitcast3A_288, %broadcast_in_dim3A_11 : vector<16xi32>
          %bitcast3A_290 = vector.bitcast %shift_left3A_289 : vector<16xi32> to vector<16xf32>
          %bitcast3A_291 = vector.bitcast %bitcast3A_288 : vector<16xi32> to vector<16xf32>
          %get3A_292 = arith.index_cast %add3A_250 : i32 to index
          %get3A_293 = arith.constant 32 : index
          %get3A_294 = tpu.vector_load %arg12[%get3A_292, %get3A_293] {strides = array<i32>} : memref<80x64xi32, #tpu.memory_space<vmem>>, vector<16xi32>,
          %bitcast3A_295 = vector.bitcast %get3A_294 : vector<16xi32> to vector<16xi32>
          %shift_left3A_296 = arith.shli %bitcast3A_295, %broadcast_in_dim3A_11 : vector<16xi32>
          %bitcast3A_297 = vector.bitcast %shift_left3A_296 : vector<16xi32> to vector<16xf32>
          %bitcast3A_298 = vector.bitcast %bitcast3A_295 : vector<16xi32> to vector<16xf32>
          %mul3A_299 = arith.mulf %bitcast3A_290, %bitcast3A_297 : vector<16xf32>
          %mul3A_300 = arith.mulf %bitcast3A_291, %bitcast3A_298 : vector<16xf32>
          %add3A_301 = arith.addf %mul3A_299, %mul3A_300 : vector<16xf32>
          %get3A_302 = arith.index_cast %add3A_250 : i32 to index
          %get3A_303 = arith.constant 48 : index
          %get3A_304 = tpu.vector_load %arg9[%get3A_302, %get3A_303] {strides = array<i32>} : memref<80x64xi32, #tpu.memory_space<vmem>>, vector<16xi32>,
          %bitcast3A_305 = vector.bitcast %get3A_304 : vector<16xi32> to vector<16xi32>
          %shift_left3A_306 = arith.shli %bitcast3A_305, %broadcast_in_dim3A_11 : vector<16xi32>
          %bitcast3A_307 = vector.bitcast %shift_left3A_306 : vector<16xi32> to vector<16xf32>
          %bitcast3A_308 = vector.bitcast %bitcast3A_305 : vector<16xi32> to vector<16xf32>
          %get3A_309 = arith.index_cast %add3A_250 : i32 to index
          %get3A_310 = arith.constant 48 : index
          %get3A_311 = tpu.vector_load %arg12[%get3A_309, %get3A_310] {strides = array<i32>} : memref<80x64xi32, #tpu.memory_space<vmem>>, vector<16xi32>,
          %bitcast3A_312 = vector.bitcast %get3A_311 : vector<16xi32> to vector<16xi32>
          %shift_left3A_313 = arith.shli %bitcast3A_312, %broadcast_in_dim3A_11 : vector<16xi32>
          %bitcast3A_314 = vector.bitcast %shift_left3A_313 : vector<16xi32> to vector<16xf32>
          %bitcast3A_315 = vector.bitcast %bitcast3A_312 : vector<16xi32> to vector<16xf32>
          %mul3A_316 = arith.mulf %bitcast3A_307, %bitcast3A_314 : vector<16xf32>
          %mul3A_317 = arith.mulf %bitcast3A_308, %bitcast3A_315 : vector<16xf32>
          %add3A_318 = arith.addf %mul3A_316, %mul3A_317 : vector<16xf32>
          %add3A_319 = arith.addf %add3A_267, %add3A_284 : vector<16xf32>
          %add3A_320 = arith.addf %add3A_301, %add3A_318 : vector<16xf32>
          %add3A_321 = arith.addf %add3A_319, %add3A_320 : vector<16xf32>
          %swap3A_322 = arith.constant 34 : index
          %swap3A_323 = tpu.vector_load %arg14[%swap3A_322] {strides = array<i32>} : memref<272xf32, #tpu.memory_space<vmem>>, vector<16xf32>,
          tpu.vector_store %arg14[%swap3A_322], %add3A_321 {strides = array<i32>} : memref<272xf32, #tpu.memory_space<vmem>>, vector<16xf32>,
          %mul3A_324 = arith.constant 16 : i32
          %mul3A_325 = arith.muli %scan3A_96, %mul3A_324 : i32
          %add3A_326 = arith.constant 3 : i32
          %add3A_327 = arith.addi %mul3A_325, %add3A_326 : i32
          %get3A_328 = arith.index_cast %add3A_327 : i32 to index
          %get3A_329 = arith.constant 0 : index
          %get3A_330 = tpu.vector_load %arg9[%get3A_328, %get3A_329] {strides = array<i32>} : memref<80x64xi32, #tpu.memory_space<vmem>>, vector<16xi32>,
          %bitcast3A_331 = vector.bitcast %get3A_330 : vector<16xi32> to vector<16xi32>
          %shift_left3A_332 = arith.shli %bitcast3A_331, %broadcast_in_dim3A_11 : vector<16xi32>
          %bitcast3A_333 = vector.bitcast %shift_left3A_332 : vector<16xi32> to vector<16xf32>
          %bitcast3A_334 = vector.bitcast %bitcast3A_331 : vector<16xi32> to vector<16xf32>
          %get3A_335 = arith.index_cast %add3A_327 : i32 to index
          %get3A_336 = arith.constant 0 : index
          %get3A_337 = tpu.vector_load %arg12[%get3A_335, %get3A_336] {strides = array<i32>} : memref<80x64xi32, #tpu.memory_space<vmem>>, vector<16xi32>,
          %bitcast3A_338 = vector.bitcast %get3A_337 : vector<16xi32> to vector<16xi32>
          %shift_left3A_339 = arith.shli %bitcast3A_338, %broadcast_in_dim3A_11 : vector<16xi32>
          %bitcast3A_340 = vector.bitcast %shift_left3A_339 : vector<16xi32> to vector<16xf32>
          %bitcast3A_341 = vector.bitcast %bitcast3A_338 : vector<16xi32> to vector<16xf32>
          %mul3A_342 = arith.mulf %bitcast3A_333, %bitcast3A_340 : vector<16xf32>
          %mul3A_343 = arith.mulf %bitcast3A_334, %bitcast3A_341 : vector<16xf32>
          %add3A_344 = arith.addf %mul3A_342, %mul3A_343 : vector<16xf32>
          %get3A_345 = arith.index_cast %add3A_327 : i32 to index
          %get3A_346 = arith.constant 16 : index
          %get3A_347 = tpu.vector_load %arg9[%get3A_345, %get3A_346] {strides = array<i32>} : memref<80x64xi32, #tpu.memory_space<vmem>>, vector<16xi32>,
          %bitcast3A_348 = vector.bitcast %get3A_347 : vector<16xi32> to vector<16xi32>
          %shift_left3A_349 = arith.shli %bitcast3A_348, %broadcast_in_dim3A_11 : vector<16xi32>
          %bitcast3A_350 = vector.bitcast %shift_left3A_349 : vector<16xi32> to vector<16xf32>
          %bitcast3A_351 = vector.bitcast %bitcast3A_348 : vector<16xi32> to vector<16xf32>
          %get3A_352 = arith.index_cast %add3A_327 : i32 to index
          %get3A_353 = arith.constant 16 : index
          %get3A_354 = tpu.vector_load %arg12[%get3A_352, %get3A_353] {strides = array<i32>} : memref<80x64xi32, #tpu.memory_space<vmem>>, vector<16xi32>,
          %bitcast3A_355 = vector.bitcast %get3A_354 : vector<16xi32> to vector<16xi32>
          %shift_left3A_356 = arith.shli %bitcast3A_355, %broadcast_in_dim3A_11 : vector<16xi32>
          %bitcast3A_357 = vector.bitcast %shift_left3A_356 : vector<16xi32> to vector<16xf32>
          %bitcast3A_358 = vector.bitcast %bitcast3A_355 : vector<16xi32> to vector<16xf32>
          %mul3A_359 = arith.mulf %bitcast3A_350, %bitcast3A_357 : vector<16xf32>
          %mul3A_360 = arith.mulf %bitcast3A_351, %bitcast3A_358 : vector<16xf32>
          %add3A_361 = arith.addf %mul3A_359, %mul3A_360 : vector<16xf32>
          %get3A_362 = arith.index_cast %add3A_327 : i32 to index
          %get3A_363 = arith.constant 32 : index
          %get3A_364 = tpu.vector_load %arg9[%get3A_362, %get3A_363] {strides = array<i32>} : memref<80x64xi32, #tpu.memory_space<vmem>>, vector<16xi32>,
          %bitcast3A_365 = vector.bitcast %get3A_364 : vector<16xi32> to vector<16xi32>
          %shift_left3A_366 = arith.shli %bitcast3A_365, %broadcast_in_dim3A_11 : vector<16xi32>
          %bitcast3A_367 = vector.bitcast %shift_left3A_366 : vector<16xi32> to vector<16xf32>
          %bitcast3A_368 = vector.bitcast %bitcast3A_365 : vector<16xi32> to vector<16xf32>
          %get3A_369 = arith.index_cast %add3A_327 : i32 to index
          %get3A_370 = arith.constant 32 : index
          %get3A_371 = tpu.vector_load %arg12[%get3A_369, %get3A_370] {strides = array<i32>} : memref<80x64xi32, #tpu.memory_space<vmem>>, vector<16xi32>,
          %bitcast3A_372 = vector.bitcast %get3A_371 : vector<16xi32> to vector<16xi32>
          %shift_left3A_373 = arith.shli %bitcast3A_372, %broadcast_in_dim3A_11 : vector<16xi32>
          %bitcast3A_374 = vector.bitcast %shift_left3A_373 : vector<16xi32> to vector<16xf32>
          %bitcast3A_375 = vector.bitcast %bitcast3A_372 : vector<16xi32> to vector<16xf32>
          %mul3A_376 = arith.mulf %bitcast3A_367, %bitcast3A_374 : vector<16xf32>
          %mul3A_377 = arith.mulf %bitcast3A_368, %bitcast3A_375 : vector<16xf32>
          %add3A_378 = arith.addf %mul3A_376, %mul3A_377 : vector<16xf32>
          %get3A_379 = arith.index_cast %add3A_327 : i32 to index
          %get3A_380 = arith.constant 48 : index
          %get3A_381 = tpu.vector_load %arg9[%get3A_379, %get3A_380] {strides = array<i32>} : memref<80x64xi32, #tpu.memory_space<vmem>>, vector<16xi32>,
          %bitcast3A_382 = vector.bitcast %get3A_381 : vector<16xi32> to vector<16xi32>
          %shift_left3A_383 = arith.shli %bitcast3A_382, %broadcast_in_dim3A_11 : vector<16xi32>
          %bitcast3A_384 = vector.bitcast %shift_left3A_383 : vector<16xi32> to vector<16xf32>
          %bitcast3A_385 = vector.bitcast %bitcast3A_382 : vector<16xi32> to vector<16xf32>
          %get3A_386 = arith.index_cast %add3A_327 : i32 to index
          %get3A_387 = arith.constant 48 : index
          %get3A_388 = tpu.vector_load %arg12[%get3A_386, %get3A_387] {strides = array<i32>} : memref<80x64xi32, #tpu.memory_space<vmem>>, vector<16xi32>,
          %bitcast3A_389 = vector.bitcast %get3A_388 : vector<16xi32> to vector<16xi32>
          %shift_left3A_390 = arith.shli %bitcast3A_389, %broadcast_in_dim3A_11 : vector<16xi32>
          %bitcast3A_391 = vector.bitcast %shift_left3A_390 : vector<16xi32> to vector<16xf32>
          %bitcast3A_392 = vector.bitcast %bitcast3A_389 : vector<16xi32> to vector<16xf32>
          %mul3A_393 = arith.mulf %bitcast3A_384, %bitcast3A_391 : vector<16xf32>
          %mul3A_394 = arith.mulf %bitcast3A_385, %bitcast3A_392 : vector<16xf32>
          %add3A_395 = arith.addf %mul3A_393, %mul3A_394 : vector<16xf32>
          %add3A_396 = arith.addf %add3A_344, %add3A_361 : vector<16xf32>
          %add3A_397 = arith.addf %add3A_378, %add3A_395 : vector<16xf32>
          %add3A_398 = arith.addf %add3A_396, %add3A_397 : vector<16xf32>
          %swap3A_399 = arith.constant 51 : index
          %swap3A_400 = tpu.vector_load %arg14[%swap3A_399] {strides = array<i32>} : memref<272xf32, #tpu.memory_space<vmem>>, vector<16xf32>,
          tpu.vector_store %arg14[%swap3A_399], %add3A_398 {strides = array<i32>} : memref<272xf32, #tpu.memory_space<vmem>>, vector<16xf32>,
          %mul3A_401 = arith.constant 16 : i32
          %mul3A_402 = arith.muli %scan3A_96, %mul3A_401 : i32
          %add3A_403 = arith.constant 4 : i32
          %add3A_404 = arith.addi %mul3A_402, %add3A_403 : i32
          %get3A_405 = arith.index_cast %add3A_404 : i32 to index
          %get3A_406 = arith.constant 0 : index
          %get3A_407 = tpu.vector_load %arg9[%get3A_405, %get3A_406] {strides = array<i32>} : memref<80x64xi32, #tpu.memory_space<vmem>>, vector<16xi32>,
          %bitcast3A_408 = vector.bitcast %get3A_407 : vector<16xi32> to vector<16xi32>
          %shift_left3A_409 = arith.shli %bitcast3A_408, %broadcast_in_dim3A_11 : vector<16xi32>
          %bitcast3A_410 = vector.bitcast %shift_left3A_409 : vector<16xi32> to vector<16xf32>
          %bitcast3A_411 = vector.bitcast %bitcast3A_408 : vector<16xi32> to vector<16xf32>
          %get3A_412 = arith.index_cast %add3A_404 : i32 to index
          %get3A_413 = arith.constant 0 : index
          %get3A_414 = tpu.vector_load %arg12[%get3A_412, %get3A_413] {strides = array<i32>} : memref<80x64xi32, #tpu.memory_space<vmem>>, vector<16xi32>,
          %bitcast3A_415 = vector.bitcast %get3A_414 : vector<16xi32> to vector<16xi32>
          %shift_left3A_416 = arith.shli %bitcast3A_415, %broadcast_in_dim3A_11 : vector<16xi32>
          %bitcast3A_417 = vector.bitcast %shift_left3A_416 : vector<16xi32> to vector<16xf32>
          %bitcast3A_418 = vector.bitcast %bitcast3A_415 : vector<16xi32> to vector<16xf32>
          %mul3A_419 = arith.mulf %bitcast3A_410, %bitcast3A_417 : vector<16xf32>
          %mul3A_420 = arith.mulf %bitcast3A_411, %bitcast3A_418 : vector<16xf32>
          %add3A_421 = arith.addf %mul3A_419, %mul3A_420 : vector<16xf32>
          %get3A_422 = arith.index_cast %add3A_404 : i32 to index
          %get3A_423 = arith.constant 16 : index
          %get3A_424 = tpu.vector_load %arg9[%get3A_422, %get3A_423] {strides = array<i32>} : memref<80x64xi32, #tpu.memory_space<vmem>>, vector<16xi32>,
          %bitcast3A_425 = vector.bitcast %get3A_424 : vector<16xi32> to vector<16xi32>
          %shift_left3A_426 = arith.shli %bitcast3A_425, %broadcast_in_dim3A_11 : vector<16xi32>
          %bitcast3A_427 = vector.bitcast %shift_left3A_426 : vector<16xi32> to vector<16xf32>
          %bitcast3A_428 = vector.bitcast %bitcast3A_425 : vector<16xi32> to vector<16xf32>
          %get3A_429 = arith.index_cast %add3A_404 : i32 to index
          %get3A_430 = arith.constant 16 : index
          %get3A_431 = tpu.vector_load %arg12[%get3A_429, %get3A_430] {strides = array<i32>} : memref<80x64xi32, #tpu.memory_space<vmem>>, vector<16xi32>,
          %bitcast3A_432 = vector.bitcast %get3A_431 : vector<16xi32> to vector<16xi32>
          %shift_left3A_433 = arith.shli %bitcast3A_432, %broadcast_in_dim3A_11 : vector<16xi32>
          %bitcast3A_434 = vector.bitcast %shift_left3A_433 : vector<16xi32> to vector<16xf32>
          %bitcast3A_435 = vector.bitcast %bitcast3A_432 : vector<16xi32> to vector<16xf32>
          %mul3A_436 = arith.mulf %bitcast3A_427, %bitcast3A_434 : vector<16xf32>
          %mul3A_437 = arith.mulf %bitcast3A_428, %bitcast3A_435 : vector<16xf32>
          %add3A_438 = arith.addf %mul3A_436, %mul3A_437 : vector<16xf32>
          %get3A_439 = arith.index_cast %add3A_404 : i32 to index
          %get3A_440 = arith.constant 32 : index
          %get3A_441 = tpu.vector_load %arg9[%get3A_439, %get3A_440] {strides = array<i32>} : memref<80x64xi32, #tpu.memory_space<vmem>>, vector<16xi32>,
          %bitcast3A_442 = vector.bitcast %get3A_441 : vector<16xi32> to vector<16xi32>
          %shift_left3A_443 = arith.shli %bitcast3A_442, %broadcast_in_dim3A_11 : vector<16xi32>
          %bitcast3A_444 = vector.bitcast %shift_left3A_443 : vector<16xi32> to vector<16xf32>
          %bitcast3A_445 = vector.bitcast %bitcast3A_442 : vector<16xi32> to vector<16xf32>
          %get3A_446 = arith.index_cast %add3A_404 : i32 to index
          %get3A_447 = arith.constant 32 : index
          %get3A_448 = tpu.vector_load %arg12[%get3A_446, %get3A_447] {strides = array<i32>} : memref<80x64xi32, #tpu.memory_space<vmem>>, vector<16xi32>,
          %bitcast3A_449 = vector.bitcast %get3A_448 : vector<16xi32> to vector<16xi32>
          %shift_left3A_450 = arith.shli %bitcast3A_449, %broadcast_in_dim3A_11 : vector<16xi32>
          %bitcast3A_451 = vector.bitcast %shift_left3A_450 : vector<16xi32> to vector<16xf32>
          %bitcast3A_452 = vector.bitcast %bitcast3A_449 : vector<16xi32> to vector<16xf32>
          %mul3A_453 = arith.mulf %bitcast3A_444, %bitcast3A_451 : vector<16xf32>
          %mul3A_454 = arith.mulf %bitcast3A_445, %bitcast3A_452 : vector<16xf32>
          %add3A_455 = arith.addf %mul3A_453, %mul3A_454 : vector<16xf32>
          %get3A_456 = arith.index_cast %add3A_404 : i32 to index
          %get3A_457 = arith.constant 48 : index
          %get3A_458 = tpu.vector_load %arg9[%get3A_456, %get3A_457] {strides = array<i32>} : memref<80x64xi32, #tpu.memory_space<vmem>>, vector<16xi32>,
          %bitcast3A_459 = vector.bitcast %get3A_458 : vector<16xi32> to vector<16xi32>
          %shift_left3A_460 = arith.shli %bitcast3A_459, %broadcast_in_dim3A_11 : vector<16xi32>
          %bitcast3A_461 = vector.bitcast %shift_left3A_460 : vector<16xi32> to vector<16xf32>
          %bitcast3A_462 = vector.bitcast %bitcast3A_459 : vector<16xi32> to vector<16xf32>
          %get3A_463 = arith.index_cast %add3A_404 : i32 to index
          %get3A_464 = arith.constant 48 : index
          %get3A_465 = tpu.vector_load %arg12[%get3A_463, %get3A_464] {strides = array<i32>} : memref<80x64xi32, #tpu.memory_space<vmem>>, vector<16xi32>,
          %bitcast3A_466 = vector.bitcast %get3A_465 : vector<16xi32> to vector<16xi32>
          %shift_left3A_467 = arith.shli %bitcast3A_466, %broadcast_in_dim3A_11 : vector<16xi32>
          %bitcast3A_468 = vector.bitcast %shift_left3A_467 : vector<16xi32> to vector<16xf32>
          %bitcast3A_469 = vector.bitcast %bitcast3A_466 : vector<16xi32> to vector<16xf32>
          %mul3A_470 = arith.mulf %bitcast3A_461, %bitcast3A_468 : vector<16xf32>
          %mul3A_471 = arith.mulf %bitcast3A_462, %bitcast3A_469 : vector<16xf32>
          %add3A_472 = arith.addf %mul3A_470, %mul3A_471 : vector<16xf32>
          %add3A_473 = arith.addf %add3A_421, %add3A_438 : vector<16xf32>
          %add3A_474 = arith.addf %add3A_455, %add3A_472 : vector<16xf32>
          %add3A_475 = arith.addf %add3A_473, %add3A_474 : vector<16xf32>
          %swap3A_476 = arith.constant 68 : index
          %swap3A_477 = tpu.vector_load %arg14[%swap3A_476] {strides = array<i32>} : memref<272xf32, #tpu.memory_space<vmem>>, vector<16xf32>,
          tpu.vector_store %arg14[%swap3A_476], %add3A_475 {strides = array<i32>} : memref<272xf32, #tpu.memory_space<vmem>>, vector<16xf32>,
          %mul3A_478 = arith.constant 16 : i32
          %mul3A_479 = arith.muli %scan3A_96, %mul3A_478 : i32
          %add3A_480 = arith.constant 5 : i32
          %add3A_481 = arith.addi %mul3A_479, %add3A_480 : i32
          %get3A_482 = arith.index_cast %add3A_481 : i32 to index
          %get3A_483 = arith.constant 0 : index
          %get3A_484 = tpu.vector_load %arg9[%get3A_482, %get3A_483] {strides = array<i32>} : memref<80x64xi32, #tpu.memory_space<vmem>>, vector<16xi32>,
          %bitcast3A_485 = vector.bitcast %get3A_484 : vector<16xi32> to vector<16xi32>
          %shift_left3A_486 = arith.shli %bitcast3A_485, %broadcast_in_dim3A_11 : vector<16xi32>
          %bitcast3A_487 = vector.bitcast %shift_left3A_486 : vector<16xi32> to vector<16xf32>
          %bitcast3A_488 = vector.bitcast %bitcast3A_485 : vector<16xi32> to vector<16xf32>
          %get3A_489 = arith.index_cast %add3A_481 : i32 to index
          %get3A_490 = arith.constant 0 : index
          %get3A_491 = tpu.vector_load %arg12[%get3A_489, %get3A_490] {strides = array<i32>} : memref<80x64xi32, #tpu.memory_space<vmem>>, vector<16xi32>,
          %bitcast3A_492 = vector.bitcast %get3A_491 : vector<16xi32> to vector<16xi32>
          %shift_left3A_493 = arith.shli %bitcast3A_492, %broadcast_in_dim3A_11 : vector<16xi32>
          %bitcast3A_494 = vector.bitcast %shift_left3A_493 : vector<16xi32> to vector<16xf32>
          %bitcast3A_495 = vector.bitcast %bitcast3A_492 : vector<16xi32> to vector<16xf32>
          %mul3A_496 = arith.mulf %bitcast3A_487, %bitcast3A_494 : vector<16xf32>
          %mul3A_497 = arith.mulf %bitcast3A_488, %bitcast3A_495 : vector<16xf32>
          %add3A_498 = arith.addf %mul3A_496, %mul3A_497 : vector<16xf32>
          %get3A_499 = arith.index_cast %add3A_481 : i32 to index
          %get3A_500 = arith.constant 16 : index
          %get3A_501 = tpu.vector_load %arg9[%get3A_499, %get3A_500] {strides = array<i32>} : memref<80x64xi32, #tpu.memory_space<vmem>>, vector<16xi32>,
          %bitcast3A_502 = vector.bitcast %get3A_501 : vector<16xi32> to vector<16xi32>
          %shift_left3A_503 = arith.shli %bitcast3A_502, %broadcast_in_dim3A_11 : vector<16xi32>
          %bitcast3A_504 = vector.bitcast %shift_left3A_503 : vector<16xi32> to vector<16xf32>
          %bitcast3A_505 = vector.bitcast %bitcast3A_502 : vector<16xi32> to vector<16xf32>
          %get3A_506 = arith.index_cast %add3A_481 : i32 to index
          %get3A_507 = arith.constant 16 : index
          %get3A_508 = tpu.vector_load %arg12[%get3A_506, %get3A_507] {strides = array<i32>} : memref<80x64xi32, #tpu.memory_space<vmem>>, vector<16xi32>,
          %bitcast3A_509 = vector.bitcast %get3A_508 : vector<16xi32> to vector<16xi32>
          %shift_left3A_510 = arith.shli %bitcast3A_509, %broadcast_in_dim3A_11 : vector<16xi32>
          %bitcast3A_511 = vector.bitcast %shift_left3A_510 : vector<16xi32> to vector<16xf32>
          %bitcast3A_512 = vector.bitcast %bitcast3A_509 : vector<16xi32> to vector<16xf32>
          %mul3A_513 = arith.mulf %bitcast3A_504, %bitcast3A_511 : vector<16xf32>
          %mul3A_514 = arith.mulf %bitcast3A_505, %bitcast3A_512 : vector<16xf32>
          %add3A_515 = arith.addf %mul3A_513, %mul3A_514 : vector<16xf32>
          %get3A_516 = arith.index_cast %add3A_481 : i32 to index
          %get3A_517 = arith.constant 32 : index
          %get3A_518 = tpu.vector_load %arg9[%get3A_516, %get3A_517] {strides = array<i32>} : memref<80x64xi32, #tpu.memory_space<vmem>>, vector<16xi32>,
          %bitcast3A_519 = vector.bitcast %get3A_518 : vector<16xi32> to vector<16xi32>
          %shift_left3A_520 = arith.shli %bitcast3A_519, %broadcast_in_dim3A_11 : vector<16xi32>
          %bitcast3A_521 = vector.bitcast %shift_left3A_520 : vector<16xi32> to vector<16xf32>
          %bitcast3A_522 = vector.bitcast %bitcast3A_519 : vector<16xi32> to vector<16xf32>
          %get3A_523 = arith.index_cast %add3A_481 : i32 to index
          %get3A_524 = arith.constant 32 : index
          %get3A_525 = tpu.vector_load %arg12[%get3A_523, %get3A_524] {strides = array<i32>} : memref<80x64xi32, #tpu.memory_space<vmem>>, vector<16xi32>,
          %bitcast3A_526 = vector.bitcast %get3A_525 : vector<16xi32> to vector<16xi32>
          %shift_left3A_527 = arith.shli %bitcast3A_526, %broadcast_in_dim3A_11 : vector<16xi32>
          %bitcast3A_528 = vector.bitcast %shift_left3A_527 : vector<16xi32> to vector<16xf32>
          %bitcast3A_529 = vector.bitcast %bitcast3A_526 : vector<16xi32> to vector<16xf32>
          %mul3A_530 = arith.mulf %bitcast3A_521, %bitcast3A_528 : vector<16xf32>
          %mul3A_531 = arith.mulf %bitcast3A_522, %bitcast3A_529 : vector<16xf32>
          %add3A_532 = arith.addf %mul3A_530, %mul3A_531 : vector<16xf32>
          %get3A_533 = arith.index_cast %add3A_481 : i32 to index
          %get3A_534 = arith.constant 48 : index
          %get3A_535 = tpu.vector_load %arg9[%get3A_533, %get3A_534] {strides = array<i32>} : memref<80x64xi32, #tpu.memory_space<vmem>>, vector<16xi32>,
          %bitcast3A_536 = vector.bitcast %get3A_535 : vector<16xi32> to vector<16xi32>
          %shift_left3A_537 = arith.shli %bitcast3A_536, %broadcast_in_dim3A_11 : vector<16xi32>
          %bitcast3A_538 = vector.bitcast %shift_left3A_537 : vector<16xi32> to vector<16xf32>
          %bitcast3A_539 = vector.bitcast %bitcast3A_536 : vector<16xi32> to vector<16xf32>
          %get3A_540 = arith.index_cast %add3A_481 : i32 to index
          %get3A_541 = arith.constant 48 : index
          %get3A_542 = tpu.vector_load %arg12[%get3A_540, %get3A_541] {strides = array<i32>} : memref<80x64xi32, #tpu.memory_space<vmem>>, vector<16xi32>,
          %bitcast3A_543 = vector.bitcast %get3A_542 : vector<16xi32> to vector<16xi32>
          %shift_left3A_544 = arith.shli %bitcast3A_543, %broadcast_in_dim3A_11 : vector<16xi32>
          %bitcast3A_545 = vector.bitcast %shift_left3A_544 : vector<16xi32> to vector<16xf32>
          %bitcast3A_546 = vector.bitcast %bitcast3A_543 : vector<16xi32> to vector<16xf32>
          %mul3A_547 = arith.mulf %bitcast3A_538, %bitcast3A_545 : vector<16xf32>
          %mul3A_548 = arith.mulf %bitcast3A_539, %bitcast3A_546 : vector<16xf32>
          %add3A_549 = arith.addf %mul3A_547, %mul3A_548 : vector<16xf32>
          %add3A_550 = arith.addf %add3A_498, %add3A_515 : vector<16xf32>
          %add3A_551 = arith.addf %add3A_532, %add3A_549 : vector<16xf32>
          %add3A_552 = arith.addf %add3A_550, %add3A_551 : vector<16xf32>
          %swap3A_553 = arith.constant 85 : index
          %swap3A_554 = tpu.vector_load %arg14[%swap3A_553] {strides = array<i32>} : memref<272xf32, #tpu.memory_space<vmem>>, vector<16xf32>,
          tpu.vector_store %arg14[%swap3A_553], %add3A_552 {strides = array<i32>} : memref<272xf32, #tpu.memory_space<vmem>>, vector<16xf32>,
          %mul3A_555 = arith.constant 16 : i32
          %mul3A_556 = arith.muli %scan3A_96, %mul3A_555 : i32
          %add3A_557 = arith.constant 6 : i32
          %add3A_558 = arith.addi %mul3A_556, %add3A_557 : i32
          %get3A_559 = arith.index_cast %add3A_558 : i32 to index
          %get3A_560 = arith.constant 0 : index
          %get3A_561 = tpu.vector_load %arg9[%get3A_559, %get3A_560] {strides = array<i32>} : memref<80x64xi32, #tpu.memory_space<vmem>>, vector<16xi32>,
          %bitcast3A_562 = vector.bitcast %get3A_561 : vector<16xi32> to vector<16xi32>
          %shift_left3A_563 = arith.shli %bitcast3A_562, %broadcast_in_dim3A_11 : vector<16xi32>
          %bitcast3A_564 = vector.bitcast %shift_left3A_563 : vector<16xi32> to vector<16xf32>
          %bitcast3A_565 = vector.bitcast %bitcast3A_562 : vector<16xi32> to vector<16xf32>
          %get3A_566 = arith.index_cast %add3A_558 : i32 to index
          %get3A_567 = arith.constant 0 : index
          %get3A_568 = tpu.vector_load %arg12[%get3A_566, %get3A_567] {strides = array<i32>} : memref<80x64xi32, #tpu.memory_space<vmem>>, vector<16xi32>,
          %bitcast3A_569 = vector.bitcast %get3A_568 : vector<16xi32> to vector<16xi32>
          %shift_left3A_570 = arith.shli %bitcast3A_569, %broadcast_in_dim3A_11 : vector<16xi32>
          %bitcast3A_571 = vector.bitcast %shift_left3A_570 : vector<16xi32> to vector<16xf32>
          %bitcast3A_572 = vector.bitcast %bitcast3A_569 : vector<16xi32> to vector<16xf32>
          %mul3A_573 = arith.mulf %bitcast3A_564, %bitcast3A_571 : vector<16xf32>
          %mul3A_574 = arith.mulf %bitcast3A_565, %bitcast3A_572 : vector<16xf32>
          %add3A_575 = arith.addf %mul3A_573, %mul3A_574 : vector<16xf32>
          %get3A_576 = arith.index_cast %add3A_558 : i32 to index
          %get3A_577 = arith.constant 16 : index
          %get3A_578 = tpu.vector_load %arg9[%get3A_576, %get3A_577] {strides = array<i32>} : memref<80x64xi32, #tpu.memory_space<vmem>>, vector<16xi32>,
          %bitcast3A_579 = vector.bitcast %get3A_578 : vector<16xi32> to vector<16xi32>
          %shift_left3A_580 = arith.shli %bitcast3A_579, %broadcast_in_dim3A_11 : vector<16xi32>
          %bitcast3A_581 = vector.bitcast %shift_left3A_580 : vector<16xi32> to vector<16xf32>
          %bitcast3A_582 = vector.bitcast %bitcast3A_579 : vector<16xi32> to vector<16xf32>
          %get3A_583 = arith.index_cast %add3A_558 : i32 to index
          %get3A_584 = arith.constant 16 : index
          %get3A_585 = tpu.vector_load %arg12[%get3A_583, %get3A_584] {strides = array<i32>} : memref<80x64xi32, #tpu.memory_space<vmem>>, vector<16xi32>,
          %bitcast3A_586 = vector.bitcast %get3A_585 : vector<16xi32> to vector<16xi32>
          %shift_left3A_587 = arith.shli %bitcast3A_586, %broadcast_in_dim3A_11 : vector<16xi32>
          %bitcast3A_588 = vector.bitcast %shift_left3A_587 : vector<16xi32> to vector<16xf32>
          %bitcast3A_589 = vector.bitcast %bitcast3A_586 : vector<16xi32> to vector<16xf32>
          %mul3A_590 = arith.mulf %bitcast3A_581, %bitcast3A_588 : vector<16xf32>
          %mul3A_591 = arith.mulf %bitcast3A_582, %bitcast3A_589 : vector<16xf32>
          %add3A_592 = arith.addf %mul3A_590, %mul3A_591 : vector<16xf32>
          %get3A_593 = arith.index_cast %add3A_558 : i32 to index
          %get3A_594 = arith.constant 32 : index
          %get3A_595 = tpu.vector_load %arg9[%get3A_593, %get3A_594] {strides = array<i32>} : memref<80x64xi32, #tpu.memory_space<vmem>>, vector<16xi32>,
          %bitcast3A_596 = vector.bitcast %get3A_595 : vector<16xi32> to vector<16xi32>
          %shift_left3A_597 = arith.shli %bitcast3A_596, %broadcast_in_dim3A_11 : vector<16xi32>
          %bitcast3A_598 = vector.bitcast %shift_left3A_597 : vector<16xi32> to vector<16xf32>
          %bitcast3A_599 = vector.bitcast %bitcast3A_596 : vector<16xi32> to vector<16xf32>
          %get3A_600 = arith.index_cast %add3A_558 : i32 to index
          %get3A_601 = arith.constant 32 : index
          %get3A_602 = tpu.vector_load %arg12[%get3A_600, %get3A_601] {strides = array<i32>} : memref<80x64xi32, #tpu.memory_space<vmem>>, vector<16xi32>,
          %bitcast3A_603 = vector.bitcast %get3A_602 : vector<16xi32> to vector<16xi32>
          %shift_left3A_604 = arith.shli %bitcast3A_603, %broadcast_in_dim3A_11 : vector<16xi32>
          %bitcast3A_605 = vector.bitcast %shift_left3A_604 : vector<16xi32> to vector<16xf32>
          %bitcast3A_606 = vector.bitcast %bitcast3A_603 : vector<16xi32> to vector<16xf32>
          %mul3A_607 = arith.mulf %bitcast3A_598, %bitcast3A_605 : vector<16xf32>
          %mul3A_608 = arith.mulf %bitcast3A_599, %bitcast3A_606 : vector<16xf32>
          %add3A_609 = arith.addf %mul3A_607, %mul3A_608 : vector<16xf32>
          %get3A_610 = arith.index_cast %add3A_558 : i32 to index
          %get3A_611 = arith.constant 48 : index
          %get3A_612 = tpu.vector_load %arg9[%get3A_610, %get3A_611] {strides = array<i32>} : memref<80x64xi32, #tpu.memory_space<vmem>>, vector<16xi32>,
          %bitcast3A_613 = vector.bitcast %get3A_612 : vector<16xi32> to vector<16xi32>
          %shift_left3A_614 = arith.shli %bitcast3A_613, %broadcast_in_dim3A_11 : vector<16xi32>
          %bitcast3A_615 = vector.bitcast %shift_left3A_614 : vector<16xi32> to vector<16xf32>
          %bitcast3A_616 = vector.bitcast %bitcast3A_613 : vector<16xi32> to vector<16xf32>
          %get3A_617 = arith.index_cast %add3A_558 : i32 to index
          %get3A_618 = arith.constant 48 : index
          %get3A_619 = tpu.vector_load %arg12[%get3A_617, %get3A_618] {strides = array<i32>} : memref<80x64xi32, #tpu.memory_space<vmem>>, vector<16xi32>,
          %bitcast3A_620 = vector.bitcast %get3A_619 : vector<16xi32> to vector<16xi32>
          %shift_left3A_621 = arith.shli %bitcast3A_620, %broadcast_in_dim3A_11 : vector<16xi32>
          %bitcast3A_622 = vector.bitcast %shift_left3A_621 : vector<16xi32> to vector<16xf32>
          %bitcast3A_623 = vector.bitcast %bitcast3A_620 : vector<16xi32> to vector<16xf32>
          %mul3A_624 = arith.mulf %bitcast3A_615, %bitcast3A_622 : vector<16xf32>
          %mul3A_625 = arith.mulf %bitcast3A_616, %bitcast3A_623 : vector<16xf32>
          %add3A_626 = arith.addf %mul3A_624, %mul3A_625 : vector<16xf32>
          %add3A_627 = arith.addf %add3A_575, %add3A_592 : vector<16xf32>
          %add3A_628 = arith.addf %add3A_609, %add3A_626 : vector<16xf32>
          %add3A_629 = arith.addf %add3A_627, %add3A_628 : vector<16xf32>
          %swap3A_630 = arith.constant 102 : index
          %swap3A_631 = tpu.vector_load %arg14[%swap3A_630] {strides = array<i32>} : memref<272xf32, #tpu.memory_space<vmem>>, vector<16xf32>,
          tpu.vector_store %arg14[%swap3A_630], %add3A_629 {strides = array<i32>} : memref<272xf32, #tpu.memory_space<vmem>>, vector<16xf32>,
          %mul3A_632 = arith.constant 16 : i32
          %mul3A_633 = arith.muli %scan3A_96, %mul3A_632 : i32
          %add3A_634 = arith.constant 7 : i32
          %add3A_635 = arith.addi %mul3A_633, %add3A_634 : i32
          %get3A_636 = arith.index_cast %add3A_635 : i32 to index
          %get3A_637 = arith.constant 0 : index
          %get3A_638 = tpu.vector_load %arg9[%get3A_636, %get3A_637] {strides = array<i32>} : memref<80x64xi32, #tpu.memory_space<vmem>>, vector<16xi32>,
          %bitcast3A_639 = vector.bitcast %get3A_638 : vector<16xi32> to vector<16xi32>
          %shift_left3A_640 = arith.shli %bitcast3A_639, %broadcast_in_dim3A_11 : vector<16xi32>
          %bitcast3A_641 = vector.bitcast %shift_left3A_640 : vector<16xi32> to vector<16xf32>
          %bitcast3A_642 = vector.bitcast %bitcast3A_639 : vector<16xi32> to vector<16xf32>
          %get3A_643 = arith.index_cast %add3A_635 : i32 to index
          %get3A_644 = arith.constant 0 : index
          %get3A_645 = tpu.vector_load %arg12[%get3A_643, %get3A_644] {strides = array<i32>} : memref<80x64xi32, #tpu.memory_space<vmem>>, vector<16xi32>,
          %bitcast3A_646 = vector.bitcast %get3A_645 : vector<16xi32> to vector<16xi32>
          %shift_left3A_647 = arith.shli %bitcast3A_646, %broadcast_in_dim3A_11 : vector<16xi32>
          %bitcast3A_648 = vector.bitcast %shift_left3A_647 : vector<16xi32> to vector<16xf32>
          %bitcast3A_649 = vector.bitcast %bitcast3A_646 : vector<16xi32> to vector<16xf32>
          %mul3A_650 = arith.mulf %bitcast3A_641, %bitcast3A_648 : vector<16xf32>
          %mul3A_651 = arith.mulf %bitcast3A_642, %bitcast3A_649 : vector<16xf32>
          %add3A_652 = arith.addf %mul3A_650, %mul3A_651 : vector<16xf32>
          %get3A_653 = arith.index_cast %add3A_635 : i32 to index
          %get3A_654 = arith.constant 16 : index
          %get3A_655 = tpu.vector_load %arg9[%get3A_653, %get3A_654] {strides = array<i32>} : memref<80x64xi32, #tpu.memory_space<vmem>>, vector<16xi32>,
          %bitcast3A_656 = vector.bitcast %get3A_655 : vector<16xi32> to vector<16xi32>
          %shift_left3A_657 = arith.shli %bitcast3A_656, %broadcast_in_dim3A_11 : vector<16xi32>
          %bitcast3A_658 = vector.bitcast %shift_left3A_657 : vector<16xi32> to vector<16xf32>
          %bitcast3A_659 = vector.bitcast %bitcast3A_656 : vector<16xi32> to vector<16xf32>
          %get3A_660 = arith.index_cast %add3A_635 : i32 to index
          %get3A_661 = arith.constant 16 : index
          %get3A_662 = tpu.vector_load %arg12[%get3A_660, %get3A_661] {strides = array<i32>} : memref<80x64xi32, #tpu.memory_space<vmem>>, vector<16xi32>,
          %bitcast3A_663 = vector.bitcast %get3A_662 : vector<16xi32> to vector<16xi32>
          %shift_left3A_664 = arith.shli %bitcast3A_663, %broadcast_in_dim3A_11 : vector<16xi32>
          %bitcast3A_665 = vector.bitcast %shift_left3A_664 : vector<16xi32> to vector<16xf32>
          %bitcast3A_666 = vector.bitcast %bitcast3A_663 : vector<16xi32> to vector<16xf32>
          %mul3A_667 = arith.mulf %bitcast3A_658, %bitcast3A_665 : vector<16xf32>
          %mul3A_668 = arith.mulf %bitcast3A_659, %bitcast3A_666 : vector<16xf32>
          %add3A_669 = arith.addf %mul3A_667, %mul3A_668 : vector<16xf32>
          %get3A_670 = arith.index_cast %add3A_635 : i32 to index
          %get3A_671 = arith.constant 32 : index
          %get3A_672 = tpu.vector_load %arg9[%get3A_670, %get3A_671] {strides = array<i32>} : memref<80x64xi32, #tpu.memory_space<vmem>>, vector<16xi32>,
          %bitcast3A_673 = vector.bitcast %get3A_672 : vector<16xi32> to vector<16xi32>
          %shift_left3A_674 = arith.shli %bitcast3A_673, %broadcast_in_dim3A_11 : vector<16xi32>
          %bitcast3A_675 = vector.bitcast %shift_left3A_674 : vector<16xi32> to vector<16xf32>
          %bitcast3A_676 = vector.bitcast %bitcast3A_673 : vector<16xi32> to vector<16xf32>
          %get3A_677 = arith.index_cast %add3A_635 : i32 to index
          %get3A_678 = arith.constant 32 : index
          %get3A_679 = tpu.vector_load %arg12[%get3A_677, %get3A_678] {strides = array<i32>} : memref<80x64xi32, #tpu.memory_space<vmem>>, vector<16xi32>,
          %bitcast3A_680 = vector.bitcast %get3A_679 : vector<16xi32> to vector<16xi32>
          %shift_left3A_681 = arith.shli %bitcast3A_680, %broadcast_in_dim3A_11 : vector<16xi32>
          %bitcast3A_682 = vector.bitcast %shift_left3A_681 : vector<16xi32> to vector<16xf32>
          %bitcast3A_683 = vector.bitcast %bitcast3A_680 : vector<16xi32> to vector<16xf32>
          %mul3A_684 = arith.mulf %bitcast3A_675, %bitcast3A_682 : vector<16xf32>
          %mul3A_685 = arith.mulf %bitcast3A_676, %bitcast3A_683 : vector<16xf32>
          %add3A_686 = arith.addf %mul3A_684, %mul3A_685 : vector<16xf32>
          %get3A_687 = arith.index_cast %add3A_635 : i32 to index
          %get3A_688 = arith.constant 48 : index
          %get3A_689 = tpu.vector_load %arg9[%get3A_687, %get3A_688] {strides = array<i32>} : memref<80x64xi32, #tpu.memory_space<vmem>>, vector<16xi32>,
          %bitcast3A_690 = vector.bitcast %get3A_689 : vector<16xi32> to vector<16xi32>
          %shift_left3A_691 = arith.shli %bitcast3A_690, %broadcast_in_dim3A_11 : vector<16xi32>
          %bitcast3A_692 = vector.bitcast %shift_left3A_691 : vector<16xi32> to vector<16xf32>
          %bitcast3A_693 = vector.bitcast %bitcast3A_690 : vector<16xi32> to vector<16xf32>
          %get3A_694 = arith.index_cast %add3A_635 : i32 to index
          %get3A_695 = arith.constant 48 : index
          %get3A_696 = tpu.vector_load %arg12[%get3A_694, %get3A_695] {strides = array<i32>} : memref<80x64xi32, #tpu.memory_space<vmem>>, vector<16xi32>,
          %bitcast3A_697 = vector.bitcast %get3A_696 : vector<16xi32> to vector<16xi32>
          %shift_left3A_698 = arith.shli %bitcast3A_697, %broadcast_in_dim3A_11 : vector<16xi32>
          %bitcast3A_699 = vector.bitcast %shift_left3A_698 : vector<16xi32> to vector<16xf32>
          %bitcast3A_700 = vector.bitcast %bitcast3A_697 : vector<16xi32> to vector<16xf32>
          %mul3A_701 = arith.mulf %bitcast3A_692, %bitcast3A_699 : vector<16xf32>
          %mul3A_702 = arith.mulf %bitcast3A_693, %bitcast3A_700 : vector<16xf32>
          %add3A_703 = arith.addf %mul3A_701, %mul3A_702 : vector<16xf32>
          %add3A_704 = arith.addf %add3A_652, %add3A_669 : vector<16xf32>
          %add3A_705 = arith.addf %add3A_686, %add3A_703 : vector<16xf32>
          %add3A_706 = arith.addf %add3A_704, %add3A_705 : vector<16xf32>
          %swap3A_707 = arith.constant 119 : index
          %swap3A_708 = tpu.vector_load %arg14[%swap3A_707] {strides = array<i32>} : memref<272xf32, #tpu.memory_space<vmem>>, vector<16xf32>,
          tpu.vector_store %arg14[%swap3A_707], %add3A_706 {strides = array<i32>} : memref<272xf32, #tpu.memory_space<vmem>>, vector<16xf32>,
          %mul3A_709 = arith.constant 16 : i32
          %mul3A_710 = arith.muli %scan3A_96, %mul3A_709 : i32
          %add3A_711 = arith.constant 8 : i32
          %add3A_712 = arith.addi %mul3A_710, %add3A_711 : i32
          %get3A_713 = arith.index_cast %add3A_712 : i32 to index
          %get3A_714 = arith.constant 0 : index
          %get3A_715 = tpu.vector_load %arg9[%get3A_713, %get3A_714] {strides = array<i32>} : memref<80x64xi32, #tpu.memory_space<vmem>>, vector<16xi32>,
          %bitcast3A_716 = vector.bitcast %get3A_715 : vector<16xi32> to vector<16xi32>
          %shift_left3A_717 = arith.shli %bitcast3A_716, %broadcast_in_dim3A_11 : vector<16xi32>
          %bitcast3A_718 = vector.bitcast %shift_left3A_717 : vector<16xi32> to vector<16xf32>
          %bitcast3A_719 = vector.bitcast %bitcast3A_716 : vector<16xi32> to vector<16xf32>
          %get3A_720 = arith.index_cast %add3A_712 : i32 to index
          %get3A_721 = arith.constant 0 : index
          %get3A_722 = tpu.vector_load %arg12[%get3A_720, %get3A_721] {strides = array<i32>} : memref<80x64xi32, #tpu.memory_space<vmem>>, vector<16xi32>,
          %bitcast3A_723 = vector.bitcast %get3A_722 : vector<16xi32> to vector<16xi32>
          %shift_left3A_724 = arith.shli %bitcast3A_723, %broadcast_in_dim3A_11 : vector<16xi32>
          %bitcast3A_725 = vector.bitcast %shift_left3A_724 : vector<16xi32> to vector<16xf32>
          %bitcast3A_726 = vector.bitcast %bitcast3A_723 : vector<16xi32> to vector<16xf32>
          %mul3A_727 = arith.mulf %bitcast3A_718, %bitcast3A_725 : vector<16xf32>
          %mul3A_728 = arith.mulf %bitcast3A_719, %bitcast3A_726 : vector<16xf32>
          %add3A_729 = arith.addf %mul3A_727, %mul3A_728 : vector<16xf32>
          %get3A_730 = arith.index_cast %add3A_712 : i32 to index
          %get3A_731 = arith.constant 16 : index
          %get3A_732 = tpu.vector_load %arg9[%get3A_730, %get3A_731] {strides = array<i32>} : memref<80x64xi32, #tpu.memory_space<vmem>>, vector<16xi32>,
          %bitcast3A_733 = vector.bitcast %get3A_732 : vector<16xi32> to vector<16xi32>
          %shift_left3A_734 = arith.shli %bitcast3A_733, %broadcast_in_dim3A_11 : vector<16xi32>
          %bitcast3A_735 = vector.bitcast %shift_left3A_734 : vector<16xi32> to vector<16xf32>
          %bitcast3A_736 = vector.bitcast %bitcast3A_733 : vector<16xi32> to vector<16xf32>
          %get3A_737 = arith.index_cast %add3A_712 : i32 to index
          %get3A_738 = arith.constant 16 : index
          %get3A_739 = tpu.vector_load %arg12[%get3A_737, %get3A_738] {strides = array<i32>} : memref<80x64xi32, #tpu.memory_space<vmem>>, vector<16xi32>,
          %bitcast3A_740 = vector.bitcast %get3A_739 : vector<16xi32> to vector<16xi32>
          %shift_left3A_741 = arith.shli %bitcast3A_740, %broadcast_in_dim3A_11 : vector<16xi32>
          %bitcast3A_742 = vector.bitcast %shift_left3A_741 : vector<16xi32> to vector<16xf32>
          %bitcast3A_743 = vector.bitcast %bitcast3A_740 : vector<16xi32> to vector<16xf32>
          %mul3A_744 = arith.mulf %bitcast3A_735, %bitcast3A_742 : vector<16xf32>
          %mul3A_745 = arith.mulf %bitcast3A_736, %bitcast3A_743 : vector<16xf32>
          %add3A_746 = arith.addf %mul3A_744, %mul3A_745 : vector<16xf32>
          %get3A_747 = arith.index_cast %add3A_712 : i32 to index
          %get3A_748 = arith.constant 32 : index
          %get3A_749 = tpu.vector_load %arg9[%get3A_747, %get3A_748] {strides = array<i32>} : memref<80x64xi32, #tpu.memory_space<vmem>>, vector<16xi32>,
          %bitcast3A_750 = vector.bitcast %get3A_749 : vector<16xi32> to vector<16xi32>
          %shift_left3A_751 = arith.shli %bitcast3A_750, %broadcast_in_dim3A_11 : vector<16xi32>
          %bitcast3A_752 = vector.bitcast %shift_left3A_751 : vector<16xi32> to vector<16xf32>
          %bitcast3A_753 = vector.bitcast %bitcast3A_750 : vector<16xi32> to vector<16xf32>
          %get3A_754 = arith.index_cast %add3A_712 : i32 to index
          %get3A_755 = arith.constant 32 : index
          %get3A_756 = tpu.vector_load %arg12[%get3A_754, %get3A_755] {strides = array<i32>} : memref<80x64xi32, #tpu.memory_space<vmem>>, vector<16xi32>,
          %bitcast3A_757 = vector.bitcast %get3A_756 : vector<16xi32> to vector<16xi32>
          %shift_left3A_758 = arith.shli %bitcast3A_757, %broadcast_in_dim3A_11 : vector<16xi32>
          %bitcast3A_759 = vector.bitcast %shift_left3A_758 : vector<16xi32> to vector<16xf32>
          %bitcast3A_760 = vector.bitcast %bitcast3A_757 : vector<16xi32> to vector<16xf32>
          %mul3A_761 = arith.mulf %bitcast3A_752, %bitcast3A_759 : vector<16xf32>
          %mul3A_762 = arith.mulf %bitcast3A_753, %bitcast3A_760 : vector<16xf32>
          %add3A_763 = arith.addf %mul3A_761, %mul3A_762 : vector<16xf32>
          %get3A_764 = arith.index_cast %add3A_712 : i32 to index
          %get3A_765 = arith.constant 48 : index
          %get3A_766 = tpu.vector_load %arg9[%get3A_764, %get3A_765] {strides = array<i32>} : memref<80x64xi32, #tpu.memory_space<vmem>>, vector<16xi32>,
          %bitcast3A_767 = vector.bitcast %get3A_766 : vector<16xi32> to vector<16xi32>
          %shift_left3A_768 = arith.shli %bitcast3A_767, %broadcast_in_dim3A_11 : vector<16xi32>
          %bitcast3A_769 = vector.bitcast %shift_left3A_768 : vector<16xi32> to vector<16xf32>
          %bitcast3A_770 = vector.bitcast %bitcast3A_767 : vector<16xi32> to vector<16xf32>
          %get3A_771 = arith.index_cast %add3A_712 : i32 to index
          %get3A_772 = arith.constant 48 : index
          %get3A_773 = tpu.vector_load %arg12[%get3A_771, %get3A_772] {strides = array<i32>} : memref<80x64xi32, #tpu.memory_space<vmem>>, vector<16xi32>,
          %bitcast3A_774 = vector.bitcast %get3A_773 : vector<16xi32> to vector<16xi32>
          %shift_left3A_775 = arith.shli %bitcast3A_774, %broadcast_in_dim3A_11 : vector<16xi32>
          %bitcast3A_776 = vector.bitcast %shift_left3A_775 : vector<16xi32> to vector<16xf32>
          %bitcast3A_777 = vector.bitcast %bitcast3A_774 : vector<16xi32> to vector<16xf32>
          %mul3A_778 = arith.mulf %bitcast3A_769, %bitcast3A_776 : vector<16xf32>
          %mul3A_779 = arith.mulf %bitcast3A_770, %bitcast3A_777 : vector<16xf32>
          %add3A_780 = arith.addf %mul3A_778, %mul3A_779 : vector<16xf32>
          %add3A_781 = arith.addf %add3A_729, %add3A_746 : vector<16xf32>
          %add3A_782 = arith.addf %add3A_763, %add3A_780 : vector<16xf32>
          %add3A_783 = arith.addf %add3A_781, %add3A_782 : vector<16xf32>
          %swap3A_784 = arith.constant 136 : index
          %swap3A_785 = tpu.vector_load %arg14[%swap3A_784] {strides = array<i32>} : memref<272xf32, #tpu.memory_space<vmem>>, vector<16xf32>,
          tpu.vector_store %arg14[%swap3A_784], %add3A_783 {strides = array<i32>} : memref<272xf32, #tpu.memory_space<vmem>>, vector<16xf32>,
          %mul3A_786 = arith.constant 16 : i32
          %mul3A_787 = arith.muli %scan3A_96, %mul3A_786 : i32
          %add3A_788 = arith.constant 9 : i32
          %add3A_789 = arith.addi %mul3A_787, %add3A_788 : i32
          %get3A_790 = arith.index_cast %add3A_789 : i32 to index
          %get3A_791 = arith.constant 0 : index
          %get3A_792 = tpu.vector_load %arg9[%get3A_790, %get3A_791] {strides = array<i32>} : memref<80x64xi32, #tpu.memory_space<vmem>>, vector<16xi32>,
          %bitcast3A_793 = vector.bitcast %get3A_792 : vector<16xi32> to vector<16xi32>
          %shift_left3A_794 = arith.shli %bitcast3A_793, %broadcast_in_dim3A_11 : vector<16xi32>
          %bitcast3A_795 = vector.bitcast %shift_left3A_794 : vector<16xi32> to vector<16xf32>
          %bitcast3A_796 = vector.bitcast %bitcast3A_793 : vector<16xi32> to vector<16xf32>
          %get3A_797 = arith.index_cast %add3A_789 : i32 to index
          %get3A_798 = arith.constant 0 : index
          %get3A_799 = tpu.vector_load %arg12[%get3A_797, %get3A_798] {strides = array<i32>} : memref<80x64xi32, #tpu.memory_space<vmem>>, vector<16xi32>,
          %bitcast3A_800 = vector.bitcast %get3A_799 : vector<16xi32> to vector<16xi32>
          %shift_left3A_801 = arith.shli %bitcast3A_800, %broadcast_in_dim3A_11 : vector<16xi32>
          %bitcast3A_802 = vector.bitcast %shift_left3A_801 : vector<16xi32> to vector<16xf32>
          %bitcast3A_803 = vector.bitcast %bitcast3A_800 : vector<16xi32> to vector<16xf32>
          %mul3A_804 = arith.mulf %bitcast3A_795, %bitcast3A_802 : vector<16xf32>
          %mul3A_805 = arith.mulf %bitcast3A_796, %bitcast3A_803 : vector<16xf32>
          %add3A_806 = arith.addf %mul3A_804, %mul3A_805 : vector<16xf32>
          %get3A_807 = arith.index_cast %add3A_789 : i32 to index
          %get3A_808 = arith.constant 16 : index
          %get3A_809 = tpu.vector_load %arg9[%get3A_807, %get3A_808] {strides = array<i32>} : memref<80x64xi32, #tpu.memory_space<vmem>>, vector<16xi32>,
          %bitcast3A_810 = vector.bitcast %get3A_809 : vector<16xi32> to vector<16xi32>
          %shift_left3A_811 = arith.shli %bitcast3A_810, %broadcast_in_dim3A_11 : vector<16xi32>
          %bitcast3A_812 = vector.bitcast %shift_left3A_811 : vector<16xi32> to vector<16xf32>
          %bitcast3A_813 = vector.bitcast %bitcast3A_810 : vector<16xi32> to vector<16xf32>
          %get3A_814 = arith.index_cast %add3A_789 : i32 to index
          %get3A_815 = arith.constant 16 : index
          %get3A_816 = tpu.vector_load %arg12[%get3A_814, %get3A_815] {strides = array<i32>} : memref<80x64xi32, #tpu.memory_space<vmem>>, vector<16xi32>,
          %bitcast3A_817 = vector.bitcast %get3A_816 : vector<16xi32> to vector<16xi32>
          %shift_left3A_818 = arith.shli %bitcast3A_817, %broadcast_in_dim3A_11 : vector<16xi32>
          %bitcast3A_819 = vector.bitcast %shift_left3A_818 : vector<16xi32> to vector<16xf32>
          %bitcast3A_820 = vector.bitcast %bitcast3A_817 : vector<16xi32> to vector<16xf32>
          %mul3A_821 = arith.mulf %bitcast3A_812, %bitcast3A_819 : vector<16xf32>
          %mul3A_822 = arith.mulf %bitcast3A_813, %bitcast3A_820 : vector<16xf32>
          %add3A_823 = arith.addf %mul3A_821, %mul3A_822 : vector<16xf32>
          %get3A_824 = arith.index_cast %add3A_789 : i32 to index
          %get3A_825 = arith.constant 32 : index
          %get3A_826 = tpu.vector_load %arg9[%get3A_824, %get3A_825] {strides = array<i32>} : memref<80x64xi32, #tpu.memory_space<vmem>>, vector<16xi32>,
          %bitcast3A_827 = vector.bitcast %get3A_826 : vector<16xi32> to vector<16xi32>
          %shift_left3A_828 = arith.shli %bitcast3A_827, %broadcast_in_dim3A_11 : vector<16xi32>
          %bitcast3A_829 = vector.bitcast %shift_left3A_828 : vector<16xi32> to vector<16xf32>
          %bitcast3A_830 = vector.bitcast %bitcast3A_827 : vector<16xi32> to vector<16xf32>
          %get3A_831 = arith.index_cast %add3A_789 : i32 to index
          %get3A_832 = arith.constant 32 : index
          %get3A_833 = tpu.vector_load %arg12[%get3A_831, %get3A_832] {strides = array<i32>} : memref<80x64xi32, #tpu.memory_space<vmem>>, vector<16xi32>,
          %bitcast3A_834 = vector.bitcast %get3A_833 : vector<16xi32> to vector<16xi32>
          %shift_left3A_835 = arith.shli %bitcast3A_834, %broadcast_in_dim3A_11 : vector<16xi32>
          %bitcast3A_836 = vector.bitcast %shift_left3A_835 : vector<16xi32> to vector<16xf32>
          %bitcast3A_837 = vector.bitcast %bitcast3A_834 : vector<16xi32> to vector<16xf32>
          %mul3A_838 = arith.mulf %bitcast3A_829, %bitcast3A_836 : vector<16xf32>
          %mul3A_839 = arith.mulf %bitcast3A_830, %bitcast3A_837 : vector<16xf32>
          %add3A_840 = arith.addf %mul3A_838, %mul3A_839 : vector<16xf32>
          %get3A_841 = arith.index_cast %add3A_789 : i32 to index
          %get3A_842 = arith.constant 48 : index
          %get3A_843 = tpu.vector_load %arg9[%get3A_841, %get3A_842] {strides = array<i32>} : memref<80x64xi32, #tpu.memory_space<vmem>>, vector<16xi32>,
          %bitcast3A_844 = vector.bitcast %get3A_843 : vector<16xi32> to vector<16xi32>
          %shift_left3A_845 = arith.shli %bitcast3A_844, %broadcast_in_dim3A_11 : vector<16xi32>
          %bitcast3A_846 = vector.bitcast %shift_left3A_845 : vector<16xi32> to vector<16xf32>
          %bitcast3A_847 = vector.bitcast %bitcast3A_844 : vector<16xi32> to vector<16xf32>
          %get3A_848 = arith.index_cast %add3A_789 : i32 to index
          %get3A_849 = arith.constant 48 : index
          %get3A_850 = tpu.vector_load %arg12[%get3A_848, %get3A_849] {strides = array<i32>} : memref<80x64xi32, #tpu.memory_space<vmem>>, vector<16xi32>,
          %bitcast3A_851 = vector.bitcast %get3A_850 : vector<16xi32> to vector<16xi32>
          %shift_left3A_852 = arith.shli %bitcast3A_851, %broadcast_in_dim3A_11 : vector<16xi32>
          %bitcast3A_853 = vector.bitcast %shift_left3A_852 : vector<16xi32> to vector<16xf32>
          %bitcast3A_854 = vector.bitcast %bitcast3A_851 : vector<16xi32> to vector<16xf32>
          %mul3A_855 = arith.mulf %bitcast3A_846, %bitcast3A_853 : vector<16xf32>
          %mul3A_856 = arith.mulf %bitcast3A_847, %bitcast3A_854 : vector<16xf32>
          %add3A_857 = arith.addf %mul3A_855, %mul3A_856 : vector<16xf32>
          %add3A_858 = arith.addf %add3A_806, %add3A_823 : vector<16xf32>
          %add3A_859 = arith.addf %add3A_840, %add3A_857 : vector<16xf32>
          %add3A_860 = arith.addf %add3A_858, %add3A_859 : vector<16xf32>
          %swap3A_861 = arith.constant 153 : index
          %swap3A_862 = tpu.vector_load %arg14[%swap3A_861] {strides = array<i32>} : memref<272xf32, #tpu.memory_space<vmem>>, vector<16xf32>,
          tpu.vector_store %arg14[%swap3A_861], %add3A_860 {strides = array<i32>} : memref<272xf32, #tpu.memory_space<vmem>>, vector<16xf32>,
          %mul3A_863 = arith.constant 16 : i32
          %mul3A_864 = arith.muli %scan3A_96, %mul3A_863 : i32
          %add3A_865 = arith.constant 10 : i32
          %add3A_866 = arith.addi %mul3A_864, %add3A_865 : i32
          %get3A_867 = arith.index_cast %add3A_866 : i32 to index
          %get3A_868 = arith.constant 0 : index
          %get3A_869 = tpu.vector_load %arg9[%get3A_867, %get3A_868] {strides = array<i32>} : memref<80x64xi32, #tpu.memory_space<vmem>>, vector<16xi32>,
          %bitcast3A_870 = vector.bitcast %get3A_869 : vector<16xi32> to vector<16xi32>
          %shift_left3A_871 = arith.shli %bitcast3A_870, %broadcast_in_dim3A_11 : vector<16xi32>
          %bitcast3A_872 = vector.bitcast %shift_left3A_871 : vector<16xi32> to vector<16xf32>
          %bitcast3A_873 = vector.bitcast %bitcast3A_870 : vector<16xi32> to vector<16xf32>
          %get3A_874 = arith.index_cast %add3A_866 : i32 to index
          %get3A_875 = arith.constant 0 : index
          %get3A_876 = tpu.vector_load %arg12[%get3A_874, %get3A_875] {strides = array<i32>} : memref<80x64xi32, #tpu.memory_space<vmem>>, vector<16xi32>,
          %bitcast3A_877 = vector.bitcast %get3A_876 : vector<16xi32> to vector<16xi32>
          %shift_left3A_878 = arith.shli %bitcast3A_877, %broadcast_in_dim3A_11 : vector<16xi32>
          %bitcast3A_879 = vector.bitcast %shift_left3A_878 : vector<16xi32> to vector<16xf32>
          %bitcast3A_880 = vector.bitcast %bitcast3A_877 : vector<16xi32> to vector<16xf32>
          %mul3A_881 = arith.mulf %bitcast3A_872, %bitcast3A_879 : vector<16xf32>
          %mul3A_882 = arith.mulf %bitcast3A_873, %bitcast3A_880 : vector<16xf32>
          %add3A_883 = arith.addf %mul3A_881, %mul3A_882 : vector<16xf32>
          %get3A_884 = arith.index_cast %add3A_866 : i32 to index
          %get3A_885 = arith.constant 16 : index
          %get3A_886 = tpu.vector_load %arg9[%get3A_884, %get3A_885] {strides = array<i32>} : memref<80x64xi32, #tpu.memory_space<vmem>>, vector<16xi32>,
          %bitcast3A_887 = vector.bitcast %get3A_886 : vector<16xi32> to vector<16xi32>
          %shift_left3A_888 = arith.shli %bitcast3A_887, %broadcast_in_dim3A_11 : vector<16xi32>
          %bitcast3A_889 = vector.bitcast %shift_left3A_888 : vector<16xi32> to vector<16xf32>
          %bitcast3A_890 = vector.bitcast %bitcast3A_887 : vector<16xi32> to vector<16xf32>
          %get3A_891 = arith.index_cast %add3A_866 : i32 to index
          %get3A_892 = arith.constant 16 : index
          %get3A_893 = tpu.vector_load %arg12[%get3A_891, %get3A_892] {strides = array<i32>} : memref<80x64xi32, #tpu.memory_space<vmem>>, vector<16xi32>,
          %bitcast3A_894 = vector.bitcast %get3A_893 : vector<16xi32> to vector<16xi32>
          %shift_left3A_895 = arith.shli %bitcast3A_894, %broadcast_in_dim3A_11 : vector<16xi32>
          %bitcast3A_896 = vector.bitcast %shift_left3A_895 : vector<16xi32> to vector<16xf32>
          %bitcast3A_897 = vector.bitcast %bitcast3A_894 : vector<16xi32> to vector<16xf32>
          %mul3A_898 = arith.mulf %bitcast3A_889, %bitcast3A_896 : vector<16xf32>
          %mul3A_899 = arith.mulf %bitcast3A_890, %bitcast3A_897 : vector<16xf32>
          %add3A_900 = arith.addf %mul3A_898, %mul3A_899 : vector<16xf32>
          %get3A_901 = arith.index_cast %add3A_866 : i32 to index
          %get3A_902 = arith.constant 32 : index
          %get3A_903 = tpu.vector_load %arg9[%get3A_901, %get3A_902] {strides = array<i32>} : memref<80x64xi32, #tpu.memory_space<vmem>>, vector<16xi32>,
          %bitcast3A_904 = vector.bitcast %get3A_903 : vector<16xi32> to vector<16xi32>
          %shift_left3A_905 = arith.shli %bitcast3A_904, %broadcast_in_dim3A_11 : vector<16xi32>
          %bitcast3A_906 = vector.bitcast %shift_left3A_905 : vector<16xi32> to vector<16xf32>
          %bitcast3A_907 = vector.bitcast %bitcast3A_904 : vector<16xi32> to vector<16xf32>
          %get3A_908 = arith.index_cast %add3A_866 : i32 to index
          %get3A_909 = arith.constant 32 : index
          %get3A_910 = tpu.vector_load %arg12[%get3A_908, %get3A_909] {strides = array<i32>} : memref<80x64xi32, #tpu.memory_space<vmem>>, vector<16xi32>,
          %bitcast3A_911 = vector.bitcast %get3A_910 : vector<16xi32> to vector<16xi32>
          %shift_left3A_912 = arith.shli %bitcast3A_911, %broadcast_in_dim3A_11 : vector<16xi32>
          %bitcast3A_913 = vector.bitcast %shift_left3A_912 : vector<16xi32> to vector<16xf32>
          %bitcast3A_914 = vector.bitcast %bitcast3A_911 : vector<16xi32> to vector<16xf32>
          %mul3A_915 = arith.mulf %bitcast3A_906, %bitcast3A_913 : vector<16xf32>
          %mul3A_916 = arith.mulf %bitcast3A_907, %bitcast3A_914 : vector<16xf32>
          %add3A_917 = arith.addf %mul3A_915, %mul3A_916 : vector<16xf32>
          %get3A_918 = arith.index_cast %add3A_866 : i32 to index
          %get3A_919 = arith.constant 48 : index
          %get3A_920 = tpu.vector_load %arg9[%get3A_918, %get3A_919] {strides = array<i32>} : memref<80x64xi32, #tpu.memory_space<vmem>>, vector<16xi32>,
          %bitcast3A_921 = vector.bitcast %get3A_920 : vector<16xi32> to vector<16xi32>
          %shift_left3A_922 = arith.shli %bitcast3A_921, %broadcast_in_dim3A_11 : vector<16xi32>
          %bitcast3A_923 = vector.bitcast %shift_left3A_922 : vector<16xi32> to vector<16xf32>
          %bitcast3A_924 = vector.bitcast %bitcast3A_921 : vector<16xi32> to vector<16xf32>
          %get3A_925 = arith.index_cast %add3A_866 : i32 to index
          %get3A_926 = arith.constant 48 : index
          %get3A_927 = tpu.vector_load %arg12[%get3A_925, %get3A_926] {strides = array<i32>} : memref<80x64xi32, #tpu.memory_space<vmem>>, vector<16xi32>,
          %bitcast3A_928 = vector.bitcast %get3A_927 : vector<16xi32> to vector<16xi32>
          %shift_left3A_929 = arith.shli %bitcast3A_928, %broadcast_in_dim3A_11 : vector<16xi32>
          %bitcast3A_930 = vector.bitcast %shift_left3A_929 : vector<16xi32> to vector<16xf32>
          %bitcast3A_931 = vector.bitcast %bitcast3A_928 : vector<16xi32> to vector<16xf32>
          %mul3A_932 = arith.mulf %bitcast3A_923, %bitcast3A_930 : vector<16xf32>
          %mul3A_933 = arith.mulf %bitcast3A_924, %bitcast3A_931 : vector<16xf32>
          %add3A_934 = arith.addf %mul3A_932, %mul3A_933 : vector<16xf32>
          %add3A_935 = arith.addf %add3A_883, %add3A_900 : vector<16xf32>
          %add3A_936 = arith.addf %add3A_917, %add3A_934 : vector<16xf32>
          %add3A_937 = arith.addf %add3A_935, %add3A_936 : vector<16xf32>
          %swap3A_938 = arith.constant 170 : index
          %swap3A_939 = tpu.vector_load %arg14[%swap3A_938] {strides = array<i32>} : memref<272xf32, #tpu.memory_space<vmem>>, vector<16xf32>,
          tpu.vector_store %arg14[%swap3A_938], %add3A_937 {strides = array<i32>} : memref<272xf32, #tpu.memory_space<vmem>>, vector<16xf32>,
          %mul3A_940 = arith.constant 16 : i32
          %mul3A_941 = arith.muli %scan3A_96, %mul3A_940 : i32
          %add3A_942 = arith.constant 11 : i32
          %add3A_943 = arith.addi %mul3A_941, %add3A_942 : i32
          %get3A_944 = arith.index_cast %add3A_943 : i32 to index
          %get3A_945 = arith.constant 0 : index
          %get3A_946 = tpu.vector_load %arg9[%get3A_944, %get3A_945] {strides = array<i32>} : memref<80x64xi32, #tpu.memory_space<vmem>>, vector<16xi32>,
          %bitcast3A_947 = vector.bitcast %get3A_946 : vector<16xi32> to vector<16xi32>
          %shift_left3A_948 = arith.shli %bitcast3A_947, %broadcast_in_dim3A_11 : vector<16xi32>
          %bitcast3A_949 = vector.bitcast %shift_left3A_948 : vector<16xi32> to vector<16xf32>
          %bitcast3A_950 = vector.bitcast %bitcast3A_947 : vector<16xi32> to vector<16xf32>
          %get3A_951 = arith.index_cast %add3A_943 : i32 to index
          %get3A_952 = arith.constant 0 : index
          %get3A_953 = tpu.vector_load %arg12[%get3A_951, %get3A_952] {strides = array<i32>} : memref<80x64xi32, #tpu.memory_space<vmem>>, vector<16xi32>,
          %bitcast3A_954 = vector.bitcast %get3A_953 : vector<16xi32> to vector<16xi32>
          %shift_left3A_955 = arith.shli %bitcast3A_954, %broadcast_in_dim3A_11 : vector<16xi32>
          %bitcast3A_956 = vector.bitcast %shift_left3A_955 : vector<16xi32> to vector<16xf32>
          %bitcast3A_957 = vector.bitcast %bitcast3A_954 : vector<16xi32> to vector<16xf32>
          %mul3A_958 = arith.mulf %bitcast3A_949, %bitcast3A_956 : vector<16xf32>
          %mul3A_959 = arith.mulf %bitcast3A_950, %bitcast3A_957 : vector<16xf32>
          %add3A_960 = arith.addf %mul3A_958, %mul3A_959 : vector<16xf32>
          %get3A_961 = arith.index_cast %add3A_943 : i32 to index
          %get3A_962 = arith.constant 16 : index
          %get3A_963 = tpu.vector_load %arg9[%get3A_961, %get3A_962] {strides = array<i32>} : memref<80x64xi32, #tpu.memory_space<vmem>>, vector<16xi32>,
          %bitcast3A_964 = vector.bitcast %get3A_963 : vector<16xi32> to vector<16xi32>
          %shift_left3A_965 = arith.shli %bitcast3A_964, %broadcast_in_dim3A_11 : vector<16xi32>
          %bitcast3A_966 = vector.bitcast %shift_left3A_965 : vector<16xi32> to vector<16xf32>
          %bitcast3A_967 = vector.bitcast %bitcast3A_964 : vector<16xi32> to vector<16xf32>
          %get3A_968 = arith.index_cast %add3A_943 : i32 to index
          %get3A_969 = arith.constant 16 : index
          %get3A_970 = tpu.vector_load %arg12[%get3A_968, %get3A_969] {strides = array<i32>} : memref<80x64xi32, #tpu.memory_space<vmem>>, vector<16xi32>,
          %bitcast3A_971 = vector.bitcast %get3A_970 : vector<16xi32> to vector<16xi32>
          %shift_left3A_972 = arith.shli %bitcast3A_971, %broadcast_in_dim3A_11 : vector<16xi32>
          %bitcast3A_973 = vector.bitcast %shift_left3A_972 : vector<16xi32> to vector<16xf32>
          %bitcast3A_974 = vector.bitcast %bitcast3A_971 : vector<16xi32> to vector<16xf32>
          %mul3A_975 = arith.mulf %bitcast3A_966, %bitcast3A_973 : vector<16xf32>
          %mul3A_976 = arith.mulf %bitcast3A_967, %bitcast3A_974 : vector<16xf32>
          %add3A_977 = arith.addf %mul3A_975, %mul3A_976 : vector<16xf32>
          %get3A_978 = arith.index_cast %add3A_943 : i32 to index
          %get3A_979 = arith.constant 32 : index
          %get3A_980 = tpu.vector_load %arg9[%get3A_978, %get3A_979] {strides = array<i32>} : memref<80x64xi32, #tpu.memory_space<vmem>>, vector<16xi32>,
          %bitcast3A_981 = vector.bitcast %get3A_980 : vector<16xi32> to vector<16xi32>
          %shift_left3A_982 = arith.shli %bitcast3A_981, %broadcast_in_dim3A_11 : vector<16xi32>
          %bitcast3A_983 = vector.bitcast %shift_left3A_982 : vector<16xi32> to vector<16xf32>
          %bitcast3A_984 = vector.bitcast %bitcast3A_981 : vector<16xi32> to vector<16xf32>
          %get3A_985 = arith.index_cast %add3A_943 : i32 to index
          %get3A_986 = arith.constant 32 : index
          %get3A_987 = tpu.vector_load %arg12[%get3A_985, %get3A_986] {strides = array<i32>} : memref<80x64xi32, #tpu.memory_space<vmem>>, vector<16xi32>,
          %bitcast3A_988 = vector.bitcast %get3A_987 : vector<16xi32> to vector<16xi32>
          %shift_left3A_989 = arith.shli %bitcast3A_988, %broadcast_in_dim3A_11 : vector<16xi32>
          %bitcast3A_990 = vector.bitcast %shift_left3A_989 : vector<16xi32> to vector<16xf32>
          %bitcast3A_991 = vector.bitcast %bitcast3A_988 : vector<16xi32> to vector<16xf32>
          %mul3A_992 = arith.mulf %bitcast3A_983, %bitcast3A_990 : vector<16xf32>
          %mul3A_993 = arith.mulf %bitcast3A_984, %bitcast3A_991 : vector<16xf32>
          %add3A_994 = arith.addf %mul3A_992, %mul3A_993 : vector<16xf32>
          %get3A_995 = arith.index_cast %add3A_943 : i32 to index
          %get3A_996 = arith.constant 48 : index
          %get3A_997 = tpu.vector_load %arg9[%get3A_995, %get3A_996] {strides = array<i32>} : memref<80x64xi32, #tpu.memory_space<vmem>>, vector<16xi32>,
          %bitcast3A_998 = vector.bitcast %get3A_997 : vector<16xi32> to vector<16xi32>
          %shift_left3A_999 = arith.shli %bitcast3A_998, %broadcast_in_dim3A_11 : vector<16xi32>
          %bitcast3A_1000 = vector.bitcast %shift_left3A_999 : vector<16xi32> to vector<16xf32>
          %bitcast3A_1001 = vector.bitcast %bitcast3A_998 : vector<16xi32> to vector<16xf32>
          %get3A_1002 = arith.index_cast %add3A_943 : i32 to index
          %get3A_1003 = arith.constant 48 : index
          %get3A_1004 = tpu.vector_load %arg12[%get3A_1002, %get3A_1003] {strides = array<i32>} : memref<80x64xi32, #tpu.memory_space<vmem>>, vector<16xi32>,
          %bitcast3A_1005 = vector.bitcast %get3A_1004 : vector<16xi32> to vector<16xi32>
          %shift_left3A_1006 = arith.shli %bitcast3A_1005, %broadcast_in_dim3A_11 : vector<16xi32>
          %bitcast3A_1007 = vector.bitcast %shift_left3A_1006 : vector<16xi32> to vector<16xf32>
          %bitcast3A_1008 = vector.bitcast %bitcast3A_1005 : vector<16xi32> to vector<16xf32>
          %mul3A_1009 = arith.mulf %bitcast3A_1000, %bitcast3A_1007 : vector<16xf32>
          %mul3A_1010 = arith.mulf %bitcast3A_1001, %bitcast3A_1008 : vector<16xf32>
          %add3A_1011 = arith.addf %mul3A_1009, %mul3A_1010 : vector<16xf32>
          %add3A_1012 = arith.addf %add3A_960, %add3A_977 : vector<16xf32>
          %add3A_1013 = arith.addf %add3A_994, %add3A_1011 : vector<16xf32>
          %add3A_1014 = arith.addf %add3A_1012, %add3A_1013 : vector<16xf32>
          %swap3A_1015 = arith.constant 187 : index
          %swap3A_1016 = tpu.vector_load %arg14[%swap3A_1015] {strides = array<i32>} : memref<272xf32, #tpu.memory_space<vmem>>, vector<16xf32>,
          tpu.vector_store %arg14[%swap3A_1015], %add3A_1014 {strides = array<i32>} : memref<272xf32, #tpu.memory_space<vmem>>, vector<16xf32>,
          %mul3A_1017 = arith.constant 16 : i32
          %mul3A_1018 = arith.muli %scan3A_96, %mul3A_1017 : i32
          %add3A_1019 = arith.constant 12 : i32
          %add3A_1020 = arith.addi %mul3A_1018, %add3A_1019 : i32
          %get3A_1021 = arith.index_cast %add3A_1020 : i32 to index
          %get3A_1022 = arith.constant 0 : index
          %get3A_1023 = tpu.vector_load %arg9[%get3A_1021, %get3A_1022] {strides = array<i32>} : memref<80x64xi32, #tpu.memory_space<vmem>>, vector<16xi32>,
          %bitcast3A_1024 = vector.bitcast %get3A_1023 : vector<16xi32> to vector<16xi32>
          %shift_left3A_1025 = arith.shli %bitcast3A_1024, %broadcast_in_dim3A_11 : vector<16xi32>
          %bitcast3A_1026 = vector.bitcast %shift_left3A_1025 : vector<16xi32> to vector<16xf32>
          %bitcast3A_1027 = vector.bitcast %bitcast3A_1024 : vector<16xi32> to vector<16xf32>
          %get3A_1028 = arith.index_cast %add3A_1020 : i32 to index
          %get3A_1029 = arith.constant 0 : index
          %get3A_1030 = tpu.vector_load %arg12[%get3A_1028, %get3A_1029] {strides = array<i32>} : memref<80x64xi32, #tpu.memory_space<vmem>>, vector<16xi32>,
          %bitcast3A_1031 = vector.bitcast %get3A_1030 : vector<16xi32> to vector<16xi32>
          %shift_left3A_1032 = arith.shli %bitcast3A_1031, %broadcast_in_dim3A_11 : vector<16xi32>
          %bitcast3A_1033 = vector.bitcast %shift_left3A_1032 : vector<16xi32> to vector<16xf32>
          %bitcast3A_1034 = vector.bitcast %bitcast3A_1031 : vector<16xi32> to vector<16xf32>
          %mul3A_1035 = arith.mulf %bitcast3A_1026, %bitcast3A_1033 : vector<16xf32>
          %mul3A_1036 = arith.mulf %bitcast3A_1027, %bitcast3A_1034 : vector<16xf32>
          %add3A_1037 = arith.addf %mul3A_1035, %mul3A_1036 : vector<16xf32>
          %get3A_1038 = arith.index_cast %add3A_1020 : i32 to index
          %get3A_1039 = arith.constant 16 : index
          %get3A_1040 = tpu.vector_load %arg9[%get3A_1038, %get3A_1039] {strides = array<i32>} : memref<80x64xi32, #tpu.memory_space<vmem>>, vector<16xi32>,
          %bitcast3A_1041 = vector.bitcast %get3A_1040 : vector<16xi32> to vector<16xi32>
          %shift_left3A_1042 = arith.shli %bitcast3A_1041, %broadcast_in_dim3A_11 : vector<16xi32>
          %bitcast3A_1043 = vector.bitcast %shift_left3A_1042 : vector<16xi32> to vector<16xf32>
          %bitcast3A_1044 = vector.bitcast %bitcast3A_1041 : vector<16xi32> to vector<16xf32>
          %get3A_1045 = arith.index_cast %add3A_1020 : i32 to index
          %get3A_1046 = arith.constant 16 : index
          %get3A_1047 = tpu.vector_load %arg12[%get3A_1045, %get3A_1046] {strides = array<i32>} : memref<80x64xi32, #tpu.memory_space<vmem>>, vector<16xi32>,
          %bitcast3A_1048 = vector.bitcast %get3A_1047 : vector<16xi32> to vector<16xi32>
          %shift_left3A_1049 = arith.shli %bitcast3A_1048, %broadcast_in_dim3A_11 : vector<16xi32>
          %bitcast3A_1050 = vector.bitcast %shift_left3A_1049 : vector<16xi32> to vector<16xf32>
          %bitcast3A_1051 = vector.bitcast %bitcast3A_1048 : vector<16xi32> to vector<16xf32>
          %mul3A_1052 = arith.mulf %bitcast3A_1043, %bitcast3A_1050 : vector<16xf32>
          %mul3A_1053 = arith.mulf %bitcast3A_1044, %bitcast3A_1051 : vector<16xf32>
          %add3A_1054 = arith.addf %mul3A_1052, %mul3A_1053 : vector<16xf32>
          %get3A_1055 = arith.index_cast %add3A_1020 : i32 to index
          %get3A_1056 = arith.constant 32 : index
          %get3A_1057 = tpu.vector_load %arg9[%get3A_1055, %get3A_1056] {strides = array<i32>} : memref<80x64xi32, #tpu.memory_space<vmem>>, vector<16xi32>,
          %bitcast3A_1058 = vector.bitcast %get3A_1057 : vector<16xi32> to vector<16xi32>
          %shift_left3A_1059 = arith.shli %bitcast3A_1058, %broadcast_in_dim3A_11 : vector<16xi32>
          %bitcast3A_1060 = vector.bitcast %shift_left3A_1059 : vector<16xi32> to vector<16xf32>
          %bitcast3A_1061 = vector.bitcast %bitcast3A_1058 : vector<16xi32> to vector<16xf32>
          %get3A_1062 = arith.index_cast %add3A_1020 : i32 to index
          %get3A_1063 = arith.constant 32 : index
          %get3A_1064 = tpu.vector_load %arg12[%get3A_1062, %get3A_1063] {strides = array<i32>} : memref<80x64xi32, #tpu.memory_space<vmem>>, vector<16xi32>,
          %bitcast3A_1065 = vector.bitcast %get3A_1064 : vector<16xi32> to vector<16xi32>
          %shift_left3A_1066 = arith.shli %bitcast3A_1065, %broadcast_in_dim3A_11 : vector<16xi32>
          %bitcast3A_1067 = vector.bitcast %shift_left3A_1066 : vector<16xi32> to vector<16xf32>
          %bitcast3A_1068 = vector.bitcast %bitcast3A_1065 : vector<16xi32> to vector<16xf32>
          %mul3A_1069 = arith.mulf %bitcast3A_1060, %bitcast3A_1067 : vector<16xf32>
          %mul3A_1070 = arith.mulf %bitcast3A_1061, %bitcast3A_1068 : vector<16xf32>
          %add3A_1071 = arith.addf %mul3A_1069, %mul3A_1070 : vector<16xf32>
          %get3A_1072 = arith.index_cast %add3A_1020 : i32 to index
          %get3A_1073 = arith.constant 48 : index
          %get3A_1074 = tpu.vector_load %arg9[%get3A_1072, %get3A_1073] {strides = array<i32>} : memref<80x64xi32, #tpu.memory_space<vmem>>, vector<16xi32>,
          %bitcast3A_1075 = vector.bitcast %get3A_1074 : vector<16xi32> to vector<16xi32>
          %shift_left3A_1076 = arith.shli %bitcast3A_1075, %broadcast_in_dim3A_11 : vector<16xi32>
          %bitcast3A_1077 = vector.bitcast %shift_left3A_1076 : vector<16xi32> to vector<16xf32>
          %bitcast3A_1078 = vector.bitcast %bitcast3A_1075 : vector<16xi32> to vector<16xf32>
          %get3A_1079 = arith.index_cast %add3A_1020 : i32 to index
          %get3A_1080 = arith.constant 48 : index
          %get3A_1081 = tpu.vector_load %arg12[%get3A_1079, %get3A_1080] {strides = array<i32>} : memref<80x64xi32, #tpu.memory_space<vmem>>, vector<16xi32>,
          %bitcast3A_1082 = vector.bitcast %get3A_1081 : vector<16xi32> to vector<16xi32>
          %shift_left3A_1083 = arith.shli %bitcast3A_1082, %broadcast_in_dim3A_11 : vector<16xi32>
          %bitcast3A_1084 = vector.bitcast %shift_left3A_1083 : vector<16xi32> to vector<16xf32>
          %bitcast3A_1085 = vector.bitcast %bitcast3A_1082 : vector<16xi32> to vector<16xf32>
          %mul3A_1086 = arith.mulf %bitcast3A_1077, %bitcast3A_1084 : vector<16xf32>
          %mul3A_1087 = arith.mulf %bitcast3A_1078, %bitcast3A_1085 : vector<16xf32>
          %add3A_1088 = arith.addf %mul3A_1086, %mul3A_1087 : vector<16xf32>
          %add3A_1089 = arith.addf %add3A_1037, %add3A_1054 : vector<16xf32>
          %add3A_1090 = arith.addf %add3A_1071, %add3A_1088 : vector<16xf32>
          %add3A_1091 = arith.addf %add3A_1089, %add3A_1090 : vector<16xf32>
          %swap3A_1092 = arith.constant 204 : index
          %swap3A_1093 = tpu.vector_load %arg14[%swap3A_1092] {strides = array<i32>} : memref<272xf32, #tpu.memory_space<vmem>>, vector<16xf32>,
          tpu.vector_store %arg14[%swap3A_1092], %add3A_1091 {strides = array<i32>} : memref<272xf32, #tpu.memory_space<vmem>>, vector<16xf32>,
          %mul3A_1094 = arith.constant 16 : i32
          %mul3A_1095 = arith.muli %scan3A_96, %mul3A_1094 : i32
          %add3A_1096 = arith.constant 13 : i32
          %add3A_1097 = arith.addi %mul3A_1095, %add3A_1096 : i32
          %get3A_1098 = arith.index_cast %add3A_1097 : i32 to index
          %get3A_1099 = arith.constant 0 : index
          %get3A_1100 = tpu.vector_load %arg9[%get3A_1098, %get3A_1099] {strides = array<i32>} : memref<80x64xi32, #tpu.memory_space<vmem>>, vector<16xi32>,
          %bitcast3A_1101 = vector.bitcast %get3A_1100 : vector<16xi32> to vector<16xi32>
          %shift_left3A_1102 = arith.shli %bitcast3A_1101, %broadcast_in_dim3A_11 : vector<16xi32>
          %bitcast3A_1103 = vector.bitcast %shift_left3A_1102 : vector<16xi32> to vector<16xf32>
          %bitcast3A_1104 = vector.bitcast %bitcast3A_1101 : vector<16xi32> to vector<16xf32>
          %get3A_1105 = arith.index_cast %add3A_1097 : i32 to index
          %get3A_1106 = arith.constant 0 : index
          %get3A_1107 = tpu.vector_load %arg12[%get3A_1105, %get3A_1106] {strides = array<i32>} : memref<80x64xi32, #tpu.memory_space<vmem>>, vector<16xi32>,
          %bitcast3A_1108 = vector.bitcast %get3A_1107 : vector<16xi32> to vector<16xi32>
          %shift_left3A_1109 = arith.shli %bitcast3A_1108, %broadcast_in_dim3A_11 : vector<16xi32>
          %bitcast3A_1110 = vector.bitcast %shift_left3A_1109 : vector<16xi32> to vector<16xf32>
          %bitcast3A_1111 = vector.bitcast %bitcast3A_1108 : vector<16xi32> to vector<16xf32>
          %mul3A_1112 = arith.mulf %bitcast3A_1103, %bitcast3A_1110 : vector<16xf32>
          %mul3A_1113 = arith.mulf %bitcast3A_1104, %bitcast3A_1111 : vector<16xf32>
          %add3A_1114 = arith.addf %mul3A_1112, %mul3A_1113 : vector<16xf32>
          %get3A_1115 = arith.index_cast %add3A_1097 : i32 to index
          %get3A_1116 = arith.constant 16 : index
          %get3A_1117 = tpu.vector_load %arg9[%get3A_1115, %get3A_1116] {strides = array<i32>} : memref<80x64xi32, #tpu.memory_space<vmem>>, vector<16xi32>,
          %bitcast3A_1118 = vector.bitcast %get3A_1117 : vector<16xi32> to vector<16xi32>
          %shift_left3A_1119 = arith.shli %bitcast3A_1118, %broadcast_in_dim3A_11 : vector<16xi32>
          %bitcast3A_1120 = vector.bitcast %shift_left3A_1119 : vector<16xi32> to vector<16xf32>
          %bitcast3A_1121 = vector.bitcast %bitcast3A_1118 : vector<16xi32> to vector<16xf32>
          %get3A_1122 = arith.index_cast %add3A_1097 : i32 to index
          %get3A_1123 = arith.constant 16 : index
          %get3A_1124 = tpu.vector_load %arg12[%get3A_1122, %get3A_1123] {strides = array<i32>} : memref<80x64xi32, #tpu.memory_space<vmem>>, vector<16xi32>,
          %bitcast3A_1125 = vector.bitcast %get3A_1124 : vector<16xi32> to vector<16xi32>
          %shift_left3A_1126 = arith.shli %bitcast3A_1125, %broadcast_in_dim3A_11 : vector<16xi32>
          %bitcast3A_1127 = vector.bitcast %shift_left3A_1126 : vector<16xi32> to vector<16xf32>
          %bitcast3A_1128 = vector.bitcast %bitcast3A_1125 : vector<16xi32> to vector<16xf32>
          %mul3A_1129 = arith.mulf %bitcast3A_1120, %bitcast3A_1127 : vector<16xf32>
          %mul3A_1130 = arith.mulf %bitcast3A_1121, %bitcast3A_1128 : vector<16xf32>
          %add3A_1131 = arith.addf %mul3A_1129, %mul3A_1130 : vector<16xf32>
          %get3A_1132 = arith.index_cast %add3A_1097 : i32 to index
          %get3A_1133 = arith.constant 32 : index
          %get3A_1134 = tpu.vector_load %arg9[%get3A_1132, %get3A_1133] {strides = array<i32>} : memref<80x64xi32, #tpu.memory_space<vmem>>, vector<16xi32>,
          %bitcast3A_1135 = vector.bitcast %get3A_1134 : vector<16xi32> to vector<16xi32>
          %shift_left3A_1136 = arith.shli %bitcast3A_1135, %broadcast_in_dim3A_11 : vector<16xi32>
          %bitcast3A_1137 = vector.bitcast %shift_left3A_1136 : vector<16xi32> to vector<16xf32>
          %bitcast3A_1138 = vector.bitcast %bitcast3A_1135 : vector<16xi32> to vector<16xf32>
          %get3A_1139 = arith.index_cast %add3A_1097 : i32 to index
          %get3A_1140 = arith.constant 32 : index
          %get3A_1141 = tpu.vector_load %arg12[%get3A_1139, %get3A_1140] {strides = array<i32>} : memref<80x64xi32, #tpu.memory_space<vmem>>, vector<16xi32>,
          %bitcast3A_1142 = vector.bitcast %get3A_1141 : vector<16xi32> to vector<16xi32>
          %shift_left3A_1143 = arith.shli %bitcast3A_1142, %broadcast_in_dim3A_11 : vector<16xi32>
          %bitcast3A_1144 = vector.bitcast %shift_left3A_1143 : vector<16xi32> to vector<16xf32>
          %bitcast3A_1145 = vector.bitcast %bitcast3A_1142 : vector<16xi32> to vector<16xf32>
          %mul3A_1146 = arith.mulf %bitcast3A_1137, %bitcast3A_1144 : vector<16xf32>
          %mul3A_1147 = arith.mulf %bitcast3A_1138, %bitcast3A_1145 : vector<16xf32>
          %add3A_1148 = arith.addf %mul3A_1146, %mul3A_1147 : vector<16xf32>
          %get3A_1149 = arith.index_cast %add3A_1097 : i32 to index
          %get3A_1150 = arith.constant 48 : index
          %get3A_1151 = tpu.vector_load %arg9[%get3A_1149, %get3A_1150] {strides = array<i32>} : memref<80x64xi32, #tpu.memory_space<vmem>>, vector<16xi32>,
          %bitcast3A_1152 = vector.bitcast %get3A_1151 : vector<16xi32> to vector<16xi32>
          %shift_left3A_1153 = arith.shli %bitcast3A_1152, %broadcast_in_dim3A_11 : vector<16xi32>
          %bitcast3A_1154 = vector.bitcast %shift_left3A_1153 : vector<16xi32> to vector<16xf32>
          %bitcast3A_1155 = vector.bitcast %bitcast3A_1152 : vector<16xi32> to vector<16xf32>
          %get3A_1156 = arith.index_cast %add3A_1097 : i32 to index
          %get3A_1157 = arith.constant 48 : index
          %get3A_1158 = tpu.vector_load %arg12[%get3A_1156, %get3A_1157] {strides = array<i32>} : memref<80x64xi32, #tpu.memory_space<vmem>>, vector<16xi32>,
          %bitcast3A_1159 = vector.bitcast %get3A_1158 : vector<16xi32> to vector<16xi32>
          %shift_left3A_1160 = arith.shli %bitcast3A_1159, %broadcast_in_dim3A_11 : vector<16xi32>
          %bitcast3A_1161 = vector.bitcast %shift_left3A_1160 : vector<16xi32> to vector<16xf32>
          %bitcast3A_1162 = vector.bitcast %bitcast3A_1159 : vector<16xi32> to vector<16xf32>
          %mul3A_1163 = arith.mulf %bitcast3A_1154, %bitcast3A_1161 : vector<16xf32>
          %mul3A_1164 = arith.mulf %bitcast3A_1155, %bitcast3A_1162 : vector<16xf32>
          %add3A_1165 = arith.addf %mul3A_1163, %mul3A_1164 : vector<16xf32>
          %add3A_1166 = arith.addf %add3A_1114, %add3A_1131 : vector<16xf32>
          %add3A_1167 = arith.addf %add3A_1148, %add3A_1165 : vector<16xf32>
          %add3A_1168 = arith.addf %add3A_1166, %add3A_1167 : vector<16xf32>
          %swap3A_1169 = arith.constant 221 : index
          %swap3A_1170 = tpu.vector_load %arg14[%swap3A_1169] {strides = array<i32>} : memref<272xf32, #tpu.memory_space<vmem>>, vector<16xf32>,
          tpu.vector_store %arg14[%swap3A_1169], %add3A_1168 {strides = array<i32>} : memref<272xf32, #tpu.memory_space<vmem>>, vector<16xf32>,
          %mul3A_1171 = arith.constant 16 : i32
          %mul3A_1172 = arith.muli %scan3A_96, %mul3A_1171 : i32
          %add3A_1173 = arith.constant 14 : i32
          %add3A_1174 = arith.addi %mul3A_1172, %add3A_1173 : i32
          %get3A_1175 = arith.index_cast %add3A_1174 : i32 to index
          %get3A_1176 = arith.constant 0 : index
          %get3A_1177 = tpu.vector_load %arg9[%get3A_1175, %get3A_1176] {strides = array<i32>} : memref<80x64xi32, #tpu.memory_space<vmem>>, vector<16xi32>,
          %bitcast3A_1178 = vector.bitcast %get3A_1177 : vector<16xi32> to vector<16xi32>
          %shift_left3A_1179 = arith.shli %bitcast3A_1178, %broadcast_in_dim3A_11 : vector<16xi32>
          %bitcast3A_1180 = vector.bitcast %shift_left3A_1179 : vector<16xi32> to vector<16xf32>
          %bitcast3A_1181 = vector.bitcast %bitcast3A_1178 : vector<16xi32> to vector<16xf32>
          %get3A_1182 = arith.index_cast %add3A_1174 : i32 to index
          %get3A_1183 = arith.constant 0 : index
          %get3A_1184 = tpu.vector_load %arg12[%get3A_1182, %get3A_1183] {strides = array<i32>} : memref<80x64xi32, #tpu.memory_space<vmem>>, vector<16xi32>,
          %bitcast3A_1185 = vector.bitcast %get3A_1184 : vector<16xi32> to vector<16xi32>
          %shift_left3A_1186 = arith.shli %bitcast3A_1185, %broadcast_in_dim3A_11 : vector<16xi32>
          %bitcast3A_1187 = vector.bitcast %shift_left3A_1186 : vector<16xi32> to vector<16xf32>
          %bitcast3A_1188 = vector.bitcast %bitcast3A_1185 : vector<16xi32> to vector<16xf32>
          %mul3A_1189 = arith.mulf %bitcast3A_1180, %bitcast3A_1187 : vector<16xf32>
          %mul3A_1190 = arith.mulf %bitcast3A_1181, %bitcast3A_1188 : vector<16xf32>
          %add3A_1191 = arith.addf %mul3A_1189, %mul3A_1190 : vector<16xf32>
          %get3A_1192 = arith.index_cast %add3A_1174 : i32 to index
          %get3A_1193 = arith.constant 16 : index
          %get3A_1194 = tpu.vector_load %arg9[%get3A_1192, %get3A_1193] {strides = array<i32>} : memref<80x64xi32, #tpu.memory_space<vmem>>, vector<16xi32>,
          %bitcast3A_1195 = vector.bitcast %get3A_1194 : vector<16xi32> to vector<16xi32>
          %shift_left3A_1196 = arith.shli %bitcast3A_1195, %broadcast_in_dim3A_11 : vector<16xi32>
          %bitcast3A_1197 = vector.bitcast %shift_left3A_1196 : vector<16xi32> to vector<16xf32>
          %bitcast3A_1198 = vector.bitcast %bitcast3A_1195 : vector<16xi32> to vector<16xf32>
          %get3A_1199 = arith.index_cast %add3A_1174 : i32 to index
          %get3A_1200 = arith.constant 16 : index
          %get3A_1201 = tpu.vector_load %arg12[%get3A_1199, %get3A_1200] {strides = array<i32>} : memref<80x64xi32, #tpu.memory_space<vmem>>, vector<16xi32>,
          %bitcast3A_1202 = vector.bitcast %get3A_1201 : vector<16xi32> to vector<16xi32>
          %shift_left3A_1203 = arith.shli %bitcast3A_1202, %broadcast_in_dim3A_11 : vector<16xi32>
          %bitcast3A_1204 = vector.bitcast %shift_left3A_1203 : vector<16xi32> to vector<16xf32>
          %bitcast3A_1205 = vector.bitcast %bitcast3A_1202 : vector<16xi32> to vector<16xf32>
          %mul3A_1206 = arith.mulf %bitcast3A_1197, %bitcast3A_1204 : vector<16xf32>
          %mul3A_1207 = arith.mulf %bitcast3A_1198, %bitcast3A_1205 : vector<16xf32>
          %add3A_1208 = arith.addf %mul3A_1206, %mul3A_1207 : vector<16xf32>
          %get3A_1209 = arith.index_cast %add3A_1174 : i32 to index
          %get3A_1210 = arith.constant 32 : index
          %get3A_1211 = tpu.vector_load %arg9[%get3A_1209, %get3A_1210] {strides = array<i32>} : memref<80x64xi32, #tpu.memory_space<vmem>>, vector<16xi32>,
          %bitcast3A_1212 = vector.bitcast %get3A_1211 : vector<16xi32> to vector<16xi32>
          %shift_left3A_1213 = arith.shli %bitcast3A_1212, %broadcast_in_dim3A_11 : vector<16xi32>
          %bitcast3A_1214 = vector.bitcast %shift_left3A_1213 : vector<16xi32> to vector<16xf32>
          %bitcast3A_1215 = vector.bitcast %bitcast3A_1212 : vector<16xi32> to vector<16xf32>
          %get3A_1216 = arith.index_cast %add3A_1174 : i32 to index
          %get3A_1217 = arith.constant 32 : index
          %get3A_1218 = tpu.vector_load %arg12[%get3A_1216, %get3A_1217] {strides = array<i32>} : memref<80x64xi32, #tpu.memory_space<vmem>>, vector<16xi32>,
          %bitcast3A_1219 = vector.bitcast %get3A_1218 : vector<16xi32> to vector<16xi32>
          %shift_left3A_1220 = arith.shli %bitcast3A_1219, %broadcast_in_dim3A_11 : vector<16xi32>
          %bitcast3A_1221 = vector.bitcast %shift_left3A_1220 : vector<16xi32> to vector<16xf32>
          %bitcast3A_1222 = vector.bitcast %bitcast3A_1219 : vector<16xi32> to vector<16xf32>
          %mul3A_1223 = arith.mulf %bitcast3A_1214, %bitcast3A_1221 : vector<16xf32>
          %mul3A_1224 = arith.mulf %bitcast3A_1215, %bitcast3A_1222 : vector<16xf32>
          %add3A_1225 = arith.addf %mul3A_1223, %mul3A_1224 : vector<16xf32>
          %get3A_1226 = arith.index_cast %add3A_1174 : i32 to index
          %get3A_1227 = arith.constant 48 : index
          %get3A_1228 = tpu.vector_load %arg9[%get3A_1226, %get3A_1227] {strides = array<i32>} : memref<80x64xi32, #tpu.memory_space<vmem>>, vector<16xi32>,
          %bitcast3A_1229 = vector.bitcast %get3A_1228 : vector<16xi32> to vector<16xi32>
          %shift_left3A_1230 = arith.shli %bitcast3A_1229, %broadcast_in_dim3A_11 : vector<16xi32>
          %bitcast3A_1231 = vector.bitcast %shift_left3A_1230 : vector<16xi32> to vector<16xf32>
          %bitcast3A_1232 = vector.bitcast %bitcast3A_1229 : vector<16xi32> to vector<16xf32>
          %get3A_1233 = arith.index_cast %add3A_1174 : i32 to index
          %get3A_1234 = arith.constant 48 : index
          %get3A_1235 = tpu.vector_load %arg12[%get3A_1233, %get3A_1234] {strides = array<i32>} : memref<80x64xi32, #tpu.memory_space<vmem>>, vector<16xi32>,
          %bitcast3A_1236 = vector.bitcast %get3A_1235 : vector<16xi32> to vector<16xi32>
          %shift_left3A_1237 = arith.shli %bitcast3A_1236, %broadcast_in_dim3A_11 : vector<16xi32>
          %bitcast3A_1238 = vector.bitcast %shift_left3A_1237 : vector<16xi32> to vector<16xf32>
          %bitcast3A_1239 = vector.bitcast %bitcast3A_1236 : vector<16xi32> to vector<16xf32>
          %mul3A_1240 = arith.mulf %bitcast3A_1231, %bitcast3A_1238 : vector<16xf32>
          %mul3A_1241 = arith.mulf %bitcast3A_1232, %bitcast3A_1239 : vector<16xf32>
          %add3A_1242 = arith.addf %mul3A_1240, %mul3A_1241 : vector<16xf32>
          %add3A_1243 = arith.addf %add3A_1191, %add3A_1208 : vector<16xf32>
          %add3A_1244 = arith.addf %add3A_1225, %add3A_1242 : vector<16xf32>
          %add3A_1245 = arith.addf %add3A_1243, %add3A_1244 : vector<16xf32>
          %swap3A_1246 = arith.constant 238 : index
          %swap3A_1247 = tpu.vector_load %arg14[%swap3A_1246] {strides = array<i32>} : memref<272xf32, #tpu.memory_space<vmem>>, vector<16xf32>,
          tpu.vector_store %arg14[%swap3A_1246], %add3A_1245 {strides = array<i32>} : memref<272xf32, #tpu.memory_space<vmem>>, vector<16xf32>,
          %mul3A_1248 = arith.constant 16 : i32
          %mul3A_1249 = arith.muli %scan3A_96, %mul3A_1248 : i32
          %add3A_1250 = arith.constant 15 : i32
          %add3A_1251 = arith.addi %mul3A_1249, %add3A_1250 : i32
          %get3A_1252 = arith.index_cast %add3A_1251 : i32 to index
          %get3A_1253 = arith.constant 0 : index
          %get3A_1254 = tpu.vector_load %arg9[%get3A_1252, %get3A_1253] {strides = array<i32>} : memref<80x64xi32, #tpu.memory_space<vmem>>, vector<16xi32>,
          %bitcast3A_1255 = vector.bitcast %get3A_1254 : vector<16xi32> to vector<16xi32>
          %shift_left3A_1256 = arith.shli %bitcast3A_1255, %broadcast_in_dim3A_11 : vector<16xi32>
          %bitcast3A_1257 = vector.bitcast %shift_left3A_1256 : vector<16xi32> to vector<16xf32>
          %bitcast3A_1258 = vector.bitcast %bitcast3A_1255 : vector<16xi32> to vector<16xf32>
          %get3A_1259 = arith.index_cast %add3A_1251 : i32 to index
          %get3A_1260 = arith.constant 0 : index
          %get3A_1261 = tpu.vector_load %arg12[%get3A_1259, %get3A_1260] {strides = array<i32>} : memref<80x64xi32, #tpu.memory_space<vmem>>, vector<16xi32>,
          %bitcast3A_1262 = vector.bitcast %get3A_1261 : vector<16xi32> to vector<16xi32>
          %shift_left3A_1263 = arith.shli %bitcast3A_1262, %broadcast_in_dim3A_11 : vector<16xi32>
          %bitcast3A_1264 = vector.bitcast %shift_left3A_1263 : vector<16xi32> to vector<16xf32>
          %bitcast3A_1265 = vector.bitcast %bitcast3A_1262 : vector<16xi32> to vector<16xf32>
          %mul3A_1266 = arith.mulf %bitcast3A_1257, %bitcast3A_1264 : vector<16xf32>
          %mul3A_1267 = arith.mulf %bitcast3A_1258, %bitcast3A_1265 : vector<16xf32>
          %add3A_1268 = arith.addf %mul3A_1266, %mul3A_1267 : vector<16xf32>
          %get3A_1269 = arith.index_cast %add3A_1251 : i32 to index
          %get3A_1270 = arith.constant 16 : index
          %get3A_1271 = tpu.vector_load %arg9[%get3A_1269, %get3A_1270] {strides = array<i32>} : memref<80x64xi32, #tpu.memory_space<vmem>>, vector<16xi32>,
          %bitcast3A_1272 = vector.bitcast %get3A_1271 : vector<16xi32> to vector<16xi32>
          %shift_left3A_1273 = arith.shli %bitcast3A_1272, %broadcast_in_dim3A_11 : vector<16xi32>
          %bitcast3A_1274 = vector.bitcast %shift_left3A_1273 : vector<16xi32> to vector<16xf32>
          %bitcast3A_1275 = vector.bitcast %bitcast3A_1272 : vector<16xi32> to vector<16xf32>
          %get3A_1276 = arith.index_cast %add3A_1251 : i32 to index
          %get3A_1277 = arith.constant 16 : index
          %get3A_1278 = tpu.vector_load %arg12[%get3A_1276, %get3A_1277] {strides = array<i32>} : memref<80x64xi32, #tpu.memory_space<vmem>>, vector<16xi32>,
          %bitcast3A_1279 = vector.bitcast %get3A_1278 : vector<16xi32> to vector<16xi32>
          %shift_left3A_1280 = arith.shli %bitcast3A_1279, %broadcast_in_dim3A_11 : vector<16xi32>
          %bitcast3A_1281 = vector.bitcast %shift_left3A_1280 : vector<16xi32> to vector<16xf32>
          %bitcast3A_1282 = vector.bitcast %bitcast3A_1279 : vector<16xi32> to vector<16xf32>
          %mul3A_1283 = arith.mulf %bitcast3A_1274, %bitcast3A_1281 : vector<16xf32>
          %mul3A_1284 = arith.mulf %bitcast3A_1275, %bitcast3A_1282 : vector<16xf32>
          %add3A_1285 = arith.addf %mul3A_1283, %mul3A_1284 : vector<16xf32>
          %get3A_1286 = arith.index_cast %add3A_1251 : i32 to index
          %get3A_1287 = arith.constant 32 : index
          %get3A_1288 = tpu.vector_load %arg9[%get3A_1286, %get3A_1287] {strides = array<i32>} : memref<80x64xi32, #tpu.memory_space<vmem>>, vector<16xi32>,
          %bitcast3A_1289 = vector.bitcast %get3A_1288 : vector<16xi32> to vector<16xi32>
          %shift_left3A_1290 = arith.shli %bitcast3A_1289, %broadcast_in_dim3A_11 : vector<16xi32>
          %bitcast3A_1291 = vector.bitcast %shift_left3A_1290 : vector<16xi32> to vector<16xf32>
          %bitcast3A_1292 = vector.bitcast %bitcast3A_1289 : vector<16xi32> to vector<16xf32>
          %get3A_1293 = arith.index_cast %add3A_1251 : i32 to index
          %get3A_1294 = arith.constant 32 : index
          %get3A_1295 = tpu.vector_load %arg12[%get3A_1293, %get3A_1294] {strides = array<i32>} : memref<80x64xi32, #tpu.memory_space<vmem>>, vector<16xi32>,
          %bitcast3A_1296 = vector.bitcast %get3A_1295 : vector<16xi32> to vector<16xi32>
          %shift_left3A_1297 = arith.shli %bitcast3A_1296, %broadcast_in_dim3A_11 : vector<16xi32>
          %bitcast3A_1298 = vector.bitcast %shift_left3A_1297 : vector<16xi32> to vector<16xf32>
          %bitcast3A_1299 = vector.bitcast %bitcast3A_1296 : vector<16xi32> to vector<16xf32>
          %mul3A_1300 = arith.mulf %bitcast3A_1291, %bitcast3A_1298 : vector<16xf32>
          %mul3A_1301 = arith.mulf %bitcast3A_1292, %bitcast3A_1299 : vector<16xf32>
          %add3A_1302 = arith.addf %mul3A_1300, %mul3A_1301 : vector<16xf32>
          %get3A_1303 = arith.index_cast %add3A_1251 : i32 to index
          %get3A_1304 = arith.constant 48 : index
          %get3A_1305 = tpu.vector_load %arg9[%get3A_1303, %get3A_1304] {strides = array<i32>} : memref<80x64xi32, #tpu.memory_space<vmem>>, vector<16xi32>,
          %bitcast3A_1306 = vector.bitcast %get3A_1305 : vector<16xi32> to vector<16xi32>
          %shift_left3A_1307 = arith.shli %bitcast3A_1306, %broadcast_in_dim3A_11 : vector<16xi32>
          %bitcast3A_1308 = vector.bitcast %shift_left3A_1307 : vector<16xi32> to vector<16xf32>
          %bitcast3A_1309 = vector.bitcast %bitcast3A_1306 : vector<16xi32> to vector<16xf32>
          %get3A_1310 = arith.index_cast %add3A_1251 : i32 to index
          %get3A_1311 = arith.constant 48 : index
          %get3A_1312 = tpu.vector_load %arg12[%get3A_1310, %get3A_1311] {strides = array<i32>} : memref<80x64xi32, #tpu.memory_space<vmem>>, vector<16xi32>,
          %bitcast3A_1313 = vector.bitcast %get3A_1312 : vector<16xi32> to vector<16xi32>
          %shift_left3A_1314 = arith.shli %bitcast3A_1313, %broadcast_in_dim3A_11 : vector<16xi32>
          %bitcast3A_1315 = vector.bitcast %shift_left3A_1314 : vector<16xi32> to vector<16xf32>
          %bitcast3A_1316 = vector.bitcast %bitcast3A_1313 : vector<16xi32> to vector<16xf32>
          %mul3A_1317 = arith.mulf %bitcast3A_1308, %bitcast3A_1315 : vector<16xf32>
          %mul3A_1318 = arith.mulf %bitcast3A_1309, %bitcast3A_1316 : vector<16xf32>
          %add3A_1319 = arith.addf %mul3A_1317, %mul3A_1318 : vector<16xf32>
          %add3A_1320 = arith.addf %add3A_1268, %add3A_1285 : vector<16xf32>
          %add3A_1321 = arith.addf %add3A_1302, %add3A_1319 : vector<16xf32>
          %add3A_1322 = arith.addf %add3A_1320, %add3A_1321 : vector<16xf32>
          %swap3A_1323 = arith.constant 255 : index
          %swap3A_1324 = tpu.vector_load %arg14[%swap3A_1323] {strides = array<i32>} : memref<272xf32, #tpu.memory_space<vmem>>, vector<16xf32>,
          tpu.vector_store %arg14[%swap3A_1323], %add3A_1322 {strides = array<i32>} : memref<272xf32, #tpu.memory_space<vmem>>, vector<16xf32>,
          %mul3A_1325 = arith.constant 17 : i32
          %mul3A_1326 = vector.broadcast %mul3A_1325 : i32 to vector<16xi32>
          %mul3A_1327 = arith.muli %iota3A, %mul3A_1326 : vector<16xi32>
          %add3A_1328 = arith.constant 0 : i32
          %add3A_1329 = vector.broadcast %add3A_1328 : i32 to vector<16xi32>
          %add3A_1330 = arith.addi %mul3A_1327, %add3A_1329 : vector<16xi32>
          %gather3A = tpu.vector_load_idx %arg14[%add3A_1330] : memref<272xf32, #tpu.memory_space<vmem>>[vector<16xi32>], vector<16xf32>,
          %mul3A_1331 = arith.constant 17 : i32
          %mul3A_1332 = vector.broadcast %mul3A_1331 : i32 to vector<16xi32>
          %mul3A_1333 = arith.muli %iota3A, %mul3A_1332 : vector<16xi32>
          %add3A_1334 = arith.constant 1 : i32
          %add3A_1335 = vector.broadcast %add3A_1334 : i32 to vector<16xi32>
          %add3A_1336 = arith.addi %mul3A_1333, %add3A_1335 : vector<16xi32>
          %gather3A_1337 = tpu.vector_load_idx %arg14[%add3A_1336] : memref<272xf32, #tpu.memory_space<vmem>>[vector<16xi32>], vector<16xf32>,
          %mul3A_1338 = arith.constant 17 : i32
          %mul3A_1339 = vector.broadcast %mul3A_1338 : i32 to vector<16xi32>
          %mul3A_1340 = arith.muli %iota3A, %mul3A_1339 : vector<16xi32>
          %add3A_1341 = arith.constant 2 : i32
          %add3A_1342 = vector.broadcast %add3A_1341 : i32 to vector<16xi32>
          %add3A_1343 = arith.addi %mul3A_1340, %add3A_1342 : vector<16xi32>
          %gather3A_1344 = tpu.vector_load_idx %arg14[%add3A_1343] : memref<272xf32, #tpu.memory_space<vmem>>[vector<16xi32>], vector<16xf32>,
          %mul3A_1345 = arith.constant 17 : i32
          %mul3A_1346 = vector.broadcast %mul3A_1345 : i32 to vector<16xi32>
          %mul3A_1347 = arith.muli %iota3A, %mul3A_1346 : vector<16xi32>
          %add3A_1348 = arith.constant 3 : i32
          %add3A_1349 = vector.broadcast %add3A_1348 : i32 to vector<16xi32>
          %add3A_1350 = arith.addi %mul3A_1347, %add3A_1349 : vector<16xi32>
          %gather3A_1351 = tpu.vector_load_idx %arg14[%add3A_1350] : memref<272xf32, #tpu.memory_space<vmem>>[vector<16xi32>], vector<16xf32>,
          %mul3A_1352 = arith.constant 17 : i32
          %mul3A_1353 = vector.broadcast %mul3A_1352 : i32 to vector<16xi32>
          %mul3A_1354 = arith.muli %iota3A, %mul3A_1353 : vector<16xi32>
          %add3A_1355 = arith.constant 4 : i32
          %add3A_1356 = vector.broadcast %add3A_1355 : i32 to vector<16xi32>
          %add3A_1357 = arith.addi %mul3A_1354, %add3A_1356 : vector<16xi32>
          %gather3A_1358 = tpu.vector_load_idx %arg14[%add3A_1357] : memref<272xf32, #tpu.memory_space<vmem>>[vector<16xi32>], vector<16xf32>,
          %mul3A_1359 = arith.constant 17 : i32
          %mul3A_1360 = vector.broadcast %mul3A_1359 : i32 to vector<16xi32>
          %mul3A_1361 = arith.muli %iota3A, %mul3A_1360 : vector<16xi32>
          %add3A_1362 = arith.constant 5 : i32
          %add3A_1363 = vector.broadcast %add3A_1362 : i32 to vector<16xi32>
          %add3A_1364 = arith.addi %mul3A_1361, %add3A_1363 : vector<16xi32>
          %gather3A_1365 = tpu.vector_load_idx %arg14[%add3A_1364] : memref<272xf32, #tpu.memory_space<vmem>>[vector<16xi32>], vector<16xf32>,
          %mul3A_1366 = arith.constant 17 : i32
          %mul3A_1367 = vector.broadcast %mul3A_1366 : i32 to vector<16xi32>
          %mul3A_1368 = arith.muli %iota3A, %mul3A_1367 : vector<16xi32>
          %add3A_1369 = arith.constant 6 : i32
          %add3A_1370 = vector.broadcast %add3A_1369 : i32 to vector<16xi32>
          %add3A_1371 = arith.addi %mul3A_1368, %add3A_1370 : vector<16xi32>
          %gather3A_1372 = tpu.vector_load_idx %arg14[%add3A_1371] : memref<272xf32, #tpu.memory_space<vmem>>[vector<16xi32>], vector<16xf32>,
          %mul3A_1373 = arith.constant 17 : i32
          %mul3A_1374 = vector.broadcast %mul3A_1373 : i32 to vector<16xi32>
          %mul3A_1375 = arith.muli %iota3A, %mul3A_1374 : vector<16xi32>
          %add3A_1376 = arith.constant 7 : i32
          %add3A_1377 = vector.broadcast %add3A_1376 : i32 to vector<16xi32>
          %add3A_1378 = arith.addi %mul3A_1375, %add3A_1377 : vector<16xi32>
          %gather3A_1379 = tpu.vector_load_idx %arg14[%add3A_1378] : memref<272xf32, #tpu.memory_space<vmem>>[vector<16xi32>], vector<16xf32>,
          %mul3A_1380 = arith.constant 17 : i32
          %mul3A_1381 = vector.broadcast %mul3A_1380 : i32 to vector<16xi32>
          %mul3A_1382 = arith.muli %iota3A, %mul3A_1381 : vector<16xi32>
          %add3A_1383 = arith.constant 8 : i32
          %add3A_1384 = vector.broadcast %add3A_1383 : i32 to vector<16xi32>
          %add3A_1385 = arith.addi %mul3A_1382, %add3A_1384 : vector<16xi32>
          %gather3A_1386 = tpu.vector_load_idx %arg14[%add3A_1385] : memref<272xf32, #tpu.memory_space<vmem>>[vector<16xi32>], vector<16xf32>,
          %mul3A_1387 = arith.constant 17 : i32
          %mul3A_1388 = vector.broadcast %mul3A_1387 : i32 to vector<16xi32>
          %mul3A_1389 = arith.muli %iota3A, %mul3A_1388 : vector<16xi32>
          %add3A_1390 = arith.constant 9 : i32
          %add3A_1391 = vector.broadcast %add3A_1390 : i32 to vector<16xi32>
          %add3A_1392 = arith.addi %mul3A_1389, %add3A_1391 : vector<16xi32>
          %gather3A_1393 = tpu.vector_load_idx %arg14[%add3A_1392] : memref<272xf32, #tpu.memory_space<vmem>>[vector<16xi32>], vector<16xf32>,
          %mul3A_1394 = arith.constant 17 : i32
          %mul3A_1395 = vector.broadcast %mul3A_1394 : i32 to vector<16xi32>
          %mul3A_1396 = arith.muli %iota3A, %mul3A_1395 : vector<16xi32>
          %add3A_1397 = arith.constant 10 : i32
          %add3A_1398 = vector.broadcast %add3A_1397 : i32 to vector<16xi32>
          %add3A_1399 = arith.addi %mul3A_1396, %add3A_1398 : vector<16xi32>
          %gather3A_1400 = tpu.vector_load_idx %arg14[%add3A_1399] : memref<272xf32, #tpu.memory_space<vmem>>[vector<16xi32>], vector<16xf32>,
          %mul3A_1401 = arith.constant 17 : i32
          %mul3A_1402 = vector.broadcast %mul3A_1401 : i32 to vector<16xi32>
          %mul3A_1403 = arith.muli %iota3A, %mul3A_1402 : vector<16xi32>
          %add3A_1404 = arith.constant 11 : i32
          %add3A_1405 = vector.broadcast %add3A_1404 : i32 to vector<16xi32>
          %add3A_1406 = arith.addi %mul3A_1403, %add3A_1405 : vector<16xi32>
          %gather3A_1407 = tpu.vector_load_idx %arg14[%add3A_1406] : memref<272xf32, #tpu.memory_space<vmem>>[vector<16xi32>], vector<16xf32>,
          %mul3A_1408 = arith.constant 17 : i32
          %mul3A_1409 = vector.broadcast %mul3A_1408 : i32 to vector<16xi32>
          %mul3A_1410 = arith.muli %iota3A, %mul3A_1409 : vector<16xi32>
          %add3A_1411 = arith.constant 12 : i32
          %add3A_1412 = vector.broadcast %add3A_1411 : i32 to vector<16xi32>
          %add3A_1413 = arith.addi %mul3A_1410, %add3A_1412 : vector<16xi32>
          %gather3A_1414 = tpu.vector_load_idx %arg14[%add3A_1413] : memref<272xf32, #tpu.memory_space<vmem>>[vector<16xi32>], vector<16xf32>,
          %mul3A_1415 = arith.constant 17 : i32
          %mul3A_1416 = vector.broadcast %mul3A_1415 : i32 to vector<16xi32>
          %mul3A_1417 = arith.muli %iota3A, %mul3A_1416 : vector<16xi32>
          %add3A_1418 = arith.constant 13 : i32
          %add3A_1419 = vector.broadcast %add3A_1418 : i32 to vector<16xi32>
          %add3A_1420 = arith.addi %mul3A_1417, %add3A_1419 : vector<16xi32>
          %gather3A_1421 = tpu.vector_load_idx %arg14[%add3A_1420] : memref<272xf32, #tpu.memory_space<vmem>>[vector<16xi32>], vector<16xf32>,
          %mul3A_1422 = arith.constant 17 : i32
          %mul3A_1423 = vector.broadcast %mul3A_1422 : i32 to vector<16xi32>
          %mul3A_1424 = arith.muli %iota3A, %mul3A_1423 : vector<16xi32>
          %add3A_1425 = arith.constant 14 : i32
          %add3A_1426 = vector.broadcast %add3A_1425 : i32 to vector<16xi32>
          %add3A_1427 = arith.addi %mul3A_1424, %add3A_1426 : vector<16xi32>
          %gather3A_1428 = tpu.vector_load_idx %arg14[%add3A_1427] : memref<272xf32, #tpu.memory_space<vmem>>[vector<16xi32>], vector<16xf32>,
          %mul3A_1429 = arith.constant 17 : i32
          %mul3A_1430 = vector.broadcast %mul3A_1429 : i32 to vector<16xi32>
          %mul3A_1431 = arith.muli %iota3A, %mul3A_1430 : vector<16xi32>
          %add3A_1432 = arith.constant 15 : i32
          %add3A_1433 = vector.broadcast %add3A_1432 : i32 to vector<16xi32>
          %add3A_1434 = arith.addi %mul3A_1431, %add3A_1433 : vector<16xi32>
          %gather3A_1435 = tpu.vector_load_idx %arg14[%add3A_1434] : memref<272xf32, #tpu.memory_space<vmem>>[vector<16xi32>], vector<16xf32>,
          %add3A_1436 = arith.addf %gather3A, %gather3A_1337 : vector<16xf32>
          %add3A_1437 = arith.addf %gather3A_1344, %gather3A_1351 : vector<16xf32>
          %add3A_1438 = arith.addf %gather3A_1358, %gather3A_1365 : vector<16xf32>
          %add3A_1439 = arith.addf %gather3A_1372, %gather3A_1379 : vector<16xf32>
          %add3A_1440 = arith.addf %gather3A_1386, %gather3A_1393 : vector<16xf32>
          %add3A_1441 = arith.addf %gather3A_1400, %gather3A_1407 : vector<16xf32>
          %add3A_1442 = arith.addf %gather3A_1414, %gather3A_1421 : vector<16xf32>
          %add3A_1443 = arith.addf %gather3A_1428, %gather3A_1435 : vector<16xf32>
          %add3A_1444 = arith.addf %add3A_1436, %add3A_1437 : vector<16xf32>
          %add3A_1445 = arith.addf %add3A_1438, %add3A_1439 : vector<16xf32>
          %add3A_1446 = arith.addf %add3A_1440, %add3A_1441 : vector<16xf32>
          %add3A_1447 = arith.addf %add3A_1442, %add3A_1443 : vector<16xf32>
          %add3A_1448 = arith.addf %add3A_1444, %add3A_1445 : vector<16xf32>
          %add3A_1449 = arith.addf %add3A_1446, %add3A_1447 : vector<16xf32>
          %add3A_1450 = arith.addf %add3A_1448, %add3A_1449 : vector<16xf32>
          %mul3A_1451 = arith.constant 80 : i32
          %mul3A_1452 = arith.muli %add3A_68, %mul3A_1451 : i32
          %mul3A_1453 = arith.constant 16 : i32
          %mul3A_1454 = arith.muli %scan3A_96, %mul3A_1453 : i32
          %add3A_1455 = arith.addi %mul3A_1452, %mul3A_1454 : i32
          %swap3A_1456 = arith.index_cast %add3A_1455 : i32 to index
          %swap3A_1457 = tpu.vector_load %arg13[%swap3A_1456] {strides = array<i32>} : memref<10000xf32, #tpu.memory_space<vmem>>, vector<16xf32>,
          tpu.vector_store %arg13[%swap3A_1456], %add3A_1450 {strides = array<i32>} : memref<10000xf32, #tpu.memory_space<vmem>>, vector<16xf32>,
        }
        %scan3A_88 = arith.constant 5 : i32
        %add3A_89 = arith.constant 3 : i32
        %add3A_90 = arith.addi %add3A_68, %add3A_89 : i32
        %lt3A_91 = arith.constant 125 : i32
        %lt3A_92 = arith.cmpi slt, %add3A_90, %lt3A_91 : i32
        %convert_element_type3A_93 = arith.extui %lt3A_92 : i1 to i32
        %cond3A_94 = arith.constant 0 : i32
        %cond3A_95 = arith.cmpi ne, %convert_element_type3A_93, %cond3A_94 : i32
        scf.if %cond3A_95 {
          %add3A_96 = arith.constant 3 : i32
          %add3A_97 = arith.addi %add3A_68, %add3A_96 : i32
          %mul3A_98 = arith.constant 80 : i32
          %mul3A_99 = arith.muli %add3A_97, %mul3A_98 : i32
          %dma_start3A_100 = tpu.memref_slice %arg5[%mul3A_99] : memref<10000xi32, #tpu.memory_space<vmem>> -> memref<80xi32, #tpu.memory_space<vmem>>
          %dma_start3A_101 = arith.constant 0 : i32
          %dma_start3A_102 = arith.constant 0 : i32
          %dma_start3A_103 = tpu.memref_slice %arg17[%dma_start3A_101, %dma_start3A_102] : memref<10000x64xi32, #tpu.memory_space<vmem_shared>> -> memref<10000x64xi32, #tpu.memory_space<vmem_shared>>
          tpu.enqueue_indirect_dma source(%dma_start3A_103 : memref<10000x64xi32, #tpu.memory_space<vmem_shared>>) target(%arg9 : memref<80x64xi32, #tpu.memory_space<vmem>>) offsets(%dma_start3A_100 : memref<80xi32, #tpu.memory_space<vmem>>) semaphore(%arg20 : memref<!tpu.dma_semaphore, #tpu.memory_space<semaphore_mem>>)
          %dma_start3A_104 = tpu.memref_slice %arg6[%mul3A_99] : memref<10000xi32, #tpu.memory_space<vmem>> -> memref<80xi32, #tpu.memory_space<vmem>>
          %dma_start3A_105 = arith.constant 0 : i32
          %dma_start3A_106 = arith.constant 0 : i32
          %dma_start3A_107 = tpu.memref_slice %arg17[%dma_start3A_105, %dma_start3A_106] : memref<10000x64xi32, #tpu.memory_space<vmem_shared>> -> memref<10000x64xi32, #tpu.memory_space<vmem_shared>>
          tpu.enqueue_indirect_dma source(%dma_start3A_107 : memref<10000x64xi32, #tpu.memory_space<vmem_shared>>) target(%arg12 : memref<80x64xi32, #tpu.memory_space<vmem>>) offsets(%dma_start3A_104 : memref<80xi32, #tpu.memory_space<vmem>>) semaphore(%arg20 : memref<!tpu.dma_semaphore, #tpu.memory_space<semaphore_mem>>)
        } else {
        }
      } else {
      }
    }
    %scan3A_46 = arith.constant 42 : i32
    "tpu.region"() ({
      %run_scoped3A_47 = tpu.sem_alloc : memref<!tpu.dma_semaphore, #tpu.memory_space<semaphore_mem>>
      %dma_start3A_48 = tpu.memref_slice %arg4[%mul3A_2] : memref<320000xf32, #tpu.memory_space<hbm>> -> memref<10000xf32, #tpu.memory_space<hbm>>
      %dma_start3A_49 = tpu.memref_slice %arg4[%mul3A_2] : memref<320000xf32, #tpu.memory_space<hbm>> -> memref<10000xf32, #tpu.memory_space<hbm>>
      tpu.enqueue_dma source(%arg13 : memref<10000xf32, #tpu.memory_space<vmem>>) target(%dma_start3A_49 : memref<10000xf32, #tpu.memory_space<hbm>>) target_semaphore(%run_scoped3A_47 : memref<!tpu.dma_semaphore, #tpu.memory_space<semaphore_mem>>)
      %dma_wait3A = tpu.memref_slice %arg4[%mul3A_2] : memref<320000xf32, #tpu.memory_space<hbm>> -> memref<10000xf32, #tpu.memory_space<hbm>>
      %dma_wait3A_50 = tpu.memref_slice %arg4[%mul3A_2] : memref<320000xf32, #tpu.memory_space<hbm>> -> memref<10000xf32, #tpu.memory_space<hbm>>
      tpu.wait_dma2 semaphore(%run_scoped3A_47 : memref<!tpu.dma_semaphore, #tpu.memory_space<semaphore_mem>>) src(%arg13 : memref<10000xf32, #tpu.memory_space<vmem>>) dst(%dma_wait3A_50 : memref<10000xf32, #tpu.memory_space<hbm>>)
      tpu.yield
    }) : () -> ()
    return
  }
}

</mosaic_0001>

<sc_bundles>
// kernel: kernel.3.cloned.1.call-start
scs
__scs_entry_jumppad:
0x0: {  	(pc) =	sbr.rel $0x88, $3  }
0x1: {  	(tag) =	ssettag $0x0;
	lr =	simm.s32 $0x1  }
0x2: {  	[smem:$0x3F9F] =	sst lr;
	_ =	strace $0xD0000000  }
0x3: {  	_ = 	snop  }
0x4: {  	_ = 	snop  }
0x5: {  	_ = 	snop  }
0x6: {  	_ = 	snop  }
0x7: {  	_ = 	snop  }
__scs_overlays_trampoline_lowered:
0x8: {  	[smem:$0x3FAE] =	sst s0  }
0x9: {  	[smem:$0x3FAF] =	sst s1  }
0xa: {  	[smem:$0x3FB0] =	sst s2  }
0xb: {  	[smem:$0x3FB1] =	sst s3  }
0xc: {  	[smem:$0x3FB2] =	sst s4  }
0xd: {  	[smem:$0x3FB3] =	sst s5  }
0xe: {  	[smem:$0x3FB4] =	sst s6  }
0xf: {  	[smem:$0x3FB5] =	sst s7  }
0x10: {  	[smem:$0x3FB6] =	sst s8  }
0x11: {  	[smem:$0x3FB7] =	sst s9;
	s0 =	simm.s32 @!p0 $0x0  }
0x12: {  	s1 =	sld [smem:$0x3F9D];
	s0 =	simm.s32 @p0 $0x1  }
0x13: {  	[smem:$0x3FB8] =	sst s0;
	s0 =	simm.s32 @!p1 $0x0  }
0x14: {  	s2 =	sld [smem:$0x3F9C];
	s0 =	simm.s32 @p1 $0x1  }
0x15: {  	[smem:$0x3FB9] =	sst s0;
	s0 =	simm.s32 @!p2 $0x0  }
0x16: {  	s3 =	sld [smem:$0x3FDB];
	s0 =	simm.s32 @p2 $0x1  }
0x17: {  	s4 =	simm.s32 $0x1BF5;
	[smem:$0x3FBB] =	sst s0  }
0x18: {  	s0 =	sld [smem:$0x3F9E];
	_ =	swait.ge [sflag:s4], $0x0  }
0x19: {  	s7 =	sld [smem:$0x3F9F]  }
0x1a: {  	s8 =	sadd.s32 $0xFFFFE003, lr  }
0x1b: {  	s9 =	sadd.s32 $0xFFFFFEF7, lr;
	s5 =	simm.s32 $0xFFFFFFFF;
	p2 =	slt.u32 s8, $0xFFFFF086  }
0x1c: {  	p1 =	slt.u32 s9, $0xF7A;
	s5 =	simm.s32 @!p2 $0x0  }
0x1d: {  	s5 =	simm.s32 @p1 $0x1;
	p0 =	seq.s32 s7, s2  }
0x1e: {  	s7 =	smul.u32 @!p0 $0xF7A, s2;
	p2 =	seq.s32 @!p0 s5, $0x0  }
0x1f: {  	s9 =	smul.u32 $0xF7A, s1;
	s8 =	simm.s32 @!p0 $0x1BF5;
	p2 =	por !p2, p0  }
0x20: {  	[sflag:s8] =	ssyncset.s32 @!p0 $0xFFFFF086;
	s6 =	sadd.s32 @!p0 s3, s7;
	s7 =	simm.s32 @!p0 $0x108  }
0x21: {  	s3 =	sadd.s32 s3, s9;
	s6 =	sadd.s32 @!p0 $0x88, s6;
	s7 =	simm.s32 @p2 $0x1082  }
0x22: {  	[simem:s7], [sflag:s8] =	dma.local @!p0 [hbm:s6], $0xF7A  }
0x23: {  	s9 =	sor.u32 $0xD0000000, s2;
	s6 =	simm.s32 $0x108;
	_ =	swait.ge @!p0 [sflag:s8], $0x0  }
0x24: {  	s3 =	sadd.s32 $0x88, s3;
	s6 =	simm.s32 @!p1 $0x1082;
	[sflag:s4] =	ssyncset.s32 $0xFFFFF086  }
0x25: {  	[simem:s6], [sflag:s4] =	dma.local [hbm:s3], $0xF7A  }
0x26: {  	[smem:$0x3F9F] =	sst s1;
	(tag) =	ssettag s2;
	_ =	strace s9  }
0x27: {  	s1 =	sld [smem:$0x3FAF]  }
0x28: {  	s2 =	sld [smem:$0x3FB0]  }
0x29: {  	s4 =	sld [smem:$0x3FB2]  }
0x2a: {  	p0 =	seq.s32 s5, $0x0;
	s5 =	sld [smem:$0x3FB3]  }
0x2b: {  	s6 =	sld [smem:$0x3FB4]  }
0x2c: {  	s7 =	sld [smem:$0x3FB5]  }
0x2d: {  	s3 =	simm.s32 $0x108;
	s8 =	sld [smem:$0x3FB6]  }
0x2e: {  	s3 =	simm.s32 @!p0 $0x1082;
	s9 =	sld [smem:$0x3FB7]  }
0x2f: {  	lr =	sadd.s32 s0, s3;
	s0 =	sld [smem:$0x3FAE]  }
0x30: {  	s3 =	sld [smem:$0x3FB1]  }
0x31: {  	[smem:$0x3FBA] =	sst s10  }
0x32: {  	s10 =	sld [smem:$0x3FB8];
	_ =	sdelay $0x3  }
0x33: {  	p0 =	seq.s32 s10, $0x1;
	s10 =	sld [smem:$0x3FBA];
	_ =	sdelay $0x3  }
0x34: {  	[smem:$0x3FBA] =	sst s10  }
0x35: {  	s10 =	sld [smem:$0x3FB9];
	_ =	sdelay $0x3  }
0x36: {  	p1 =	seq.s32 s10, $0x1;
	s10 =	sld [smem:$0x3FBA];
	_ =	sdelay $0x3  }
0x37: {  	[smem:$0x3FBA] =	sst s10  }
0x38: {  	s10 =	sld [smem:$0x3FBB]  }
0x39: {  	_ = 	snop;
	(pc) =	sbr.ind lr, $3  }
0x3a: {  	_ = 	snop  }
0x3b: {  	_ = 	snop  }
0x3c: {  	p2 =	seq.s32 s10, $0x1;
	s10 =	sld [smem:$0x3FBA]  }
0x3d: {  	_ =	shalt  }
0x3e: {  	_ =	shalt  }
0x3f: {  	_ =	shalt  }
0x40: {  	_ =	shalt  }
0x41: {  	_ =	shalt  }
0x42: {  	_ =	shalt  }
0x43: {  	_ =	shalt  }
0x44: {  	_ =	shalt  }
0x45: {  	_ =	shalt  }
0x46: {  	_ =	shalt  }
0x47: {  	_ =	shalt  }
0x48: {  	_ =	shalt  }
0x49: {  	_ =	shalt  }
0x4a: {  	_ =	shalt  }
0x4b: {  	_ =	shalt  }
0x4c: {  	_ =	shalt  }
0x4d: {  	_ =	shalt  }
0x4e: {  	_ =	shalt  }
0x4f: {  	_ =	shalt  }
0x50: {  	_ =	shalt  }
0x51: {  	_ =	shalt  }
0x52: {  	_ =	shalt  }
0x53: {  	_ =	shalt  }
0x54: {  	_ =	shalt  }
0x55: {  	_ =	shalt  }
0x56: {  	_ =	shalt  }
0x57: {  	_ =	shalt  }
0x58: {  	_ =	shalt  }
0x59: {  	_ =	shalt  }
0x5a: {  	_ =	shalt  }
0x5b: {  	_ =	shalt  }
0x5c: {  	_ =	shalt  }
0x5d: {  	_ =	shalt  }
0x5e: {  	_ =	shalt  }
0x5f: {  	_ =	shalt  }
0x60: {  	_ =	shalt  }
0x61: {  	_ =	shalt  }
0x62: {  	_ =	shalt  }
0x63: {  	_ =	shalt  }
0x64: {  	_ =	shalt  }
0x65: {  	_ =	shalt  }
0x66: {  	_ =	shalt  }
0x67: {  	_ =	shalt  }
0x68: {  	_ =	shalt  }
0x69: {  	_ =	shalt  }
0x6a: {  	_ =	shalt  }
0x6b: {  	_ =	shalt  }
0x6c: {  	_ =	shalt  }
0x6d: {  	_ =	shalt  }
0x6e: {  	_ =	shalt  }
0x6f: {  	_ =	shalt  }
0x70: {  	_ =	shalt  }
0x71: {  	_ =	shalt  }
0x72: {  	_ =	shalt  }
0x73: {  	_ =	shalt  }
0x74: {  	_ =	shalt  }
0x75: {  	_ =	shalt  }
0x76: {  	_ =	shalt  }
0x77: {  	_ =	shalt  }
0x78: {  	_ =	shalt  }
0x79: {  	_ =	shalt  }
0x7a: {  	_ =	shalt  }
0x7b: {  	_ =	shalt  }
0x7c: {  	_ =	shalt  }
0x7d: {  	_ =	shalt  }
0x7e: {  	_ =	shalt  }
0x7f: {  	_ =	shalt  }
0x80: {  	_ =	shalt  }
0x81: {  	_ =	shalt  }
0x82: {  	_ =	shalt  }
0x83: {  	_ =	shalt  }
0x84: {  	_ =	shalt  }
0x85: {  	_ =	shalt  }
0x86: {  	_ =	shalt  }
0x87: {  	_ =	shalt  }
.Lfunc_end0:
.L_simem_size_0:
called_computation_lowered:
.L_overlay_start_0:
0x88: {  	s2 =	sld [smem:$0x3FD9]  }
0x89: {  	s3 =	sld [smem:$0x3FFE];
	_ =	sdelay $0x1  }
0x8a: {  	s1 =	srdreg.scid  }
0x8b: {  	s0 =	sand.u32 $0x1, s1  }
0x8c: {  	s17 =	sshll.u32 s0, $0xA;
	s2 =	sadd.s32 s3, s2  }
0x8d: {  	s2 =	sadd.s32 s2, s17  }
0x8e: {  	[smem:$0x3FC6] =	sst s2  }
0x8f: {  	_ = 	snop  }
0x90: {  	s2 =	sld [smem:$0x3FC8]  }
0x91: {  	s18 =	sld [smem:$0x3FD0];
	(tm) =	ssettm $0x1  }
0x92: {  	s4 =	sld [smem:$0x3FFB];
	_ =	sdelay $0x3  }
0x93: {  	_ =	strace s4  }
0x94: {  	s4 =	sld [smem:$0x3FFC];
	_ =	sdelay $0x3  }
0x95: {  	_ =	strace s4  }
0x96: {  	s4 =	sld [smem:$0x3FFD];
	_ =	sdelay $0x3  }
0x97: {  	_ =	strace s4  }
0x98: {  	_ =	strace $0x8FFFFFFF  }
0x99: {  	s19 =	sld [smem:$0x3FDB];
	_ =	sdelay $0x1  }
0x9a: {  	s5 =	simm.s32 $_scs_section_size  }
0x9b: {  	s6 =	simm.s32 $_size__tile_overlayer_lowered;
	s7 =	simm.s32 $_tile_overlayer_lowered  }
0x9c: {  	s22 =	simm.s32 $0x1BFF;
	s21 =	sshll.u32 s7, $0x1;
	s4 =	sadd.s32 s5, s19  }
0x9d: {  	s8 =	simm.s32 $0x0;
	s20 =	sshll.u32 s6, $0x1;
	s6 =	sadd.s32 s21, s4  }
0x9e: {  	[timem:s8], [sflag:s22] =	dma.local [hbm:s6], s20  }
0x9f: {  	_ =	swait.ge [sflag:s22], s20  }
0xa0: {  	s5 =	ssub.s32 $0x0, s20;
	[sflag:s22] =	ssyncset.done $0x0  }
0xa1: {  	[sflag:s22] =	ssyncadd.s32 s5;
	_ =	sdelay $0x1  }
0xa2: {  	s23 =	simm.s32 $0x1B8B  }
0xa3: {  	_ =	swait.ge [sflag:s23], $0x1  }
0xa4: {  	[sflag:s23] =	ssyncset.done $0x0  }
0xa5: {  	s25 =	simm.s32 $0x1B8E;
	s24 =	sld [smem:$0x3FFE];
	[sflag:s23] =	ssyncadd.s32 $0xFFFFFFFF  }
0xa6: {  	s26 =	simm.s32 $execute0_lowered;
	[smem:$0x3FD2] =	sst s25  }
0xa7: {  	s6 =	sshll.u32 s26, $0x1;
	_ =	strace $0x80000046;
	[dreg:$0x1] =	wrdreg $0xFFFFFFFF  }
0xa8: {  	s28 =	simm.s32 $_size_execute0_lowered;
	s4 =	sadd.s32 s4, s6;
	[dreg:$0x0] =	wrdreg $0x0  }
0xa9: {  	s6 =	sshll.u32 s28, $0x1;
	[dreg:$0x2] =	wrdreg s4  }
0xaa: {  	[dreg:$0x3] =	wrdreg s6  }
0xab: {  	[dreg:$0x4] =	wrdreg $0xC0  }
0xac: {  	_ =	task [dreg:s8], $0x5FFFF  }
0xad: {  	[dreg:$0x1] =	wrdreg $0xFFFFFFFF  }
0xae: {  	[dreg:$0x0] =	wrdreg $0x60  }
0xaf: {  	[dreg:$0x2] =	wrdreg s2  }
0xb0: {  	[dreg:$0x3] =	wrdreg s24  }
0xb1: {  	[dreg:$0x4] =	wrdreg s18  }
0xb2: {  	[dreg:$0x5] =	wrdreg $0x13C400  }
0xb3: {  	[dreg:$0x6] =	wrdreg $0x9  }
0xb4: {  	_ =	task.clear_ibuf [dreg:s8], $0x7FFFF;
	_ =	strace $0x90000046  }
0xb5: {  	s29 =	simm.s32 $0x9;
	_ =	strace $0x80000048  }
0xb6: {  	_ =	swait.ge [sflag:s29], $0x1  }
0xb7: {  	[sflag:s29] =	ssyncadd.s32 $0xFFFFFFFF  }
0xb8: {  	_ =	strace $0x90000048  }
0xb9: {  	_ =	sfence  }
0xba: {  	s30 =	sld [smem:$0x0];
	_ =	sdelay $0x2  }
0xbb: {  	s31 =	sshll.u32 s1, $0xD;
	s1 =	sshrl.u32 s1, $0x2  }
0xbc: {  	s3 =	sand.u32 $0x4000, s31;
	s1 =	sadd.s32 s1, s30  }
0xbd: {  	s0 =	sor.u32 s3, s0;
	s1 =	sshll.u32 s1, $0x11  }
0xbe: {  	s0 =	sor.u32 s1, s0  }
0xbf: {  	s0 =	sadd.s32 $0x8F2B, s0  }
0xc0: {  	[sflag:s0] =	ssyncadd.remote.s32 $0x1  }
0xc1: {  	_ =	sfence.sel $0xFFFF  }
0xc2: {  	[dreg:$0x0] =	wrdreg $0xFFFFFFFF;
	(pc) =	sbr.abs _section_cstart, $3  }
0xc3: {  	[dreg:$0x1] =	wrdreg $0xFFFFFFFF  }
0xc4: {  	_ =	task.clear_ibuf [dreg:s8], $0x2FFFF;
	_ =	strace $0x9FFFFFFF  }
0xc5: {  	(tm) =	ssettm $0x7FFFFFFF  }
tec
execute0_lowered:
.L_overlay_start_1:
0x0: {  	(tag) =	ssettag $0x1  }
0x1: {  	s0 =	rddreg [dreg:$0x0]  }
0x2: {  	s1 =	srdreg.scid;
	s4 =	rddreg [dreg:$0x1]  }
0x3: {  	s7 =	stileid.u32;
	s8 =	rddreg [dreg:$0x2]  }
0x4: {  	s11 =	simm.s32 $0x4;
	s12 =	simm.s32 $0x2710;
	s13 =	simm.s32 $0xEE40  }
0x5: {  	s14 =	simm.s32 $0x12240;
	s15 =	simm.s32 $0x50;
	s18 =	simm.s32 $0x6220  }
0x6: {  	s20 =	simm.s32 $0x9E20;
	s23 =	simm.s32 $0x27B0;
	s24 =	simm.s32 $0xB220  }
0x7: {  	s28 =	simm.s32 $0x2;
	s29 =	simm.s32 $0xC620;
	s30 =	simm.s32 $0x3  }
0x8: {  	s31 =	simm.s32 $0x0;
	s1 =	sand.u32 $0x1, s1;
	s2 =	sshll.u32 s7, $0x1  }
0x9: {  	v0 =	vlaneseq.u32;
	s6 =	smul.u32 $0x270, s7;
	s10 =	sadd.s32 $0x27000, s0;
	p0 =	sne.s32 s7, $0x0  }
0xa: {  	v0 =	vmul.u32 $0x11, v0;
	s3 =	sor.u32 s1, s2;
	s2 =	rddreg [dreg:$0x3];
	s1 =	ssub.s32 $0x2, s1  }
0xb: {  	s5 =	smul.u32 $0x2710, s3;
	s3 =	simm.s32 $0x0;
	s25 =	sshrl.u32 s1, $0x1  }
.Ltmp0:
0xc: {  	s26 =	sadd.s32 $0x9C000, s2;
	v1 =	vadd.s32 $0x1, v0;
	v2 =	vadd.s32 $0x2, v0;
	v3 =	vadd.s32 $0x3, v0;
	[smem:$0x7FF] =	sst s3;
	(pc) =	sbr.rel .LBB2_1-.Ltmp0, $4  }
0xd: {  	v4 =	vadd.s32 $0x4, v0;
	v5 =	vadd.s32 $0x5, v0;
	v6 =	vadd.s32 $0x6, v0;
	s1 =	ssub.s32 s1, s25;
	_ =	strace $0x80000047;
	[dreg:$0x5] =	wrdreg s10  }
0xe: {  	v7 =	vadd.s32 $0x7, v0;
	v8 =	vadd.s32 $0x8, v0;
	v9 =	vadd.s32 $0x9, v0;
	s25 =	simm.s32 $0x1;
	s9 =	sshrl.u32 s5, $0x3;
	[dreg:$0x6] =	wrdreg s26  }
0xf: {  	v10 =	vadd.s32 $0xA, v0;
	v11 =	vadd.s32 $0xB, v0;
	v12 =	vadd.s32 $0xC, v0;
	s10 =	smax.u32 s1, $0x1;
	s26 =	simm.s32 $0xED30;
	s5 =	sadd.s32 s9, s4  }
0x10: {  	v13 =	vadd.s32 $0xD, v0;
	v14 =	vadd.s32 $0xE, v0;
	v15 =	vadd.s32 $0xF, v0;
	s9 =	sadd.s32 s8, s9;
	s4 =	sadd.s32 $0x400, s5;
	s5 =	sadd.s32 $0xA040, s5  }
.LBB2_18:
0x11: {  	s31 =	sadd.s32 $0x1, s31  }
0x12: {  	p1 =	sne.s32 s31, s10  }
.Ltmp1:
0x13: {  	_ = 	snop;
	(pc) =	sbr.rel @!p1 .LBB2_19-.Ltmp1, $4  }
0x14: {  	[hbm4b:s9+s3] =	stream.linear.scatter [tilespmem:s29], [sflag:$0x4], $0x2710, $0x38;
	[tilespmem:$0x1D880] =	vst v63  }
0x15: {  	_ =	swait.ge [sflag:s11], $0x2710  }
0x16: {  	[sflag:s11] =	ssyncset.done $0x0  }
0x17: {  	[sflag:s11] =	ssyncadd.s32 $0xFFFFD8F0  }
.LBB2_1:
0x18: {  	[tilespmem:s3], [sflag:$0x4] =	stream.linear.gather [hbm4b:s4+s3], $0x2710, $0x38;
	[tilespmem:$0x1D880] =	vst v63  }
0x19: {  	_ =	swait.ge [sflag:s11], $0x2710  }
0x1a: {  	[sflag:s11] =	ssyncset.done $0x0  }
0x1b: {  	[sflag:s11] =	ssyncadd.s32 $0xFFFFD8F0  }
0x1c: {  	[tilespmem:s12], [sflag:$0x4] =	stream.linear.gather [hbm4b:s5+s3], $0x2710, $0x38;
	[tilespmem:$0x1D880] =	vst v63  }
0x1d: {  	_ =	swait.ge [sflag:s11], $0x2710  }
0x1e: {  	[sflag:s11] =	ssyncset.done $0x0  }
0x1f: {  	s1 =	simm.s32 $0x0;
	[sflag:s11] =	ssyncadd.s32 $0xFFFFD8F0  }
.LBB2_2:
0x20: {  	s7 =	smul.u32 $0x68, s1;
	_ =	sdelay $0x1  }
0x21: {  	s7 =	sadd.s32 s6, s7  }
0x22: {  	s8 =	sshll.u32 s7, $0x4  }
0x23: {  	s16 =	simm.s32 $0x0;
	s8 =	sadd.s32 s0, s8  }
0x24: {  	[tilespmem:s13], [sflag:$0x4] =	stream.linear.gather [hbm4b:s8+s16], $0x3400, $0x38;
	[tilespmem:$0x1D880] =	vst v63  }
0x25: {  	_ =	swait.ge [sflag:s11], $0x3400  }
0x26: {  	[sflag:s11] =	ssyncset.done $0x0  }
0x27: {  	s8 =	simm.s32 $0xEE80;
	[sflag:s11] =	ssyncadd.s32 $0xFFFFCC00  }
0x28: {  	v16 =	vld [tilespmem:s8+$0xFFFFFFC0]  }
0x29: {  	v17 =	vld [tilespmem:s8+$0xFFFFFFD0];
	_ =	sdelay $0x4  }
0x2a: {  	s16 =	simm.s32 $0x0;
	v16 =	vpack.i.f32.bf16 v17, v16  }
0x2b: {  	[tilespmem:s16+$0x12240] =	vst v16  }
0x2c: {  	v16 =	vld [tilespmem:s8+$0xFFFFFFE0]  }
0x2d: {  	v17 =	vld [tilespmem:s8+$0xFFFFFFF0];
	_ =	sdelay $0x4  }
0x2e: {  	v16 =	vpack.i.f32.bf16 v17, v16  }
0x2f: {  	[tilespmem:s16+$0x12250] =	vst v16  }
0x30: {  	v16 =	vld [tilespmem:s8+$0x0]  }
0x31: {  	v17 =	vld [tilespmem:s8+$0x10];
	_ =	sdelay $0x4  }
0x32: {  	v16 =	vpack.i.f32.bf16 v17, v16  }
0x33: {  	[tilespmem:s16+$0x12260] =	vst v16  }
0x34: {  	v16 =	vld [tilespmem:s8+$0x20]  }
0x35: {  	s17 =	simm.s32 $0x100;
	v17 =	vld [tilespmem:s8+$0x30]  }
.LBB2_3:
0x36: {  	_ = 	snop  }
0x37: {  	p1 =	sne.s32 s17, $0x6700  }
0x38: {  	s8 =	sadd.s32 $0x80, s8;
	s19 =	smov.u32 s17;
	s17 =	sadd.s32 $0x100, s17  }
0x39: {  	_ = 	snop  }
0x3a: {  	v16 =	vpack.i.f32.bf16 v17, v16  }
0x3b: {  	[tilespmem:s16+$0x12270] =	vst v16  }
0x3c: {  	v16 =	vld [tilespmem:s8+$0xFFFFFFC0]  }
0x3d: {  	v17 =	vld [tilespmem:s8+$0xFFFFFFD0];
	_ =	sdelay $0x4  }
0x3e: {  	s16 =	sshra.s32 s19, $0x2;
	v16 =	vpack.i.f32.bf16 v17, v16  }
0x3f: {  	[tilespmem:s16+$0x12240] =	vst v16  }
0x40: {  	v16 =	vld [tilespmem:s8+$0xFFFFFFE0]  }
0x41: {  	v17 =	vld [tilespmem:s8+$0xFFFFFFF0];
	_ =	sdelay $0x4  }
0x42: {  	v16 =	vpack.i.f32.bf16 v17, v16  }
0x43: {  	[tilespmem:s16+$0x12250] =	vst v16  }
0x44: {  	v16 =	vld [tilespmem:s8+$0x0]  }
0x45: {  	v17 =	vld [tilespmem:s8+$0x10];
	_ =	sdelay $0x3  }
.Ltmp2:
0x46: {  	(pc) =	sbr.rel @p1 .LBB2_3-.Ltmp2, $4  }
0x47: {  	v16 =	vpack.i.f32.bf16 v17, v16  }
0x48: {  	[tilespmem:s16+$0x12260] =	vst v16  }
0x49: {  	v16 =	vld [tilespmem:s8+$0x20]  }
0x4a: {  	v17 =	vld [tilespmem:s8+$0x30]  }
0x4b: {  	_ =	sdelay $0x2  }
0x4c: {  	s7 =	sshll.u32 s7, $0x6;
	s1 =	sadd.s32 $0x1, s1  }
0x4d: {  	s7 =	sand.u32 $0x3FFFFFC0, s7;
	p1 =	sne.s32 s1, $0x6;
	v16 =	vpack.i.f32.bf16 v17, v16  }
.Ltmp3:
0x4e: {  	s7 =	sadd.s32 s7, s2;
	[tilespmem:s16+$0x12270] =	vst v16;
	(pc) =	sbr.rel @p1 .LBB2_2-.Ltmp3, $4  }
0x4f: {  	[spmem:s7] =	stream.linear.scatter [tilespmem:s14], [sflag:$0x4], $0x1A00, $0x38;
	[tilespmem:$0x1D880] =	vst v63  }
0x50: {  	_ =	swait.ge [sflag:s11], $0x1A00  }
0x51: {  	[sflag:s11] =	ssyncset.done $0x0  }
0x52: {  	[sflag:s11] =	ssyncadd.s32 $0xFFFFE600  }
.Ltmp4:
0x53: {  	(pc) =	sbr.rel @p0 .LBB2_9-.Ltmp4, $1  }
0x54: {  	_ =	sdelay $0x3  }
0x55: {  	s1 =	simm.s32 $0x0;
	s7 =	rddreg [dreg:$0x5]  }
0x56: {  	[tilespmem:s13], [sflag:$0x4] =	stream.linear.gather [hbm4b:s7+s1], $0x800, $0x38;
	[tilespmem:$0x1D880] =	vst v63  }
0x57: {  	_ =	swait.ge [sflag:s11], $0x800  }
0x58: {  	[sflag:s11] =	ssyncset.done $0x0  }
0x59: {  	s1 =	simm.s32 $0xEE80;
	[sflag:s11] =	ssyncadd.s32 $0xFFFFF800  }
0x5a: {  	v16 =	vld [tilespmem:s1+$0xFFFFFFC0]  }
0x5b: {  	v17 =	vld [tilespmem:s1+$0xFFFFFFD0];
	_ =	sdelay $0x4  }
0x5c: {  	s7 =	simm.s32 $0x0;
	v16 =	vpack.i.f32.bf16 v17, v16  }
0x5d: {  	[tilespmem:s7+$0x12240] =	vst v16  }
0x5e: {  	v16 =	vld [tilespmem:s1+$0xFFFFFFE0]  }
0x5f: {  	v17 =	vld [tilespmem:s1+$0xFFFFFFF0];
	_ =	sdelay $0x4  }
0x60: {  	v16 =	vpack.i.f32.bf16 v17, v16  }
0x61: {  	[tilespmem:s7+$0x12250] =	vst v16  }
0x62: {  	v16 =	vld [tilespmem:s1+$0x0]  }
0x63: {  	v17 =	vld [tilespmem:s1+$0x10];
	_ =	sdelay $0x4  }
0x64: {  	v16 =	vpack.i.f32.bf16 v17, v16  }
0x65: {  	[tilespmem:s7+$0x12260] =	vst v16  }
0x66: {  	v16 =	vld [tilespmem:s1+$0x20]  }
0x67: {  	s8 =	simm.s32 $0x100;
	v17 =	vld [tilespmem:s1+$0x30]  }
.LBB2_7:
0x68: {  	_ = 	snop  }
0x69: {  	p1 =	sne.s32 s8, $0xF00  }
0x6a: {  	s1 =	sadd.s32 $0x80, s1;
	s16 =	smov.u32 s8;
	s8 =	sadd.s32 $0x100, s8  }
0x6b: {  	_ = 	snop  }
0x6c: {  	v16 =	vpack.i.f32.bf16 v17, v16  }
0x6d: {  	[tilespmem:s7+$0x12270] =	vst v16  }
0x6e: {  	v16 =	vld [tilespmem:s1+$0xFFFFFFC0]  }
0x6f: {  	v17 =	vld [tilespmem:s1+$0xFFFFFFD0];
	_ =	sdelay $0x4  }
0x70: {  	s7 =	sshra.s32 s16, $0x2;
	v16 =	vpack.i.f32.bf16 v17, v16  }
0x71: {  	[tilespmem:s7+$0x12240] =	vst v16  }
0x72: {  	v16 =	vld [tilespmem:s1+$0xFFFFFFE0]  }
0x73: {  	v17 =	vld [tilespmem:s1+$0xFFFFFFF0];
	_ =	sdelay $0x4  }
0x74: {  	v16 =	vpack.i.f32.bf16 v17, v16  }
0x75: {  	[tilespmem:s7+$0x12250] =	vst v16  }
0x76: {  	v16 =	vld [tilespmem:s1+$0x0]  }
0x77: {  	v17 =	vld [tilespmem:s1+$0x10];
	_ =	sdelay $0x3  }
.Ltmp5:
0x78: {  	(pc) =	sbr.rel @p1 .LBB2_7-.Ltmp5, $4  }
0x79: {  	v16 =	vpack.i.f32.bf16 v17, v16  }
0x7a: {  	[tilespmem:s7+$0x12260] =	vst v16  }
0x7b: {  	v16 =	vld [tilespmem:s1+$0x20]  }
0x7c: {  	v17 =	vld [tilespmem:s1+$0x30]  }
0x7d: {  	_ =	sdelay $0x3  }
0x7e: {  	v16 =	vpack.i.f32.bf16 v17, v16  }
0x7f: {  	s1 =	rddreg [dreg:$0x6];
	[tilespmem:s7+$0x12270] =	vst v16  }
0x80: {  	[spmem:s1] =	stream.linear.scatter [tilespmem:s14], [sflag:$0x4], $0x400, $0x38;
	[tilespmem:$0x1D880] =	vst v63  }
0x81: {  	_ =	swait.ge [sflag:s11], $0x400  }
0x82: {  	[sflag:s11] =	ssyncset.done $0x0  }
0x83: {  	[sflag:s11] =	ssyncadd.s32 $0xFFFFFC00  }
.LBB2_9:
0x84: {  	[bflag:$0x0] =	sbarrier.arrive $0xFFFF;
	s1 =	simm.s32 $0x0;
	s7 =	simm.s32 $0x4E20  }
0x85: {  	[tilespmem:s7], [sflag:$0x1] =	stream.indirect.gather [spmem:s2], $0x40, s1, s15, $0xb8;
	[tilespmem:$0x1D880] =	vst v63  }
0x86: {  	s19 =	simm.s32 $0x8A20  }
0x87: {  	[tilespmem:s19], [sflag:$0x1] =	stream.indirect.gather [spmem:s2], $0x40, s12, s15, $0xb8;
	[tilespmem:$0x1D880] =	vst v63  }
0x88: {  	_ = 	snop  }
0x89: {  	[tilespmem:s18], [sflag:$0x2] =	stream.indirect.gather [spmem:s2], $0x40, s15, s15, $0xb8;
	[tilespmem:$0x1D880] =	vst v63  }
0x8a: {  	s21 =	simm.s32 $0x2760  }
0x8b: {  	[tilespmem:s20], [sflag:$0x2] =	stream.indirect.gather [spmem:s2], $0x40, s21, s15, $0xb8;
	[tilespmem:$0x1D880] =	vst v63  }
0x8c: {  	s22 =	simm.s32 $0xA0;
	s8 =	simm.s32 $0x7620  }
0x8d: {  	[tilespmem:s8], [sflag:$0x3] =	stream.indirect.gather [spmem:s2], $0x40, s22, s15, $0xb8;
	[tilespmem:$0x1D880] =	vst v63  }
0x8e: {  	s7 =	simm.s32 $0xC620;
	s21 =	simm.s32 $0xC6C0;
	s8 =	simm.s32 $0xC670  }
0x8f: {  	[tilespmem:s24], [sflag:$0x3] =	stream.indirect.gather [spmem:s2], $0x40, s23, s15, $0xb8;
	[tilespmem:$0x1D880] =	vst v63  }
.LBB2_10:
0x90: {  	_ =	swait.ge [sflag:s25], $0x1400  }
0x91: {  	[sflag:s25] =	ssyncset.done $0x0  }
0x92: {  	[sflag:s25] =	ssyncadd.s32 $0xFFFFEC00  }
0x93: {  	_ =	swait.ge [sflag:s25], $0x1400  }
0x94: {  	[sflag:s25] =	ssyncset.done $0x0  }
0x95: {  	s17 =	simm.s32 $0xFC0;
	s19 =	smov.u32 s7;
	[sflag:s25] =	ssyncadd.s32 $0xFFFFEC00  }
.LBB2_11:
0x96: {  	s16 =	sshra.s32 s17, $0x2  }
0x97: {  	v16 =	vld [tilespmem:s16+$0x4A30]  }
0x98: {  	v17 =	vld [tilespmem:s16+$0x8630]  }
0x99: {  	v18 =	vld [tilespmem:s16+$0x4A40]  }
0x9a: {  	v19 =	vld [tilespmem:s16+$0x8640]  }
0x9b: {  	v20 =	vld [tilespmem:s16+$0x4A50]  }
0x9c: {  	v21 =	vld [tilespmem:s16+$0x8650]  }
0x9d: {  	v22 =	vld [tilespmem:s16+$0x4A60]  }
0x9e: {  	v25 =	vld [tilespmem:s16+$0x8660];
	_ =	sdelay $0x1  }
0x9f: {  	v23 =	vshll.u32 v16, $0x10;
	v24 =	vshll.u32 v17, $0x10  }
0xa0: {  	v16 =	vmul.f32 v17, v16;
	v17 =	vshll.u32 v18, $0x10;
	v52 =	vshll.u32 v19, $0x10  }
0xa1: {  	v53 =	vshll.u32 v20, $0x10;
	v26 =	vshll.u32 v21, $0x10;
	v18 =	vmul.f32 v19, v18  }
0xa2: {  	v20 =	vmul.f32 v21, v20;
	v55 =	vshll.u32 v22, $0x10;
	v22 =	vmul.f32 v25, v22  }
0xa3: {  	v56 =	vshll.u32 v25, $0x10;
	v23 =	vmul.f32 v24, v23;
	v17 =	vmul.f32 v52, v17  }
0xa4: {  	v54 =	vmul.f32 v26, v53;
	v21 =	vmul.f32 v56, v55  }
0xa5: {  	v16 =	vadd.f32 v23, v16;
	v17 =	vadd.f32 v17, v18  }
0xa6: {  	v57 =	vadd.f32 v54, v20;
	v58 =	vadd.f32 v21, v22;
	_ =	sdelay $0x1  }
0xa7: {  	v16 =	vadd.f32 v17, v16;
	v17 =	vadd.f32 v58, v57;
	_ =	sdelay $0x1  }
0xa8: {  	v16 =	vadd.f32 v17, v16;
	_ =	sdelay $0x1  }
0xa9: {  	[tilespmem:$0xED30] =	vst v16  }
0xaa: {  	v16 =	vld [tilespmem:s16+$0x4A70]  }
0xab: {  	v17 =	vld [tilespmem:s16+$0x8670]  }
0xac: {  	v59 =	vld [tilespmem:s16+$0x4A80]  }
0xad: {  	v60 =	vld [tilespmem:s16+$0x8680]  }
0xae: {  	v61 =	vld [tilespmem:s16+$0x4A90]  }
0xaf: {  	v62 =	vld [tilespmem:s16+$0x8690]  }
0xb0: {  	v63 =	vld [tilespmem:s16+$0x4AA0]  }
0xb1: {  	v30 =	vld [tilespmem:s16+$0x86A0];
	_ =	sdelay $0x1  }
0xb2: {  	v28 =	vshll.u32 v16, $0x10;
	v29 =	vshll.u32 v17, $0x10  }
0xb3: {  	v16 =	vmul.f32 v17, v16;
	v17 =	vshll.u32 v59, $0x10;
	v31 =	vshll.u32 v60, $0x10  }
0xb4: {  	v32 =	vshll.u32 v61, $0x10;
	v33 =	vshll.u32 v62, $0x10;
	v18 =	vmul.f32 v60, v59  }
0xb5: {  	v20 =	vmul.f32 v62, v61;
	v35 =	vshll.u32 v63, $0x10;
	v22 =	vmul.f32 v30, v63  }
0xb6: {  	v36 =	vshll.u32 v30, $0x10;
	v23 =	vmul.f32 v29, v28;
	v17 =	vmul.f32 v31, v17  }
0xb7: {  	v34 =	vmul.f32 v33, v32;
	v21 =	vmul.f32 v36, v35  }
0xb8: {  	v16 =	vadd.f32 v23, v16;
	v17 =	vadd.f32 v17, v18  }
0xb9: {  	v37 =	vadd.f32 v34, v20;
	v38 =	vadd.f32 v21, v22;
	_ =	sdelay $0x1  }
0xba: {  	v16 =	vadd.f32 v17, v16;
	v17 =	vadd.f32 v38, v37;
	_ =	sdelay $0x1  }
0xbb: {  	v16 =	vadd.f32 v17, v16;
	_ =	sdelay $0x1  }
0xbc: {  	[tilespmem:$0xED41] =	vst v16  }
0xbd: {  	v16 =	vld [tilespmem:s16+$0x4AB0]  }
0xbe: {  	v17 =	vld [tilespmem:s16+$0x86B0]  }
0xbf: {  	v39 =	vld [tilespmem:s16+$0x4AC0]  }
0xc0: {  	v40 =	vld [tilespmem:s16+$0x86C0]  }
0xc1: {  	v41 =	vld [tilespmem:s16+$0x4AD0]  }
0xc2: {  	v42 =	vld [tilespmem:s16+$0x86D0]  }
0xc3: {  	v43 =	vld [tilespmem:s16+$0x4AE0]  }
0xc4: {  	v46 =	vld [tilespmem:s16+$0x86E0];
	_ =	sdelay $0x1  }
0xc5: {  	v44 =	vshll.u32 v16, $0x10;
	v45 =	vshll.u32 v17, $0x10  }
0xc6: {  	v16 =	vmul.f32 v17, v16;
	v17 =	vshll.u32 v39, $0x10;
	v47 =	vshll.u32 v40, $0x10  }
0xc7: {  	v48 =	vshll.u32 v41, $0x10;
	v49 =	vshll.u32 v42, $0x10;
	v18 =	vmul.f32 v40, v39  }
0xc8: {  	v20 =	vmul.f32 v42, v41;
	v51 =	vshll.u32 v43, $0x10;
	v22 =	vmul.f32 v46, v43  }
0xc9: {  	v52 =	vshll.u32 v46, $0x10;
	v23 =	vmul.f32 v45, v44;
	v17 =	vmul.f32 v47, v17  }
0xca: {  	v50 =	vmul.f32 v49, v48;
	v21 =	vmul.f32 v52, v51  }
0xcb: {  	v16 =	vadd.f32 v23, v16;
	v17 =	vadd.f32 v17, v18  }
0xcc: {  	v53 =	vadd.f32 v50, v20;
	v54 =	vadd.f32 v21, v22;
	_ =	sdelay $0x1  }
0xcd: {  	v16 =	vadd.f32 v17, v16;
	v17 =	vadd.f32 v54, v53;
	_ =	sdelay $0x1  }
0xce: {  	v16 =	vadd.f32 v17, v16;
	_ =	sdelay $0x1  }
0xcf: {  	[tilespmem:$0xED52] =	vst v16  }
0xd0: {  	v16 =	vld [tilespmem:s16+$0x4AF0]  }
0xd1: {  	v17 =	vld [tilespmem:s16+$0x86F0]  }
0xd2: {  	v55 =	vld [tilespmem:s16+$0x4B00]  }
0xd3: {  	v56 =	vld [tilespmem:s16+$0x8700]  }
0xd4: {  	v57 =	vld [tilespmem:s16+$0x4B10]  }
0xd5: {  	v58 =	vld [tilespmem:s16+$0x8710]  }
0xd6: {  	v59 =	vld [tilespmem:s16+$0x4B20]  }
0xd7: {  	v62 =	vld [tilespmem:s16+$0x8720];
	_ =	sdelay $0x1  }
0xd8: {  	v60 =	vshll.u32 v16, $0x10;
	v61 =	vshll.u32 v17, $0x10  }
0xd9: {  	v16 =	vmul.f32 v17, v16;
	v17 =	vshll.u32 v55, $0x10;
	v63 =	vshll.u32 v56, $0x10  }
0xda: {  	v28 =	vshll.u32 v57, $0x10;
	v29 =	vshll.u32 v58, $0x10;
	v18 =	vmul.f32 v56, v55  }
0xdb: {  	v20 =	vmul.f32 v58, v57;
	v31 =	vshll.u32 v59, $0x10;
	v22 =	vmul.f32 v62, v59  }
0xdc: {  	v32 =	vshll.u32 v62, $0x10;
	v23 =	vmul.f32 v61, v60;
	v17 =	vmul.f32 v63, v17  }
0xdd: {  	v30 =	vmul.f32 v29, v28;
	v21 =	vmul.f32 v32, v31  }
0xde: {  	v16 =	vadd.f32 v23, v16;
	v17 =	vadd.f32 v17, v18  }
0xdf: {  	v33 =	vadd.f32 v30, v20;
	v34 =	vadd.f32 v21, v22;
	_ =	sdelay $0x1  }
0xe0: {  	v16 =	vadd.f32 v17, v16;
	v17 =	vadd.f32 v34, v33;
	_ =	sdelay $0x1  }
0xe1: {  	v16 =	vadd.f32 v17, v16;
	_ =	sdelay $0x1  }
0xe2: {  	[tilespmem:$0xED63] =	vst v16  }
0xe3: {  	v16 =	vld [tilespmem:s16+$0x4B30]  }
0xe4: {  	v17 =	vld [tilespmem:s16+$0x8730]  }
0xe5: {  	v35 =	vld [tilespmem:s16+$0x4B40]  }
0xe6: {  	v36 =	vld [tilespmem:s16+$0x8740]  }
0xe7: {  	v37 =	vld [tilespmem:s16+$0x4B50]  }
0xe8: {  	v38 =	vld [tilespmem:s16+$0x8750]  }
0xe9: {  	v39 =	vld [tilespmem:s16+$0x4B60]  }
0xea: {  	v42 =	vld [tilespmem:s16+$0x8760];
	_ =	sdelay $0x1  }
0xeb: {  	v40 =	vshll.u32 v16, $0x10;
	v41 =	vshll.u32 v17, $0x10  }
0xec: {  	v16 =	vmul.f32 v17, v16;
	v17 =	vshll.u32 v35, $0x10;
	v43 =	vshll.u32 v36, $0x10  }
0xed: {  	v44 =	vshll.u32 v37, $0x10;
	v45 =	vshll.u32 v38, $0x10;
	v18 =	vmul.f32 v36, v35  }
0xee: {  	v20 =	vmul.f32 v38, v37;
	v47 =	vshll.u32 v39, $0x10;
	v22 =	vmul.f32 v42, v39  }
0xef: {  	v48 =	vshll.u32 v42, $0x10;
	v23 =	vmul.f32 v41, v40;
	v17 =	vmul.f32 v43, v17  }
0xf0: {  	v46 =	vmul.f32 v45, v44;
	v21 =	vmul.f32 v48, v47  }
0xf1: {  	v16 =	vadd.f32 v23, v16;
	v17 =	vadd.f32 v17, v18  }
0xf2: {  	v49 =	vadd.f32 v46, v20;
	v50 =	vadd.f32 v21, v22;
	_ =	sdelay $0x1  }
0xf3: {  	v16 =	vadd.f32 v17, v16;
	v17 =	vadd.f32 v50, v49;
	_ =	sdelay $0x1  }
0xf4: {  	v16 =	vadd.f32 v17, v16;
	_ =	sdelay $0x1  }
0xf5: {  	[tilespmem:$0xED74] =	vst v16  }
0xf6: {  	v16 =	vld [tilespmem:s16+$0x4B70]  }
0xf7: {  	v17 =	vld [tilespmem:s16+$0x8770]  }
0xf8: {  	v51 =	vld [tilespmem:s16+$0x4B80]  }
0xf9: {  	v52 =	vld [tilespmem:s16+$0x8780]  }
0xfa: {  	v53 =	vld [tilespmem:s16+$0x4B90]  }
0xfb: {  	v54 =	vld [tilespmem:s16+$0x8790]  }
0xfc: {  	v55 =	vld [tilespmem:s16+$0x4BA0]  }
0xfd: {  	v58 =	vld [tilespmem:s16+$0x87A0];
	_ =	sdelay $0x1  }
0xfe: {  	v56 =	vshll.u32 v16, $0x10;
	v57 =	vshll.u32 v17, $0x10  }
0xff: {  	v16 =	vmul.f32 v17, v16;
	v17 =	vshll.u32 v51, $0x10;
	v59 =	vshll.u32 v52, $0x10  }
0x100: {  	v60 =	vshll.u32 v53, $0x10;
	v61 =	vshll.u32 v54, $0x10;
	v18 =	vmul.f32 v52, v51  }
0x101: {  	v20 =	vmul.f32 v54, v53;
	v63 =	vshll.u32 v55, $0x10;
	v22 =	vmul.f32 v58, v55  }
0x102: {  	v28 =	vshll.u32 v58, $0x10;
	v23 =	vmul.f32 v57, v56;
	v17 =	vmul.f32 v59, v17  }
0x103: {  	v62 =	vmul.f32 v61, v60;
	v21 =	vmul.f32 v28, v63  }
0x104: {  	v16 =	vadd.f32 v23, v16;
	v17 =	vadd.f32 v17, v18  }
0x105: {  	v29 =	vadd.f32 v62, v20;
	v30 =	vadd.f32 v21, v22;
	_ =	sdelay $0x1  }
0x106: {  	v16 =	vadd.f32 v17, v16;
	v17 =	vadd.f32 v30, v29;
	_ =	sdelay $0x1  }
0x107: {  	v16 =	vadd.f32 v17, v16;
	_ =	sdelay $0x1  }
0x108: {  	[tilespmem:$0xED85] =	vst v16  }
0x109: {  	v16 =	vld [tilespmem:s16+$0x4BB0]  }
0x10a: {  	v17 =	vld [tilespmem:s16+$0x87B0]  }
0x10b: {  	v31 =	vld [tilespmem:s16+$0x4BC0]  }
0x10c: {  	v32 =	vld [tilespmem:s16+$0x87C0]  }
0x10d: {  	v33 =	vld [tilespmem:s16+$0x4BD0]  }
0x10e: {  	v34 =	vld [tilespmem:s16+$0x87D0]  }
0x10f: {  	v35 =	vld [tilespmem:s16+$0x4BE0]  }
0x110: {  	v38 =	vld [tilespmem:s16+$0x87E0];
	_ =	sdelay $0x1  }
0x111: {  	v36 =	vshll.u32 v16, $0x10;
	v37 =	vshll.u32 v17, $0x10  }
0x112: {  	v16 =	vmul.f32 v17, v16;
	v17 =	vshll.u32 v31, $0x10;
	v39 =	vshll.u32 v32, $0x10  }
0x113: {  	v40 =	vshll.u32 v33, $0x10;
	v41 =	vshll.u32 v34, $0x10;
	v18 =	vmul.f32 v32, v31  }
0x114: {  	v20 =	vmul.f32 v34, v33;
	v43 =	vshll.u32 v35, $0x10;
	v22 =	vmul.f32 v38, v35  }
0x115: {  	v44 =	vshll.u32 v38, $0x10;
	v23 =	vmul.f32 v37, v36;
	v17 =	vmul.f32 v39, v17  }
0x116: {  	v42 =	vmul.f32 v41, v40;
	v21 =	vmul.f32 v44, v43  }
0x117: {  	v16 =	vadd.f32 v23, v16;
	v17 =	vadd.f32 v17, v18  }
0x118: {  	v45 =	vadd.f32 v42, v20;
	v46 =	vadd.f32 v21, v22;
	_ =	sdelay $0x1  }
0x119: {  	v16 =	vadd.f32 v17, v16;
	v17 =	vadd.f32 v46, v45;
	_ =	sdelay $0x1  }
0x11a: {  	v16 =	vadd.f32 v17, v16;
	_ =	sdelay $0x1  }
0x11b: {  	[tilespmem:$0xED96] =	vst v16  }
0x11c: {  	v16 =	vld [tilespmem:s16+$0x4BF0]  }
0x11d: {  	v17 =	vld [tilespmem:s16+$0x87F0]  }
0x11e: {  	v47 =	vld [tilespmem:s16+$0x4C00]  }
0x11f: {  	v48 =	vld [tilespmem:s16+$0x8800]  }
0x120: {  	v49 =	vld [tilespmem:s16+$0x4C10]  }
0x121: {  	v50 =	vld [tilespmem:s16+$0x8810]  }
0x122: {  	v51 =	vld [tilespmem:s16+$0x4C20]  }
0x123: {  	v54 =	vld [tilespmem:s16+$0x8820];
	_ =	sdelay $0x1  }
0x124: {  	v52 =	vshll.u32 v16, $0x10;
	v53 =	vshll.u32 v17, $0x10  }
0x125: {  	v16 =	vmul.f32 v17, v16;
	v17 =	vshll.u32 v47, $0x10;
	v55 =	vshll.u32 v48, $0x10  }
0x126: {  	v56 =	vshll.u32 v49, $0x10;
	v57 =	vshll.u32 v50, $0x10;
	v18 =	vmul.f32 v48, v47  }
0x127: {  	v20 =	vmul.f32 v50, v49;
	v59 =	vshll.u32 v51, $0x10;
	v22 =	vmul.f32 v54, v51  }
0x128: {  	v60 =	vshll.u32 v54, $0x10;
	v23 =	vmul.f32 v53, v52;
	v17 =	vmul.f32 v55, v17  }
0x129: {  	v58 =	vmul.f32 v57, v56;
	v21 =	vmul.f32 v60, v59  }
0x12a: {  	v16 =	vadd.f32 v23, v16;
	v17 =	vadd.f32 v17, v18  }
0x12b: {  	v61 =	vadd.f32 v58, v20;
	v62 =	vadd.f32 v21, v22;
	_ =	sdelay $0x1  }
0x12c: {  	v16 =	vadd.f32 v17, v16;
	v17 =	vadd.f32 v62, v61;
	_ =	sdelay $0x1  }
0x12d: {  	v16 =	vadd.f32 v17, v16;
	_ =	sdelay $0x1  }
0x12e: {  	[tilespmem:$0xEDA7] =	vst v16  }
0x12f: {  	v16 =	vld [tilespmem:s16+$0x4C30]  }
0x130: {  	v17 =	vld [tilespmem:s16+$0x8830]  }
0x131: {  	v63 =	vld [tilespmem:s16+$0x4C40]  }
0x132: {  	v28 =	vld [tilespmem:s16+$0x8840]  }
0x133: {  	v29 =	vld [tilespmem:s16+$0x4C50]  }
0x134: {  	v30 =	vld [tilespmem:s16+$0x8850]  }
0x135: {  	v31 =	vld [tilespmem:s16+$0x4C60]  }
0x136: {  	v34 =	vld [tilespmem:s16+$0x8860];
	_ =	sdelay $0x1  }
0x137: {  	v32 =	vshll.u32 v16, $0x10;
	v33 =	vshll.u32 v17, $0x10  }
0x138: {  	v16 =	vmul.f32 v17, v16;
	v17 =	vshll.u32 v63, $0x10;
	v35 =	vshll.u32 v28, $0x10  }
0x139: {  	v36 =	vshll.u32 v29, $0x10;
	v37 =	vshll.u32 v30, $0x10;
	v18 =	vmul.f32 v28, v63  }
0x13a: {  	v20 =	vmul.f32 v30, v29;
	v39 =	vshll.u32 v31, $0x10;
	v22 =	vmul.f32 v34, v31  }
0x13b: {  	v40 =	vshll.u32 v34, $0x10;
	v23 =	vmul.f32 v33, v32;
	v17 =	vmul.f32 v35, v17  }
0x13c: {  	v38 =	vmul.f32 v37, v36;
	v21 =	vmul.f32 v40, v39  }
0x13d: {  	v16 =	vadd.f32 v23, v16;
	v17 =	vadd.f32 v17, v18  }
0x13e: {  	v41 =	vadd.f32 v38, v20;
	v42 =	vadd.f32 v21, v22;
	_ =	sdelay $0x1  }
0x13f: {  	v16 =	vadd.f32 v17, v16;
	v17 =	vadd.f32 v42, v41;
	_ =	sdelay $0x1  }
0x140: {  	v16 =	vadd.f32 v17, v16;
	_ =	sdelay $0x1  }
0x141: {  	[tilespmem:$0xEDB8] =	vst v16  }
0x142: {  	v16 =	vld [tilespmem:s16+$0x4C70]  }
0x143: {  	v17 =	vld [tilespmem:s16+$0x8870]  }
0x144: {  	v43 =	vld [tilespmem:s16+$0x4C80]  }
0x145: {  	v44 =	vld [tilespmem:s16+$0x8880]  }
0x146: {  	v45 =	vld [tilespmem:s16+$0x4C90]  }
0x147: {  	v46 =	vld [tilespmem:s16+$0x8890]  }
0x148: {  	v47 =	vld [tilespmem:s16+$0x4CA0]  }
0x149: {  	v50 =	vld [tilespmem:s16+$0x88A0];
	_ =	sdelay $0x1  }
0x14a: {  	v48 =	vshll.u32 v16, $0x10;
	v49 =	vshll.u32 v17, $0x10  }
0x14b: {  	v16 =	vmul.f32 v17, v16;
	v17 =	vshll.u32 v43, $0x10;
	v51 =	vshll.u32 v44, $0x10  }
0x14c: {  	v52 =	vshll.u32 v45, $0x10;
	v53 =	vshll.u32 v46, $0x10;
	v18 =	vmul.f32 v44, v43  }
0x14d: {  	v20 =	vmul.f32 v46, v45;
	v55 =	vshll.u32 v47, $0x10;
	v22 =	vmul.f32 v50, v47  }
0x14e: {  	v56 =	vshll.u32 v50, $0x10;
	v23 =	vmul.f32 v49, v48;
	v17 =	vmul.f32 v51, v17  }
0x14f: {  	v54 =	vmul.f32 v53, v52;
	v21 =	vmul.f32 v56, v55  }
0x150: {  	v16 =	vadd.f32 v23, v16;
	v17 =	vadd.f32 v17, v18  }
0x151: {  	v57 =	vadd.f32 v54, v20;
	v58 =	vadd.f32 v21, v22;
	_ =	sdelay $0x1  }
0x152: {  	v16 =	vadd.f32 v17, v16;
	v17 =	vadd.f32 v58, v57;
	_ =	sdelay $0x1  }
0x153: {  	v16 =	vadd.f32 v17, v16;
	_ =	sdelay $0x1  }
0x154: {  	[tilespmem:$0xEDC9] =	vst v16  }
0x155: {  	v16 =	vld [tilespmem:s16+$0x4CB0]  }
0x156: {  	v17 =	vld [tilespmem:s16+$0x88B0]  }
0x157: {  	v59 =	vld [tilespmem:s16+$0x4CC0]  }
0x158: {  	v60 =	vld [tilespmem:s16+$0x88C0]  }
0x159: {  	v61 =	vld [tilespmem:s16+$0x4CD0]  }
0x15a: {  	v62 =	vld [tilespmem:s16+$0x88D0]  }
0x15b: {  	v63 =	vld [tilespmem:s16+$0x4CE0]  }
0x15c: {  	v30 =	vld [tilespmem:s16+$0x88E0];
	_ =	sdelay $0x1  }
0x15d: {  	v28 =	vshll.u32 v16, $0x10;
	v29 =	vshll.u32 v17, $0x10  }
0x15e: {  	v16 =	vmul.f32 v17, v16;
	v17 =	vshll.u32 v59, $0x10;
	v31 =	vshll.u32 v60, $0x10  }
0x15f: {  	v32 =	vshll.u32 v61, $0x10;
	v33 =	vshll.u32 v62, $0x10;
	v18 =	vmul.f32 v60, v59  }
0x160: {  	v20 =	vmul.f32 v62, v61;
	v35 =	vshll.u32 v63, $0x10;
	v22 =	vmul.f32 v30, v63  }
0x161: {  	v36 =	vshll.u32 v30, $0x10;
	v23 =	vmul.f32 v29, v28;
	v17 =	vmul.f32 v31, v17  }
0x162: {  	v34 =	vmul.f32 v33, v32;
	v21 =	vmul.f32 v36, v35  }
0x163: {  	v16 =	vadd.f32 v23, v16;
	v17 =	vadd.f32 v17, v18  }
0x164: {  	v37 =	vadd.f32 v34, v20;
	v38 =	vadd.f32 v21, v22;
	_ =	sdelay $0x1  }
0x165: {  	v16 =	vadd.f32 v17, v16;
	v17 =	vadd.f32 v38, v37;
	_ =	sdelay $0x1  }
0x166: {  	v16 =	vadd.f32 v17, v16;
	_ =	sdelay $0x1  }
0x167: {  	[tilespmem:$0xEDDA] =	vst v16  }
0x168: {  	v16 =	vld [tilespmem:s16+$0x4CF0]  }
0x169: {  	v17 =	vld [tilespmem:s16+$0x88F0]  }
0x16a: {  	v39 =	vld [tilespmem:s16+$0x4D00]  }
0x16b: {  	v40 =	vld [tilespmem:s16+$0x8900]  }
0x16c: {  	v41 =	vld [tilespmem:s16+$0x4D10]  }
0x16d: {  	v42 =	vld [tilespmem:s16+$0x8910]  }
0x16e: {  	v43 =	vld [tilespmem:s16+$0x4D20]  }
0x16f: {  	v46 =	vld [tilespmem:s16+$0x8920];
	_ =	sdelay $0x1  }
0x170: {  	v44 =	vshll.u32 v16, $0x10;
	v45 =	vshll.u32 v17, $0x10  }
0x171: {  	v16 =	vmul.f32 v17, v16;
	v17 =	vshll.u32 v39, $0x10;
	v47 =	vshll.u32 v40, $0x10  }
0x172: {  	v48 =	vshll.u32 v41, $0x10;
	v49 =	vshll.u32 v42, $0x10;
	v18 =	vmul.f32 v40, v39  }
0x173: {  	v20 =	vmul.f32 v42, v41;
	v51 =	vshll.u32 v43, $0x10;
	v22 =	vmul.f32 v46, v43  }
0x174: {  	v52 =	vshll.u32 v46, $0x10;
	v23 =	vmul.f32 v45, v44;
	v17 =	vmul.f32 v47, v17  }
0x175: {  	v50 =	vmul.f32 v49, v48;
	v21 =	vmul.f32 v52, v51  }
0x176: {  	v16 =	vadd.f32 v23, v16;
	v17 =	vadd.f32 v17, v18  }
0x177: {  	v53 =	vadd.f32 v50, v20;
	v54 =	vadd.f32 v21, v22;
	_ =	sdelay $0x1  }
0x178: {  	v16 =	vadd.f32 v17, v16;
	v17 =	vadd.f32 v54, v53;
	_ =	sdelay $0x1  }
0x179: {  	v16 =	vadd.f32 v17, v16;
	_ =	sdelay $0x1  }
0x17a: {  	[tilespmem:$0xEDEB] =	vst v16  }
0x17b: {  	v16 =	vld [tilespmem:s16+$0x4D30]  }
0x17c: {  	v17 =	vld [tilespmem:s16+$0x8930]  }
0x17d: {  	v55 =	vld [tilespmem:s16+$0x4D40]  }
0x17e: {  	v56 =	vld [tilespmem:s16+$0x8940]  }
0x17f: {  	v57 =	vld [tilespmem:s16+$0x4D50]  }
0x180: {  	v58 =	vld [tilespmem:s16+$0x8950]  }
0x181: {  	v59 =	vld [tilespmem:s16+$0x4D60]  }
0x182: {  	v62 =	vld [tilespmem:s16+$0x8960];
	_ =	sdelay $0x1  }
0x183: {  	v60 =	vshll.u32 v16, $0x10;
	v61 =	vshll.u32 v17, $0x10  }
0x184: {  	v16 =	vmul.f32 v17, v16;
	v17 =	vshll.u32 v55, $0x10;
	v63 =	vshll.u32 v56, $0x10  }
0x185: {  	v28 =	vshll.u32 v57, $0x10;
	v29 =	vshll.u32 v58, $0x10;
	v18 =	vmul.f32 v56, v55  }
0x186: {  	v20 =	vmul.f32 v58, v57;
	v31 =	vshll.u32 v59, $0x10;
	v22 =	vmul.f32 v62, v59  }
0x187: {  	v32 =	vshll.u32 v62, $0x10;
	v23 =	vmul.f32 v61, v60;
	v17 =	vmul.f32 v63, v17  }
0x188: {  	v30 =	vmul.f32 v29, v28;
	v21 =	vmul.f32 v32, v31  }
0x189: {  	v16 =	vadd.f32 v23, v16;
	v17 =	vadd.f32 v17, v18  }
0x18a: {  	v33 =	vadd.f32 v30, v20;
	v34 =	vadd.f32 v21, v22;
	_ =	sdelay $0x1  }
0x18b: {  	v16 =	vadd.f32 v17, v16;
	v17 =	vadd.f32 v34, v33;
	_ =	sdelay $0x1  }
0x18c: {  	v16 =	vadd.f32 v17, v16;
	_ =	sdelay $0x1  }
0x18d: {  	[tilespmem:$0xEDFC] =	vst v16  }
0x18e: {  	v16 =	vld [tilespmem:s16+$0x4D70]  }
0x18f: {  	v17 =	vld [tilespmem:s16+$0x8970]  }
0x190: {  	v35 =	vld [tilespmem:s16+$0x4D80]  }
0x191: {  	v36 =	vld [tilespmem:s16+$0x8980]  }
0x192: {  	v37 =	vld [tilespmem:s16+$0x4D90]  }
0x193: {  	v38 =	vld [tilespmem:s16+$0x8990]  }
0x194: {  	v39 =	vld [tilespmem:s16+$0x4DA0]  }
0x195: {  	v42 =	vld [tilespmem:s16+$0x89A0];
	_ =	sdelay $0x1  }
0x196: {  	v40 =	vshll.u32 v16, $0x10;
	v41 =	vshll.u32 v17, $0x10  }
0x197: {  	v16 =	vmul.f32 v17, v16;
	v17 =	vshll.u32 v35, $0x10;
	v43 =	vshll.u32 v36, $0x10  }
0x198: {  	v44 =	vshll.u32 v37, $0x10;
	v45 =	vshll.u32 v38, $0x10;
	v18 =	vmul.f32 v36, v35  }
0x199: {  	v20 =	vmul.f32 v38, v37;
	v47 =	vshll.u32 v39, $0x10;
	v22 =	vmul.f32 v42, v39  }
0x19a: {  	v48 =	vshll.u32 v42, $0x10;
	v23 =	vmul.f32 v41, v40;
	v17 =	vmul.f32 v43, v17  }
0x19b: {  	v46 =	vmul.f32 v45, v44;
	v21 =	vmul.f32 v48, v47  }
0x19c: {  	v16 =	vadd.f32 v23, v16;
	v17 =	vadd.f32 v17, v18  }
0x19d: {  	v49 =	vadd.f32 v46, v20;
	v50 =	vadd.f32 v21, v22;
	_ =	sdelay $0x1  }
0x19e: {  	v16 =	vadd.f32 v17, v16;
	v17 =	vadd.f32 v50, v49;
	_ =	sdelay $0x1  }
0x19f: {  	v16 =	vadd.f32 v17, v16;
	_ =	sdelay $0x1  }
0x1a0: {  	[tilespmem:$0xEE0D] =	vst v16  }
0x1a1: {  	v16 =	vld [tilespmem:s16+$0x4DB0]  }
0x1a2: {  	v17 =	vld [tilespmem:s16+$0x89B0]  }
0x1a3: {  	v51 =	vld [tilespmem:s16+$0x4DC0]  }
0x1a4: {  	v52 =	vld [tilespmem:s16+$0x89C0]  }
0x1a5: {  	v53 =	vld [tilespmem:s16+$0x4DD0]  }
0x1a6: {  	v54 =	vld [tilespmem:s16+$0x89D0]  }
0x1a7: {  	v55 =	vld [tilespmem:s16+$0x4DE0]  }
0x1a8: {  	v58 =	vld [tilespmem:s16+$0x89E0];
	_ =	sdelay $0x1  }
0x1a9: {  	v56 =	vshll.u32 v16, $0x10;
	v57 =	vshll.u32 v17, $0x10  }
0x1aa: {  	v16 =	vmul.f32 v17, v16;
	v17 =	vshll.u32 v51, $0x10;
	v59 =	vshll.u32 v52, $0x10  }
0x1ab: {  	v60 =	vshll.u32 v53, $0x10;
	v61 =	vshll.u32 v54, $0x10;
	v18 =	vmul.f32 v52, v51  }
0x1ac: {  	v20 =	vmul.f32 v54, v53;
	v63 =	vshll.u32 v55, $0x10;
	v22 =	vmul.f32 v58, v55  }
0x1ad: {  	v28 =	vshll.u32 v58, $0x10;
	v23 =	vmul.f32 v57, v56;
	v17 =	vmul.f32 v59, v17  }
0x1ae: {  	v62 =	vmul.f32 v61, v60;
	v21 =	vmul.f32 v28, v63  }
0x1af: {  	v16 =	vadd.f32 v23, v16;
	v17 =	vadd.f32 v17, v18  }
0x1b0: {  	v29 =	vadd.f32 v62, v20;
	v30 =	vadd.f32 v21, v22;
	_ =	sdelay $0x1  }
0x1b1: {  	v16 =	vadd.f32 v17, v16;
	v17 =	vadd.f32 v30, v29;
	_ =	sdelay $0x1  }
0x1b2: {  	v16 =	vadd.f32 v17, v16;
	_ =	sdelay $0x1  }
0x1b3: {  	[tilespmem:$0xEE1E] =	vst v16  }
0x1b4: {  	v16 =	vld [tilespmem:s16+$0x4DF0]  }
0x1b5: {  	v17 =	vld [tilespmem:s16+$0x89F0]  }
0x1b6: {  	v31 =	vld [tilespmem:s16+$0x4E00]  }
0x1b7: {  	v32 =	vld [tilespmem:s16+$0x8A00]  }
0x1b8: {  	v33 =	vld [tilespmem:s16+$0x4E10]  }
0x1b9: {  	v34 =	vld [tilespmem:s16+$0x8A10]  }
0x1ba: {  	v35 =	vld [tilespmem:s16+$0x4E20]  }
0x1bb: {  	v38 =	vld [tilespmem:s16+$0x8A20];
	_ =	sdelay $0x1  }
0x1bc: {  	v36 =	vshll.u32 v16, $0x10;
	v37 =	vshll.u32 v17, $0x10  }
0x1bd: {  	v16 =	vmul.f32 v17, v16;
	v17 =	vshll.u32 v31, $0x10;
	v39 =	vshll.u32 v32, $0x10  }
0x1be: {  	v40 =	vshll.u32 v33, $0x10;
	v41 =	vshll.u32 v34, $0x10;
	v18 =	vmul.f32 v32, v31  }
0x1bf: {  	v20 =	vmul.f32 v34, v33;
	v43 =	vshll.u32 v35, $0x10;
	v22 =	vmul.f32 v38, v35  }
0x1c0: {  	v44 =	vshll.u32 v38, $0x10;
	v23 =	vmul.f32 v37, v36;
	v17 =	vmul.f32 v39, v17  }
0x1c1: {  	v42 =	vmul.f32 v41, v40;
	v21 =	vmul.f32 v44, v43  }
0x1c2: {  	v16 =	vadd.f32 v23, v16;
	v17 =	vadd.f32 v17, v18  }
0x1c3: {  	v45 =	vadd.f32 v42, v20;
	v46 =	vadd.f32 v21, v22;
	_ =	sdelay $0x1  }
0x1c4: {  	v16 =	vadd.f32 v17, v16;
	v17 =	vadd.f32 v46, v45;
	_ =	sdelay $0x1  }
0x1c5: {  	v16 =	vadd.f32 v17, v16;
	_ =	sdelay $0x1  }
0x1c6: {  	[tilespmem:$0xEE2F] =	vst v16  }
0x1c7: {  	v16 =	vld.idx.msk [tilespmem:v0+s26+$0x0], $0xffff  }
0x1c8: {  	v17 =	vld.idx.msk [tilespmem:v1+s26+$0x0], $0xffff  }
0x1c9: {  	v47 =	vld.idx.msk [tilespmem:v2+s26+$0x0], $0xffff  }
0x1ca: {  	v48 =	vld.idx.msk [tilespmem:v3+s26+$0x0], $0xffff  }
0x1cb: {  	v49 =	vld.idx.msk [tilespmem:v4+s26+$0x0], $0xffff  }
0x1cc: {  	v50 =	vld.idx.msk [tilespmem:v5+s26+$0x0], $0xffff  }
0x1cd: {  	v51 =	vld.idx.msk [tilespmem:v6+s26+$0x0], $0xffff  }
0x1ce: {  	v52 =	vld.idx.msk [tilespmem:v7+s26+$0x0], $0xffff  }
0x1cf: {  	v53 =	vld.idx.msk [tilespmem:v8+s26+$0x0], $0xffff  }
0x1d0: {  	v54 =	vld.idx.msk [tilespmem:v9+s26+$0x0], $0xffff  }
0x1d1: {  	v55 =	vld.idx.msk [tilespmem:v10+s26+$0x0], $0xffff  }
0x1d2: {  	v27 =	vld.idx.msk [tilespmem:v11+s26+$0x0], $0xffff  }
0x1d3: {  	v28 =	vld.idx.msk [tilespmem:v12+s26+$0x0], $0xffff  }
0x1d4: {  	v29 =	vld.idx.msk [tilespmem:v13+s26+$0x0], $0xffff  }
0x1d5: {  	v30 =	vld.idx.msk [tilespmem:v14+s26+$0x0], $0xffff  }
0x1d6: {  	v31 =	vld.idx.msk [tilespmem:v15+s26+$0x0], $0xffff;
	_ =	sdelay $0x1  }
0x1d7: {  	v16 =	vadd.f32 v17, v16;
	v17 =	vadd.f32 v48, v47  }
0x1d8: {  	v56 =	vadd.f32 v50, v49;
	v57 =	vadd.f32 v52, v51  }
0x1d9: {  	v58 =	vadd.f32 v54, v53;
	v59 =	vadd.f32 v27, v55  }
0x1da: {  	v60 =	vadd.f32 v29, v28;
	v61 =	vadd.f32 v31, v30  }
0x1db: {  	v16 =	vadd.f32 v17, v16;
	v17 =	vadd.f32 v57, v56  }
0x1dc: {  	v62 =	vadd.f32 v59, v58;
	v63 =	vadd.f32 v61, v60  }
0x1dd: {  	p1 =	sne.s32 s17, $0x4FC0  }
.Ltmp6:
0x1de: {  	v16 =	vadd.f32 v17, v16;
	v17 =	vadd.f32 v63, v62;
	(pc) =	sbr.rel @p1 .LBB2_11-.Ltmp6, $3  }
0x1df: {  	_ = 	snop  }
0x1e0: {  	v16 =	vadd.f32 v17, v16;
	_ =	sdelay $0x1  }
0x1e1: {  	s17 =	sadd.s32 $0x1000, s17;
	[tilespmem:s19+$0x0] =	vst v16;
	s19 =	sadd.s32 $0x10, s19  }
0x1e2: {  	p1 =	seq.s32 s1, $0x29  }
0x1e3: {  	s16 =	smul.u32 @!p1 $0xF0, s1;
	_ =	sdelay $0x1  }
0x1e4: {  	s19 =	simm.s32 @!p1 $0x50;
	s22 =	simm.s32 @!p1 $0x4E20;
	s17 =	sadd.s32 @!p1 $0xF0, s16  }
0x1e5: {  	[tilespmem:s22], [sflag:$0x1] =	stream.indirect.gather @!p1 [spmem:s2], $0x40, s17, s19, $0xb8;
	[tilespmem:$0x1D880] =	vst v63  }
0x1e6: {  	s16 =	sadd.s32 @!p1 $0x2800, s16;
	s17 =	simm.s32 @!p1 $0x8A20  }
0x1e7: {  	[tilespmem:s17], [sflag:$0x1] =	stream.indirect.gather @!p1 [spmem:s2], $0x40, s16, s19, $0xb8;
	[tilespmem:$0x1D880] =	vst v63  }
0x1e8: {  	_ =	swait.ge [sflag:s28], $0x1400  }
0x1e9: {  	[sflag:s28] =	ssyncset.done $0x0  }
0x1ea: {  	[sflag:s28] =	ssyncadd.s32 $0xFFFFEC00  }
0x1eb: {  	_ =	swait.ge [sflag:s28], $0x1400  }
0x1ec: {  	[sflag:s28] =	ssyncset.done $0x0  }
0x1ed: {  	s17 =	simm.s32 $0xFC0;
	s19 =	smov.u32 s8;
	[sflag:s28] =	ssyncadd.s32 $0xFFFFEC00  }
.LBB2_13:
0x1ee: {  	s16 =	sshra.s32 s17, $0x2  }
0x1ef: {  	v16 =	vld [tilespmem:s16+$0x5E30]  }
0x1f0: {  	v17 =	vld [tilespmem:s16+$0x9A30]  }
0x1f1: {  	v18 =	vld [tilespmem:s16+$0x5E40]  }
0x1f2: {  	v19 =	vld [tilespmem:s16+$0x9A40]  }
0x1f3: {  	v20 =	vld [tilespmem:s16+$0x5E50]  }
0x1f4: {  	v21 =	vld [tilespmem:s16+$0x9A50]  }
0x1f5: {  	v22 =	vld [tilespmem:s16+$0x5E60]  }
0x1f6: {  	v25 =	vld [tilespmem:s16+$0x9A60];
	_ =	sdelay $0x1  }
0x1f7: {  	v23 =	vshll.u32 v16, $0x10;
	v24 =	vshll.u32 v17, $0x10  }
0x1f8: {  	v16 =	vmul.f32 v17, v16;
	v17 =	vshll.u32 v18, $0x10;
	v52 =	vshll.u32 v19, $0x10  }
0x1f9: {  	v53 =	vshll.u32 v20, $0x10;
	v26 =	vshll.u32 v21, $0x10;
	v18 =	vmul.f32 v19, v18  }
0x1fa: {  	v20 =	vmul.f32 v21, v20;
	v55 =	vshll.u32 v22, $0x10;
	v22 =	vmul.f32 v25, v22  }
0x1fb: {  	v56 =	vshll.u32 v25, $0x10;
	v23 =	vmul.f32 v24, v23;
	v17 =	vmul.f32 v52, v17  }
0x1fc: {  	v54 =	vmul.f32 v26, v53;
	v21 =	vmul.f32 v56, v55  }
0x1fd: {  	v16 =	vadd.f32 v23, v16;
	v17 =	vadd.f32 v17, v18  }
0x1fe: {  	v57 =	vadd.f32 v54, v20;
	v58 =	vadd.f32 v21, v22;
	_ =	sdelay $0x1  }
0x1ff: {  	v16 =	vadd.f32 v17, v16;
	v17 =	vadd.f32 v58, v57;
	_ =	sdelay $0x1  }
0x200: {  	v16 =	vadd.f32 v17, v16;
	_ =	sdelay $0x1  }
0x201: {  	[tilespmem:$0xED30] =	vst v16  }
0x202: {  	v16 =	vld [tilespmem:s16+$0x5E70]  }
0x203: {  	v17 =	vld [tilespmem:s16+$0x9A70]  }
0x204: {  	v59 =	vld [tilespmem:s16+$0x5E80]  }
0x205: {  	v60 =	vld [tilespmem:s16+$0x9A80]  }
0x206: {  	v61 =	vld [tilespmem:s16+$0x5E90]  }
0x207: {  	v62 =	vld [tilespmem:s16+$0x9A90]  }
0x208: {  	v63 =	vld [tilespmem:s16+$0x5EA0]  }
0x209: {  	v30 =	vld [tilespmem:s16+$0x9AA0];
	_ =	sdelay $0x1  }
0x20a: {  	v28 =	vshll.u32 v16, $0x10;
	v29 =	vshll.u32 v17, $0x10  }
0x20b: {  	v16 =	vmul.f32 v17, v16;
	v17 =	vshll.u32 v59, $0x10;
	v31 =	vshll.u32 v60, $0x10  }
0x20c: {  	v32 =	vshll.u32 v61, $0x10;
	v33 =	vshll.u32 v62, $0x10;
	v18 =	vmul.f32 v60, v59  }
0x20d: {  	v20 =	vmul.f32 v62, v61;
	v35 =	vshll.u32 v63, $0x10;
	v22 =	vmul.f32 v30, v63  }
0x20e: {  	v36 =	vshll.u32 v30, $0x10;
	v23 =	vmul.f32 v29, v28;
	v17 =	vmul.f32 v31, v17  }
0x20f: {  	v34 =	vmul.f32 v33, v32;
	v21 =	vmul.f32 v36, v35  }
0x210: {  	v16 =	vadd.f32 v23, v16;
	v17 =	vadd.f32 v17, v18  }
0x211: {  	v37 =	vadd.f32 v34, v20;
	v38 =	vadd.f32 v21, v22;
	_ =	sdelay $0x1  }
0x212: {  	v16 =	vadd.f32 v17, v16;
	v17 =	vadd.f32 v38, v37;
	_ =	sdelay $0x1  }
0x213: {  	v16 =	vadd.f32 v17, v16;
	_ =	sdelay $0x1  }
0x214: {  	[tilespmem:$0xED41] =	vst v16  }
0x215: {  	v16 =	vld [tilespmem:s16+$0x5EB0]  }
0x216: {  	v17 =	vld [tilespmem:s16+$0x9AB0]  }
0x217: {  	v39 =	vld [tilespmem:s16+$0x5EC0]  }
0x218: {  	v40 =	vld [tilespmem:s16+$0x9AC0]  }
0x219: {  	v41 =	vld [tilespmem:s16+$0x5ED0]  }
0x21a: {  	v42 =	vld [tilespmem:s16+$0x9AD0]  }
0x21b: {  	v43 =	vld [tilespmem:s16+$0x5EE0]  }
0x21c: {  	v46 =	vld [tilespmem:s16+$0x9AE0];
	_ =	sdelay $0x1  }
0x21d: {  	v44 =	vshll.u32 v16, $0x10;
	v45 =	vshll.u32 v17, $0x10  }
0x21e: {  	v16 =	vmul.f32 v17, v16;
	v17 =	vshll.u32 v39, $0x10;
	v47 =	vshll.u32 v40, $0x10  }
0x21f: {  	v48 =	vshll.u32 v41, $0x10;
	v49 =	vshll.u32 v42, $0x10;
	v18 =	vmul.f32 v40, v39  }
0x220: {  	v20 =	vmul.f32 v42, v41;
	v51 =	vshll.u32 v43, $0x10;
	v22 =	vmul.f32 v46, v43  }
0x221: {  	v52 =	vshll.u32 v46, $0x10;
	v23 =	vmul.f32 v45, v44;
	v17 =	vmul.f32 v47, v17  }
0x222: {  	v50 =	vmul.f32 v49, v48;
	v21 =	vmul.f32 v52, v51  }
0x223: {  	v16 =	vadd.f32 v23, v16;
	v17 =	vadd.f32 v17, v18  }
0x224: {  	v53 =	vadd.f32 v50, v20;
	v54 =	vadd.f32 v21, v22;
	_ =	sdelay $0x1  }
0x225: {  	v16 =	vadd.f32 v17, v16;
	v17 =	vadd.f32 v54, v53;
	_ =	sdelay $0x1  }
0x226: {  	v16 =	vadd.f32 v17, v16;
	_ =	sdelay $0x1  }
0x227: {  	[tilespmem:$0xED52] =	vst v16  }
0x228: {  	v16 =	vld [tilespmem:s16+$0x5EF0]  }
0x229: {  	v17 =	vld [tilespmem:s16+$0x9AF0]  }
0x22a: {  	v55 =	vld [tilespmem:s16+$0x5F00]  }
0x22b: {  	v56 =	vld [tilespmem:s16+$0x9B00]  }
0x22c: {  	v57 =	vld [tilespmem:s16+$0x5F10]  }
0x22d: {  	v58 =	vld [tilespmem:s16+$0x9B10]  }
0x22e: {  	v59 =	vld [tilespmem:s16+$0x5F20]  }
0x22f: {  	v62 =	vld [tilespmem:s16+$0x9B20];
	_ =	sdelay $0x1  }
0x230: {  	v60 =	vshll.u32 v16, $0x10;
	v61 =	vshll.u32 v17, $0x10  }
0x231: {  	v16 =	vmul.f32 v17, v16;
	v17 =	vshll.u32 v55, $0x10;
	v63 =	vshll.u32 v56, $0x10  }
0x232: {  	v28 =	vshll.u32 v57, $0x10;
	v29 =	vshll.u32 v58, $0x10;
	v18 =	vmul.f32 v56, v55  }
0x233: {  	v20 =	vmul.f32 v58, v57;
	v31 =	vshll.u32 v59, $0x10;
	v22 =	vmul.f32 v62, v59  }
0x234: {  	v32 =	vshll.u32 v62, $0x10;
	v23 =	vmul.f32 v61, v60;
	v17 =	vmul.f32 v63, v17  }
0x235: {  	v30 =	vmul.f32 v29, v28;
	v21 =	vmul.f32 v32, v31  }
0x236: {  	v16 =	vadd.f32 v23, v16;
	v17 =	vadd.f32 v17, v18  }
0x237: {  	v33 =	vadd.f32 v30, v20;
	v34 =	vadd.f32 v21, v22;
	_ =	sdelay $0x1  }
0x238: {  	v16 =	vadd.f32 v17, v16;
	v17 =	vadd.f32 v34, v33;
	_ =	sdelay $0x1  }
0x239: {  	v16 =	vadd.f32 v17, v16;
	_ =	sdelay $0x1  }
0x23a: {  	[tilespmem:$0xED63] =	vst v16  }
0x23b: {  	v16 =	vld [tilespmem:s16+$0x5F30]  }
0x23c: {  	v17 =	vld [tilespmem:s16+$0x9B30]  }
0x23d: {  	v35 =	vld [tilespmem:s16+$0x5F40]  }
0x23e: {  	v36 =	vld [tilespmem:s16+$0x9B40]  }
0x23f: {  	v37 =	vld [tilespmem:s16+$0x5F50]  }
0x240: {  	v38 =	vld [tilespmem:s16+$0x9B50]  }
0x241: {  	v39 =	vld [tilespmem:s16+$0x5F60]  }
0x242: {  	v42 =	vld [tilespmem:s16+$0x9B60];
	_ =	sdelay $0x1  }
0x243: {  	v40 =	vshll.u32 v16, $0x10;
	v41 =	vshll.u32 v17, $0x10  }
0x244: {  	v16 =	vmul.f32 v17, v16;
	v17 =	vshll.u32 v35, $0x10;
	v43 =	vshll.u32 v36, $0x10  }
0x245: {  	v44 =	vshll.u32 v37, $0x10;
	v45 =	vshll.u32 v38, $0x10;
	v18 =	vmul.f32 v36, v35  }
0x246: {  	v20 =	vmul.f32 v38, v37;
	v47 =	vshll.u32 v39, $0x10;
	v22 =	vmul.f32 v42, v39  }
0x247: {  	v48 =	vshll.u32 v42, $0x10;
	v23 =	vmul.f32 v41, v40;
	v17 =	vmul.f32 v43, v17  }
0x248: {  	v46 =	vmul.f32 v45, v44;
	v21 =	vmul.f32 v48, v47  }
0x249: {  	v16 =	vadd.f32 v23, v16;
	v17 =	vadd.f32 v17, v18  }
0x24a: {  	v49 =	vadd.f32 v46, v20;
	v50 =	vadd.f32 v21, v22;
	_ =	sdelay $0x1  }
0x24b: {  	v16 =	vadd.f32 v17, v16;
	v17 =	vadd.f32 v50, v49;
	_ =	sdelay $0x1  }
0x24c: {  	v16 =	vadd.f32 v17, v16;
	_ =	sdelay $0x1  }
0x24d: {  	[tilespmem:$0xED74] =	vst v16  }
0x24e: {  	v16 =	vld [tilespmem:s16+$0x5F70]  }
0x24f: {  	v17 =	vld [tilespmem:s16+$0x9B70]  }
0x250: {  	v51 =	vld [tilespmem:s16+$0x5F80]  }
0x251: {  	v52 =	vld [tilespmem:s16+$0x9B80]  }
0x252: {  	v53 =	vld [tilespmem:s16+$0x5F90]  }
0x253: {  	v54 =	vld [tilespmem:s16+$0x9B90]  }
0x254: {  	v55 =	vld [tilespmem:s16+$0x5FA0]  }
0x255: {  	v58 =	vld [tilespmem:s16+$0x9BA0];
	_ =	sdelay $0x1  }
0x256: {  	v56 =	vshll.u32 v16, $0x10;
	v57 =	vshll.u32 v17, $0x10  }
0x257: {  	v16 =	vmul.f32 v17, v16;
	v17 =	vshll.u32 v51, $0x10;
	v59 =	vshll.u32 v52, $0x10  }
0x258: {  	v60 =	vshll.u32 v53, $0x10;
	v61 =	vshll.u32 v54, $0x10;
	v18 =	vmul.f32 v52, v51  }
0x259: {  	v20 =	vmul.f32 v54, v53;
	v63 =	vshll.u32 v55, $0x10;
	v22 =	vmul.f32 v58, v55  }
0x25a: {  	v28 =	vshll.u32 v58, $0x10;
	v23 =	vmul.f32 v57, v56;
	v17 =	vmul.f32 v59, v17  }
0x25b: {  	v62 =	vmul.f32 v61, v60;
	v21 =	vmul.f32 v28, v63  }
0x25c: {  	v16 =	vadd.f32 v23, v16;
	v17 =	vadd.f32 v17, v18  }
0x25d: {  	v29 =	vadd.f32 v62, v20;
	v30 =	vadd.f32 v21, v22;
	_ =	sdelay $0x1  }
0x25e: {  	v16 =	vadd.f32 v17, v16;
	v17 =	vadd.f32 v30, v29;
	_ =	sdelay $0x1  }
0x25f: {  	v16 =	vadd.f32 v17, v16;
	_ =	sdelay $0x1  }
0x260: {  	[tilespmem:$0xED85] =	vst v16  }
0x261: {  	v16 =	vld [tilespmem:s16+$0x5FB0]  }
0x262: {  	v17 =	vld [tilespmem:s16+$0x9BB0]  }
0x263: {  	v31 =	vld [tilespmem:s16+$0x5FC0]  }
0x264: {  	v32 =	vld [tilespmem:s16+$0x9BC0]  }
0x265: {  	v33 =	vld [tilespmem:s16+$0x5FD0]  }
0x266: {  	v34 =	vld [tilespmem:s16+$0x9BD0]  }
0x267: {  	v35 =	vld [tilespmem:s16+$0x5FE0]  }
0x268: {  	v38 =	vld [tilespmem:s16+$0x9BE0];
	_ =	sdelay $0x1  }
0x269: {  	v36 =	vshll.u32 v16, $0x10;
	v37 =	vshll.u32 v17, $0x10  }
0x26a: {  	v16 =	vmul.f32 v17, v16;
	v17 =	vshll.u32 v31, $0x10;
	v39 =	vshll.u32 v32, $0x10  }
0x26b: {  	v40 =	vshll.u32 v33, $0x10;
	v41 =	vshll.u32 v34, $0x10;
	v18 =	vmul.f32 v32, v31  }
0x26c: {  	v20 =	vmul.f32 v34, v33;
	v43 =	vshll.u32 v35, $0x10;
	v22 =	vmul.f32 v38, v35  }
0x26d: {  	v44 =	vshll.u32 v38, $0x10;
	v23 =	vmul.f32 v37, v36;
	v17 =	vmul.f32 v39, v17  }
0x26e: {  	v42 =	vmul.f32 v41, v40;
	v21 =	vmul.f32 v44, v43  }
0x26f: {  	v16 =	vadd.f32 v23, v16;
	v17 =	vadd.f32 v17, v18  }
0x270: {  	v45 =	vadd.f32 v42, v20;
	v46 =	vadd.f32 v21, v22;
	_ =	sdelay $0x1  }
0x271: {  	v16 =	vadd.f32 v17, v16;
	v17 =	vadd.f32 v46, v45;
	_ =	sdelay $0x1  }
0x272: {  	v16 =	vadd.f32 v17, v16;
	_ =	sdelay $0x1  }
0x273: {  	[tilespmem:$0xED96] =	vst v16  }
0x274: {  	v16 =	vld [tilespmem:s16+$0x5FF0]  }
0x275: {  	v17 =	vld [tilespmem:s16+$0x9BF0]  }
0x276: {  	v47 =	vld [tilespmem:s16+$0x6000]  }
0x277: {  	v48 =	vld [tilespmem:s16+$0x9C00]  }
0x278: {  	v49 =	vld [tilespmem:s16+$0x6010]  }
0x279: {  	v50 =	vld [tilespmem:s16+$0x9C10]  }
0x27a: {  	v51 =	vld [tilespmem:s16+$0x6020]  }
0x27b: {  	v54 =	vld [tilespmem:s16+$0x9C20];
	_ =	sdelay $0x1  }
0x27c: {  	v52 =	vshll.u32 v16, $0x10;
	v53 =	vshll.u32 v17, $0x10  }
0x27d: {  	v16 =	vmul.f32 v17, v16;
	v17 =	vshll.u32 v47, $0x10;
	v55 =	vshll.u32 v48, $0x10  }
0x27e: {  	v56 =	vshll.u32 v49, $0x10;
	v57 =	vshll.u32 v50, $0x10;
	v18 =	vmul.f32 v48, v47  }
0x27f: {  	v20 =	vmul.f32 v50, v49;
	v59 =	vshll.u32 v51, $0x10;
	v22 =	vmul.f32 v54, v51  }
0x280: {  	v60 =	vshll.u32 v54, $0x10;
	v23 =	vmul.f32 v53, v52;
	v17 =	vmul.f32 v55, v17  }
0x281: {  	v58 =	vmul.f32 v57, v56;
	v21 =	vmul.f32 v60, v59  }
0x282: {  	v16 =	vadd.f32 v23, v16;
	v17 =	vadd.f32 v17, v18  }
0x283: {  	v61 =	vadd.f32 v58, v20;
	v62 =	vadd.f32 v21, v22;
	_ =	sdelay $0x1  }
0x284: {  	v16 =	vadd.f32 v17, v16;
	v17 =	vadd.f32 v62, v61;
	_ =	sdelay $0x1  }
0x285: {  	v16 =	vadd.f32 v17, v16;
	_ =	sdelay $0x1  }
0x286: {  	[tilespmem:$0xEDA7] =	vst v16  }
0x287: {  	v16 =	vld [tilespmem:s16+$0x6030]  }
0x288: {  	v17 =	vld [tilespmem:s16+$0x9C30]  }
0x289: {  	v63 =	vld [tilespmem:s16+$0x6040]  }
0x28a: {  	v28 =	vld [tilespmem:s16+$0x9C40]  }
0x28b: {  	v29 =	vld [tilespmem:s16+$0x6050]  }
0x28c: {  	v30 =	vld [tilespmem:s16+$0x9C50]  }
0x28d: {  	v31 =	vld [tilespmem:s16+$0x6060]  }
0x28e: {  	v34 =	vld [tilespmem:s16+$0x9C60];
	_ =	sdelay $0x1  }
0x28f: {  	v32 =	vshll.u32 v16, $0x10;
	v33 =	vshll.u32 v17, $0x10  }
0x290: {  	v16 =	vmul.f32 v17, v16;
	v17 =	vshll.u32 v63, $0x10;
	v35 =	vshll.u32 v28, $0x10  }
0x291: {  	v36 =	vshll.u32 v29, $0x10;
	v37 =	vshll.u32 v30, $0x10;
	v18 =	vmul.f32 v28, v63  }
0x292: {  	v20 =	vmul.f32 v30, v29;
	v39 =	vshll.u32 v31, $0x10;
	v22 =	vmul.f32 v34, v31  }
0x293: {  	v40 =	vshll.u32 v34, $0x10;
	v23 =	vmul.f32 v33, v32;
	v17 =	vmul.f32 v35, v17  }
0x294: {  	v38 =	vmul.f32 v37, v36;
	v21 =	vmul.f32 v40, v39  }
0x295: {  	v16 =	vadd.f32 v23, v16;
	v17 =	vadd.f32 v17, v18  }
0x296: {  	v41 =	vadd.f32 v38, v20;
	v42 =	vadd.f32 v21, v22;
	_ =	sdelay $0x1  }
0x297: {  	v16 =	vadd.f32 v17, v16;
	v17 =	vadd.f32 v42, v41;
	_ =	sdelay $0x1  }
0x298: {  	v16 =	vadd.f32 v17, v16;
	_ =	sdelay $0x1  }
0x299: {  	[tilespmem:$0xEDB8] =	vst v16  }
0x29a: {  	v16 =	vld [tilespmem:s16+$0x6070]  }
0x29b: {  	v17 =	vld [tilespmem:s16+$0x9C70]  }
0x29c: {  	v43 =	vld [tilespmem:s16+$0x6080]  }
0x29d: {  	v44 =	vld [tilespmem:s16+$0x9C80]  }
0x29e: {  	v45 =	vld [tilespmem:s16+$0x6090]  }
0x29f: {  	v46 =	vld [tilespmem:s16+$0x9C90]  }
0x2a0: {  	v47 =	vld [tilespmem:s16+$0x60A0]  }
0x2a1: {  	v50 =	vld [tilespmem:s16+$0x9CA0];
	_ =	sdelay $0x1  }
0x2a2: {  	v48 =	vshll.u32 v16, $0x10;
	v49 =	vshll.u32 v17, $0x10  }
0x2a3: {  	v16 =	vmul.f32 v17, v16;
	v17 =	vshll.u32 v43, $0x10;
	v51 =	vshll.u32 v44, $0x10  }
0x2a4: {  	v52 =	vshll.u32 v45, $0x10;
	v53 =	vshll.u32 v46, $0x10;
	v18 =	vmul.f32 v44, v43  }
0x2a5: {  	v20 =	vmul.f32 v46, v45;
	v55 =	vshll.u32 v47, $0x10;
	v22 =	vmul.f32 v50, v47  }
0x2a6: {  	v56 =	vshll.u32 v50, $0x10;
	v23 =	vmul.f32 v49, v48;
	v17 =	vmul.f32 v51, v17  }
0x2a7: {  	v54 =	vmul.f32 v53, v52;
	v21 =	vmul.f32 v56, v55  }
0x2a8: {  	v16 =	vadd.f32 v23, v16;
	v17 =	vadd.f32 v17, v18  }
0x2a9: {  	v57 =	vadd.f32 v54, v20;
	v58 =	vadd.f32 v21, v22;
	_ =	sdelay $0x1  }
0x2aa: {  	v16 =	vadd.f32 v17, v16;
	v17 =	vadd.f32 v58, v57;
	_ =	sdelay $0x1  }
0x2ab: {  	v16 =	vadd.f32 v17, v16;
	_ =	sdelay $0x1  }
0x2ac: {  	[tilespmem:$0xEDC9] =	vst v16  }
0x2ad: {  	v16 =	vld [tilespmem:s16+$0x60B0]  }
0x2ae: {  	v17 =	vld [tilespmem:s16+$0x9CB0]  }
0x2af: {  	v59 =	vld [tilespmem:s16+$0x60C0]  }
0x2b0: {  	v60 =	vld [tilespmem:s16+$0x9CC0]  }
0x2b1: {  	v61 =	vld [tilespmem:s16+$0x60D0]  }
0x2b2: {  	v62 =	vld [tilespmem:s16+$0x9CD0]  }
0x2b3: {  	v63 =	vld [tilespmem:s16+$0x60E0]  }
0x2b4: {  	v30 =	vld [tilespmem:s16+$0x9CE0];
	_ =	sdelay $0x1  }
0x2b5: {  	v28 =	vshll.u32 v16, $0x10;
	v29 =	vshll.u32 v17, $0x10  }
0x2b6: {  	v16 =	vmul.f32 v17, v16;
	v17 =	vshll.u32 v59, $0x10;
	v31 =	vshll.u32 v60, $0x10  }
0x2b7: {  	v32 =	vshll.u32 v61, $0x10;
	v33 =	vshll.u32 v62, $0x10;
	v18 =	vmul.f32 v60, v59  }
0x2b8: {  	v20 =	vmul.f32 v62, v61;
	v35 =	vshll.u32 v63, $0x10;
	v22 =	vmul.f32 v30, v63  }
0x2b9: {  	v36 =	vshll.u32 v30, $0x10;
	v23 =	vmul.f32 v29, v28;
	v17 =	vmul.f32 v31, v17  }
0x2ba: {  	v34 =	vmul.f32 v33, v32;
	v21 =	vmul.f32 v36, v35  }
0x2bb: {  	v16 =	vadd.f32 v23, v16;
	v17 =	vadd.f32 v17, v18  }
0x2bc: {  	v37 =	vadd.f32 v34, v20;
	v38 =	vadd.f32 v21, v22;
	_ =	sdelay $0x1  }
0x2bd: {  	v16 =	vadd.f32 v17, v16;
	v17 =	vadd.f32 v38, v37;
	_ =	sdelay $0x1  }
0x2be: {  	v16 =	vadd.f32 v17, v16;
	_ =	sdelay $0x1  }
0x2bf: {  	[tilespmem:$0xEDDA] =	vst v16  }
0x2c0: {  	v16 =	vld [tilespmem:s16+$0x60F0]  }
0x2c1: {  	v17 =	vld [tilespmem:s16+$0x9CF0]  }
0x2c2: {  	v39 =	vld [tilespmem:s16+$0x6100]  }
0x2c3: {  	v40 =	vld [tilespmem:s16+$0x9D00]  }
0x2c4: {  	v41 =	vld [tilespmem:s16+$0x6110]  }
0x2c5: {  	v42 =	vld [tilespmem:s16+$0x9D10]  }
0x2c6: {  	v43 =	vld [tilespmem:s16+$0x6120]  }
0x2c7: {  	v46 =	vld [tilespmem:s16+$0x9D20];
	_ =	sdelay $0x1  }
0x2c8: {  	v44 =	vshll.u32 v16, $0x10;
	v45 =	vshll.u32 v17, $0x10  }
0x2c9: {  	v16 =	vmul.f32 v17, v16;
	v17 =	vshll.u32 v39, $0x10;
	v47 =	vshll.u32 v40, $0x10  }
0x2ca: {  	v48 =	vshll.u32 v41, $0x10;
	v49 =	vshll.u32 v42, $0x10;
	v18 =	vmul.f32 v40, v39  }
0x2cb: {  	v20 =	vmul.f32 v42, v41;
	v51 =	vshll.u32 v43, $0x10;
	v22 =	vmul.f32 v46, v43  }
0x2cc: {  	v52 =	vshll.u32 v46, $0x10;
	v23 =	vmul.f32 v45, v44;
	v17 =	vmul.f32 v47, v17  }
0x2cd: {  	v50 =	vmul.f32 v49, v48;
	v21 =	vmul.f32 v52, v51  }
0x2ce: {  	v16 =	vadd.f32 v23, v16;
	v17 =	vadd.f32 v17, v18  }
0x2cf: {  	v53 =	vadd.f32 v50, v20;
	v54 =	vadd.f32 v21, v22;
	_ =	sdelay $0x1  }
0x2d0: {  	v16 =	vadd.f32 v17, v16;
	v17 =	vadd.f32 v54, v53;
	_ =	sdelay $0x1  }
0x2d1: {  	v16 =	vadd.f32 v17, v16;
	_ =	sdelay $0x1  }
0x2d2: {  	[tilespmem:$0xEDEB] =	vst v16  }
0x2d3: {  	v16 =	vld [tilespmem:s16+$0x6130]  }
0x2d4: {  	v17 =	vld [tilespmem:s16+$0x9D30]  }
0x2d5: {  	v55 =	vld [tilespmem:s16+$0x6140]  }
0x2d6: {  	v56 =	vld [tilespmem:s16+$0x9D40]  }
0x2d7: {  	v57 =	vld [tilespmem:s16+$0x6150]  }
0x2d8: {  	v58 =	vld [tilespmem:s16+$0x9D50]  }
0x2d9: {  	v59 =	vld [tilespmem:s16+$0x6160]  }
0x2da: {  	v62 =	vld [tilespmem:s16+$0x9D60];
	_ =	sdelay $0x1  }
0x2db: {  	v60 =	vshll.u32 v16, $0x10;
	v61 =	vshll.u32 v17, $0x10  }
0x2dc: {  	v16 =	vmul.f32 v17, v16;
	v17 =	vshll.u32 v55, $0x10;
	v63 =	vshll.u32 v56, $0x10  }
0x2dd: {  	v28 =	vshll.u32 v57, $0x10;
	v29 =	vshll.u32 v58, $0x10;
	v18 =	vmul.f32 v56, v55  }
0x2de: {  	v20 =	vmul.f32 v58, v57;
	v31 =	vshll.u32 v59, $0x10;
	v22 =	vmul.f32 v62, v59  }
0x2df: {  	v32 =	vshll.u32 v62, $0x10;
	v23 =	vmul.f32 v61, v60;
	v17 =	vmul.f32 v63, v17  }
0x2e0: {  	v30 =	vmul.f32 v29, v28;
	v21 =	vmul.f32 v32, v31  }
0x2e1: {  	v16 =	vadd.f32 v23, v16;
	v17 =	vadd.f32 v17, v18  }
0x2e2: {  	v33 =	vadd.f32 v30, v20;
	v34 =	vadd.f32 v21, v22;
	_ =	sdelay $0x1  }
0x2e3: {  	v16 =	vadd.f32 v17, v16;
	v17 =	vadd.f32 v34, v33;
	_ =	sdelay $0x1  }
0x2e4: {  	v16 =	vadd.f32 v17, v16;
	_ =	sdelay $0x1  }
0x2e5: {  	[tilespmem:$0xEDFC] =	vst v16  }
0x2e6: {  	v16 =	vld [tilespmem:s16+$0x6170]  }
0x2e7: {  	v17 =	vld [tilespmem:s16+$0x9D70]  }
0x2e8: {  	v35 =	vld [tilespmem:s16+$0x6180]  }
0x2e9: {  	v36 =	vld [tilespmem:s16+$0x9D80]  }
0x2ea: {  	v37 =	vld [tilespmem:s16+$0x6190]  }
0x2eb: {  	v38 =	vld [tilespmem:s16+$0x9D90]  }
0x2ec: {  	v39 =	vld [tilespmem:s16+$0x61A0]  }
0x2ed: {  	v42 =	vld [tilespmem:s16+$0x9DA0];
	_ =	sdelay $0x1  }
0x2ee: {  	v40 =	vshll.u32 v16, $0x10;
	v41 =	vshll.u32 v17, $0x10  }
0x2ef: {  	v16 =	vmul.f32 v17, v16;
	v17 =	vshll.u32 v35, $0x10;
	v43 =	vshll.u32 v36, $0x10  }
0x2f0: {  	v44 =	vshll.u32 v37, $0x10;
	v45 =	vshll.u32 v38, $0x10;
	v18 =	vmul.f32 v36, v35  }
0x2f1: {  	v20 =	vmul.f32 v38, v37;
	v47 =	vshll.u32 v39, $0x10;
	v22 =	vmul.f32 v42, v39  }
0x2f2: {  	v48 =	vshll.u32 v42, $0x10;
	v23 =	vmul.f32 v41, v40;
	v17 =	vmul.f32 v43, v17  }
0x2f3: {  	v46 =	vmul.f32 v45, v44;
	v21 =	vmul.f32 v48, v47  }
0x2f4: {  	v16 =	vadd.f32 v23, v16;
	v17 =	vadd.f32 v17, v18  }
0x2f5: {  	v49 =	vadd.f32 v46, v20;
	v50 =	vadd.f32 v21, v22;
	_ =	sdelay $0x1  }
0x2f6: {  	v16 =	vadd.f32 v17, v16;
	v17 =	vadd.f32 v50, v49;
	_ =	sdelay $0x1  }
0x2f7: {  	v16 =	vadd.f32 v17, v16;
	_ =	sdelay $0x1  }
0x2f8: {  	[tilespmem:$0xEE0D] =	vst v16  }
0x2f9: {  	v16 =	vld [tilespmem:s16+$0x61B0]  }
0x2fa: {  	v17 =	vld [tilespmem:s16+$0x9DB0]  }
0x2fb: {  	v51 =	vld [tilespmem:s16+$0x61C0]  }
0x2fc: {  	v52 =	vld [tilespmem:s16+$0x9DC0]  }
0x2fd: {  	v53 =	vld [tilespmem:s16+$0x61D0]  }
0x2fe: {  	v54 =	vld [tilespmem:s16+$0x9DD0]  }
0x2ff: {  	v55 =	vld [tilespmem:s16+$0x61E0]  }
0x300: {  	v58 =	vld [tilespmem:s16+$0x9DE0];
	_ =	sdelay $0x1  }
0x301: {  	v56 =	vshll.u32 v16, $0x10;
	v57 =	vshll.u32 v17, $0x10  }
0x302: {  	v16 =	vmul.f32 v17, v16;
	v17 =	vshll.u32 v51, $0x10;
	v59 =	vshll.u32 v52, $0x10  }
0x303: {  	v60 =	vshll.u32 v53, $0x10;
	v61 =	vshll.u32 v54, $0x10;
	v18 =	vmul.f32 v52, v51  }
0x304: {  	v20 =	vmul.f32 v54, v53;
	v63 =	vshll.u32 v55, $0x10;
	v22 =	vmul.f32 v58, v55  }
0x305: {  	v28 =	vshll.u32 v58, $0x10;
	v23 =	vmul.f32 v57, v56;
	v17 =	vmul.f32 v59, v17  }
0x306: {  	v62 =	vmul.f32 v61, v60;
	v21 =	vmul.f32 v28, v63  }
0x307: {  	v16 =	vadd.f32 v23, v16;
	v17 =	vadd.f32 v17, v18  }
0x308: {  	v29 =	vadd.f32 v62, v20;
	v30 =	vadd.f32 v21, v22;
	_ =	sdelay $0x1  }
0x309: {  	v16 =	vadd.f32 v17, v16;
	v17 =	vadd.f32 v30, v29;
	_ =	sdelay $0x1  }
0x30a: {  	v16 =	vadd.f32 v17, v16;
	_ =	sdelay $0x1  }
0x30b: {  	[tilespmem:$0xEE1E] =	vst v16  }
0x30c: {  	v16 =	vld [tilespmem:s16+$0x61F0]  }
0x30d: {  	v17 =	vld [tilespmem:s16+$0x9DF0]  }
0x30e: {  	v31 =	vld [tilespmem:s16+$0x6200]  }
0x30f: {  	v32 =	vld [tilespmem:s16+$0x9E00]  }
0x310: {  	v33 =	vld [tilespmem:s16+$0x6210]  }
0x311: {  	v34 =	vld [tilespmem:s16+$0x9E10]  }
0x312: {  	v35 =	vld [tilespmem:s16+$0x6220]  }
0x313: {  	v38 =	vld [tilespmem:s16+$0x9E20];
	_ =	sdelay $0x1  }
0x314: {  	v36 =	vshll.u32 v16, $0x10;
	v37 =	vshll.u32 v17, $0x10  }
0x315: {  	v16 =	vmul.f32 v17, v16;
	v17 =	vshll.u32 v31, $0x10;
	v39 =	vshll.u32 v32, $0x10  }
0x316: {  	v40 =	vshll.u32 v33, $0x10;
	v41 =	vshll.u32 v34, $0x10;
	v18 =	vmul.f32 v32, v31  }
0x317: {  	v20 =	vmul.f32 v34, v33;
	v43 =	vshll.u32 v35, $0x10;
	v22 =	vmul.f32 v38, v35  }
0x318: {  	v44 =	vshll.u32 v38, $0x10;
	v23 =	vmul.f32 v37, v36;
	v17 =	vmul.f32 v39, v17  }
0x319: {  	v42 =	vmul.f32 v41, v40;
	v21 =	vmul.f32 v44, v43  }
0x31a: {  	v16 =	vadd.f32 v23, v16;
	v17 =	vadd.f32 v17, v18  }
0x31b: {  	v45 =	vadd.f32 v42, v20;
	v46 =	vadd.f32 v21, v22;
	_ =	sdelay $0x1  }
0x31c: {  	v16 =	vadd.f32 v17, v16;
	v17 =	vadd.f32 v46, v45;
	_ =	sdelay $0x1  }
0x31d: {  	v16 =	vadd.f32 v17, v16;
	_ =	sdelay $0x1  }
0x31e: {  	[tilespmem:$0xEE2F] =	vst v16  }
0x31f: {  	v16 =	vld.idx.msk [tilespmem:v0+s26+$0x0], $0xffff  }
0x320: {  	v17 =	vld.idx.msk [tilespmem:v1+s26+$0x0], $0xffff  }
0x321: {  	v47 =	vld.idx.msk [tilespmem:v2+s26+$0x0], $0xffff  }
0x322: {  	v48 =	vld.idx.msk [tilespmem:v3+s26+$0x0], $0xffff  }
0x323: {  	v49 =	vld.idx.msk [tilespmem:v4+s26+$0x0], $0xffff  }
0x324: {  	v50 =	vld.idx.msk [tilespmem:v5+s26+$0x0], $0xffff  }
0x325: {  	v51 =	vld.idx.msk [tilespmem:v6+s26+$0x0], $0xffff  }
0x326: {  	v52 =	vld.idx.msk [tilespmem:v7+s26+$0x0], $0xffff  }
0x327: {  	v53 =	vld.idx.msk [tilespmem:v8+s26+$0x0], $0xffff  }
0x328: {  	v54 =	vld.idx.msk [tilespmem:v9+s26+$0x0], $0xffff  }
0x329: {  	v55 =	vld.idx.msk [tilespmem:v10+s26+$0x0], $0xffff  }
0x32a: {  	v27 =	vld.idx.msk [tilespmem:v11+s26+$0x0], $0xffff  }
0x32b: {  	v28 =	vld.idx.msk [tilespmem:v12+s26+$0x0], $0xffff  }
0x32c: {  	v29 =	vld.idx.msk [tilespmem:v13+s26+$0x0], $0xffff  }
0x32d: {  	v30 =	vld.idx.msk [tilespmem:v14+s26+$0x0], $0xffff  }
0x32e: {  	v31 =	vld.idx.msk [tilespmem:v15+s26+$0x0], $0xffff;
	_ =	sdelay $0x1  }
0x32f: {  	v16 =	vadd.f32 v17, v16;
	v17 =	vadd.f32 v48, v47  }
0x330: {  	v56 =	vadd.f32 v50, v49;
	v57 =	vadd.f32 v52, v51  }
0x331: {  	v58 =	vadd.f32 v54, v53;
	v59 =	vadd.f32 v27, v55  }
0x332: {  	v60 =	vadd.f32 v29, v28;
	v61 =	vadd.f32 v31, v30  }
0x333: {  	v16 =	vadd.f32 v17, v16;
	v17 =	vadd.f32 v57, v56  }
0x334: {  	v62 =	vadd.f32 v59, v58;
	v63 =	vadd.f32 v61, v60  }
0x335: {  	p2 =	sne.s32 s17, $0x4FC0  }
.Ltmp7:
0x336: {  	v16 =	vadd.f32 v17, v16;
	v17 =	vadd.f32 v63, v62;
	(pc) =	sbr.rel @p2 .LBB2_13-.Ltmp7, $3  }
0x337: {  	_ = 	snop  }
0x338: {  	v16 =	vadd.f32 v17, v16;
	_ =	sdelay $0x1  }
0x339: {  	s17 =	sadd.s32 $0x1000, s17;
	[tilespmem:s19+$0x0] =	vst v16;
	s19 =	sadd.s32 $0x10, s19  }
.Ltmp8:
0x33a: {  	(pc) =	sbr.rel @p1 .LBB2_18-.Ltmp8, $1  }
0x33b: {  	_ =	sdelay $0x3  }
0x33c: {  	s17 =	smul.u32 $0xF0, s1;
	_ =	sdelay $0x1  }
0x33d: {  	s16 =	sadd.s32 $0x140, s17  }
0x33e: {  	[tilespmem:s18], [sflag:$0x2] =	stream.indirect.gather [spmem:s2], $0x40, s16, s15, $0xb8;
	[tilespmem:$0x1D880] =	vst v63  }
0x33f: {  	s22 =	sadd.s32 $0x2850, s17  }
0x340: {  	[tilespmem:s20], [sflag:$0x2] =	stream.indirect.gather [spmem:s2], $0x40, s22, s15, $0xb8;
	[tilespmem:$0x1D880] =	vst v63  }
0x341: {  	_ =	swait.ge [sflag:s30], $0x1400  }
0x342: {  	[sflag:s30] =	ssyncset.done $0x0  }
0x343: {  	[sflag:s30] =	ssyncadd.s32 $0xFFFFEC00  }
0x344: {  	_ =	swait.ge [sflag:s30], $0x1400  }
0x345: {  	[sflag:s30] =	ssyncset.done $0x0  }
0x346: {  	s19 =	simm.s32 $0xFC0;
	s16 =	smov.u32 s21;
	[sflag:s30] =	ssyncadd.s32 $0xFFFFEC00  }
.LBB2_16:
0x347: {  	s22 =	sshra.s32 s19, $0x2  }
0x348: {  	v16 =	vld [tilespmem:s22+$0x7230]  }
0x349: {  	v17 =	vld [tilespmem:s22+$0xAE30]  }
0x34a: {  	v18 =	vld [tilespmem:s22+$0x7240]  }
0x34b: {  	v19 =	vld [tilespmem:s22+$0xAE40]  }
0x34c: {  	v20 =	vld [tilespmem:s22+$0x7250]  }
0x34d: {  	v21 =	vld [tilespmem:s22+$0xAE50]  }
0x34e: {  	v22 =	vld [tilespmem:s22+$0x7260]  }
0x34f: {  	v25 =	vld [tilespmem:s22+$0xAE60];
	_ =	sdelay $0x1  }
0x350: {  	v23 =	vshll.u32 v16, $0x10;
	v24 =	vshll.u32 v17, $0x10  }
0x351: {  	v16 =	vmul.f32 v17, v16;
	v17 =	vshll.u32 v18, $0x10;
	v52 =	vshll.u32 v19, $0x10  }
0x352: {  	v53 =	vshll.u32 v20, $0x10;
	v26 =	vshll.u32 v21, $0x10;
	v18 =	vmul.f32 v19, v18  }
0x353: {  	v20 =	vmul.f32 v21, v20;
	v55 =	vshll.u32 v22, $0x10;
	v22 =	vmul.f32 v25, v22  }
0x354: {  	v56 =	vshll.u32 v25, $0x10;
	v23 =	vmul.f32 v24, v23;
	v17 =	vmul.f32 v52, v17  }
0x355: {  	v54 =	vmul.f32 v26, v53;
	v21 =	vmul.f32 v56, v55  }
0x356: {  	v16 =	vadd.f32 v23, v16;
	v17 =	vadd.f32 v17, v18  }
0x357: {  	v57 =	vadd.f32 v54, v20;
	v58 =	vadd.f32 v21, v22;
	_ =	sdelay $0x1  }
0x358: {  	v16 =	vadd.f32 v17, v16;
	v17 =	vadd.f32 v58, v57;
	_ =	sdelay $0x1  }
0x359: {  	v16 =	vadd.f32 v17, v16;
	_ =	sdelay $0x1  }
0x35a: {  	[tilespmem:$0xED30] =	vst v16  }
0x35b: {  	v16 =	vld [tilespmem:s22+$0x7270]  }
0x35c: {  	v17 =	vld [tilespmem:s22+$0xAE70]  }
0x35d: {  	v59 =	vld [tilespmem:s22+$0x7280]  }
0x35e: {  	v60 =	vld [tilespmem:s22+$0xAE80]  }
0x35f: {  	v61 =	vld [tilespmem:s22+$0x7290]  }
0x360: {  	v62 =	vld [tilespmem:s22+$0xAE90]  }
0x361: {  	v63 =	vld [tilespmem:s22+$0x72A0]  }
0x362: {  	v30 =	vld [tilespmem:s22+$0xAEA0];
	_ =	sdelay $0x1  }
0x363: {  	v28 =	vshll.u32 v16, $0x10;
	v29 =	vshll.u32 v17, $0x10  }
0x364: {  	v16 =	vmul.f32 v17, v16;
	v17 =	vshll.u32 v59, $0x10;
	v31 =	vshll.u32 v60, $0x10  }
0x365: {  	v32 =	vshll.u32 v61, $0x10;
	v33 =	vshll.u32 v62, $0x10;
	v18 =	vmul.f32 v60, v59  }
0x366: {  	v20 =	vmul.f32 v62, v61;
	v35 =	vshll.u32 v63, $0x10;
	v22 =	vmul.f32 v30, v63  }
0x367: {  	v36 =	vshll.u32 v30, $0x10;
	v23 =	vmul.f32 v29, v28;
	v17 =	vmul.f32 v31, v17  }
0x368: {  	v34 =	vmul.f32 v33, v32;
	v21 =	vmul.f32 v36, v35  }
0x369: {  	v16 =	vadd.f32 v23, v16;
	v17 =	vadd.f32 v17, v18  }
0x36a: {  	v37 =	vadd.f32 v34, v20;
	v38 =	vadd.f32 v21, v22;
	_ =	sdelay $0x1  }
0x36b: {  	v16 =	vadd.f32 v17, v16;
	v17 =	vadd.f32 v38, v37;
	_ =	sdelay $0x1  }
0x36c: {  	v16 =	vadd.f32 v17, v16;
	_ =	sdelay $0x1  }
0x36d: {  	[tilespmem:$0xED41] =	vst v16  }
0x36e: {  	v16 =	vld [tilespmem:s22+$0x72B0]  }
0x36f: {  	v17 =	vld [tilespmem:s22+$0xAEB0]  }
0x370: {  	v39 =	vld [tilespmem:s22+$0x72C0]  }
0x371: {  	v40 =	vld [tilespmem:s22+$0xAEC0]  }
0x372: {  	v41 =	vld [tilespmem:s22+$0x72D0]  }
0x373: {  	v42 =	vld [tilespmem:s22+$0xAED0]  }
0x374: {  	v43 =	vld [tilespmem:s22+$0x72E0]  }
0x375: {  	v46 =	vld [tilespmem:s22+$0xAEE0];
	_ =	sdelay $0x1  }
0x376: {  	v44 =	vshll.u32 v16, $0x10;
	v45 =	vshll.u32 v17, $0x10  }
0x377: {  	v16 =	vmul.f32 v17, v16;
	v17 =	vshll.u32 v39, $0x10;
	v47 =	vshll.u32 v40, $0x10  }
0x378: {  	v48 =	vshll.u32 v41, $0x10;
	v49 =	vshll.u32 v42, $0x10;
	v18 =	vmul.f32 v40, v39  }
0x379: {  	v20 =	vmul.f32 v42, v41;
	v51 =	vshll.u32 v43, $0x10;
	v22 =	vmul.f32 v46, v43  }
0x37a: {  	v52 =	vshll.u32 v46, $0x10;
	v23 =	vmul.f32 v45, v44;
	v17 =	vmul.f32 v47, v17  }
0x37b: {  	v50 =	vmul.f32 v49, v48;
	v21 =	vmul.f32 v52, v51  }
0x37c: {  	v16 =	vadd.f32 v23, v16;
	v17 =	vadd.f32 v17, v18  }
0x37d: {  	v53 =	vadd.f32 v50, v20;
	v54 =	vadd.f32 v21, v22;
	_ =	sdelay $0x1  }
0x37e: {  	v16 =	vadd.f32 v17, v16;
	v17 =	vadd.f32 v54, v53;
	_ =	sdelay $0x1  }
0x37f: {  	v16 =	vadd.f32 v17, v16;
	_ =	sdelay $0x1  }
0x380: {  	[tilespmem:$0xED52] =	vst v16  }
0x381: {  	v16 =	vld [tilespmem:s22+$0x72F0]  }
0x382: {  	v17 =	vld [tilespmem:s22+$0xAEF0]  }
0x383: {  	v55 =	vld [tilespmem:s22+$0x7300]  }
0x384: {  	v56 =	vld [tilespmem:s22+$0xAF00]  }
0x385: {  	v57 =	vld [tilespmem:s22+$0x7310]  }
0x386: {  	v58 =	vld [tilespmem:s22+$0xAF10]  }
0x387: {  	v59 =	vld [tilespmem:s22+$0x7320]  }
0x388: {  	v62 =	vld [tilespmem:s22+$0xAF20];
	_ =	sdelay $0x1  }
0x389: {  	v60 =	vshll.u32 v16, $0x10;
	v61 =	vshll.u32 v17, $0x10  }
0x38a: {  	v16 =	vmul.f32 v17, v16;
	v17 =	vshll.u32 v55, $0x10;
	v63 =	vshll.u32 v56, $0x10  }
0x38b: {  	v28 =	vshll.u32 v57, $0x10;
	v29 =	vshll.u32 v58, $0x10;
	v18 =	vmul.f32 v56, v55  }
0x38c: {  	v20 =	vmul.f32 v58, v57;
	v31 =	vshll.u32 v59, $0x10;
	v22 =	vmul.f32 v62, v59  }
0x38d: {  	v32 =	vshll.u32 v62, $0x10;
	v23 =	vmul.f32 v61, v60;
	v17 =	vmul.f32 v63, v17  }
0x38e: {  	v30 =	vmul.f32 v29, v28;
	v21 =	vmul.f32 v32, v31  }
0x38f: {  	v16 =	vadd.f32 v23, v16;
	v17 =	vadd.f32 v17, v18  }
0x390: {  	v33 =	vadd.f32 v30, v20;
	v34 =	vadd.f32 v21, v22;
	_ =	sdelay $0x1  }
0x391: {  	v16 =	vadd.f32 v17, v16;
	v17 =	vadd.f32 v34, v33;
	_ =	sdelay $0x1  }
0x392: {  	v16 =	vadd.f32 v17, v16;
	_ =	sdelay $0x1  }
0x393: {  	[tilespmem:$0xED63] =	vst v16  }
0x394: {  	v16 =	vld [tilespmem:s22+$0x7330]  }
0x395: {  	v17 =	vld [tilespmem:s22+$0xAF30]  }
0x396: {  	v35 =	vld [tilespmem:s22+$0x7340]  }
0x397: {  	v36 =	vld [tilespmem:s22+$0xAF40]  }
0x398: {  	v37 =	vld [tilespmem:s22+$0x7350]  }
0x399: {  	v38 =	vld [tilespmem:s22+$0xAF50]  }
0x39a: {  	v39 =	vld [tilespmem:s22+$0x7360]  }
0x39b: {  	v42 =	vld [tilespmem:s22+$0xAF60];
	_ =	sdelay $0x1  }
0x39c: {  	v40 =	vshll.u32 v16, $0x10;
	v41 =	vshll.u32 v17, $0x10  }
0x39d: {  	v16 =	vmul.f32 v17, v16;
	v17 =	vshll.u32 v35, $0x10;
	v43 =	vshll.u32 v36, $0x10  }
0x39e: {  	v44 =	vshll.u32 v37, $0x10;
	v45 =	vshll.u32 v38, $0x10;
	v18 =	vmul.f32 v36, v35  }
0x39f: {  	v20 =	vmul.f32 v38, v37;
	v47 =	vshll.u32 v39, $0x10;
	v22 =	vmul.f32 v42, v39  }
0x3a0: {  	v48 =	vshll.u32 v42, $0x10;
	v23 =	vmul.f32 v41, v40;
	v17 =	vmul.f32 v43, v17  }
0x3a1: {  	v46 =	vmul.f32 v45, v44;
	v21 =	vmul.f32 v48, v47  }
0x3a2: {  	v16 =	vadd.f32 v23, v16;
	v17 =	vadd.f32 v17, v18  }
0x3a3: {  	v49 =	vadd.f32 v46, v20;
	v50 =	vadd.f32 v21, v22;
	_ =	sdelay $0x1  }
0x3a4: {  	v16 =	vadd.f32 v17, v16;
	v17 =	vadd.f32 v50, v49;
	_ =	sdelay $0x1  }
0x3a5: {  	v16 =	vadd.f32 v17, v16;
	_ =	sdelay $0x1  }
0x3a6: {  	[tilespmem:$0xED74] =	vst v16  }
0x3a7: {  	v16 =	vld [tilespmem:s22+$0x7370]  }
0x3a8: {  	v17 =	vld [tilespmem:s22+$0xAF70]  }
0x3a9: {  	v51 =	vld [tilespmem:s22+$0x7380]  }
0x3aa: {  	v52 =	vld [tilespmem:s22+$0xAF80]  }
0x3ab: {  	v53 =	vld [tilespmem:s22+$0x7390]  }
0x3ac: {  	v54 =	vld [tilespmem:s22+$0xAF90]  }
0x3ad: {  	v55 =	vld [tilespmem:s22+$0x73A0]  }
0x3ae: {  	v58 =	vld [tilespmem:s22+$0xAFA0];
	_ =	sdelay $0x1  }
0x3af: {  	v56 =	vshll.u32 v16, $0x10;
	v57 =	vshll.u32 v17, $0x10  }
0x3b0: {  	v16 =	vmul.f32 v17, v16;
	v17 =	vshll.u32 v51, $0x10;
	v59 =	vshll.u32 v52, $0x10  }
0x3b1: {  	v60 =	vshll.u32 v53, $0x10;
	v61 =	vshll.u32 v54, $0x10;
	v18 =	vmul.f32 v52, v51  }
0x3b2: {  	v20 =	vmul.f32 v54, v53;
	v63 =	vshll.u32 v55, $0x10;
	v22 =	vmul.f32 v58, v55  }
0x3b3: {  	v28 =	vshll.u32 v58, $0x10;
	v23 =	vmul.f32 v57, v56;
	v17 =	vmul.f32 v59, v17  }
0x3b4: {  	v62 =	vmul.f32 v61, v60;
	v21 =	vmul.f32 v28, v63  }
0x3b5: {  	v16 =	vadd.f32 v23, v16;
	v17 =	vadd.f32 v17, v18  }
0x3b6: {  	v29 =	vadd.f32 v62, v20;
	v30 =	vadd.f32 v21, v22;
	_ =	sdelay $0x1  }
0x3b7: {  	v16 =	vadd.f32 v17, v16;
	v17 =	vadd.f32 v30, v29;
	_ =	sdelay $0x1  }
0x3b8: {  	v16 =	vadd.f32 v17, v16;
	_ =	sdelay $0x1  }
0x3b9: {  	[tilespmem:$0xED85] =	vst v16  }
0x3ba: {  	v16 =	vld [tilespmem:s22+$0x73B0]  }
0x3bb: {  	v17 =	vld [tilespmem:s22+$0xAFB0]  }
0x3bc: {  	v31 =	vld [tilespmem:s22+$0x73C0]  }
0x3bd: {  	v32 =	vld [tilespmem:s22+$0xAFC0]  }
0x3be: {  	v33 =	vld [tilespmem:s22+$0x73D0]  }
0x3bf: {  	v34 =	vld [tilespmem:s22+$0xAFD0]  }
0x3c0: {  	v35 =	vld [tilespmem:s22+$0x73E0]  }
0x3c1: {  	v38 =	vld [tilespmem:s22+$0xAFE0];
	_ =	sdelay $0x1  }
0x3c2: {  	v36 =	vshll.u32 v16, $0x10;
	v37 =	vshll.u32 v17, $0x10  }
0x3c3: {  	v16 =	vmul.f32 v17, v16;
	v17 =	vshll.u32 v31, $0x10;
	v39 =	vshll.u32 v32, $0x10  }
0x3c4: {  	v40 =	vshll.u32 v33, $0x10;
	v41 =	vshll.u32 v34, $0x10;
	v18 =	vmul.f32 v32, v31  }
0x3c5: {  	v20 =	vmul.f32 v34, v33;
	v43 =	vshll.u32 v35, $0x10;
	v22 =	vmul.f32 v38, v35  }
0x3c6: {  	v44 =	vshll.u32 v38, $0x10;
	v23 =	vmul.f32 v37, v36;
	v17 =	vmul.f32 v39, v17  }
0x3c7: {  	v42 =	vmul.f32 v41, v40;
	v21 =	vmul.f32 v44, v43  }
0x3c8: {  	v16 =	vadd.f32 v23, v16;
	v17 =	vadd.f32 v17, v18  }
0x3c9: {  	v45 =	vadd.f32 v42, v20;
	v46 =	vadd.f32 v21, v22;
	_ =	sdelay $0x1  }
0x3ca: {  	v16 =	vadd.f32 v17, v16;
	v17 =	vadd.f32 v46, v45;
	_ =	sdelay $0x1  }
0x3cb: {  	v16 =	vadd.f32 v17, v16;
	_ =	sdelay $0x1  }
0x3cc: {  	[tilespmem:$0xED96] =	vst v16  }
0x3cd: {  	v16 =	vld [tilespmem:s22+$0x73F0]  }
0x3ce: {  	v17 =	vld [tilespmem:s22+$0xAFF0]  }
0x3cf: {  	v47 =	vld [tilespmem:s22+$0x7400]  }
0x3d0: {  	v48 =	vld [tilespmem:s22+$0xB000]  }
0x3d1: {  	v49 =	vld [tilespmem:s22+$0x7410]  }
0x3d2: {  	v50 =	vld [tilespmem:s22+$0xB010]  }
0x3d3: {  	v51 =	vld [tilespmem:s22+$0x7420]  }
0x3d4: {  	v54 =	vld [tilespmem:s22+$0xB020];
	_ =	sdelay $0x1  }
0x3d5: {  	v52 =	vshll.u32 v16, $0x10;
	v53 =	vshll.u32 v17, $0x10  }
0x3d6: {  	v16 =	vmul.f32 v17, v16;
	v17 =	vshll.u32 v47, $0x10;
	v55 =	vshll.u32 v48, $0x10  }
0x3d7: {  	v56 =	vshll.u32 v49, $0x10;
	v57 =	vshll.u32 v50, $0x10;
	v18 =	vmul.f32 v48, v47  }
0x3d8: {  	v20 =	vmul.f32 v50, v49;
	v59 =	vshll.u32 v51, $0x10;
	v22 =	vmul.f32 v54, v51  }
0x3d9: {  	v60 =	vshll.u32 v54, $0x10;
	v23 =	vmul.f32 v53, v52;
	v17 =	vmul.f32 v55, v17  }
0x3da: {  	v58 =	vmul.f32 v57, v56;
	v21 =	vmul.f32 v60, v59  }
0x3db: {  	v16 =	vadd.f32 v23, v16;
	v17 =	vadd.f32 v17, v18  }
0x3dc: {  	v61 =	vadd.f32 v58, v20;
	v62 =	vadd.f32 v21, v22;
	_ =	sdelay $0x1  }
0x3dd: {  	v16 =	vadd.f32 v17, v16;
	v17 =	vadd.f32 v62, v61;
	_ =	sdelay $0x1  }
0x3de: {  	v16 =	vadd.f32 v17, v16;
	_ =	sdelay $0x1  }
0x3df: {  	[tilespmem:$0xEDA7] =	vst v16  }
0x3e0: {  	v16 =	vld [tilespmem:s22+$0x7430]  }
0x3e1: {  	v17 =	vld [tilespmem:s22+$0xB030]  }
0x3e2: {  	v63 =	vld [tilespmem:s22+$0x7440]  }
0x3e3: {  	v28 =	vld [tilespmem:s22+$0xB040]  }
0x3e4: {  	v29 =	vld [tilespmem:s22+$0x7450]  }
0x3e5: {  	v30 =	vld [tilespmem:s22+$0xB050]  }
0x3e6: {  	v31 =	vld [tilespmem:s22+$0x7460]  }
0x3e7: {  	v34 =	vld [tilespmem:s22+$0xB060];
	_ =	sdelay $0x1  }
0x3e8: {  	v32 =	vshll.u32 v16, $0x10;
	v33 =	vshll.u32 v17, $0x10  }
0x3e9: {  	v16 =	vmul.f32 v17, v16;
	v17 =	vshll.u32 v63, $0x10;
	v35 =	vshll.u32 v28, $0x10  }
0x3ea: {  	v36 =	vshll.u32 v29, $0x10;
	v37 =	vshll.u32 v30, $0x10;
	v18 =	vmul.f32 v28, v63  }
0x3eb: {  	v20 =	vmul.f32 v30, v29;
	v39 =	vshll.u32 v31, $0x10;
	v22 =	vmul.f32 v34, v31  }
0x3ec: {  	v40 =	vshll.u32 v34, $0x10;
	v23 =	vmul.f32 v33, v32;
	v17 =	vmul.f32 v35, v17  }
0x3ed: {  	v38 =	vmul.f32 v37, v36;
	v21 =	vmul.f32 v40, v39  }
0x3ee: {  	v16 =	vadd.f32 v23, v16;
	v17 =	vadd.f32 v17, v18  }
0x3ef: {  	v41 =	vadd.f32 v38, v20;
	v42 =	vadd.f32 v21, v22;
	_ =	sdelay $0x1  }
0x3f0: {  	v16 =	vadd.f32 v17, v16;
	v17 =	vadd.f32 v42, v41;
	_ =	sdelay $0x1  }
0x3f1: {  	v16 =	vadd.f32 v17, v16;
	_ =	sdelay $0x1  }
0x3f2: {  	[tilespmem:$0xEDB8] =	vst v16  }
0x3f3: {  	v16 =	vld [tilespmem:s22+$0x7470]  }
0x3f4: {  	v17 =	vld [tilespmem:s22+$0xB070]  }
0x3f5: {  	v43 =	vld [tilespmem:s22+$0x7480]  }
0x3f6: {  	v44 =	vld [tilespmem:s22+$0xB080]  }
0x3f7: {  	v45 =	vld [tilespmem:s22+$0x7490]  }
0x3f8: {  	v46 =	vld [tilespmem:s22+$0xB090]  }
0x3f9: {  	v47 =	vld [tilespmem:s22+$0x74A0]  }
0x3fa: {  	v50 =	vld [tilespmem:s22+$0xB0A0];
	_ =	sdelay $0x1  }
0x3fb: {  	v48 =	vshll.u32 v16, $0x10;
	v49 =	vshll.u32 v17, $0x10  }
0x3fc: {  	v16 =	vmul.f32 v17, v16;
	v17 =	vshll.u32 v43, $0x10;
	v51 =	vshll.u32 v44, $0x10  }
0x3fd: {  	v52 =	vshll.u32 v45, $0x10;
	v53 =	vshll.u32 v46, $0x10;
	v18 =	vmul.f32 v44, v43  }
0x3fe: {  	v20 =	vmul.f32 v46, v45;
	v55 =	vshll.u32 v47, $0x10;
	v22 =	vmul.f32 v50, v47  }
0x3ff: {  	v56 =	vshll.u32 v50, $0x10;
	v23 =	vmul.f32 v49, v48;
	v17 =	vmul.f32 v51, v17  }
0x400: {  	v54 =	vmul.f32 v53, v52;
	v21 =	vmul.f32 v56, v55  }
0x401: {  	v16 =	vadd.f32 v23, v16;
	v17 =	vadd.f32 v17, v18  }
0x402: {  	v57 =	vadd.f32 v54, v20;
	v58 =	vadd.f32 v21, v22;
	_ =	sdelay $0x1  }
0x403: {  	v16 =	vadd.f32 v17, v16;
	v17 =	vadd.f32 v58, v57;
	_ =	sdelay $0x1  }
0x404: {  	v16 =	vadd.f32 v17, v16;
	_ =	sdelay $0x1  }
0x405: {  	[tilespmem:$0xEDC9] =	vst v16  }
0x406: {  	v16 =	vld [tilespmem:s22+$0x74B0]  }
0x407: {  	v17 =	vld [tilespmem:s22+$0xB0B0]  }
0x408: {  	v59 =	vld [tilespmem:s22+$0x74C0]  }
0x409: {  	v60 =	vld [tilespmem:s22+$0xB0C0]  }
0x40a: {  	v61 =	vld [tilespmem:s22+$0x74D0]  }
0x40b: {  	v62 =	vld [tilespmem:s22+$0xB0D0]  }
0x40c: {  	v63 =	vld [tilespmem:s22+$0x74E0]  }
0x40d: {  	v30 =	vld [tilespmem:s22+$0xB0E0];
	_ =	sdelay $0x1  }
0x40e: {  	v28 =	vshll.u32 v16, $0x10;
	v29 =	vshll.u32 v17, $0x10  }
0x40f: {  	v16 =	vmul.f32 v17, v16;
	v17 =	vshll.u32 v59, $0x10;
	v31 =	vshll.u32 v60, $0x10  }
0x410: {  	v32 =	vshll.u32 v61, $0x10;
	v33 =	vshll.u32 v62, $0x10;
	v18 =	vmul.f32 v60, v59  }
0x411: {  	v20 =	vmul.f32 v62, v61;
	v35 =	vshll.u32 v63, $0x10;
	v22 =	vmul.f32 v30, v63  }
0x412: {  	v36 =	vshll.u32 v30, $0x10;
	v23 =	vmul.f32 v29, v28;
	v17 =	vmul.f32 v31, v17  }
0x413: {  	v34 =	vmul.f32 v33, v32;
	v21 =	vmul.f32 v36, v35  }
0x414: {  	v16 =	vadd.f32 v23, v16;
	v17 =	vadd.f32 v17, v18  }
0x415: {  	v37 =	vadd.f32 v34, v20;
	v38 =	vadd.f32 v21, v22;
	_ =	sdelay $0x1  }
0x416: {  	v16 =	vadd.f32 v17, v16;
	v17 =	vadd.f32 v38, v37;
	_ =	sdelay $0x1  }
0x417: {  	v16 =	vadd.f32 v17, v16;
	_ =	sdelay $0x1  }
0x418: {  	[tilespmem:$0xEDDA] =	vst v16  }
0x419: {  	v16 =	vld [tilespmem:s22+$0x74F0]  }
0x41a: {  	v17 =	vld [tilespmem:s22+$0xB0F0]  }
0x41b: {  	v39 =	vld [tilespmem:s22+$0x7500]  }
0x41c: {  	v40 =	vld [tilespmem:s22+$0xB100]  }
0x41d: {  	v41 =	vld [tilespmem:s22+$0x7510]  }
0x41e: {  	v42 =	vld [tilespmem:s22+$0xB110]  }
0x41f: {  	v43 =	vld [tilespmem:s22+$0x7520]  }
0x420: {  	v46 =	vld [tilespmem:s22+$0xB120];
	_ =	sdelay $0x1  }
0x421: {  	v44 =	vshll.u32 v16, $0x10;
	v45 =	vshll.u32 v17, $0x10  }
0x422: {  	v16 =	vmul.f32 v17, v16;
	v17 =	vshll.u32 v39, $0x10;
	v47 =	vshll.u32 v40, $0x10  }
0x423: {  	v48 =	vshll.u32 v41, $0x10;
	v49 =	vshll.u32 v42, $0x10;
	v18 =	vmul.f32 v40, v39  }
0x424: {  	v20 =	vmul.f32 v42, v41;
	v51 =	vshll.u32 v43, $0x10;
	v22 =	vmul.f32 v46, v43  }
0x425: {  	v52 =	vshll.u32 v46, $0x10;
	v23 =	vmul.f32 v45, v44;
	v17 =	vmul.f32 v47, v17  }
0x426: {  	v50 =	vmul.f32 v49, v48;
	v21 =	vmul.f32 v52, v51  }
0x427: {  	v16 =	vadd.f32 v23, v16;
	v17 =	vadd.f32 v17, v18  }
0x428: {  	v53 =	vadd.f32 v50, v20;
	v54 =	vadd.f32 v21, v22;
	_ =	sdelay $0x1  }
0x429: {  	v16 =	vadd.f32 v17, v16;
	v17 =	vadd.f32 v54, v53;
	_ =	sdelay $0x1  }
0x42a: {  	v16 =	vadd.f32 v17, v16;
	_ =	sdelay $0x1  }
0x42b: {  	[tilespmem:$0xEDEB] =	vst v16  }
0x42c: {  	v16 =	vld [tilespmem:s22+$0x7530]  }
0x42d: {  	v17 =	vld [tilespmem:s22+$0xB130]  }
0x42e: {  	v55 =	vld [tilespmem:s22+$0x7540]  }
0x42f: {  	v56 =	vld [tilespmem:s22+$0xB140]  }
0x430: {  	v57 =	vld [tilespmem:s22+$0x7550]  }
0x431: {  	v58 =	vld [tilespmem:s22+$0xB150]  }
0x432: {  	v59 =	vld [tilespmem:s22+$0x7560]  }
0x433: {  	v62 =	vld [tilespmem:s22+$0xB160];
	_ =	sdelay $0x1  }
0x434: {  	v60 =	vshll.u32 v16, $0x10;
	v61 =	vshll.u32 v17, $0x10  }
0x435: {  	v16 =	vmul.f32 v17, v16;
	v17 =	vshll.u32 v55, $0x10;
	v63 =	vshll.u32 v56, $0x10  }
0x436: {  	v28 =	vshll.u32 v57, $0x10;
	v29 =	vshll.u32 v58, $0x10;
	v18 =	vmul.f32 v56, v55  }
0x437: {  	v20 =	vmul.f32 v58, v57;
	v31 =	vshll.u32 v59, $0x10;
	v22 =	vmul.f32 v62, v59  }
0x438: {  	v32 =	vshll.u32 v62, $0x10;
	v23 =	vmul.f32 v61, v60;
	v17 =	vmul.f32 v63, v17  }
0x439: {  	v30 =	vmul.f32 v29, v28;
	v21 =	vmul.f32 v32, v31  }
0x43a: {  	v16 =	vadd.f32 v23, v16;
	v17 =	vadd.f32 v17, v18  }
0x43b: {  	v33 =	vadd.f32 v30, v20;
	v34 =	vadd.f32 v21, v22;
	_ =	sdelay $0x1  }
0x43c: {  	v16 =	vadd.f32 v17, v16;
	v17 =	vadd.f32 v34, v33;
	_ =	sdelay $0x1  }
0x43d: {  	v16 =	vadd.f32 v17, v16;
	_ =	sdelay $0x1  }
0x43e: {  	[tilespmem:$0xEDFC] =	vst v16  }
0x43f: {  	v16 =	vld [tilespmem:s22+$0x7570]  }
0x440: {  	v17 =	vld [tilespmem:s22+$0xB170]  }
0x441: {  	v35 =	vld [tilespmem:s22+$0x7580]  }
0x442: {  	v36 =	vld [tilespmem:s22+$0xB180]  }
0x443: {  	v37 =	vld [tilespmem:s22+$0x7590]  }
0x444: {  	v38 =	vld [tilespmem:s22+$0xB190]  }
0x445: {  	v39 =	vld [tilespmem:s22+$0x75A0]  }
0x446: {  	v42 =	vld [tilespmem:s22+$0xB1A0];
	_ =	sdelay $0x1  }
0x447: {  	v40 =	vshll.u32 v16, $0x10;
	v41 =	vshll.u32 v17, $0x10  }
0x448: {  	v16 =	vmul.f32 v17, v16;
	v17 =	vshll.u32 v35, $0x10;
	v43 =	vshll.u32 v36, $0x10  }
0x449: {  	v44 =	vshll.u32 v37, $0x10;
	v45 =	vshll.u32 v38, $0x10;
	v18 =	vmul.f32 v36, v35  }
0x44a: {  	v20 =	vmul.f32 v38, v37;
	v47 =	vshll.u32 v39, $0x10;
	v22 =	vmul.f32 v42, v39  }
0x44b: {  	v48 =	vshll.u32 v42, $0x10;
	v23 =	vmul.f32 v41, v40;
	v17 =	vmul.f32 v43, v17  }
0x44c: {  	v46 =	vmul.f32 v45, v44;
	v21 =	vmul.f32 v48, v47  }
0x44d: {  	v16 =	vadd.f32 v23, v16;
	v17 =	vadd.f32 v17, v18  }
0x44e: {  	v49 =	vadd.f32 v46, v20;
	v50 =	vadd.f32 v21, v22;
	_ =	sdelay $0x1  }
0x44f: {  	v16 =	vadd.f32 v17, v16;
	v17 =	vadd.f32 v50, v49;
	_ =	sdelay $0x1  }
0x450: {  	v16 =	vadd.f32 v17, v16;
	_ =	sdelay $0x1  }
0x451: {  	[tilespmem:$0xEE0D] =	vst v16  }
0x452: {  	v16 =	vld [tilespmem:s22+$0x75B0]  }
0x453: {  	v17 =	vld [tilespmem:s22+$0xB1B0]  }
0x454: {  	v51 =	vld [tilespmem:s22+$0x75C0]  }
0x455: {  	v52 =	vld [tilespmem:s22+$0xB1C0]  }
0x456: {  	v53 =	vld [tilespmem:s22+$0x75D0]  }
0x457: {  	v54 =	vld [tilespmem:s22+$0xB1D0]  }
0x458: {  	v55 =	vld [tilespmem:s22+$0x75E0]  }
0x459: {  	v58 =	vld [tilespmem:s22+$0xB1E0];
	_ =	sdelay $0x1  }
0x45a: {  	v56 =	vshll.u32 v16, $0x10;
	v57 =	vshll.u32 v17, $0x10  }
0x45b: {  	v16 =	vmul.f32 v17, v16;
	v17 =	vshll.u32 v51, $0x10;
	v59 =	vshll.u32 v52, $0x10  }
0x45c: {  	v60 =	vshll.u32 v53, $0x10;
	v61 =	vshll.u32 v54, $0x10;
	v18 =	vmul.f32 v52, v51  }
0x45d: {  	v20 =	vmul.f32 v54, v53;
	v63 =	vshll.u32 v55, $0x10;
	v22 =	vmul.f32 v58, v55  }
0x45e: {  	v28 =	vshll.u32 v58, $0x10;
	v23 =	vmul.f32 v57, v56;
	v17 =	vmul.f32 v59, v17  }
0x45f: {  	v62 =	vmul.f32 v61, v60;
	v21 =	vmul.f32 v28, v63  }
0x460: {  	v16 =	vadd.f32 v23, v16;
	v17 =	vadd.f32 v17, v18  }
0x461: {  	v29 =	vadd.f32 v62, v20;
	v30 =	vadd.f32 v21, v22;
	_ =	sdelay $0x1  }
0x462: {  	v16 =	vadd.f32 v17, v16;
	v17 =	vadd.f32 v30, v29;
	_ =	sdelay $0x1  }
0x463: {  	v16 =	vadd.f32 v17, v16;
	_ =	sdelay $0x1  }
0x464: {  	[tilespmem:$0xEE1E] =	vst v16  }
0x465: {  	v16 =	vld [tilespmem:s22+$0x75F0]  }
0x466: {  	v17 =	vld [tilespmem:s22+$0xB1F0]  }
0x467: {  	v31 =	vld [tilespmem:s22+$0x7600]  }
0x468: {  	v32 =	vld [tilespmem:s22+$0xB200]  }
0x469: {  	v33 =	vld [tilespmem:s22+$0x7610]  }
0x46a: {  	v34 =	vld [tilespmem:s22+$0xB210]  }
0x46b: {  	v35 =	vld [tilespmem:s22+$0x7620]  }
0x46c: {  	v38 =	vld [tilespmem:s22+$0xB220];
	_ =	sdelay $0x1  }
0x46d: {  	v36 =	vshll.u32 v16, $0x10;
	v37 =	vshll.u32 v17, $0x10  }
0x46e: {  	v16 =	vmul.f32 v17, v16;
	v17 =	vshll.u32 v31, $0x10;
	v39 =	vshll.u32 v32, $0x10  }
0x46f: {  	v40 =	vshll.u32 v33, $0x10;
	v41 =	vshll.u32 v34, $0x10;
	v18 =	vmul.f32 v32, v31  }
0x470: {  	v20 =	vmul.f32 v34, v33;
	v43 =	vshll.u32 v35, $0x10;
	v22 =	vmul.f32 v38, v35  }
0x471: {  	v44 =	vshll.u32 v38, $0x10;
	v23 =	vmul.f32 v37, v36;
	v17 =	vmul.f32 v39, v17  }
0x472: {  	v42 =	vmul.f32 v41, v40;
	v21 =	vmul.f32 v44, v43  }
0x473: {  	v16 =	vadd.f32 v23, v16;
	v17 =	vadd.f32 v17, v18  }
0x474: {  	v45 =	vadd.f32 v42, v20;
	v46 =	vadd.f32 v21, v22;
	_ =	sdelay $0x1  }
0x475: {  	v16 =	vadd.f32 v17, v16;
	v17 =	vadd.f32 v46, v45;
	_ =	sdelay $0x1  }
0x476: {  	v16 =	vadd.f32 v17, v16;
	_ =	sdelay $0x1  }
0x477: {  	[tilespmem:$0xEE2F] =	vst v16  }
0x478: {  	v16 =	vld.idx.msk [tilespmem:v0+s26+$0x0], $0xffff  }
0x479: {  	v17 =	vld.idx.msk [tilespmem:v1+s26+$0x0], $0xffff  }
0x47a: {  	v47 =	vld.idx.msk [tilespmem:v2+s26+$0x0], $0xffff  }
0x47b: {  	v48 =	vld.idx.msk [tilespmem:v3+s26+$0x0], $0xffff  }
0x47c: {  	v49 =	vld.idx.msk [tilespmem:v4+s26+$0x0], $0xffff  }
0x47d: {  	v50 =	vld.idx.msk [tilespmem:v5+s26+$0x0], $0xffff  }
0x47e: {  	v51 =	vld.idx.msk [tilespmem:v6+s26+$0x0], $0xffff  }
0x47f: {  	v52 =	vld.idx.msk [tilespmem:v7+s26+$0x0], $0xffff  }
0x480: {  	v53 =	vld.idx.msk [tilespmem:v8+s26+$0x0], $0xffff  }
0x481: {  	v54 =	vld.idx.msk [tilespmem:v9+s26+$0x0], $0xffff  }
0x482: {  	v55 =	vld.idx.msk [tilespmem:v10+s26+$0x0], $0xffff  }
0x483: {  	v27 =	vld.idx.msk [tilespmem:v11+s26+$0x0], $0xffff  }
0x484: {  	v28 =	vld.idx.msk [tilespmem:v12+s26+$0x0], $0xffff  }
0x485: {  	v29 =	vld.idx.msk [tilespmem:v13+s26+$0x0], $0xffff  }
0x486: {  	v30 =	vld.idx.msk [tilespmem:v14+s26+$0x0], $0xffff  }
0x487: {  	v31 =	vld.idx.msk [tilespmem:v15+s26+$0x0], $0xffff;
	_ =	sdelay $0x1  }
0x488: {  	v16 =	vadd.f32 v17, v16;
	v17 =	vadd.f32 v48, v47  }
0x489: {  	v56 =	vadd.f32 v50, v49;
	v57 =	vadd.f32 v52, v51  }
0x48a: {  	v58 =	vadd.f32 v54, v53;
	v59 =	vadd.f32 v27, v55  }
0x48b: {  	v60 =	vadd.f32 v29, v28;
	v61 =	vadd.f32 v31, v30  }
0x48c: {  	v16 =	vadd.f32 v17, v16;
	v17 =	vadd.f32 v57, v56  }
0x48d: {  	v62 =	vadd.f32 v59, v58;
	v63 =	vadd.f32 v61, v60  }
0x48e: {  	p1 =	sne.s32 s19, $0x4FC0  }
.Ltmp9:
0x48f: {  	v16 =	vadd.f32 v17, v16;
	v17 =	vadd.f32 v63, v62;
	(pc) =	sbr.rel @p1 .LBB2_16-.Ltmp9, $3  }
0x490: {  	_ = 	snop  }
0x491: {  	v16 =	vadd.f32 v17, v16;
	_ =	sdelay $0x1  }
0x492: {  	s19 =	sadd.s32 $0x1000, s19;
	[tilespmem:s16+$0x0] =	vst v16;
	s16 =	sadd.s32 $0x10, s16  }
0x493: {  	p1 =	sgt.u32 s1, $0x27  }
0x494: {  	s16 =	sadd.s32 @!p1 $0x190, s17;
	s19 =	simm.s32 @!p1 $0x50;
	s22 =	simm.s32 @!p1 $0x7620  }
0x495: {  	[tilespmem:s22], [sflag:$0x3] =	stream.indirect.gather @!p1 [spmem:s2], $0x40, s16, s19, $0xb8;
	[tilespmem:$0x1D880] =	vst v63  }
0x496: {  	s1 =	sadd.s32 $0x1, s1;
	s16 =	sadd.s32 @!p1 $0x28A0, s17;
	s17 =	simm.s32 @!p1 $0xB220  }
0x497: {  	[tilespmem:s17], [sflag:$0x3] =	stream.indirect.gather @!p1 [spmem:s2], $0x40, s16, s19, $0xb8;
	[tilespmem:$0x1D880] =	vst v63  }
0x498: {  	p1 =	sne.s32 s1, $0x2A  }
.Ltmp10:
0x499: {  	_ = 	snop;
	(pc) =	sbr.rel @p1 .LBB2_10-.Ltmp10, $4  }
.Ltmp11:
0x49a: {  	_ = 	snop;
	(pc) =	sbr.rel @!p1 .LBB2_18-.Ltmp11, $4  }
0x49b: {  	_ = 	snop  }
0x49c: {  	_ = 	snop  }
0x49d: {  	s7 =	sadd.s32 $0xF0, s7;
	s8 =	sadd.s32 $0xF0, s8;
	s21 =	sadd.s32 $0xF0, s21  }
0x49e: {  	_ = 	snop  }
.LBB2_19:
0x49f: {  	_ =	sfence.sel $0x180000  }
0x4a0: {  	[bflag:$0x0] =	sbarrier.arrive $0xFFFF  }
0x4a1: {  	_ =	strace $0x90000047  }
0x4a2: {  	[bflag:$0x2] =	sbarrier.arrive $0xFFFF  }
0x4a3: {  	s0 =	rddreg [dreg:$0x4]  }
0x4a4: {  	s0 =	sadd.s32 @!p0 $0x100000, s0  }
0x4a5: {  	[sflag:s0] =	ssyncadd.tile.s32 @!p0 $0x1;
	_ =	shalt  }
.Lfunc_end2:
_tile_overlayer_lowered:
.L_overlay_start_2:
0x4a6: {  	(tag) =	ssettag $0x2  }
0x4a7: {  	s0 =	rddreg [dreg:$0x0];
	s2 =	stileid.u32  }
0x4a8: {  	s1 =	rddreg [dreg:$0x1];
	p0 =	sne.s32 s2, $0x0  }
0x4a9: {  	s3 =	rddreg [dreg:$0x2];
	[bflag:$0x3] =	sbarrier.arrive $0xFFFF;
	s2 =	simm.s32 @!p0 $0x1C04  }
0x4aa: {  	[timem:s3], [sflag:s2] =	dma.local @!p0 [hbm:s0], s1  }
0x4ab: {  	s0 =	simm.s32 @!p0 $0x4  }
0x4ac: {  	_ =	swait.ge @!p0 [sflag:s0], s1  }
0x4ad: {  	s1 =	ssub.s32 @!p0 $0x0, s1;
	[sflag:s0] =	ssyncset.done @!p0 $0x0  }
0x4ae: {  	[sflag:s0] =	ssyncadd.s32 @!p0 s1  }
0x4af: {  	[bflag:$0x3] =	sbarrier.arrive $0xFFFF  }
0x4b0: {  	_ =	shalt  }

</sc_bundles>
